<compile_context>
chip_gen: v7x
topology: tpu7x:2x2x1
jax: 0.10.2.dev20260603
libtpu: 0.0.44.dev20260713+nightly
codegen_flags: <defaults>
</compile_context>

<pallas_src>
import functools

import jax
import jax.numpy as jnp
from jax import lax
from jax.experimental import pallas as pl
from jax.experimental.pallas import tpu as pltpu
from jax.experimental.pallas import tpu_sc as plsc

N_NODE = 10000
E = 320000
FDIM = 128
NHID2 = 64

NC = 2
NS = 16
NW = NC * NS
CW = 128
NPAD = 10240
RPT = NPAD // NS

NCHS = 158
ESEG = NS * NCHS * CW
D1 = 64
D2 = 32
DDEG = 16
NCHD = 80
EDEC = NW * NCHD * CW

_mesh = plsc.VectorSubcoreMesh(core_axis_name="c", subcore_axis_name="s")
_sc_params = pltpu.CompilerParams(use_tc_tiling_on_sc=False)



def _mm_split_body(x_ref, w_ref, o_ref):
    y = jnp.dot(x_ref[...], w_ref[...], preferred_element_type=jnp.float32)
    o_ref[0] = y[:, :NHID2]
    o_ref[1] = y[:, NHID2:]


def _matmul_split(x, w):
    return pl.pallas_call(
        _mm_split_body,
        out_shape=jax.ShapeDtypeStruct((2, NPAD, D1), jnp.float32),
    )(x, w)


def _comb1_body(p_ref, deg_ref, w_ref, y2_ref, dinv_ref):
    vals = jnp.concatenate([p_ref[:NPAD], p_ref[NPAD:]], axis=1)
    deg = deg_ref[:, 0:1]
    dinv = 1.0 / jnp.maximum(deg, 1.0)
    h = jnp.maximum(vals * dinv, 0.0)
    y2 = jnp.dot(h, w_ref[...], preferred_element_type=jnp.float32)
    y2_ref[0] = y2[:, :D2]
    y2_ref[1] = y2[:, D2:]
    dinv_ref[...] = jnp.broadcast_to(dinv, (NPAD, 16))


def _combine1(p, deg, w):
    return pl.pallas_call(
        _comb1_body,
        out_shape=(
            jax.ShapeDtypeStruct((2, NPAD, D2), jnp.float32),
            jax.ShapeDtypeStruct((NPAD, 16), jnp.float32),
        ),
    )(p, deg, w)


def _comb2_body(q_ref, dinv_ref, w_ref, b_ref, sim_ref, a_ref):
    sim = jnp.concatenate([q_ref[:NPAD], q_ref[NPAD:]], axis=1) * dinv_ref[:, 0:1]
    sim_ref[...] = sim
    a_ref[...] = jnp.dot(sim, w_ref[...], preferred_element_type=jnp.float32) + b_ref[...]


def _combine2(q, dinv, w, b2d):
    return pl.pallas_call(
        _comb2_body,
        out_shape=(
            jax.ShapeDtypeStruct((NPAD, NHID2), jnp.float32),
            jax.ShapeDtypeStruct((NPAD, NHID2), jnp.float32),
        ),
    )(q, dinv, w, b2d)


_DEC_BLK = 4096


def _dec_body(e_ref, w_ref, b_ref, o_ref):
    h = jnp.maximum(e_ref[...], 0.0)
    o_ref[...] = jnp.dot(h, w_ref[...], preferred_element_type=jnp.float32) + b_ref[...]


def _decoder_mm(ef, w, b2d):
    return pl.pallas_call(
        _dec_body,
        grid=(EDEC // _DEC_BLK,),
        in_specs=[
            pl.BlockSpec((_DEC_BLK, NHID2), lambda i: (i, 0)),
            pl.BlockSpec((NHID2, 2), lambda i: (0, 0)),
            pl.BlockSpec((1, 2), lambda i: (0, 0)),
        ],
        out_specs=pl.BlockSpec((_DEC_BLK, 2), lambda i: (i, 0)),
        out_shape=jax.ShapeDtypeStruct((EDEC, 2), jnp.float32),
    )(ef, w, b2d)



def _segsum_factory(D):

    @functools.partial(
        pl.kernel,
        mesh=_mesh,
        out_type=jax.ShapeDtypeStruct((NC * NPAD, D), jnp.float32),
        scratch_types=[
            pltpu.VMEM((NCHS, CW), jnp.int32),
            pltpu.VMEM((2, CW), jnp.int32),
            pltpu.VMEM((CW, D), jnp.float32),
            pltpu.VMEM((CW, D), jnp.float32),
            pltpu.VMEM_SHARED((NPAD, D), jnp.float32),
            pltpu.VMEM_SHARED((NPAD, D), jnp.float32),
            pltpu.SemaphoreType.DMA,
            pltpu.SemaphoreType.DMA,
            pltpu.SemaphoreType.DMA,
            pltpu.SemaphoreType.DMA,
            pltpu.SemaphoreType.DMA,
            pltpu.SemaphoreType.DMA,
        ],
        compiler_params=_sc_params,
    )
    def k(y_hbm, sidx_hbm, didx_hbm, z_hbm, out_hbm,
          sidx, dbuf, rows_a, rows_b, acc, ytab, ga, gb, sa, sb, d0, d1):
        c = lax.axis_index("c")
        s = lax.axis_index("s")
        pltpu.sync_copy(sidx_hbm.at[s], sidx)
        pltpu.sync_copy(y_hbm.at[pl.ds(c * NPAD + s * RPT, RPT)],
                        ytab.at[pl.ds(s * RPT, RPT)])
        pltpu.sync_copy(z_hbm, acc.at[pl.ds(s * RPT, RPT)])
        plsc.subcore_barrier()
        pltpu.async_copy(ytab.at[sidx.at[0]], rows_a, ga)
        pltpu.async_copy(ytab.at[sidx.at[1]], rows_b, gb)
        pltpu.async_copy(didx_hbm.at[s, 0], dbuf.at[0], d0)
        pltpu.async_copy(didx_hbm.at[s, 1], dbuf.at[1], d1)

        def body(i, carry):
            t0 = 2 * i
            t1 = t0 + 1
            pltpu.make_async_copy(ytab.at[sidx.at[t0]], rows_a, ga).wait()
            pltpu.make_async_copy(didx_hbm.at[s, t0], dbuf.at[0], d0).wait()
            pltpu.async_copy(rows_a, acc.at[dbuf.at[0]], sa, add=True)
            pltpu.make_async_copy(ytab.at[sidx.at[t1]], rows_b, gb).wait()
            pltpu.make_async_copy(didx_hbm.at[s, t1], dbuf.at[1], d1).wait()
            pltpu.async_copy(rows_b, acc.at[dbuf.at[1]], sb, add=True)
            pltpu.make_async_copy(rows_a, acc.at[dbuf.at[0]], sa).wait()

            @pl.when(t0 + 2 < NCHS)
            def _():
                pltpu.async_copy(ytab.at[sidx.at[t0 + 2]], rows_a, ga)
                pltpu.async_copy(didx_hbm.at[s, t0 + 2], dbuf.at[0], d0)

            pltpu.make_async_copy(rows_b, acc.at[dbuf.at[1]], sb).wait()

            @pl.when(t1 + 2 < NCHS)
            def _():
                pltpu.async_copy(ytab.at[sidx.at[t1 + 2]], rows_b, gb)
                pltpu.async_copy(didx_hbm.at[s, t1 + 2], dbuf.at[1], d1)

            return carry

        lax.fori_loop(0, NCHS // 2, body, 0)
        plsc.subcore_barrier()
        base = c * NPAD + s * RPT
        pltpu.sync_copy(acc.at[pl.ds(s * RPT, RPT)], out_hbm.at[pl.ds(base, RPT)])

    return k


@functools.partial(
    pl.kernel,
    mesh=_mesh,
    out_type=jax.ShapeDtypeStruct((NC, NPAD, DDEG), jnp.float32),
    scratch_types=[
        pltpu.VMEM((NCHS, CW), jnp.int32),
        pltpu.VMEM((CW, DDEG), jnp.float32),
        pltpu.VMEM_SHARED((NPAD, DDEG), jnp.float32),
        pltpu.SemaphoreType.DMA,
        pltpu.SemaphoreType.DMA,
    ],
    compiler_params=_sc_params,
)
def _deg_kernel(didx_hbm, ones_hbm, zdeg_hbm, out_hbm,
                didx, ones, dacc, da, db):
    c = lax.axis_index("c")
    s = lax.axis_index("s")
    pltpu.sync_copy(didx_hbm.at[c, s], didx)
    pltpu.sync_copy(ones_hbm, ones)
    pltpu.sync_copy(zdeg_hbm, dacc.at[pl.ds(s * RPT, RPT)])
    plsc.subcore_barrier()

    def body(i, carry):
        t0 = 2 * i
        t1 = t0 + 1
        pltpu.async_copy(ones, dacc.at[didx.at[t0]], da, add=True)
        pltpu.async_copy(ones, dacc.at[didx.at[t1]], db, add=True)
        pltpu.make_async_copy(ones, dacc.at[didx.at[t0]], da).wait()
        pltpu.make_async_copy(ones, dacc.at[didx.at[t1]], db).wait()
        return carry

    lax.fori_loop(0, NCHS // 2, body, 0)
    plsc.subcore_barrier()
    pltpu.sync_copy(dacc.at[pl.ds(s * RPT, RPT)],
                    out_hbm.at[c, pl.ds(s * RPT, RPT)])


@functools.partial(
    pl.kernel,
    mesh=_mesh,
    out_type=jax.ShapeDtypeStruct((EDEC, NHID2), jnp.float32),
    scratch_types=[
        pltpu.VMEM((NCHD, CW), jnp.int32),
        pltpu.VMEM((NCHD, CW), jnp.int32),
        pltpu.VMEM((CW, NHID2), jnp.float32),
        pltpu.VMEM((CW, NHID2), jnp.float32),
        pltpu.VMEM((CW, NHID2), jnp.float32),
        pltpu.VMEM((CW, NHID2), jnp.float32),
        pltpu.VMEM((CW, NHID2), jnp.float32),
        pltpu.VMEM((CW, NHID2), jnp.float32),
        pltpu.VMEM_SHARED((NPAD, NHID2), jnp.float32),
        pltpu.SemaphoreType.DMA,
        pltpu.SemaphoreType.DMA,
        pltpu.SemaphoreType.DMA,
        pltpu.SemaphoreType.DMA,
        pltpu.SemaphoreType.DMA,
        pltpu.SemaphoreType.DMA,
    ],
    compiler_params=_sc_params,
)
def _edge_sum_kernel(a_hbm, b_hbm, uidx_hbm, vidx_hbm, out_hbm,
                     uidx, vidx, a0, b0, a1, b1, s0, s1, atab,
                     sa0, sb0, sa1, sb1, ss0, ss1):
    c = lax.axis_index("c")
    s = lax.axis_index("s")
    wid = s * NC + c
    pltpu.sync_copy(uidx_hbm.at[wid], uidx)
    pltpu.sync_copy(vidx_hbm.at[wid], vidx)
    pltpu.sync_copy(a_hbm.at[pl.ds(s * RPT, RPT)], atab.at[pl.ds(s * RPT, RPT)])
    plsc.subcore_barrier()

    def _add(src_a, src_b, dst):
        def row(r, cc):
            for rr in range(4):
                for j in range(NHID2 // 16):
                    sl = pl.ds(j * 16, 16)
                    dst[r * 4 + rr, sl] = src_a[r * 4 + rr, sl] + src_b[r * 4 + rr, sl]
            return cc

        lax.fori_loop(0, CW // 4, row, 0)

    def _out_slice(t):
        return out_hbm.at[pl.ds((wid * NCHD + t) * CW, CW)]

    pltpu.async_copy(atab.at[uidx.at[0]], a0, sa0)
    pltpu.async_copy(b_hbm.at[vidx.at[0]], b0, sb0)
    pltpu.async_copy(atab.at[uidx.at[1]], a1, sa1)
    pltpu.async_copy(b_hbm.at[vidx.at[1]], b1, sb1)

    def body(i, carry):
        t0 = 2 * i
        t1 = t0 + 1
        pltpu.make_async_copy(atab.at[uidx.at[t0]], a0, sa0).wait()
        pltpu.make_async_copy(b_hbm.at[vidx.at[t0]], b0, sb0).wait()

        @pl.when(i > 0)
        def _():
            pltpu.make_async_copy(s0, _out_slice(t0 - 2), ss0).wait()

        _add(a0, b0, s0)
        pltpu.async_copy(s0, _out_slice(t0), ss0)

        @pl.when(t0 + 2 < NCHD)
        def _():
            pltpu.async_copy(atab.at[uidx.at[t0 + 2]], a0, sa0)
            pltpu.async_copy(b_hbm.at[vidx.at[t0 + 2]], b0, sb0)

        pltpu.make_async_copy(atab.at[uidx.at[t1]], a1, sa1).wait()
        pltpu.make_async_copy(b_hbm.at[vidx.at[t1]], b1, sb1).wait()

        @pl.when(i > 0)
        def _():
            pltpu.make_async_copy(s1, _out_slice(t1 - 2), ss1).wait()

        _add(a1, b1, s1)
        pltpu.async_copy(s1, _out_slice(t1), ss1)

        @pl.when(t1 + 2 < NCHD)
        def _():
            pltpu.async_copy(atab.at[uidx.at[t1 + 2]], a1, sa1)
            pltpu.async_copy(b_hbm.at[vidx.at[t1 + 2]], b1, sb1)

        return carry

    lax.fori_loop(0, NCHD // 2, body, 0)
    pltpu.make_async_copy(s0, _out_slice(NCHD - 2), ss0).wait()
    pltpu.make_async_copy(s1, _out_slice(NCHD - 1), ss1).wait()


_segsum_d1 = _segsum_factory(D1)
_segsum_d2 = _segsum_factory(D2)


def _pad_to(idx, n, fill):
    idx = idx.astype(jnp.int32)
    pad = jnp.full((n - E,), fill, jnp.int32)
    return jnp.concatenate([idx, pad])


def _seg_idx(graph):
    src = _pad_to(graph[0], ESEG, 0).reshape(NS, NCHS, CW)
    dst = _pad_to(graph[1], ESEG, N_NODE).reshape(NS, NCHS, CW)
    return src, dst


def _gcn_branch(x_pad, src, dst, deg, wg1, wg2, z64, z32):
    y1 = _matmul_split(x_pad, wg1)
    p = _segsum_d1(y1.reshape(2 * NPAD, D1), src, dst, z64)
    y2, dinv = _combine1(p, deg, wg2)
    q = _segsum_d2(y2.reshape(2 * NPAD, D2), src, dst, z32)
    return q, dinv


def kernel(pad_kmers_id_seq, enc_graph, dec_graph, drug_graph, dis_graph,
           drug_sim_feat, disease_sim_feat, Wp, bp, Wd, bd,
           Wg1_drug, Wg2_drug, Wg1_dis, Wg2_dis, Watt, batt, qatt,
           Wdec1, bdec1, Wdec2, bdec2):
    z64 = jnp.zeros((RPT, D1), jnp.float32)
    z32 = jnp.zeros((RPT, D2), jnp.float32)
    z16 = jnp.zeros((RPT, DDEG), jnp.float32)
    ones16 = jnp.ones((CW, DDEG), jnp.float32)
    xpad_drug = jnp.pad(drug_sim_feat, ((0, NPAD - N_NODE), (0, 0)))
    xpad_dis = jnp.pad(disease_sim_feat, ((0, NPAD - N_NODE), (0, 0)))

    src_drug, dst_drug = _seg_idx(drug_graph)
    src_dis, dst_dis = _seg_idx(dis_graph)
    deg2 = _deg_kernel(jnp.stack([dst_drug, dst_dis]), ones16, z16)
    q_drug, dinv_drug = _gcn_branch(xpad_drug, src_drug, dst_drug, deg2[0],
                                    Wg1_drug, Wg2_drug, z64, z32)
    q_dis, dinv_dis = _gcn_branch(xpad_dis, src_dis, dst_dis, deg2[1],
                                  Wg1_dis, Wg2_dis, z64, z32)

    bdec1_2d = bdec1.reshape(1, NHID2)
    zb = jnp.zeros((1, NHID2), jnp.float32)
    sim_drug, a_dec = _combine2(q_drug.reshape(2 * NPAD, D2), dinv_drug,
                                Wdec1[:NHID2], bdec1_2d)
    sim_dis, b_dec = _combine2(q_dis.reshape(2 * NPAD, D2), dinv_dis,
                               Wdec1[NHID2:], zb)

    u = _pad_to(dec_graph[0], EDEC, 0).reshape(NW, NCHD, CW)
    v = _pad_to(dec_graph[1], EDEC, 0).reshape(NW, NCHD, CW)
    ef = _edge_sum_kernel(a_dec, b_dec, u, v)
    pred = _decoder_mm(ef, Wdec2, bdec2.reshape(1, 2))[:E]

    drug_sim_out = sim_drug[:N_NODE]
    dis_sim_out = sim_dis[:N_NODE]
    return (pred, 0.0, 0.0, drug_sim_out, dis_sim_out)

# --- scband reference (transcript-rebuilt; emitter-appended) ---
"""Pipeline reference for scband-net-19138374270996 (READ-ONLY COPY).

The authoritative reference and input builder live on the scoring server;
editing this copy changes nothing except your own understanding.
"""

import jax, jax.numpy as jnp
import numpy as np

N_DRUG = 10000
N_DIS = 10000
E = 320000
FDIM = 128
NHID1 = 128
NHID2 = 64
NHID_L = 64
OUT = 64  # gcn_out_units == nhid2


def _glorot(k, shape):
    fan = shape[0] + shape[1]
    return (jax.random.normal(k, shape, dtype=jnp.float32) * np.sqrt(2.0 / fan)).astype(jnp.float32)


def setup_inputs(seed: int = 0) -> dict:
    key = jax.random.key(seed)
    ks = jax.random.split(key, 24)
    inp = {}
    inp["pad_kmers_id_seq"] = jax.random.randint(ks[0], (1024, 64), 0, 4096, dtype=jnp.int64)
    inp["enc_graph"] = jax.random.randint(ks[1], (2, E), 0, N_DRUG, dtype=jnp.int64)
    inp["dec_graph"] = jax.random.randint(ks[2], (2, E), 0, N_DRUG, dtype=jnp.int64)
    inp["drug_graph"] = jax.random.randint(ks[3], (2, E), 0, N_DRUG, dtype=jnp.int64)
    inp["dis_graph"] = jax.random.randint(ks[4], (2, E), 0, N_DIS, dtype=jnp.int64)
    inp["drug_sim_feat"] = jax.random.normal(ks[5], (N_DRUG, FDIM), dtype=jnp.float32)
    inp["disease_sim_feat"] = jax.random.normal(ks[6], (N_DIS, FDIM), dtype=jnp.float32)
    # linear_p / linear_d (computed in forward but unused downstream, matching the torch code)
    inp["Wp"] = _glorot(ks[7], (FDIM, NHID_L)); inp["bp"] = jnp.zeros((NHID_L,), jnp.float32)
    inp["Wd"] = _glorot(ks[8], (FDIM, NHID_L)); inp["bd"] = jnp.zeros((NHID_L,), jnp.float32)
    # FGCN: two-layer GCN per similarity graph
    inp["Wg1_drug"] = _glorot(ks[9], (FDIM, NHID1))
    inp["Wg2_drug"] = _glorot(ks[10], (NHID1, NHID2))
    inp["Wg1_dis"] = _glorot(ks[11], (FDIM, NHID1))
    inp["Wg2_dis"] = _glorot(ks[12], (NHID1, NHID2))
    # Attention(gcn_out_units)
    inp["Watt"] = _glorot(ks[13], (OUT, OUT)); inp["batt"] = jnp.zeros((OUT,), jnp.float32)
    inp["qatt"] = _glorot(ks[14], (OUT, 1))
    # MLPDecoder(in_units=gcn_out_units): concat(drug, dis) -> hidden -> 2 rating classes
    inp["Wdec1"] = _glorot(ks[15], (2 * OUT, OUT)); inp["bdec1"] = jnp.zeros((OUT,), jnp.float32)
    inp["Wdec2"] = _glorot(ks[16], (OUT, 2)); inp["bdec2"] = jnp.zeros((2,), jnp.float32)
    return inp


def _gcn_layer(x, src, dst, W, n, act):
    msg = jnp.take(x, src, axis=0)
    agg = jax.ops.segment_sum(msg, dst, num_segments=n)
    deg = jax.ops.segment_sum(jnp.ones((src.shape[0],), x.dtype), dst, num_segments=n)
    h = (agg / jnp.clip(deg, 1.0)[:, None]) @ W
    return jax.nn.relu(h) if act else h


def _attention(H, Watt, batt, qatt):
    # H: [N, S, d]
    w = jnp.tanh(H @ Watt + batt)
    score = w @ qatt  # [N, S, 1]
    beta = jax.nn.softmax(score, axis=1)
    out = jnp.sum(beta * H, axis=1)
    return out, beta


def reference(pad_kmers_id_seq, enc_graph, dec_graph, drug_graph, dis_graph, drug_sim_feat, disease_sim_feat, Wp, bp, Wd, bd, Wg1_drug, Wg2_drug, Wg1_dis, Wg2_dis, Watt, batt, qatt, Wdec1, bdec1, Wdec2, bdec2):
    # linear_p / linear_d (dead code in the original forward since the TGCN loop is commented out)
    drug_feat = drug_sim_feat @ Wp + bp
    dis_feat = disease_sim_feat @ Wd + bd
    # FGCN: feature-similarity-graph convolutions
    h_drug = _gcn_layer(drug_sim_feat, drug_graph[0], drug_graph[1], Wg1_drug, N_DRUG, True)
    drug_sim_out = _gcn_layer(h_drug, drug_graph[0], drug_graph[1], Wg2_drug, N_DRUG, False)
    h_dis = _gcn_layer(disease_sim_feat, dis_graph[0], dis_graph[1], Wg1_dis, N_DIS, True)
    dis_sim_out = _gcn_layer(h_dis, dis_graph[0], dis_graph[1], Wg2_dis, N_DIS, False)
    drug_out = 0.0
    dis_out = 0.0
    drug_feats, att_drug = _attention(drug_sim_out[:, None, :], Watt, batt, qatt)
    dis_feats, att_dis = _attention(dis_sim_out[:, None, :], Watt, batt, qatt)
    # MLPDecoder over dec_graph edges (drug u -> disease v)
    u = dec_graph[0]
    v = dec_graph[1]
    ef = jnp.concatenate([jnp.take(drug_feats, u, axis=0), jnp.take(dis_feats, v, axis=0)], axis=1)
    hdec = jax.nn.relu(ef @ Wdec1 + bdec1)
    pred_ratings = hdec @ Wdec2 + bdec2
    return (pred_ratings, drug_out, dis_out, drug_sim_out, dis_sim_out)

if __name__ == "__main__":
    import jax
    _d = setup_inputs()
    print(jax.jit(kernel)(*tuple(_d.values())))

</pallas_src>

<mosaic_0001>
#map = affine_map<(d0, d1) -> (0, 0)>
#map1 = affine_map<(d0, d1) -> (0, 0, 0)>
module attributes {stable_mosaic.version = 14 : i64} {
  func.func @k(%arg0: i32, %arg1: i32, %arg2: memref<20480x64xf32, #tpu.memory_space<hbm>>, %arg3: memref<16x158x128xi32, #tpu.memory_space<hbm>>, %arg4: memref<16x158x128xi32, #tpu.memory_space<hbm>>, %arg5: memref<640x64xf32, #tpu.memory_space<hbm>>, %arg6: memref<20480x64xf32, #tpu.memory_space<hbm>>, %arg7: memref<158x128xi32, #tpu.memory_space<vmem>>, %arg8: memref<2x128xi32, #tpu.memory_space<vmem>>, %arg9: memref<128x64xf32, #tpu.memory_space<vmem>>, %arg10: memref<128x64xf32, #tpu.memory_space<vmem>>, %arg11: memref<10240x64xf32, #tpu.memory_space<vmem_shared>>, %arg12: memref<10240x64xf32, #tpu.memory_space<vmem_shared>>, %arg13: memref<!tpu.dma_semaphore, #tpu.memory_space<semaphore_mem>>, %arg14: memref<!tpu.dma_semaphore, #tpu.memory_space<semaphore_mem>>, %arg15: memref<!tpu.dma_semaphore, #tpu.memory_space<semaphore_mem>>, %arg16: memref<!tpu.dma_semaphore, #tpu.memory_space<semaphore_mem>>, %arg17: memref<!tpu.dma_semaphore, #tpu.memory_space<semaphore_mem>>, %arg18: memref<!tpu.dma_semaphore, #tpu.memory_space<semaphore_mem>>) attributes {dimension_semantics = [#tpu.dimension_semantics<core_parallel>, #tpu.dimension_semantics<subcore_parallel>], iteration_bounds = array<i64: 2, 16>, scalar_prefetch = 0 : i64, scratch_operands = 12 : i64, tpu.core_type = #tpu.core_type<sc_vector_subcore>, window_params = [{transform_indices = #map}, {transform_indices = #map1}, {transform_indices = #map1}, {transform_indices = #map}, {transform_indices = #map}]} {
    "tpu.region"() ({
      %run_scoped3A = tpu.sem_alloc : memref<!tpu.dma_semaphore, #tpu.memory_space<semaphore_mem>>
      %dma_start3A_61 = arith.constant 0 : i32
      %dma_start3A_62 = arith.constant 0 : i32
      %dma_start3A_63 = tpu.memref_slice %arg3[%arg1, %dma_start3A_61, %dma_start3A_62] : memref<16x158x128xi32, #tpu.memory_space<hbm>> -> memref<1x158x128xi32, #tpu.memory_space<hbm>>
      %dma_start3A_64 = tpu.memref_squeeze %dma_start3A_63 : memref<1x158x128xi32, #tpu.memory_space<hbm>> -> memref<158x128xi32, #tpu.memory_space<hbm>>
      %dma_start3A_65 = arith.constant 0 : i32
      %dma_start3A_66 = arith.constant 0 : i32
      %dma_start3A_67 = tpu.memref_slice %arg3[%arg1, %dma_start3A_65, %dma_start3A_66] : memref<16x158x128xi32, #tpu.memory_space<hbm>> -> memref<1x158x128xi32, #tpu.memory_space<hbm>>
      %dma_start3A_68 = tpu.memref_squeeze %dma_start3A_67 : memref<1x158x128xi32, #tpu.memory_space<hbm>> -> memref<158x128xi32, #tpu.memory_space<hbm>>
      tpu.enqueue_dma source(%dma_start3A_68 : memref<158x128xi32, #tpu.memory_space<hbm>>) target(%arg7 : memref<158x128xi32, #tpu.memory_space<vmem>>) target_semaphore(%run_scoped3A : memref<!tpu.dma_semaphore, #tpu.memory_space<semaphore_mem>>)
      %dma_wait3A = arith.constant 0 : i32
      %dma_wait3A_69 = arith.constant 0 : i32
      %dma_wait3A_70 = tpu.memref_slice %arg3[%arg1, %dma_wait3A, %dma_wait3A_69] : memref<16x158x128xi32, #tpu.memory_space<hbm>> -> memref<1x158x128xi32, #tpu.memory_space<hbm>>
      %dma_wait3A_71 = tpu.memref_squeeze %dma_wait3A_70 : memref<1x158x128xi32, #tpu.memory_space<hbm>> -> memref<158x128xi32, #tpu.memory_space<hbm>>
      %dma_wait3A_72 = arith.constant 0 : i32
      %dma_wait3A_73 = arith.constant 0 : i32
      %dma_wait3A_74 = tpu.memref_slice %arg3[%arg1, %dma_wait3A_72, %dma_wait3A_73] : memref<16x158x128xi32, #tpu.memory_space<hbm>> -> memref<1x158x128xi32, #tpu.memory_space<hbm>>
      %dma_wait3A_75 = tpu.memref_squeeze %dma_wait3A_74 : memref<1x158x128xi32, #tpu.memory_space<hbm>> -> memref<158x128xi32, #tpu.memory_space<hbm>>
      tpu.wait_dma2 semaphore(%run_scoped3A : memref<!tpu.dma_semaphore, #tpu.memory_space<semaphore_mem>>) src(%dma_wait3A_75 : memref<158x128xi32, #tpu.memory_space<hbm>>) dst(%arg7 : memref<158x128xi32, #tpu.memory_space<vmem>>)
      tpu.yield
    }) : () -> ()
    %mul3A = arith.constant 10240 : i32
    %mul3A_0 = arith.muli %arg0, %mul3A : i32
    %mul3A_1 = arith.constant 640 : i32
    %mul3A_2 = arith.muli %arg1, %mul3A_1 : i32
    %add3A = arith.addi %mul3A_0, %mul3A_2 : i32
    %mul3A_3 = arith.constant 640 : i32
    %mul3A_4 = arith.muli %arg1, %mul3A_3 : i32
    "tpu.region"() ({
      %run_scoped3A = tpu.sem_alloc : memref<!tpu.dma_semaphore, #tpu.memory_space<semaphore_mem>>
      %dma_start3A_61 = arith.constant 0 : i32
      %dma_start3A_62 = tpu.memref_slice %arg12[%mul3A_4, %dma_start3A_61] : memref<10240x64xf32, #tpu.memory_space<vmem_shared>> -> memref<640x64xf32, #tpu.memory_space<vmem_shared>>
      %dma_start3A_63 = arith.constant 0 : i32
      %dma_start3A_64 = tpu.memref_slice %arg2[%add3A, %dma_start3A_63] : memref<20480x64xf32, #tpu.memory_space<hbm>> -> memref<640x64xf32, #tpu.memory_space<hbm>>
      tpu.enqueue_dma source(%dma_start3A_64 : memref<640x64xf32, #tpu.memory_space<hbm>>) target(%dma_start3A_62 : memref<640x64xf32, #tpu.memory_space<vmem_shared>>) target_semaphore(%run_scoped3A : memref<!tpu.dma_semaphore, #tpu.memory_space<semaphore_mem>>)
      %dma_wait3A = arith.constant 0 : i32
      %dma_wait3A_65 = tpu.memref_slice %arg12[%mul3A_4, %dma_wait3A] : memref<10240x64xf32, #tpu.memory_space<vmem_shared>> -> memref<640x64xf32, #tpu.memory_space<vmem_shared>>
      %dma_wait3A_66 = arith.constant 0 : i32
      %dma_wait3A_67 = tpu.memref_slice %arg2[%add3A, %dma_wait3A_66] : memref<20480x64xf32, #tpu.memory_space<hbm>> -> memref<640x64xf32, #tpu.memory_space<hbm>>
      tpu.wait_dma2 semaphore(%run_scoped3A : memref<!tpu.dma_semaphore, #tpu.memory_space<semaphore_mem>>) src(%dma_wait3A_67 : memref<640x64xf32, #tpu.memory_space<hbm>>) dst(%dma_wait3A_65 : memref<640x64xf32, #tpu.memory_space<vmem_shared>>)
      tpu.yield
    }) : () -> ()
    %mul3A_5 = arith.constant 640 : i32
    %mul3A_6 = arith.muli %arg1, %mul3A_5 : i32
    "tpu.region"() ({
      %run_scoped3A = tpu.sem_alloc : memref<!tpu.dma_semaphore, #tpu.memory_space<semaphore_mem>>
      %dma_start3A_61 = arith.constant 0 : i32
      %dma_start3A_62 = tpu.memref_slice %arg11[%mul3A_6, %dma_start3A_61] : memref<10240x64xf32, #tpu.memory_space<vmem_shared>> -> memref<640x64xf32, #tpu.memory_space<vmem_shared>>
      tpu.enqueue_dma source(%arg5 : memref<640x64xf32, #tpu.memory_space<hbm>>) target(%dma_start3A_62 : memref<640x64xf32, #tpu.memory_space<vmem_shared>>) target_semaphore(%run_scoped3A : memref<!tpu.dma_semaphore, #tpu.memory_space<semaphore_mem>>)
      %dma_wait3A = arith.constant 0 : i32
      %dma_wait3A_63 = tpu.memref_slice %arg11[%mul3A_6, %dma_wait3A] : memref<10240x64xf32, #tpu.memory_space<vmem_shared>> -> memref<640x64xf32, #tpu.memory_space<vmem_shared>>
      tpu.wait_dma2 semaphore(%run_scoped3A : memref<!tpu.dma_semaphore, #tpu.memory_space<semaphore_mem>>) src(%arg5 : memref<640x64xf32, #tpu.memory_space<hbm>>) dst(%dma_wait3A_63 : memref<640x64xf32, #tpu.memory_space<vmem_shared>>)
      tpu.yield
    }) : () -> ()
    %barrier3A = arith.constant 0 : index
    tpu.barrier barrier_id(%barrier3A)
    %dma_start3A = arith.constant 0 : i32
    %dma_start3A_7 = arith.constant 0 : i32
    %dma_start3A_8 = tpu.memref_slice %arg7[%dma_start3A, %dma_start3A_7] : memref<158x128xi32, #tpu.memory_space<vmem>> -> memref<1x128xi32, #tpu.memory_space<vmem>>
    %dma_start3A_9 = tpu.memref_squeeze %dma_start3A_8 : memref<1x128xi32, #tpu.memory_space<vmem>> -> memref<128xi32, #tpu.memory_space<vmem>>
    %dma_start3A_10 = arith.constant 0 : i32
    %dma_start3A_11 = arith.constant 0 : i32
    %dma_start3A_12 = tpu.memref_slice %arg12[%dma_start3A_10, %dma_start3A_11] : memref<10240x64xf32, #tpu.memory_space<vmem_shared>> -> memref<10240x64xf32, #tpu.memory_space<vmem_shared>>
    tpu.enqueue_indirect_dma source(%dma_start3A_12 : memref<10240x64xf32, #tpu.memory_space<vmem_shared>>) target(%arg9 : memref<128x64xf32, #tpu.memory_space<vmem>>) offsets(%dma_start3A_9 : memref<128xi32, #tpu.memory_space<vmem>>) semaphore(%arg13 : memref<!tpu.dma_semaphore, #tpu.memory_space<semaphore_mem>>)
    %dma_start3A_13 = arith.constant 1 : i32
    %dma_start3A_14 = arith.constant 0 : i32
    %dma_start3A_15 = tpu.memref_slice %arg7[%dma_start3A_13, %dma_start3A_14] : memref<158x128xi32, #tpu.memory_space<vmem>> -> memref<1x128xi32, #tpu.memory_space<vmem>>
    %dma_start3A_16 = tpu.memref_squeeze %dma_start3A_15 : memref<1x128xi32, #tpu.memory_space<vmem>> -> memref<128xi32, #tpu.memory_space<vmem>>
    %dma_start3A_17 = arith.constant 0 : i32
    %dma_start3A_18 = arith.constant 0 : i32
    %dma_start3A_19 = tpu.memref_slice %arg12[%dma_start3A_17, %dma_start3A_18] : memref<10240x64xf32, #tpu.memory_space<vmem_shared>> -> memref<10240x64xf32, #tpu.memory_space<vmem_shared>>
    tpu.enqueue_indirect_dma source(%dma_start3A_19 : memref<10240x64xf32, #tpu.memory_space<vmem_shared>>) target(%arg10 : memref<128x64xf32, #tpu.memory_space<vmem>>) offsets(%dma_start3A_16 : memref<128xi32, #tpu.memory_space<vmem>>) semaphore(%arg14 : memref<!tpu.dma_semaphore, #tpu.memory_space<semaphore_mem>>)
    %dma_start3A_20 = arith.constant 0 : i32
    %dma_start3A_21 = arith.constant 0 : i32
    %dma_start3A_22 = arith.constant 0 : i32
    %dma_start3A_23 = tpu.memref_slice %arg8[%dma_start3A_21, %dma_start3A_22] : memref<2x128xi32, #tpu.memory_space<vmem>> -> memref<1x128xi32, #tpu.memory_space<vmem>>
    %dma_start3A_24 = tpu.memref_squeeze %dma_start3A_23 : memref<1x128xi32, #tpu.memory_space<vmem>> -> memref<128xi32, #tpu.memory_space<vmem>>
    %dma_start3A_25 = arith.constant 0 : i32
    %dma_start3A_26 = tpu.memref_slice %arg4[%arg1, %dma_start3A_20, %dma_start3A_25] : memref<16x158x128xi32, #tpu.memory_space<hbm>> -> memref<1x1x128xi32, #tpu.memory_space<hbm>>
    %dma_start3A_27 = tpu.memref_squeeze %dma_start3A_26 : memref<1x1x128xi32, #tpu.memory_space<hbm>> -> memref<128xi32, #tpu.memory_space<hbm>>
    %dma_start3A_28 = arith.constant 0 : i32
    %dma_start3A_29 = tpu.memref_slice %arg8[%dma_start3A_21, %dma_start3A_28] : memref<2x128xi32, #tpu.memory_space<vmem>> -> memref<1x128xi32, #tpu.memory_space<vmem>>
    %dma_start3A_30 = tpu.memref_squeeze %dma_start3A_29 : memref<1x128xi32, #tpu.memory_space<vmem>> -> memref<128xi32, #tpu.memory_space<vmem>>
    %dma_start3A_31 = arith.constant 0 : i32
    %dma_start3A_32 = tpu.memref_slice %arg4[%arg1, %dma_start3A_20, %dma_start3A_31] : memref<16x158x128xi32, #tpu.memory_space<hbm>> -> memref<1x1x128xi32, #tpu.memory_space<hbm>>
    %dma_start3A_33 = tpu.memref_squeeze %dma_start3A_32 : memref<1x1x128xi32, #tpu.memory_space<hbm>> -> memref<128xi32, #tpu.memory_space<hbm>>
    tpu.enqueue_dma source(%dma_start3A_33 : memref<128xi32, #tpu.memory_space<hbm>>) target(%dma_start3A_30 : memref<128xi32, #tpu.memory_space<vmem>>) target_semaphore(%arg17 : memref<!tpu.dma_semaphore, #tpu.memory_space<semaphore_mem>>)
    %dma_start3A_34 = arith.constant 1 : i32
    %dma_start3A_35 = arith.constant 1 : i32
    %dma_start3A_36 = arith.constant 0 : i32
    %dma_start3A_37 = tpu.memref_slice %arg8[%dma_start3A_35, %dma_start3A_36] : memref<2x128xi32, #tpu.memory_space<vmem>> -> memref<1x128xi32, #tpu.memory_space<vmem>>
    %dma_start3A_38 = tpu.memref_squeeze %dma_start3A_37 : memref<1x128xi32, #tpu.memory_space<vmem>> -> memref<128xi32, #tpu.memory_space<vmem>>
    %dma_start3A_39 = arith.constant 0 : i32
    %dma_start3A_40 = tpu.memref_slice %arg4[%arg1, %dma_start3A_34, %dma_start3A_39] : memref<16x158x128xi32, #tpu.memory_space<hbm>> -> memref<1x1x128xi32, #tpu.memory_space<hbm>>
    %dma_start3A_41 = tpu.memref_squeeze %dma_start3A_40 : memref<1x1x128xi32, #tpu.memory_space<hbm>> -> memref<128xi32, #tpu.memory_space<hbm>>
    %dma_start3A_42 = arith.constant 0 : i32
    %dma_start3A_43 = tpu.memref_slice %arg8[%dma_start3A_35, %dma_start3A_42] : memref<2x128xi32, #tpu.memory_space<vmem>> -> memref<1x128xi32, #tpu.memory_space<vmem>>
    %dma_start3A_44 = tpu.memref_squeeze %dma_start3A_43 : memref<1x128xi32, #tpu.memory_space<vmem>> -> memref<128xi32, #tpu.memory_space<vmem>>
    %dma_start3A_45 = arith.constant 0 : i32
    %dma_start3A_46 = tpu.memref_slice %arg4[%arg1, %dma_start3A_34, %dma_start3A_45] : memref<16x158x128xi32, #tpu.memory_space<hbm>> -> memref<1x1x128xi32, #tpu.memory_space<hbm>>
    %dma_start3A_47 = tpu.memref_squeeze %dma_start3A_46 : memref<1x1x128xi32, #tpu.memory_space<hbm>> -> memref<128xi32, #tpu.memory_space<hbm>>
    tpu.enqueue_dma source(%dma_start3A_47 : memref<128xi32, #tpu.memory_space<hbm>>) target(%dma_start3A_44 : memref<128xi32, #tpu.memory_space<vmem>>) target_semaphore(%arg18 : memref<!tpu.dma_semaphore, #tpu.memory_space<semaphore_mem>>)
    %scan3A = arith.constant 0 : i32
    %scan3A_48 = arith.constant 0 : i32
    %scan3A_49 = arith.constant 79 : i32
    %scan3A_50 = arith.addi %scan3A_48, %scan3A_49 : i32
    %scan3A_51 = arith.constant 1 : i32
    scf.for %scan3A_61 = %scan3A_48 to %scan3A_50 step %scan3A_51  : i32 {
      %mul3A_62 = arith.constant 2 : i32
      %mul3A_63 = arith.muli %mul3A_62, %scan3A_61 : i32
      %add3A_64 = arith.constant 1 : i32
      %add3A_65 = arith.addi %mul3A_63, %add3A_64 : i32
      %dma_wait3A = arith.constant 0 : i32
      %dma_wait3A_66 = tpu.memref_slice %arg7[%mul3A_63, %dma_wait3A] : memref<158x128xi32, #tpu.memory_space<vmem>> -> memref<1x128xi32, #tpu.memory_space<vmem>>
      %dma_wait3A_67 = tpu.memref_squeeze %dma_wait3A_66 : memref<1x128xi32, #tpu.memory_space<vmem>> -> memref<128xi32, #tpu.memory_space<vmem>>
      %dma_wait3A_68 = arith.constant 0 : i32
      %dma_wait3A_69 = arith.constant 0 : i32
      %dma_wait3A_70 = tpu.memref_slice %arg12[%dma_wait3A_68, %dma_wait3A_69] : memref<10240x64xf32, #tpu.memory_space<vmem_shared>> -> memref<10240x64xf32, #tpu.memory_space<vmem_shared>>
      tpu.wait_indirect_dma semaphore(%arg13 : memref<!tpu.dma_semaphore, #tpu.memory_space<semaphore_mem>>) src(%dma_wait3A_70 : memref<10240x64xf32, #tpu.memory_space<vmem_shared>>) dst(%arg9 : memref<128x64xf32, #tpu.memory_space<vmem>>)
      %dma_wait3A_71 = arith.constant 0 : i32
      %dma_wait3A_72 = arith.constant 0 : i32
      %dma_wait3A_73 = tpu.memref_slice %arg8[%dma_wait3A_71, %dma_wait3A_72] : memref<2x128xi32, #tpu.memory_space<vmem>> -> memref<1x128xi32, #tpu.memory_space<vmem>>
      %dma_wait3A_74 = tpu.memref_squeeze %dma_wait3A_73 : memref<1x128xi32, #tpu.memory_space<vmem>> -> memref<128xi32, #tpu.memory_space<vmem>>
      %dma_wait3A_75 = arith.constant 0 : i32
      %dma_wait3A_76 = tpu.memref_slice %arg4[%arg1, %mul3A_63, %dma_wait3A_75] : memref<16x158x128xi32, #tpu.memory_space<hbm>> -> memref<1x1x128xi32, #tpu.memory_space<hbm>>
      %dma_wait3A_77 = tpu.memref_squeeze %dma_wait3A_76 : memref<1x1x128xi32, #tpu.memory_space<hbm>> -> memref<128xi32, #tpu.memory_space<hbm>>
      %dma_wait3A_78 = arith.constant 0 : i32
      %dma_wait3A_79 = tpu.memref_slice %arg8[%dma_wait3A_71, %dma_wait3A_78] : memref<2x128xi32, #tpu.memory_space<vmem>> -> memref<1x128xi32, #tpu.memory_space<vmem>>
      %dma_wait3A_80 = tpu.memref_squeeze %dma_wait3A_79 : memref<1x128xi32, #tpu.memory_space<vmem>> -> memref<128xi32, #tpu.memory_space<vmem>>
      %dma_wait3A_81 = arith.constant 0 : i32
      %dma_wait3A_82 = tpu.memref_slice %arg4[%arg1, %mul3A_63, %dma_wait3A_81] : memref<16x158x128xi32, #tpu.memory_space<hbm>> -> memref<1x1x128xi32, #tpu.memory_space<hbm>>
      %dma_wait3A_83 = tpu.memref_squeeze %dma_wait3A_82 : memref<1x1x128xi32, #tpu.memory_space<hbm>> -> memref<128xi32, #tpu.memory_space<hbm>>
      tpu.wait_dma2 semaphore(%arg17 : memref<!tpu.dma_semaphore, #tpu.memory_space<semaphore_mem>>) src(%dma_wait3A_83 : memref<128xi32, #tpu.memory_space<hbm>>) dst(%dma_wait3A_80 : memref<128xi32, #tpu.memory_space<vmem>>)
      %dma_start3A_84 = arith.constant 0 : i32
      %dma_start3A_85 = arith.constant 0 : i32
      %dma_start3A_86 = tpu.memref_slice %arg8[%dma_start3A_84, %dma_start3A_85] : memref<2x128xi32, #tpu.memory_space<vmem>> -> memref<1x128xi32, #tpu.memory_space<vmem>>
      %dma_start3A_87 = tpu.memref_squeeze %dma_start3A_86 : memref<1x128xi32, #tpu.memory_space<vmem>> -> memref<128xi32, #tpu.memory_space<vmem>>
      %dma_start3A_88 = arith.constant 0 : i32
      %dma_start3A_89 = arith.constant 0 : i32
      %dma_start3A_90 = tpu.memref_slice %arg11[%dma_start3A_88, %dma_start3A_89] : memref<10240x64xf32, #tpu.memory_space<vmem_shared>> -> memref<10240x64xf32, #tpu.memory_space<vmem_shared>>
      tpu.enqueue_indirect_dma source(%arg9 : memref<128x64xf32, #tpu.memory_space<vmem>>) target(%dma_start3A_90 : memref<10240x64xf32, #tpu.memory_space<vmem_shared>>) offsets(%dma_start3A_87 : memref<128xi32, #tpu.memory_space<vmem>>) semaphore(%arg15 : memref<!tpu.dma_semaphore, #tpu.memory_space<semaphore_mem>>) {add = true}
      %dma_wait3A_91 = arith.constant 0 : i32
      %dma_wait3A_92 = tpu.memref_slice %arg7[%add3A_65, %dma_wait3A_91] : memref<158x128xi32, #tpu.memory_space<vmem>> -> memref<1x128xi32, #tpu.memory_space<vmem>>
      %dma_wait3A_93 = tpu.memref_squeeze %dma_wait3A_92 : memref<1x128xi32, #tpu.memory_space<vmem>> -> memref<128xi32, #tpu.memory_space<vmem>>
      %dma_wait3A_94 = arith.constant 0 : i32
      %dma_wait3A_95 = arith.constant 0 : i32
      %dma_wait3A_96 = tpu.memref_slice %arg12[%dma_wait3A_94, %dma_wait3A_95] : memref<10240x64xf32, #tpu.memory_space<vmem_shared>> -> memref<10240x64xf32, #tpu.memory_space<vmem_shared>>
      tpu.wait_indirect_dma semaphore(%arg14 : memref<!tpu.dma_semaphore, #tpu.memory_space<semaphore_mem>>) src(%dma_wait3A_96 : memref<10240x64xf32, #tpu.memory_space<vmem_shared>>) dst(%arg10 : memref<128x64xf32, #tpu.memory_space<vmem>>)
      %dma_wait3A_97 = arith.constant 1 : i32
      %dma_wait3A_98 = arith.constant 0 : i32
      %dma_wait3A_99 = tpu.memref_slice %arg8[%dma_wait3A_97, %dma_wait3A_98] : memref<2x128xi32, #tpu.memory_space<vmem>> -> memref<1x128xi32, #tpu.memory_space<vmem>>
      %dma_wait3A_100 = tpu.memref_squeeze %dma_wait3A_99 : memref<1x128xi32, #tpu.memory_space<vmem>> -> memref<128xi32, #tpu.memory_space<vmem>>
      %dma_wait3A_101 = arith.constant 0 : i32
      %dma_wait3A_102 = tpu.memref_slice %arg4[%arg1, %add3A_65, %dma_wait3A_101] : memref<16x158x128xi32, #tpu.memory_space<hbm>> -> memref<1x1x128xi32, #tpu.memory_space<hbm>>
      %dma_wait3A_103 = tpu.memref_squeeze %dma_wait3A_102 : memref<1x1x128xi32, #tpu.memory_space<hbm>> -> memref<128xi32, #tpu.memory_space<hbm>>
      %dma_wait3A_104 = arith.constant 0 : i32
      %dma_wait3A_105 = tpu.memref_slice %arg8[%dma_wait3A_97, %dma_wait3A_104] : memref<2x128xi32, #tpu.memory_space<vmem>> -> memref<1x128xi32, #tpu.memory_space<vmem>>
      %dma_wait3A_106 = tpu.memref_squeeze %dma_wait3A_105 : memref<1x128xi32, #tpu.memory_space<vmem>> -> memref<128xi32, #tpu.memory_space<vmem>>
      %dma_wait3A_107 = arith.constant 0 : i32
      %dma_wait3A_108 = tpu.memref_slice %arg4[%arg1, %add3A_65, %dma_wait3A_107] : memref<16x158x128xi32, #tpu.memory_space<hbm>> -> memref<1x1x128xi32, #tpu.memory_space<hbm>>
      %dma_wait3A_109 = tpu.memref_squeeze %dma_wait3A_108 : memref<1x1x128xi32, #tpu.memory_space<hbm>> -> memref<128xi32, #tpu.memory_space<hbm>>
      tpu.wait_dma2 semaphore(%arg18 : memref<!tpu.dma_semaphore, #tpu.memory_space<semaphore_mem>>) src(%dma_wait3A_109 : memref<128xi32, #tpu.memory_space<hbm>>) dst(%dma_wait3A_106 : memref<128xi32, #tpu.memory_space<vmem>>)
      %dma_start3A_110 = arith.constant 1 : i32
      %dma_start3A_111 = arith.constant 0 : i32
      %dma_start3A_112 = tpu.memref_slice %arg8[%dma_start3A_110, %dma_start3A_111] : memref<2x128xi32, #tpu.memory_space<vmem>> -> memref<1x128xi32, #tpu.memory_space<vmem>>
      %dma_start3A_113 = tpu.memref_squeeze %dma_start3A_112 : memref<1x128xi32, #tpu.memory_space<vmem>> -> memref<128xi32, #tpu.memory_space<vmem>>
      %dma_start3A_114 = arith.constant 0 : i32
      %dma_start3A_115 = arith.constant 0 : i32
      %dma_start3A_116 = tpu.memref_slice %arg11[%dma_start3A_114, %dma_start3A_115] : memref<10240x64xf32, #tpu.memory_space<vmem_shared>> -> memref<10240x64xf32, #tpu.memory_space<vmem_shared>>
      tpu.enqueue_indirect_dma source(%arg10 : memref<128x64xf32, #tpu.memory_space<vmem>>) target(%dma_start3A_116 : memref<10240x64xf32, #tpu.memory_space<vmem_shared>>) offsets(%dma_start3A_113 : memref<128xi32, #tpu.memory_space<vmem>>) semaphore(%arg16 : memref<!tpu.dma_semaphore, #tpu.memory_space<semaphore_mem>>) {add = true}
      %dma_wait3A_117 = arith.constant 0 : i32
      %dma_wait3A_118 = arith.constant 0 : i32
      %dma_wait3A_119 = tpu.memref_slice %arg8[%dma_wait3A_117, %dma_wait3A_118] : memref<2x128xi32, #tpu.memory_space<vmem>> -> memref<1x128xi32, #tpu.memory_space<vmem>>
      %dma_wait3A_120 = tpu.memref_squeeze %dma_wait3A_119 : memref<1x128xi32, #tpu.memory_space<vmem>> -> memref<128xi32, #tpu.memory_space<vmem>>
      %dma_wait3A_121 = arith.constant 0 : i32
      %dma_wait3A_122 = arith.constant 0 : i32
      %dma_wait3A_123 = tpu.memref_slice %arg11[%dma_wait3A_121, %dma_wait3A_122] : memref<10240x64xf32, #tpu.memory_space<vmem_shared>> -> memref<10240x64xf32, #tpu.memory_space<vmem_shared>>
      tpu.wait_indirect_dma semaphore(%arg15 : memref<!tpu.dma_semaphore, #tpu.memory_space<semaphore_mem>>) src(%arg9 : memref<128x64xf32, #tpu.memory_space<vmem>>) dst(%dma_wait3A_123 : memref<10240x64xf32, #tpu.memory_space<vmem_shared>>)
      %add3A_124 = arith.constant 2 : i32
      %add3A_125 = arith.addi %mul3A_63, %add3A_124 : i32
      %lt3A = arith.constant 158 : i32
      %lt3A_126 = arith.cmpi slt, %add3A_125, %lt3A : i32
      %convert_element_type3A = arith.extui %lt3A_126 : i1 to i32
      %cond3A = arith.constant 0 : i32
      %cond3A_127 = arith.cmpi ne, %convert_element_type3A, %cond3A : i32
      scf.if %cond3A_127 {
        %add3A_142 = arith.constant 2 : i32
        %add3A_143 = arith.addi %mul3A_63, %add3A_142 : i32
        %dma_start3A_144 = arith.constant 0 : i32
        %dma_start3A_145 = tpu.memref_slice %arg7[%add3A_143, %dma_start3A_144] : memref<158x128xi32, #tpu.memory_space<vmem>> -> memref<1x128xi32, #tpu.memory_space<vmem>>
        %dma_start3A_146 = tpu.memref_squeeze %dma_start3A_145 : memref<1x128xi32, #tpu.memory_space<vmem>> -> memref<128xi32, #tpu.memory_space<vmem>>
        %dma_start3A_147 = arith.constant 0 : i32
        %dma_start3A_148 = arith.constant 0 : i32
        %dma_start3A_149 = tpu.memref_slice %arg12[%dma_start3A_147, %dma_start3A_148] : memref<10240x64xf32, #tpu.memory_space<vmem_shared>> -> memref<10240x64xf32, #tpu.memory_space<vmem_shared>>
        tpu.enqueue_indirect_dma source(%dma_start3A_149 : memref<10240x64xf32, #tpu.memory_space<vmem_shared>>) target(%arg9 : memref<128x64xf32, #tpu.memory_space<vmem>>) offsets(%dma_start3A_146 : memref<128xi32, #tpu.memory_space<vmem>>) semaphore(%arg13 : memref<!tpu.dma_semaphore, #tpu.memory_space<semaphore_mem>>)
        %add3A_150 = arith.constant 2 : i32
        %add3A_151 = arith.addi %mul3A_63, %add3A_150 : i32
        %dma_start3A_152 = arith.constant 0 : i32
        %dma_start3A_153 = arith.constant 0 : i32
        %dma_start3A_154 = tpu.memref_slice %arg8[%dma_start3A_152, %dma_start3A_153] : memref<2x128xi32, #tpu.memory_space<vmem>> -> memref<1x128xi32, #tpu.memory_space<vmem>>
        %dma_start3A_155 = tpu.memref_squeeze %dma_start3A_154 : memref<1x128xi32, #tpu.memory_space<vmem>> -> memref<128xi32, #tpu.memory_space<vmem>>
        %dma_start3A_156 = arith.constant 0 : i32
        %dma_start3A_157 = tpu.memref_slice %arg4[%arg1, %add3A_151, %dma_start3A_156] : memref<16x158x128xi32, #tpu.memory_space<hbm>> -> memref<1x1x128xi32, #tpu.memory_space<hbm>>
        %dma_start3A_158 = tpu.memref_squeeze %dma_start3A_157 : memref<1x1x128xi32, #tpu.memory_space<hbm>> -> memref<128xi32, #tpu.memory_space<hbm>>
        %dma_start3A_159 = arith.constant 0 : i32
        %dma_start3A_160 = tpu.memref_slice %arg8[%dma_start3A_152, %dma_start3A_159] : memref<2x128xi32, #tpu.memory_space<vmem>> -> memref<1x128xi32, #tpu.memory_space<vmem>>
        %dma_start3A_161 = tpu.memref_squeeze %dma_start3A_160 : memref<1x128xi32, #tpu.memory_space<vmem>> -> memref<128xi32, #tpu.memory_space<vmem>>
        %dma_start3A_162 = arith.constant 0 : i32
        %dma_start3A_163 = tpu.memref_slice %arg4[%arg1, %add3A_151, %dma_start3A_162] : memref<16x158x128xi32, #tpu.memory_space<hbm>> -> memref<1x1x128xi32, #tpu.memory_space<hbm>>
        %dma_start3A_164 = tpu.memref_squeeze %dma_start3A_163 : memref<1x1x128xi32, #tpu.memory_space<hbm>> -> memref<128xi32, #tpu.memory_space<hbm>>
        tpu.enqueue_dma source(%dma_start3A_164 : memref<128xi32, #tpu.memory_space<hbm>>) target(%dma_start3A_161 : memref<128xi32, #tpu.memory_space<vmem>>) target_semaphore(%arg17 : memref<!tpu.dma_semaphore, #tpu.memory_space<semaphore_mem>>)
      } else {
      }
      %dma_wait3A_128 = arith.constant 1 : i32
      %dma_wait3A_129 = arith.constant 0 : i32
      %dma_wait3A_130 = tpu.memref_slice %arg8[%dma_wait3A_128, %dma_wait3A_129] : memref<2x128xi32, #tpu.memory_space<vmem>> -> memref<1x128xi32, #tpu.memory_space<vmem>>
      %dma_wait3A_131 = tpu.memref_squeeze %dma_wait3A_130 : memref<1x128xi32, #tpu.memory_space<vmem>> -> memref<128xi32, #tpu.memory_space<vmem>>
      %dma_wait3A_132 = arith.constant 0 : i32
      %dma_wait3A_133 = arith.constant 0 : i32
      %dma_wait3A_134 = tpu.memref_slice %arg11[%dma_wait3A_132, %dma_wait3A_133] : memref<10240x64xf32, #tpu.memory_space<vmem_shared>> -> memref<10240x64xf32, #tpu.memory_space<vmem_shared>>
      tpu.wait_indirect_dma semaphore(%arg16 : memref<!tpu.dma_semaphore, #tpu.memory_space<semaphore_mem>>) src(%arg10 : memref<128x64xf32, #tpu.memory_space<vmem>>) dst(%dma_wait3A_134 : memref<10240x64xf32, #tpu.memory_space<vmem_shared>>)
      %add3A_135 = arith.constant 2 : i32
      %add3A_136 = arith.addi %add3A_65, %add3A_135 : i32
      %lt3A_137 = arith.constant 158 : i32
      %lt3A_138 = arith.cmpi slt, %add3A_136, %lt3A_137 : i32
      %convert_element_type3A_139 = arith.extui %lt3A_138 : i1 to i32
      %cond3A_140 = arith.constant 0 : i32
      %cond3A_141 = arith.cmpi ne, %convert_element_type3A_139, %cond3A_140 : i32
      scf.if %cond3A_141 {
        %add3A_142 = arith.constant 2 : i32
        %add3A_143 = arith.addi %add3A_65, %add3A_142 : i32
        %dma_start3A_144 = arith.constant 0 : i32
        %dma_start3A_145 = tpu.memref_slice %arg7[%add3A_143, %dma_start3A_144] : memref<158x128xi32, #tpu.memory_space<vmem>> -> memref<1x128xi32, #tpu.memory_space<vmem>>
        %dma_start3A_146 = tpu.memref_squeeze %dma_start3A_145 : memref<1x128xi32, #tpu.memory_space<vmem>> -> memref<128xi32, #tpu.memory_space<vmem>>
        %dma_start3A_147 = arith.constant 0 : i32
        %dma_start3A_148 = arith.constant 0 : i32
        %dma_start3A_149 = tpu.memref_slice %arg12[%dma_start3A_147, %dma_start3A_148] : memref<10240x64xf32, #tpu.memory_space<vmem_shared>> -> memref<10240x64xf32, #tpu.memory_space<vmem_shared>>
        tpu.enqueue_indirect_dma source(%dma_start3A_149 : memref<10240x64xf32, #tpu.memory_space<vmem_shared>>) target(%arg10 : memref<128x64xf32, #tpu.memory_space<vmem>>) offsets(%dma_start3A_146 : memref<128xi32, #tpu.memory_space<vmem>>) semaphore(%arg14 : memref<!tpu.dma_semaphore, #tpu.memory_space<semaphore_mem>>)
        %add3A_150 = arith.constant 2 : i32
        %add3A_151 = arith.addi %add3A_65, %add3A_150 : i32
        %dma_start3A_152 = arith.constant 1 : i32
        %dma_start3A_153 = arith.constant 0 : i32
        %dma_start3A_154 = tpu.memref_slice %arg8[%dma_start3A_152, %dma_start3A_153] : memref<2x128xi32, #tpu.memory_space<vmem>> -> memref<1x128xi32, #tpu.memory_space<vmem>>
        %dma_start3A_155 = tpu.memref_squeeze %dma_start3A_154 : memref<1x128xi32, #tpu.memory_space<vmem>> -> memref<128xi32, #tpu.memory_space<vmem>>
        %dma_start3A_156 = arith.constant 0 : i32
        %dma_start3A_157 = tpu.memref_slice %arg4[%arg1, %add3A_151, %dma_start3A_156] : memref<16x158x128xi32, #tpu.memory_space<hbm>> -> memref<1x1x128xi32, #tpu.memory_space<hbm>>
        %dma_start3A_158 = tpu.memref_squeeze %dma_start3A_157 : memref<1x1x128xi32, #tpu.memory_space<hbm>> -> memref<128xi32, #tpu.memory_space<hbm>>
        %dma_start3A_159 = arith.constant 0 : i32
        %dma_start3A_160 = tpu.memref_slice %arg8[%dma_start3A_152, %dma_start3A_159] : memref<2x128xi32, #tpu.memory_space<vmem>> -> memref<1x128xi32, #tpu.memory_space<vmem>>
        %dma_start3A_161 = tpu.memref_squeeze %dma_start3A_160 : memref<1x128xi32, #tpu.memory_space<vmem>> -> memref<128xi32, #tpu.memory_space<vmem>>
        %dma_start3A_162 = arith.constant 0 : i32
        %dma_start3A_163 = tpu.memref_slice %arg4[%arg1, %add3A_151, %dma_start3A_162] : memref<16x158x128xi32, #tpu.memory_space<hbm>> -> memref<1x1x128xi32, #tpu.memory_space<hbm>>
        %dma_start3A_164 = tpu.memref_squeeze %dma_start3A_163 : memref<1x1x128xi32, #tpu.memory_space<hbm>> -> memref<128xi32, #tpu.memory_space<hbm>>
        tpu.enqueue_dma source(%dma_start3A_164 : memref<128xi32, #tpu.memory_space<hbm>>) target(%dma_start3A_161 : memref<128xi32, #tpu.memory_space<vmem>>) target_semaphore(%arg18 : memref<!tpu.dma_semaphore, #tpu.memory_space<semaphore_mem>>)
      } else {
      }
    }
    %scan3A_52 = arith.constant 79 : i32
    %barrier3A_53 = arith.constant 0 : index
    tpu.barrier barrier_id(%barrier3A_53)
    %mul3A_54 = arith.constant 10240 : i32
    %mul3A_55 = arith.muli %arg0, %mul3A_54 : i32
    %mul3A_56 = arith.constant 640 : i32
    %mul3A_57 = arith.muli %arg1, %mul3A_56 : i32
    %add3A_58 = arith.addi %mul3A_55, %mul3A_57 : i32
    %mul3A_59 = arith.constant 640 : i32
    %mul3A_60 = arith.muli %arg1, %mul3A_59 : i32
    "tpu.region"() ({
      %run_scoped3A = tpu.sem_alloc : memref<!tpu.dma_semaphore, #tpu.memory_space<semaphore_mem>>
      %dma_start3A_61 = arith.constant 0 : i32
      %dma_start3A_62 = tpu.memref_slice %arg6[%add3A_58, %dma_start3A_61] : memref<20480x64xf32, #tpu.memory_space<hbm>> -> memref<640x64xf32, #tpu.memory_space<hbm>>
      %dma_start3A_63 = arith.constant 0 : i32
      %dma_start3A_64 = tpu.memref_slice %arg11[%mul3A_60, %dma_start3A_63] : memref<10240x64xf32, #tpu.memory_space<vmem_shared>> -> memref<640x64xf32, #tpu.memory_space<vmem_shared>>
      tpu.enqueue_dma source(%dma_start3A_64 : memref<640x64xf32, #tpu.memory_space<vmem_shared>>) target(%dma_start3A_62 : memref<640x64xf32, #tpu.memory_space<hbm>>) target_semaphore(%run_scoped3A : memref<!tpu.dma_semaphore, #tpu.memory_space<semaphore_mem>>)
      %dma_wait3A = arith.constant 0 : i32
      %dma_wait3A_65 = tpu.memref_slice %arg6[%add3A_58, %dma_wait3A] : memref<20480x64xf32, #tpu.memory_space<hbm>> -> memref<640x64xf32, #tpu.memory_space<hbm>>
      %dma_wait3A_66 = arith.constant 0 : i32
      %dma_wait3A_67 = tpu.memref_slice %arg11[%mul3A_60, %dma_wait3A_66] : memref<10240x64xf32, #tpu.memory_space<vmem_shared>> -> memref<640x64xf32, #tpu.memory_space<vmem_shared>>
      tpu.wait_dma2 semaphore(%run_scoped3A : memref<!tpu.dma_semaphore, #tpu.memory_space<semaphore_mem>>) src(%dma_wait3A_67 : memref<640x64xf32, #tpu.memory_space<vmem_shared>>) dst(%dma_wait3A_65 : memref<640x64xf32, #tpu.memory_space<hbm>>)
      tpu.yield
    }) : () -> ()
    return
  }
}

#map = affine_map<(d0, d1) -> (0, 0, 0, 0)>
#map1 = affine_map<(d0, d1) -> (0, 0)>
#map2 = affine_map<(d0, d1) -> (0, 0, 0)>
module attributes {stable_mosaic.version = 14 : i64} {
  func.func @_deg_kernel(%arg0: i32, %arg1: i32, %arg2: memref<2x16x158x128xi32, #tpu.memory_space<hbm>>, %arg3: memref<128x16xf32, #tpu.memory_space<hbm>>, %arg4: memref<640x16xf32, #tpu.memory_space<hbm>>, %arg5: memref<2x10240x16xf32, #tpu.memory_space<hbm>>, %arg6: memref<158x128xi32, #tpu.memory_space<vmem>>, %arg7: memref<128x16xf32, #tpu.memory_space<vmem>>, %arg8: memref<10240x16xf32, #tpu.memory_space<vmem_shared>>, %arg9: memref<!tpu.dma_semaphore, #tpu.memory_space<semaphore_mem>>, %arg10: memref<!tpu.dma_semaphore, #tpu.memory_space<semaphore_mem>>) attributes {dimension_semantics = [#tpu.dimension_semantics<core_parallel>, #tpu.dimension_semantics<subcore_parallel>], iteration_bounds = array<i64: 2, 16>, scalar_prefetch = 0 : i64, scratch_operands = 5 : i64, tpu.core_type = #tpu.core_type<sc_vector_subcore>, window_params = [{transform_indices = #map}, {transform_indices = #map1}, {transform_indices = #map1}, {transform_indices = #map2}]} {
    "tpu.region"() ({
      %run_scoped3A = tpu.sem_alloc : memref<!tpu.dma_semaphore, #tpu.memory_space<semaphore_mem>>
      %dma_start3A = arith.constant 0 : i32
      %dma_start3A_11 = arith.constant 0 : i32
      %dma_start3A_12 = tpu.memref_slice %arg2[%arg0, %arg1, %dma_start3A, %dma_start3A_11] : memref<2x16x158x128xi32, #tpu.memory_space<hbm>> -> memref<1x1x158x128xi32, #tpu.memory_space<hbm>>
      %dma_start3A_13 = tpu.memref_squeeze %dma_start3A_12 : memref<1x1x158x128xi32, #tpu.memory_space<hbm>> -> memref<158x128xi32, #tpu.memory_space<hbm>>
      %dma_start3A_14 = arith.constant 0 : i32
      %dma_start3A_15 = arith.constant 0 : i32
      %dma_start3A_16 = tpu.memref_slice %arg2[%arg0, %arg1, %dma_start3A_14, %dma_start3A_15] : memref<2x16x158x128xi32, #tpu.memory_space<hbm>> -> memref<1x1x158x128xi32, #tpu.memory_space<hbm>>
      %dma_start3A_17 = tpu.memref_squeeze %dma_start3A_16 : memref<1x1x158x128xi32, #tpu.memory_space<hbm>> -> memref<158x128xi32, #tpu.memory_space<hbm>>
      tpu.enqueue_dma source(%dma_start3A_17 : memref<158x128xi32, #tpu.memory_space<hbm>>) target(%arg6 : memref<158x128xi32, #tpu.memory_space<vmem>>) target_semaphore(%run_scoped3A : memref<!tpu.dma_semaphore, #tpu.memory_space<semaphore_mem>>)
      %dma_wait3A = arith.constant 0 : i32
      %dma_wait3A_18 = arith.constant 0 : i32
      %dma_wait3A_19 = tpu.memref_slice %arg2[%arg0, %arg1, %dma_wait3A, %dma_wait3A_18] : memref<2x16x158x128xi32, #tpu.memory_space<hbm>> -> memref<1x1x158x128xi32, #tpu.memory_space<hbm>>
      %dma_wait3A_20 = tpu.memref_squeeze %dma_wait3A_19 : memref<1x1x158x128xi32, #tpu.memory_space<hbm>> -> memref<158x128xi32, #tpu.memory_space<hbm>>
      %dma_wait3A_21 = arith.constant 0 : i32
      %dma_wait3A_22 = arith.constant 0 : i32
      %dma_wait3A_23 = tpu.memref_slice %arg2[%arg0, %arg1, %dma_wait3A_21, %dma_wait3A_22] : memref<2x16x158x128xi32, #tpu.memory_space<hbm>> -> memref<1x1x158x128xi32, #tpu.memory_space<hbm>>
      %dma_wait3A_24 = tpu.memref_squeeze %dma_wait3A_23 : memref<1x1x158x128xi32, #tpu.memory_space<hbm>> -> memref<158x128xi32, #tpu.memory_space<hbm>>
      tpu.wait_dma2 semaphore(%run_scoped3A : memref<!tpu.dma_semaphore, #tpu.memory_space<semaphore_mem>>) src(%dma_wait3A_24 : memref<158x128xi32, #tpu.memory_space<hbm>>) dst(%arg6 : memref<158x128xi32, #tpu.memory_space<vmem>>)
      tpu.yield
    }) : () -> ()
    "tpu.region"() ({
      %run_scoped3A = tpu.sem_alloc : memref<!tpu.dma_semaphore, #tpu.memory_space<semaphore_mem>>
      tpu.enqueue_dma source(%arg3 : memref<128x16xf32, #tpu.memory_space<hbm>>) target(%arg7 : memref<128x16xf32, #tpu.memory_space<vmem>>) target_semaphore(%run_scoped3A : memref<!tpu.dma_semaphore, #tpu.memory_space<semaphore_mem>>)
      tpu.wait_dma2 semaphore(%run_scoped3A : memref<!tpu.dma_semaphore, #tpu.memory_space<semaphore_mem>>) src(%arg3 : memref<128x16xf32, #tpu.memory_space<hbm>>) dst(%arg7 : memref<128x16xf32, #tpu.memory_space<vmem>>)
      tpu.yield
    }) : () -> ()
    %mul3A = arith.constant 640 : i32
    %mul3A_0 = arith.muli %arg1, %mul3A : i32
    "tpu.region"() ({
      %run_scoped3A = tpu.sem_alloc : memref<!tpu.dma_semaphore, #tpu.memory_space<semaphore_mem>>
      %dma_start3A = arith.constant 0 : i32
      %dma_start3A_11 = tpu.memref_slice %arg8[%mul3A_0, %dma_start3A] : memref<10240x16xf32, #tpu.memory_space<vmem_shared>> -> memref<640x16xf32, #tpu.memory_space<vmem_shared>>
      tpu.enqueue_dma source(%arg4 : memref<640x16xf32, #tpu.memory_space<hbm>>) target(%dma_start3A_11 : memref<640x16xf32, #tpu.memory_space<vmem_shared>>) target_semaphore(%run_scoped3A : memref<!tpu.dma_semaphore, #tpu.memory_space<semaphore_mem>>)
      %dma_wait3A = arith.constant 0 : i32
      %dma_wait3A_12 = tpu.memref_slice %arg8[%mul3A_0, %dma_wait3A] : memref<10240x16xf32, #tpu.memory_space<vmem_shared>> -> memref<640x16xf32, #tpu.memory_space<vmem_shared>>
      tpu.wait_dma2 semaphore(%run_scoped3A : memref<!tpu.dma_semaphore, #tpu.memory_space<semaphore_mem>>) src(%arg4 : memref<640x16xf32, #tpu.memory_space<hbm>>) dst(%dma_wait3A_12 : memref<640x16xf32, #tpu.memory_space<vmem_shared>>)
      tpu.yield
    }) : () -> ()
    %barrier3A = arith.constant 0 : index
    tpu.barrier barrier_id(%barrier3A)
    %scan3A = arith.constant 0 : i32
    %scan3A_1 = arith.constant 0 : i32
    %scan3A_2 = arith.constant 79 : i32
    %scan3A_3 = arith.addi %scan3A_1, %scan3A_2 : i32
    %scan3A_4 = arith.constant 1 : i32
    scf.for %scan3A_11 = %scan3A_1 to %scan3A_3 step %scan3A_4  : i32 {
      %mul3A_12 = arith.constant 2 : i32
      %mul3A_13 = arith.muli %mul3A_12, %scan3A_11 : i32
      %add3A = arith.constant 1 : i32
      %add3A_14 = arith.addi %mul3A_13, %add3A : i32
      %dma_start3A = arith.constant 0 : i32
      %dma_start3A_15 = tpu.memref_slice %arg6[%mul3A_13, %dma_start3A] : memref<158x128xi32, #tpu.memory_space<vmem>> -> memref<1x128xi32, #tpu.memory_space<vmem>>
      %dma_start3A_16 = tpu.memref_squeeze %dma_start3A_15 : memref<1x128xi32, #tpu.memory_space<vmem>> -> memref<128xi32, #tpu.memory_space<vmem>>
      %dma_start3A_17 = arith.constant 0 : i32
      %dma_start3A_18 = arith.constant 0 : i32
      %dma_start3A_19 = tpu.memref_slice %arg8[%dma_start3A_17, %dma_start3A_18] : memref<10240x16xf32, #tpu.memory_space<vmem_shared>> -> memref<10240x16xf32, #tpu.memory_space<vmem_shared>>
      tpu.enqueue_indirect_dma source(%arg7 : memref<128x16xf32, #tpu.memory_space<vmem>>) target(%dma_start3A_19 : memref<10240x16xf32, #tpu.memory_space<vmem_shared>>) offsets(%dma_start3A_16 : memref<128xi32, #tpu.memory_space<vmem>>) semaphore(%arg9 : memref<!tpu.dma_semaphore, #tpu.memory_space<semaphore_mem>>) {add = true}
      %dma_start3A_20 = arith.constant 0 : i32
      %dma_start3A_21 = tpu.memref_slice %arg6[%add3A_14, %dma_start3A_20] : memref<158x128xi32, #tpu.memory_space<vmem>> -> memref<1x128xi32, #tpu.memory_space<vmem>>
      %dma_start3A_22 = tpu.memref_squeeze %dma_start3A_21 : memref<1x128xi32, #tpu.memory_space<vmem>> -> memref<128xi32, #tpu.memory_space<vmem>>
      %dma_start3A_23 = arith.constant 0 : i32
      %dma_start3A_24 = arith.constant 0 : i32
      %dma_start3A_25 = tpu.memref_slice %arg8[%dma_start3A_23, %dma_start3A_24] : memref<10240x16xf32, #tpu.memory_space<vmem_shared>> -> memref<10240x16xf32, #tpu.memory_space<vmem_shared>>
      tpu.enqueue_indirect_dma source(%arg7 : memref<128x16xf32, #tpu.memory_space<vmem>>) target(%dma_start3A_25 : memref<10240x16xf32, #tpu.memory_space<vmem_shared>>) offsets(%dma_start3A_22 : memref<128xi32, #tpu.memory_space<vmem>>) semaphore(%arg10 : memref<!tpu.dma_semaphore, #tpu.memory_space<semaphore_mem>>) {add = true}
      %dma_wait3A = arith.constant 0 : i32
      %dma_wait3A_26 = tpu.memref_slice %arg6[%mul3A_13, %dma_wait3A] : memref<158x128xi32, #tpu.memory_space<vmem>> -> memref<1x128xi32, #tpu.memory_space<vmem>>
      %dma_wait3A_27 = tpu.memref_squeeze %dma_wait3A_26 : memref<1x128xi32, #tpu.memory_space<vmem>> -> memref<128xi32, #tpu.memory_space<vmem>>
      %dma_wait3A_28 = arith.constant 0 : i32
      %dma_wait3A_29 = arith.constant 0 : i32
      %dma_wait3A_30 = tpu.memref_slice %arg8[%dma_wait3A_28, %dma_wait3A_29] : memref<10240x16xf32, #tpu.memory_space<vmem_shared>> -> memref<10240x16xf32, #tpu.memory_space<vmem_shared>>
      tpu.wait_indirect_dma semaphore(%arg9 : memref<!tpu.dma_semaphore, #tpu.memory_space<semaphore_mem>>) src(%arg7 : memref<128x16xf32, #tpu.memory_space<vmem>>) dst(%dma_wait3A_30 : memref<10240x16xf32, #tpu.memory_space<vmem_shared>>)
      %dma_wait3A_31 = arith.constant 0 : i32
      %dma_wait3A_32 = tpu.memref_slice %arg6[%add3A_14, %dma_wait3A_31] : memref<158x128xi32, #tpu.memory_space<vmem>> -> memref<1x128xi32, #tpu.memory_space<vmem>>
      %dma_wait3A_33 = tpu.memref_squeeze %dma_wait3A_32 : memref<1x128xi32, #tpu.memory_space<vmem>> -> memref<128xi32, #tpu.memory_space<vmem>>
      %dma_wait3A_34 = arith.constant 0 : i32
      %dma_wait3A_35 = arith.constant 0 : i32
      %dma_wait3A_36 = tpu.memref_slice %arg8[%dma_wait3A_34, %dma_wait3A_35] : memref<10240x16xf32, #tpu.memory_space<vmem_shared>> -> memref<10240x16xf32, #tpu.memory_space<vmem_shared>>
      tpu.wait_indirect_dma semaphore(%arg10 : memref<!tpu.dma_semaphore, #tpu.memory_space<semaphore_mem>>) src(%arg7 : memref<128x16xf32, #tpu.memory_space<vmem>>) dst(%dma_wait3A_36 : memref<10240x16xf32, #tpu.memory_space<vmem_shared>>)
    }
    %scan3A_5 = arith.constant 79 : i32
    %barrier3A_6 = arith.constant 0 : index
    tpu.barrier barrier_id(%barrier3A_6)
    %mul3A_7 = arith.constant 640 : i32
    %mul3A_8 = arith.muli %arg1, %mul3A_7 : i32
    %mul3A_9 = arith.constant 640 : i32
    %mul3A_10 = arith.muli %arg1, %mul3A_9 : i32
    "tpu.region"() ({
      %run_scoped3A = tpu.sem_alloc : memref<!tpu.dma_semaphore, #tpu.memory_space<semaphore_mem>>
      %dma_start3A = arith.constant 0 : i32
      %dma_start3A_11 = tpu.memref_slice %arg5[%arg0, %mul3A_10, %dma_start3A] : memref<2x10240x16xf32, #tpu.memory_space<hbm>> -> memref<1x640x16xf32, #tpu.memory_space<hbm>>
      %dma_start3A_12 = tpu.memref_squeeze %dma_start3A_11 : memref<1x640x16xf32, #tpu.memory_space<hbm>> -> memref<640x16xf32, #tpu.memory_space<hbm>>
      %dma_start3A_13 = arith.constant 0 : i32
      %dma_start3A_14 = tpu.memref_slice %arg8[%mul3A_8, %dma_start3A_13] : memref<10240x16xf32, #tpu.memory_space<vmem_shared>> -> memref<640x16xf32, #tpu.memory_space<vmem_shared>>
      tpu.enqueue_dma source(%dma_start3A_14 : memref<640x16xf32, #tpu.memory_space<vmem_shared>>) target(%dma_start3A_12 : memref<640x16xf32, #tpu.memory_space<hbm>>) target_semaphore(%run_scoped3A : memref<!tpu.dma_semaphore, #tpu.memory_space<semaphore_mem>>)
      %dma_wait3A = arith.constant 0 : i32
      %dma_wait3A_15 = tpu.memref_slice %arg5[%arg0, %mul3A_10, %dma_wait3A] : memref<2x10240x16xf32, #tpu.memory_space<hbm>> -> memref<1x640x16xf32, #tpu.memory_space<hbm>>
      %dma_wait3A_16 = tpu.memref_squeeze %dma_wait3A_15 : memref<1x640x16xf32, #tpu.memory_space<hbm>> -> memref<640x16xf32, #tpu.memory_space<hbm>>
      %dma_wait3A_17 = arith.constant 0 : i32
      %dma_wait3A_18 = tpu.memref_slice %arg8[%mul3A_8, %dma_wait3A_17] : memref<10240x16xf32, #tpu.memory_space<vmem_shared>> -> memref<640x16xf32, #tpu.memory_space<vmem_shared>>
      tpu.wait_dma2 semaphore(%run_scoped3A : memref<!tpu.dma_semaphore, #tpu.memory_space<semaphore_mem>>) src(%dma_wait3A_18 : memref<640x16xf32, #tpu.memory_space<vmem_shared>>) dst(%dma_wait3A_16 : memref<640x16xf32, #tpu.memory_space<hbm>>)
      tpu.yield
    }) : () -> ()
    return
  }
}

#map = affine_map<(d0, d1) -> (0, 0)>
#map1 = affine_map<(d0, d1) -> (0, 0, 0)>
module attributes {stable_mosaic.version = 14 : i64} {
  func.func @k(%arg0: i32, %arg1: i32, %arg2: memref<20480x32xf32, #tpu.memory_space<hbm>>, %arg3: memref<16x158x128xi32, #tpu.memory_space<hbm>>, %arg4: memref<16x158x128xi32, #tpu.memory_space<hbm>>, %arg5: memref<640x32xf32, #tpu.memory_space<hbm>>, %arg6: memref<20480x32xf32, #tpu.memory_space<hbm>>, %arg7: memref<158x128xi32, #tpu.memory_space<vmem>>, %arg8: memref<2x128xi32, #tpu.memory_space<vmem>>, %arg9: memref<128x32xf32, #tpu.memory_space<vmem>>, %arg10: memref<128x32xf32, #tpu.memory_space<vmem>>, %arg11: memref<10240x32xf32, #tpu.memory_space<vmem_shared>>, %arg12: memref<10240x32xf32, #tpu.memory_space<vmem_shared>>, %arg13: memref<!tpu.dma_semaphore, #tpu.memory_space<semaphore_mem>>, %arg14: memref<!tpu.dma_semaphore, #tpu.memory_space<semaphore_mem>>, %arg15: memref<!tpu.dma_semaphore, #tpu.memory_space<semaphore_mem>>, %arg16: memref<!tpu.dma_semaphore, #tpu.memory_space<semaphore_mem>>, %arg17: memref<!tpu.dma_semaphore, #tpu.memory_space<semaphore_mem>>, %arg18: memref<!tpu.dma_semaphore, #tpu.memory_space<semaphore_mem>>) attributes {dimension_semantics = [#tpu.dimension_semantics<core_parallel>, #tpu.dimension_semantics<subcore_parallel>], iteration_bounds = array<i64: 2, 16>, scalar_prefetch = 0 : i64, scratch_operands = 12 : i64, tpu.core_type = #tpu.core_type<sc_vector_subcore>, window_params = [{transform_indices = #map}, {transform_indices = #map1}, {transform_indices = #map1}, {transform_indices = #map}, {transform_indices = #map}]} {
    "tpu.region"() ({
      %run_scoped3A = tpu.sem_alloc : memref<!tpu.dma_semaphore, #tpu.memory_space<semaphore_mem>>
      %dma_start3A_61 = arith.constant 0 : i32
      %dma_start3A_62 = arith.constant 0 : i32
      %dma_start3A_63 = tpu.memref_slice %arg3[%arg1, %dma_start3A_61, %dma_start3A_62] : memref<16x158x128xi32, #tpu.memory_space<hbm>> -> memref<1x158x128xi32, #tpu.memory_space<hbm>>
      %dma_start3A_64 = tpu.memref_squeeze %dma_start3A_63 : memref<1x158x128xi32, #tpu.memory_space<hbm>> -> memref<158x128xi32, #tpu.memory_space<hbm>>
      %dma_start3A_65 = arith.constant 0 : i32
      %dma_start3A_66 = arith.constant 0 : i32
      %dma_start3A_67 = tpu.memref_slice %arg3[%arg1, %dma_start3A_65, %dma_start3A_66] : memref<16x158x128xi32, #tpu.memory_space<hbm>> -> memref<1x158x128xi32, #tpu.memory_space<hbm>>
      %dma_start3A_68 = tpu.memref_squeeze %dma_start3A_67 : memref<1x158x128xi32, #tpu.memory_space<hbm>> -> memref<158x128xi32, #tpu.memory_space<hbm>>
      tpu.enqueue_dma source(%dma_start3A_68 : memref<158x128xi32, #tpu.memory_space<hbm>>) target(%arg7 : memref<158x128xi32, #tpu.memory_space<vmem>>) target_semaphore(%run_scoped3A : memref<!tpu.dma_semaphore, #tpu.memory_space<semaphore_mem>>)
      %dma_wait3A = arith.constant 0 : i32
      %dma_wait3A_69 = arith.constant 0 : i32
      %dma_wait3A_70 = tpu.memref_slice %arg3[%arg1, %dma_wait3A, %dma_wait3A_69] : memref<16x158x128xi32, #tpu.memory_space<hbm>> -> memref<1x158x128xi32, #tpu.memory_space<hbm>>
      %dma_wait3A_71 = tpu.memref_squeeze %dma_wait3A_70 : memref<1x158x128xi32, #tpu.memory_space<hbm>> -> memref<158x128xi32, #tpu.memory_space<hbm>>
      %dma_wait3A_72 = arith.constant 0 : i32
      %dma_wait3A_73 = arith.constant 0 : i32
      %dma_wait3A_74 = tpu.memref_slice %arg3[%arg1, %dma_wait3A_72, %dma_wait3A_73] : memref<16x158x128xi32, #tpu.memory_space<hbm>> -> memref<1x158x128xi32, #tpu.memory_space<hbm>>
      %dma_wait3A_75 = tpu.memref_squeeze %dma_wait3A_74 : memref<1x158x128xi32, #tpu.memory_space<hbm>> -> memref<158x128xi32, #tpu.memory_space<hbm>>
      tpu.wait_dma2 semaphore(%run_scoped3A : memref<!tpu.dma_semaphore, #tpu.memory_space<semaphore_mem>>) src(%dma_wait3A_75 : memref<158x128xi32, #tpu.memory_space<hbm>>) dst(%arg7 : memref<158x128xi32, #tpu.memory_space<vmem>>)
      tpu.yield
    }) : () -> ()
    %mul3A = arith.constant 10240 : i32
    %mul3A_0 = arith.muli %arg0, %mul3A : i32
    %mul3A_1 = arith.constant 640 : i32
    %mul3A_2 = arith.muli %arg1, %mul3A_1 : i32
    %add3A = arith.addi %mul3A_0, %mul3A_2 : i32
    %mul3A_3 = arith.constant 640 : i32
    %mul3A_4 = arith.muli %arg1, %mul3A_3 : i32
    "tpu.region"() ({
      %run_scoped3A = tpu.sem_alloc : memref<!tpu.dma_semaphore, #tpu.memory_space<semaphore_mem>>
      %dma_start3A_61 = arith.constant 0 : i32
      %dma_start3A_62 = tpu.memref_slice %arg12[%mul3A_4, %dma_start3A_61] : memref<10240x32xf32, #tpu.memory_space<vmem_shared>> -> memref<640x32xf32, #tpu.memory_space<vmem_shared>>
      %dma_start3A_63 = arith.constant 0 : i32
      %dma_start3A_64 = tpu.memref_slice %arg2[%add3A, %dma_start3A_63] : memref<20480x32xf32, #tpu.memory_space<hbm>> -> memref<640x32xf32, #tpu.memory_space<hbm>>
      tpu.enqueue_dma source(%dma_start3A_64 : memref<640x32xf32, #tpu.memory_space<hbm>>) target(%dma_start3A_62 : memref<640x32xf32, #tpu.memory_space<vmem_shared>>) target_semaphore(%run_scoped3A : memref<!tpu.dma_semaphore, #tpu.memory_space<semaphore_mem>>)
      %dma_wait3A = arith.constant 0 : i32
      %dma_wait3A_65 = tpu.memref_slice %arg12[%mul3A_4, %dma_wait3A] : memref<10240x32xf32, #tpu.memory_space<vmem_shared>> -> memref<640x32xf32, #tpu.memory_space<vmem_shared>>
      %dma_wait3A_66 = arith.constant 0 : i32
      %dma_wait3A_67 = tpu.memref_slice %arg2[%add3A, %dma_wait3A_66] : memref<20480x32xf32, #tpu.memory_space<hbm>> -> memref<640x32xf32, #tpu.memory_space<hbm>>
      tpu.wait_dma2 semaphore(%run_scoped3A : memref<!tpu.dma_semaphore, #tpu.memory_space<semaphore_mem>>) src(%dma_wait3A_67 : memref<640x32xf32, #tpu.memory_space<hbm>>) dst(%dma_wait3A_65 : memref<640x32xf32, #tpu.memory_space<vmem_shared>>)
      tpu.yield
    }) : () -> ()
    %mul3A_5 = arith.constant 640 : i32
    %mul3A_6 = arith.muli %arg1, %mul3A_5 : i32
    "tpu.region"() ({
      %run_scoped3A = tpu.sem_alloc : memref<!tpu.dma_semaphore, #tpu.memory_space<semaphore_mem>>
      %dma_start3A_61 = arith.constant 0 : i32
      %dma_start3A_62 = tpu.memref_slice %arg11[%mul3A_6, %dma_start3A_61] : memref<10240x32xf32, #tpu.memory_space<vmem_shared>> -> memref<640x32xf32, #tpu.memory_space<vmem_shared>>
      tpu.enqueue_dma source(%arg5 : memref<640x32xf32, #tpu.memory_space<hbm>>) target(%dma_start3A_62 : memref<640x32xf32, #tpu.memory_space<vmem_shared>>) target_semaphore(%run_scoped3A : memref<!tpu.dma_semaphore, #tpu.memory_space<semaphore_mem>>)
      %dma_wait3A = arith.constant 0 : i32
      %dma_wait3A_63 = tpu.memref_slice %arg11[%mul3A_6, %dma_wait3A] : memref<10240x32xf32, #tpu.memory_space<vmem_shared>> -> memref<640x32xf32, #tpu.memory_space<vmem_shared>>
      tpu.wait_dma2 semaphore(%run_scoped3A : memref<!tpu.dma_semaphore, #tpu.memory_space<semaphore_mem>>) src(%arg5 : memref<640x32xf32, #tpu.memory_space<hbm>>) dst(%dma_wait3A_63 : memref<640x32xf32, #tpu.memory_space<vmem_shared>>)
      tpu.yield
    }) : () -> ()
    %barrier3A = arith.constant 0 : index
    tpu.barrier barrier_id(%barrier3A)
    %dma_start3A = arith.constant 0 : i32
    %dma_start3A_7 = arith.constant 0 : i32
    %dma_start3A_8 = tpu.memref_slice %arg7[%dma_start3A, %dma_start3A_7] : memref<158x128xi32, #tpu.memory_space<vmem>> -> memref<1x128xi32, #tpu.memory_space<vmem>>
    %dma_start3A_9 = tpu.memref_squeeze %dma_start3A_8 : memref<1x128xi32, #tpu.memory_space<vmem>> -> memref<128xi32, #tpu.memory_space<vmem>>
    %dma_start3A_10 = arith.constant 0 : i32
    %dma_start3A_11 = arith.constant 0 : i32
    %dma_start3A_12 = tpu.memref_slice %arg12[%dma_start3A_10, %dma_start3A_11] : memref<10240x32xf32, #tpu.memory_space<vmem_shared>> -> memref<10240x32xf32, #tpu.memory_space<vmem_shared>>
    tpu.enqueue_indirect_dma source(%dma_start3A_12 : memref<10240x32xf32, #tpu.memory_space<vmem_shared>>) target(%arg9 : memref<128x32xf32, #tpu.memory_space<vmem>>) offsets(%dma_start3A_9 : memref<128xi32, #tpu.memory_space<vmem>>) semaphore(%arg13 : memref<!tpu.dma_semaphore, #tpu.memory_space<semaphore_mem>>)
    %dma_start3A_13 = arith.constant 1 : i32
    %dma_start3A_14 = arith.constant 0 : i32
    %dma_start3A_15 = tpu.memref_slice %arg7[%dma_start3A_13, %dma_start3A_14] : memref<158x128xi32, #tpu.memory_space<vmem>> -> memref<1x128xi32, #tpu.memory_space<vmem>>
    %dma_start3A_16 = tpu.memref_squeeze %dma_start3A_15 : memref<1x128xi32, #tpu.memory_space<vmem>> -> memref<128xi32, #tpu.memory_space<vmem>>
    %dma_start3A_17 = arith.constant 0 : i32
    %dma_start3A_18 = arith.constant 0 : i32
    %dma_start3A_19 = tpu.memref_slice %arg12[%dma_start3A_17, %dma_start3A_18] : memref<10240x32xf32, #tpu.memory_space<vmem_shared>> -> memref<10240x32xf32, #tpu.memory_space<vmem_shared>>
    tpu.enqueue_indirect_dma source(%dma_start3A_19 : memref<10240x32xf32, #tpu.memory_space<vmem_shared>>) target(%arg10 : memref<128x32xf32, #tpu.memory_space<vmem>>) offsets(%dma_start3A_16 : memref<128xi32, #tpu.memory_space<vmem>>) semaphore(%arg14 : memref<!tpu.dma_semaphore, #tpu.memory_space<semaphore_mem>>)
    %dma_start3A_20 = arith.constant 0 : i32
    %dma_start3A_21 = arith.constant 0 : i32
    %dma_start3A_22 = arith.constant 0 : i32
    %dma_start3A_23 = tpu.memref_slice %arg8[%dma_start3A_21, %dma_start3A_22] : memref<2x128xi32, #tpu.memory_space<vmem>> -> memref<1x128xi32, #tpu.memory_space<vmem>>
    %dma_start3A_24 = tpu.memref_squeeze %dma_start3A_23 : memref<1x128xi32, #tpu.memory_space<vmem>> -> memref<128xi32, #tpu.memory_space<vmem>>
    %dma_start3A_25 = arith.constant 0 : i32
    %dma_start3A_26 = tpu.memref_slice %arg4[%arg1, %dma_start3A_20, %dma_start3A_25] : memref<16x158x128xi32, #tpu.memory_space<hbm>> -> memref<1x1x128xi32, #tpu.memory_space<hbm>>
    %dma_start3A_27 = tpu.memref_squeeze %dma_start3A_26 : memref<1x1x128xi32, #tpu.memory_space<hbm>> -> memref<128xi32, #tpu.memory_space<hbm>>
    %dma_start3A_28 = arith.constant 0 : i32
    %dma_start3A_29 = tpu.memref_slice %arg8[%dma_start3A_21, %dma_start3A_28] : memref<2x128xi32, #tpu.memory_space<vmem>> -> memref<1x128xi32, #tpu.memory_space<vmem>>
    %dma_start3A_30 = tpu.memref_squeeze %dma_start3A_29 : memref<1x128xi32, #tpu.memory_space<vmem>> -> memref<128xi32, #tpu.memory_space<vmem>>
    %dma_start3A_31 = arith.constant 0 : i32
    %dma_start3A_32 = tpu.memref_slice %arg4[%arg1, %dma_start3A_20, %dma_start3A_31] : memref<16x158x128xi32, #tpu.memory_space<hbm>> -> memref<1x1x128xi32, #tpu.memory_space<hbm>>
    %dma_start3A_33 = tpu.memref_squeeze %dma_start3A_32 : memref<1x1x128xi32, #tpu.memory_space<hbm>> -> memref<128xi32, #tpu.memory_space<hbm>>
    tpu.enqueue_dma source(%dma_start3A_33 : memref<128xi32, #tpu.memory_space<hbm>>) target(%dma_start3A_30 : memref<128xi32, #tpu.memory_space<vmem>>) target_semaphore(%arg17 : memref<!tpu.dma_semaphore, #tpu.memory_space<semaphore_mem>>)
    %dma_start3A_34 = arith.constant 1 : i32
    %dma_start3A_35 = arith.constant 1 : i32
    %dma_start3A_36 = arith.constant 0 : i32
    %dma_start3A_37 = tpu.memref_slice %arg8[%dma_start3A_35, %dma_start3A_36] : memref<2x128xi32, #tpu.memory_space<vmem>> -> memref<1x128xi32, #tpu.memory_space<vmem>>
    %dma_start3A_38 = tpu.memref_squeeze %dma_start3A_37 : memref<1x128xi32, #tpu.memory_space<vmem>> -> memref<128xi32, #tpu.memory_space<vmem>>
    %dma_start3A_39 = arith.constant 0 : i32
    %dma_start3A_40 = tpu.memref_slice %arg4[%arg1, %dma_start3A_34, %dma_start3A_39] : memref<16x158x128xi32, #tpu.memory_space<hbm>> -> memref<1x1x128xi32, #tpu.memory_space<hbm>>
    %dma_start3A_41 = tpu.memref_squeeze %dma_start3A_40 : memref<1x1x128xi32, #tpu.memory_space<hbm>> -> memref<128xi32, #tpu.memory_space<hbm>>
    %dma_start3A_42 = arith.constant 0 : i32
    %dma_start3A_43 = tpu.memref_slice %arg8[%dma_start3A_35, %dma_start3A_42] : memref<2x128xi32, #tpu.memory_space<vmem>> -> memref<1x128xi32, #tpu.memory_space<vmem>>
    %dma_start3A_44 = tpu.memref_squeeze %dma_start3A_43 : memref<1x128xi32, #tpu.memory_space<vmem>> -> memref<128xi32, #tpu.memory_space<vmem>>
    %dma_start3A_45 = arith.constant 0 : i32
    %dma_start3A_46 = tpu.memref_slice %arg4[%arg1, %dma_start3A_34, %dma_start3A_45] : memref<16x158x128xi32, #tpu.memory_space<hbm>> -> memref<1x1x128xi32, #tpu.memory_space<hbm>>
    %dma_start3A_47 = tpu.memref_squeeze %dma_start3A_46 : memref<1x1x128xi32, #tpu.memory_space<hbm>> -> memref<128xi32, #tpu.memory_space<hbm>>
    tpu.enqueue_dma source(%dma_start3A_47 : memref<128xi32, #tpu.memory_space<hbm>>) target(%dma_start3A_44 : memref<128xi32, #tpu.memory_space<vmem>>) target_semaphore(%arg18 : memref<!tpu.dma_semaphore, #tpu.memory_space<semaphore_mem>>)
    %scan3A = arith.constant 0 : i32
    %scan3A_48 = arith.constant 0 : i32
    %scan3A_49 = arith.constant 79 : i32
    %scan3A_50 = arith.addi %scan3A_48, %scan3A_49 : i32
    %scan3A_51 = arith.constant 1 : i32
    scf.for %scan3A_61 = %scan3A_48 to %scan3A_50 step %scan3A_51  : i32 {
      %mul3A_62 = arith.constant 2 : i32
      %mul3A_63 = arith.muli %mul3A_62, %scan3A_61 : i32
      %add3A_64 = arith.constant 1 : i32
      %add3A_65 = arith.addi %mul3A_63, %add3A_64 : i32
      %dma_wait3A = arith.constant 0 : i32
      %dma_wait3A_66 = tpu.memref_slice %arg7[%mul3A_63, %dma_wait3A] : memref<158x128xi32, #tpu.memory_space<vmem>> -> memref<1x128xi32, #tpu.memory_space<vmem>>
      %dma_wait3A_67 = tpu.memref_squeeze %dma_wait3A_66 : memref<1x128xi32, #tpu.memory_space<vmem>> -> memref<128xi32, #tpu.memory_space<vmem>>
      %dma_wait3A_68 = arith.constant 0 : i32
      %dma_wait3A_69 = arith.constant 0 : i32
      %dma_wait3A_70 = tpu.memref_slice %arg12[%dma_wait3A_68, %dma_wait3A_69] : memref<10240x32xf32, #tpu.memory_space<vmem_shared>> -> memref<10240x32xf32, #tpu.memory_space<vmem_shared>>
      tpu.wait_indirect_dma semaphore(%arg13 : memref<!tpu.dma_semaphore, #tpu.memory_space<semaphore_mem>>) src(%dma_wait3A_70 : memref<10240x32xf32, #tpu.memory_space<vmem_shared>>) dst(%arg9 : memref<128x32xf32, #tpu.memory_space<vmem>>)
      %dma_wait3A_71 = arith.constant 0 : i32
      %dma_wait3A_72 = arith.constant 0 : i32
      %dma_wait3A_73 = tpu.memref_slice %arg8[%dma_wait3A_71, %dma_wait3A_72] : memref<2x128xi32, #tpu.memory_space<vmem>> -> memref<1x128xi32, #tpu.memory_space<vmem>>
      %dma_wait3A_74 = tpu.memref_squeeze %dma_wait3A_73 : memref<1x128xi32, #tpu.memory_space<vmem>> -> memref<128xi32, #tpu.memory_space<vmem>>
      %dma_wait3A_75 = arith.constant 0 : i32
      %dma_wait3A_76 = tpu.memref_slice %arg4[%arg1, %mul3A_63, %dma_wait3A_75] : memref<16x158x128xi32, #tpu.memory_space<hbm>> -> memref<1x1x128xi32, #tpu.memory_space<hbm>>
      %dma_wait3A_77 = tpu.memref_squeeze %dma_wait3A_76 : memref<1x1x128xi32, #tpu.memory_space<hbm>> -> memref<128xi32, #tpu.memory_space<hbm>>
      %dma_wait3A_78 = arith.constant 0 : i32
      %dma_wait3A_79 = tpu.memref_slice %arg8[%dma_wait3A_71, %dma_wait3A_78] : memref<2x128xi32, #tpu.memory_space<vmem>> -> memref<1x128xi32, #tpu.memory_space<vmem>>
      %dma_wait3A_80 = tpu.memref_squeeze %dma_wait3A_79 : memref<1x128xi32, #tpu.memory_space<vmem>> -> memref<128xi32, #tpu.memory_space<vmem>>
      %dma_wait3A_81 = arith.constant 0 : i32
      %dma_wait3A_82 = tpu.memref_slice %arg4[%arg1, %mul3A_63, %dma_wait3A_81] : memref<16x158x128xi32, #tpu.memory_space<hbm>> -> memref<1x1x128xi32, #tpu.memory_space<hbm>>
      %dma_wait3A_83 = tpu.memref_squeeze %dma_wait3A_82 : memref<1x1x128xi32, #tpu.memory_space<hbm>> -> memref<128xi32, #tpu.memory_space<hbm>>
      tpu.wait_dma2 semaphore(%arg17 : memref<!tpu.dma_semaphore, #tpu.memory_space<semaphore_mem>>) src(%dma_wait3A_83 : memref<128xi32, #tpu.memory_space<hbm>>) dst(%dma_wait3A_80 : memref<128xi32, #tpu.memory_space<vmem>>)
      %dma_start3A_84 = arith.constant 0 : i32
      %dma_start3A_85 = arith.constant 0 : i32
      %dma_start3A_86 = tpu.memref_slice %arg8[%dma_start3A_84, %dma_start3A_85] : memref<2x128xi32, #tpu.memory_space<vmem>> -> memref<1x128xi32, #tpu.memory_space<vmem>>
      %dma_start3A_87 = tpu.memref_squeeze %dma_start3A_86 : memref<1x128xi32, #tpu.memory_space<vmem>> -> memref<128xi32, #tpu.memory_space<vmem>>
      %dma_start3A_88 = arith.constant 0 : i32
      %dma_start3A_89 = arith.constant 0 : i32
      %dma_start3A_90 = tpu.memref_slice %arg11[%dma_start3A_88, %dma_start3A_89] : memref<10240x32xf32, #tpu.memory_space<vmem_shared>> -> memref<10240x32xf32, #tpu.memory_space<vmem_shared>>
      tpu.enqueue_indirect_dma source(%arg9 : memref<128x32xf32, #tpu.memory_space<vmem>>) target(%dma_start3A_90 : memref<10240x32xf32, #tpu.memory_space<vmem_shared>>) offsets(%dma_start3A_87 : memref<128xi32, #tpu.memory_space<vmem>>) semaphore(%arg15 : memref<!tpu.dma_semaphore, #tpu.memory_space<semaphore_mem>>) {add = true}
      %dma_wait3A_91 = arith.constant 0 : i32
      %dma_wait3A_92 = tpu.memref_slice %arg7[%add3A_65, %dma_wait3A_91] : memref<158x128xi32, #tpu.memory_space<vmem>> -> memref<1x128xi32, #tpu.memory_space<vmem>>
      %dma_wait3A_93 = tpu.memref_squeeze %dma_wait3A_92 : memref<1x128xi32, #tpu.memory_space<vmem>> -> memref<128xi32, #tpu.memory_space<vmem>>
      %dma_wait3A_94 = arith.constant 0 : i32
      %dma_wait3A_95 = arith.constant 0 : i32
      %dma_wait3A_96 = tpu.memref_slice %arg12[%dma_wait3A_94, %dma_wait3A_95] : memref<10240x32xf32, #tpu.memory_space<vmem_shared>> -> memref<10240x32xf32, #tpu.memory_space<vmem_shared>>
      tpu.wait_indirect_dma semaphore(%arg14 : memref<!tpu.dma_semaphore, #tpu.memory_space<semaphore_mem>>) src(%dma_wait3A_96 : memref<10240x32xf32, #tpu.memory_space<vmem_shared>>) dst(%arg10 : memref<128x32xf32, #tpu.memory_space<vmem>>)
      %dma_wait3A_97 = arith.constant 1 : i32
      %dma_wait3A_98 = arith.constant 0 : i32
      %dma_wait3A_99 = tpu.memref_slice %arg8[%dma_wait3A_97, %dma_wait3A_98] : memref<2x128xi32, #tpu.memory_space<vmem>> -> memref<1x128xi32, #tpu.memory_space<vmem>>
      %dma_wait3A_100 = tpu.memref_squeeze %dma_wait3A_99 : memref<1x128xi32, #tpu.memory_space<vmem>> -> memref<128xi32, #tpu.memory_space<vmem>>
      %dma_wait3A_101 = arith.constant 0 : i32
      %dma_wait3A_102 = tpu.memref_slice %arg4[%arg1, %add3A_65, %dma_wait3A_101] : memref<16x158x128xi32, #tpu.memory_space<hbm>> -> memref<1x1x128xi32, #tpu.memory_space<hbm>>
      %dma_wait3A_103 = tpu.memref_squeeze %dma_wait3A_102 : memref<1x1x128xi32, #tpu.memory_space<hbm>> -> memref<128xi32, #tpu.memory_space<hbm>>
      %dma_wait3A_104 = arith.constant 0 : i32
      %dma_wait3A_105 = tpu.memref_slice %arg8[%dma_wait3A_97, %dma_wait3A_104] : memref<2x128xi32, #tpu.memory_space<vmem>> -> memref<1x128xi32, #tpu.memory_space<vmem>>
      %dma_wait3A_106 = tpu.memref_squeeze %dma_wait3A_105 : memref<1x128xi32, #tpu.memory_space<vmem>> -> memref<128xi32, #tpu.memory_space<vmem>>
      %dma_wait3A_107 = arith.constant 0 : i32
      %dma_wait3A_108 = tpu.memref_slice %arg4[%arg1, %add3A_65, %dma_wait3A_107] : memref<16x158x128xi32, #tpu.memory_space<hbm>> -> memref<1x1x128xi32, #tpu.memory_space<hbm>>
      %dma_wait3A_109 = tpu.memref_squeeze %dma_wait3A_108 : memref<1x1x128xi32, #tpu.memory_space<hbm>> -> memref<128xi32, #tpu.memory_space<hbm>>
      tpu.wait_dma2 semaphore(%arg18 : memref<!tpu.dma_semaphore, #tpu.memory_space<semaphore_mem>>) src(%dma_wait3A_109 : memref<128xi32, #tpu.memory_space<hbm>>) dst(%dma_wait3A_106 : memref<128xi32, #tpu.memory_space<vmem>>)
      %dma_start3A_110 = arith.constant 1 : i32
      %dma_start3A_111 = arith.constant 0 : i32
      %dma_start3A_112 = tpu.memref_slice %arg8[%dma_start3A_110, %dma_start3A_111] : memref<2x128xi32, #tpu.memory_space<vmem>> -> memref<1x128xi32, #tpu.memory_space<vmem>>
      %dma_start3A_113 = tpu.memref_squeeze %dma_start3A_112 : memref<1x128xi32, #tpu.memory_space<vmem>> -> memref<128xi32, #tpu.memory_space<vmem>>
      %dma_start3A_114 = arith.constant 0 : i32
      %dma_start3A_115 = arith.constant 0 : i32
      %dma_start3A_116 = tpu.memref_slice %arg11[%dma_start3A_114, %dma_start3A_115] : memref<10240x32xf32, #tpu.memory_space<vmem_shared>> -> memref<10240x32xf32, #tpu.memory_space<vmem_shared>>
      tpu.enqueue_indirect_dma source(%arg10 : memref<128x32xf32, #tpu.memory_space<vmem>>) target(%dma_start3A_116 : memref<10240x32xf32, #tpu.memory_space<vmem_shared>>) offsets(%dma_start3A_113 : memref<128xi32, #tpu.memory_space<vmem>>) semaphore(%arg16 : memref<!tpu.dma_semaphore, #tpu.memory_space<semaphore_mem>>) {add = true}
      %dma_wait3A_117 = arith.constant 0 : i32
      %dma_wait3A_118 = arith.constant 0 : i32
      %dma_wait3A_119 = tpu.memref_slice %arg8[%dma_wait3A_117, %dma_wait3A_118] : memref<2x128xi32, #tpu.memory_space<vmem>> -> memref<1x128xi32, #tpu.memory_space<vmem>>
      %dma_wait3A_120 = tpu.memref_squeeze %dma_wait3A_119 : memref<1x128xi32, #tpu.memory_space<vmem>> -> memref<128xi32, #tpu.memory_space<vmem>>
      %dma_wait3A_121 = arith.constant 0 : i32
      %dma_wait3A_122 = arith.constant 0 : i32
      %dma_wait3A_123 = tpu.memref_slice %arg11[%dma_wait3A_121, %dma_wait3A_122] : memref<10240x32xf32, #tpu.memory_space<vmem_shared>> -> memref<10240x32xf32, #tpu.memory_space<vmem_shared>>
      tpu.wait_indirect_dma semaphore(%arg15 : memref<!tpu.dma_semaphore, #tpu.memory_space<semaphore_mem>>) src(%arg9 : memref<128x32xf32, #tpu.memory_space<vmem>>) dst(%dma_wait3A_123 : memref<10240x32xf32, #tpu.memory_space<vmem_shared>>)
      %add3A_124 = arith.constant 2 : i32
      %add3A_125 = arith.addi %mul3A_63, %add3A_124 : i32
      %lt3A = arith.constant 158 : i32
      %lt3A_126 = arith.cmpi slt, %add3A_125, %lt3A : i32
      %convert_element_type3A = arith.extui %lt3A_126 : i1 to i32
      %cond3A = arith.constant 0 : i32
      %cond3A_127 = arith.cmpi ne, %convert_element_type3A, %cond3A : i32
      scf.if %cond3A_127 {
        %add3A_142 = arith.constant 2 : i32
        %add3A_143 = arith.addi %mul3A_63, %add3A_142 : i32
        %dma_start3A_144 = arith.constant 0 : i32
        %dma_start3A_145 = tpu.memref_slice %arg7[%add3A_143, %dma_start3A_144] : memref<158x128xi32, #tpu.memory_space<vmem>> -> memref<1x128xi32, #tpu.memory_space<vmem>>
        %dma_start3A_146 = tpu.memref_squeeze %dma_start3A_145 : memref<1x128xi32, #tpu.memory_space<vmem>> -> memref<128xi32, #tpu.memory_space<vmem>>
        %dma_start3A_147 = arith.constant 0 : i32
        %dma_start3A_148 = arith.constant 0 : i32
        %dma_start3A_149 = tpu.memref_slice %arg12[%dma_start3A_147, %dma_start3A_148] : memref<10240x32xf32, #tpu.memory_space<vmem_shared>> -> memref<10240x32xf32, #tpu.memory_space<vmem_shared>>
        tpu.enqueue_indirect_dma source(%dma_start3A_149 : memref<10240x32xf32, #tpu.memory_space<vmem_shared>>) target(%arg9 : memref<128x32xf32, #tpu.memory_space<vmem>>) offsets(%dma_start3A_146 : memref<128xi32, #tpu.memory_space<vmem>>) semaphore(%arg13 : memref<!tpu.dma_semaphore, #tpu.memory_space<semaphore_mem>>)
        %add3A_150 = arith.constant 2 : i32
        %add3A_151 = arith.addi %mul3A_63, %add3A_150 : i32
        %dma_start3A_152 = arith.constant 0 : i32
        %dma_start3A_153 = arith.constant 0 : i32
        %dma_start3A_154 = tpu.memref_slice %arg8[%dma_start3A_152, %dma_start3A_153] : memref<2x128xi32, #tpu.memory_space<vmem>> -> memref<1x128xi32, #tpu.memory_space<vmem>>
        %dma_start3A_155 = tpu.memref_squeeze %dma_start3A_154 : memref<1x128xi32, #tpu.memory_space<vmem>> -> memref<128xi32, #tpu.memory_space<vmem>>
        %dma_start3A_156 = arith.constant 0 : i32
        %dma_start3A_157 = tpu.memref_slice %arg4[%arg1, %add3A_151, %dma_start3A_156] : memref<16x158x128xi32, #tpu.memory_space<hbm>> -> memref<1x1x128xi32, #tpu.memory_space<hbm>>
        %dma_start3A_158 = tpu.memref_squeeze %dma_start3A_157 : memref<1x1x128xi32, #tpu.memory_space<hbm>> -> memref<128xi32, #tpu.memory_space<hbm>>
        %dma_start3A_159 = arith.constant 0 : i32
        %dma_start3A_160 = tpu.memref_slice %arg8[%dma_start3A_152, %dma_start3A_159] : memref<2x128xi32, #tpu.memory_space<vmem>> -> memref<1x128xi32, #tpu.memory_space<vmem>>
        %dma_start3A_161 = tpu.memref_squeeze %dma_start3A_160 : memref<1x128xi32, #tpu.memory_space<vmem>> -> memref<128xi32, #tpu.memory_space<vmem>>
        %dma_start3A_162 = arith.constant 0 : i32
        %dma_start3A_163 = tpu.memref_slice %arg4[%arg1, %add3A_151, %dma_start3A_162] : memref<16x158x128xi32, #tpu.memory_space<hbm>> -> memref<1x1x128xi32, #tpu.memory_space<hbm>>
        %dma_start3A_164 = tpu.memref_squeeze %dma_start3A_163 : memref<1x1x128xi32, #tpu.memory_space<hbm>> -> memref<128xi32, #tpu.memory_space<hbm>>
        tpu.enqueue_dma source(%dma_start3A_164 : memref<128xi32, #tpu.memory_space<hbm>>) target(%dma_start3A_161 : memref<128xi32, #tpu.memory_space<vmem>>) target_semaphore(%arg17 : memref<!tpu.dma_semaphore, #tpu.memory_space<semaphore_mem>>)
      } else {
      }
      %dma_wait3A_128 = arith.constant 1 : i32
      %dma_wait3A_129 = arith.constant 0 : i32
      %dma_wait3A_130 = tpu.memref_slice %arg8[%dma_wait3A_128, %dma_wait3A_129] : memref<2x128xi32, #tpu.memory_space<vmem>> -> memref<1x128xi32, #tpu.memory_space<vmem>>
      %dma_wait3A_131 = tpu.memref_squeeze %dma_wait3A_130 : memref<1x128xi32, #tpu.memory_space<vmem>> -> memref<128xi32, #tpu.memory_space<vmem>>
      %dma_wait3A_132 = arith.constant 0 : i32
      %dma_wait3A_133 = arith.constant 0 : i32
      %dma_wait3A_134 = tpu.memref_slice %arg11[%dma_wait3A_132, %dma_wait3A_133] : memref<10240x32xf32, #tpu.memory_space<vmem_shared>> -> memref<10240x32xf32, #tpu.memory_space<vmem_shared>>
      tpu.wait_indirect_dma semaphore(%arg16 : memref<!tpu.dma_semaphore, #tpu.memory_space<semaphore_mem>>) src(%arg10 : memref<128x32xf32, #tpu.memory_space<vmem>>) dst(%dma_wait3A_134 : memref<10240x32xf32, #tpu.memory_space<vmem_shared>>)
      %add3A_135 = arith.constant 2 : i32
      %add3A_136 = arith.addi %add3A_65, %add3A_135 : i32
      %lt3A_137 = arith.constant 158 : i32
      %lt3A_138 = arith.cmpi slt, %add3A_136, %lt3A_137 : i32
      %convert_element_type3A_139 = arith.extui %lt3A_138 : i1 to i32
      %cond3A_140 = arith.constant 0 : i32
      %cond3A_141 = arith.cmpi ne, %convert_element_type3A_139, %cond3A_140 : i32
      scf.if %cond3A_141 {
        %add3A_142 = arith.constant 2 : i32
        %add3A_143 = arith.addi %add3A_65, %add3A_142 : i32
        %dma_start3A_144 = arith.constant 0 : i32
        %dma_start3A_145 = tpu.memref_slice %arg7[%add3A_143, %dma_start3A_144] : memref<158x128xi32, #tpu.memory_space<vmem>> -> memref<1x128xi32, #tpu.memory_space<vmem>>
        %dma_start3A_146 = tpu.memref_squeeze %dma_start3A_145 : memref<1x128xi32, #tpu.memory_space<vmem>> -> memref<128xi32, #tpu.memory_space<vmem>>
        %dma_start3A_147 = arith.constant 0 : i32
        %dma_start3A_148 = arith.constant 0 : i32
        %dma_start3A_149 = tpu.memref_slice %arg12[%dma_start3A_147, %dma_start3A_148] : memref<10240x32xf32, #tpu.memory_space<vmem_shared>> -> memref<10240x32xf32, #tpu.memory_space<vmem_shared>>
        tpu.enqueue_indirect_dma source(%dma_start3A_149 : memref<10240x32xf32, #tpu.memory_space<vmem_shared>>) target(%arg10 : memref<128x32xf32, #tpu.memory_space<vmem>>) offsets(%dma_start3A_146 : memref<128xi32, #tpu.memory_space<vmem>>) semaphore(%arg14 : memref<!tpu.dma_semaphore, #tpu.memory_space<semaphore_mem>>)
        %add3A_150 = arith.constant 2 : i32
        %add3A_151 = arith.addi %add3A_65, %add3A_150 : i32
        %dma_start3A_152 = arith.constant 1 : i32
        %dma_start3A_153 = arith.constant 0 : i32
        %dma_start3A_154 = tpu.memref_slice %arg8[%dma_start3A_152, %dma_start3A_153] : memref<2x128xi32, #tpu.memory_space<vmem>> -> memref<1x128xi32, #tpu.memory_space<vmem>>
        %dma_start3A_155 = tpu.memref_squeeze %dma_start3A_154 : memref<1x128xi32, #tpu.memory_space<vmem>> -> memref<128xi32, #tpu.memory_space<vmem>>
        %dma_start3A_156 = arith.constant 0 : i32
        %dma_start3A_157 = tpu.memref_slice %arg4[%arg1, %add3A_151, %dma_start3A_156] : memref<16x158x128xi32, #tpu.memory_space<hbm>> -> memref<1x1x128xi32, #tpu.memory_space<hbm>>
        %dma_start3A_158 = tpu.memref_squeeze %dma_start3A_157 : memref<1x1x128xi32, #tpu.memory_space<hbm>> -> memref<128xi32, #tpu.memory_space<hbm>>
        %dma_start3A_159 = arith.constant 0 : i32
        %dma_start3A_160 = tpu.memref_slice %arg8[%dma_start3A_152, %dma_start3A_159] : memref<2x128xi32, #tpu.memory_space<vmem>> -> memref<1x128xi32, #tpu.memory_space<vmem>>
        %dma_start3A_161 = tpu.memref_squeeze %dma_start3A_160 : memref<1x128xi32, #tpu.memory_space<vmem>> -> memref<128xi32, #tpu.memory_space<vmem>>
        %dma_start3A_162 = arith.constant 0 : i32
        %dma_start3A_163 = tpu.memref_slice %arg4[%arg1, %add3A_151, %dma_start3A_162] : memref<16x158x128xi32, #tpu.memory_space<hbm>> -> memref<1x1x128xi32, #tpu.memory_space<hbm>>
        %dma_start3A_164 = tpu.memref_squeeze %dma_start3A_163 : memref<1x1x128xi32, #tpu.memory_space<hbm>> -> memref<128xi32, #tpu.memory_space<hbm>>
        tpu.enqueue_dma source(%dma_start3A_164 : memref<128xi32, #tpu.memory_space<hbm>>) target(%dma_start3A_161 : memref<128xi32, #tpu.memory_space<vmem>>) target_semaphore(%arg18 : memref<!tpu.dma_semaphore, #tpu.memory_space<semaphore_mem>>)
      } else {
      }
    }
    %scan3A_52 = arith.constant 79 : i32
    %barrier3A_53 = arith.constant 0 : index
    tpu.barrier barrier_id(%barrier3A_53)
    %mul3A_54 = arith.constant 10240 : i32
    %mul3A_55 = arith.muli %arg0, %mul3A_54 : i32
    %mul3A_56 = arith.constant 640 : i32
    %mul3A_57 = arith.muli %arg1, %mul3A_56 : i32
    %add3A_58 = arith.addi %mul3A_55, %mul3A_57 : i32
    %mul3A_59 = arith.constant 640 : i32
    %mul3A_60 = arith.muli %arg1, %mul3A_59 : i32
    "tpu.region"() ({
      %run_scoped3A = tpu.sem_alloc : memref<!tpu.dma_semaphore, #tpu.memory_space<semaphore_mem>>
      %dma_start3A_61 = arith.constant 0 : i32
      %dma_start3A_62 = tpu.memref_slice %arg6[%add3A_58, %dma_start3A_61] : memref<20480x32xf32, #tpu.memory_space<hbm>> -> memref<640x32xf32, #tpu.memory_space<hbm>>
      %dma_start3A_63 = arith.constant 0 : i32
      %dma_start3A_64 = tpu.memref_slice %arg11[%mul3A_60, %dma_start3A_63] : memref<10240x32xf32, #tpu.memory_space<vmem_shared>> -> memref<640x32xf32, #tpu.memory_space<vmem_shared>>
      tpu.enqueue_dma source(%dma_start3A_64 : memref<640x32xf32, #tpu.memory_space<vmem_shared>>) target(%dma_start3A_62 : memref<640x32xf32, #tpu.memory_space<hbm>>) target_semaphore(%run_scoped3A : memref<!tpu.dma_semaphore, #tpu.memory_space<semaphore_mem>>)
      %dma_wait3A = arith.constant 0 : i32
      %dma_wait3A_65 = tpu.memref_slice %arg6[%add3A_58, %dma_wait3A] : memref<20480x32xf32, #tpu.memory_space<hbm>> -> memref<640x32xf32, #tpu.memory_space<hbm>>
      %dma_wait3A_66 = arith.constant 0 : i32
      %dma_wait3A_67 = tpu.memref_slice %arg11[%mul3A_60, %dma_wait3A_66] : memref<10240x32xf32, #tpu.memory_space<vmem_shared>> -> memref<640x32xf32, #tpu.memory_space<vmem_shared>>
      tpu.wait_dma2 semaphore(%run_scoped3A : memref<!tpu.dma_semaphore, #tpu.memory_space<semaphore_mem>>) src(%dma_wait3A_67 : memref<640x32xf32, #tpu.memory_space<vmem_shared>>) dst(%dma_wait3A_65 : memref<640x32xf32, #tpu.memory_space<hbm>>)
      tpu.yield
    }) : () -> ()
    return
  }
}

#map = affine_map<(d0, d1) -> (0, 0)>
#map1 = affine_map<(d0, d1) -> (0, 0, 0)>
module attributes {stable_mosaic.version = 14 : i64} {
  func.func @k(%arg0: i32, %arg1: i32, %arg2: memref<20480x64xf32, #tpu.memory_space<hbm>>, %arg3: memref<16x158x128xi32, #tpu.memory_space<hbm>>, %arg4: memref<16x158x128xi32, #tpu.memory_space<hbm>>, %arg5: memref<640x64xf32, #tpu.memory_space<hbm>>, %arg6: memref<20480x64xf32, #tpu.memory_space<hbm>>, %arg7: memref<158x128xi32, #tpu.memory_space<vmem>>, %arg8: memref<2x128xi32, #tpu.memory_space<vmem>>, %arg9: memref<128x64xf32, #tpu.memory_space<vmem>>, %arg10: memref<128x64xf32, #tpu.memory_space<vmem>>, %arg11: memref<10240x64xf32, #tpu.memory_space<vmem_shared>>, %arg12: memref<10240x64xf32, #tpu.memory_space<vmem_shared>>, %arg13: memref<!tpu.dma_semaphore, #tpu.memory_space<semaphore_mem>>, %arg14: memref<!tpu.dma_semaphore, #tpu.memory_space<semaphore_mem>>, %arg15: memref<!tpu.dma_semaphore, #tpu.memory_space<semaphore_mem>>, %arg16: memref<!tpu.dma_semaphore, #tpu.memory_space<semaphore_mem>>, %arg17: memref<!tpu.dma_semaphore, #tpu.memory_space<semaphore_mem>>, %arg18: memref<!tpu.dma_semaphore, #tpu.memory_space<semaphore_mem>>) attributes {dimension_semantics = [#tpu.dimension_semantics<core_parallel>, #tpu.dimension_semantics<subcore_parallel>], iteration_bounds = array<i64: 2, 16>, scalar_prefetch = 0 : i64, scratch_operands = 12 : i64, tpu.core_type = #tpu.core_type<sc_vector_subcore>, window_params = [{transform_indices = #map}, {transform_indices = #map1}, {transform_indices = #map1}, {transform_indices = #map}, {transform_indices = #map}]} {
    "tpu.region"() ({
      %run_scoped3A = tpu.sem_alloc : memref<!tpu.dma_semaphore, #tpu.memory_space<semaphore_mem>>
      %dma_start3A_61 = arith.constant 0 : i32
      %dma_start3A_62 = arith.constant 0 : i32
      %dma_start3A_63 = tpu.memref_slice %arg3[%arg1, %dma_start3A_61, %dma_start3A_62] : memref<16x158x128xi32, #tpu.memory_space<hbm>> -> memref<1x158x128xi32, #tpu.memory_space<hbm>>
      %dma_start3A_64 = tpu.memref_squeeze %dma_start3A_63 : memref<1x158x128xi32, #tpu.memory_space<hbm>> -> memref<158x128xi32, #tpu.memory_space<hbm>>
      %dma_start3A_65 = arith.constant 0 : i32
      %dma_start3A_66 = arith.constant 0 : i32
      %dma_start3A_67 = tpu.memref_slice %arg3[%arg1, %dma_start3A_65, %dma_start3A_66] : memref<16x158x128xi32, #tpu.memory_space<hbm>> -> memref<1x158x128xi32, #tpu.memory_space<hbm>>
      %dma_start3A_68 = tpu.memref_squeeze %dma_start3A_67 : memref<1x158x128xi32, #tpu.memory_space<hbm>> -> memref<158x128xi32, #tpu.memory_space<hbm>>
      tpu.enqueue_dma source(%dma_start3A_68 : memref<158x128xi32, #tpu.memory_space<hbm>>) target(%arg7 : memref<158x128xi32, #tpu.memory_space<vmem>>) target_semaphore(%run_scoped3A : memref<!tpu.dma_semaphore, #tpu.memory_space<semaphore_mem>>)
      %dma_wait3A = arith.constant 0 : i32
      %dma_wait3A_69 = arith.constant 0 : i32
      %dma_wait3A_70 = tpu.memref_slice %arg3[%arg1, %dma_wait3A, %dma_wait3A_69] : memref<16x158x128xi32, #tpu.memory_space<hbm>> -> memref<1x158x128xi32, #tpu.memory_space<hbm>>
      %dma_wait3A_71 = tpu.memref_squeeze %dma_wait3A_70 : memref<1x158x128xi32, #tpu.memory_space<hbm>> -> memref<158x128xi32, #tpu.memory_space<hbm>>
      %dma_wait3A_72 = arith.constant 0 : i32
      %dma_wait3A_73 = arith.constant 0 : i32
      %dma_wait3A_74 = tpu.memref_slice %arg3[%arg1, %dma_wait3A_72, %dma_wait3A_73] : memref<16x158x128xi32, #tpu.memory_space<hbm>> -> memref<1x158x128xi32, #tpu.memory_space<hbm>>
      %dma_wait3A_75 = tpu.memref_squeeze %dma_wait3A_74 : memref<1x158x128xi32, #tpu.memory_space<hbm>> -> memref<158x128xi32, #tpu.memory_space<hbm>>
      tpu.wait_dma2 semaphore(%run_scoped3A : memref<!tpu.dma_semaphore, #tpu.memory_space<semaphore_mem>>) src(%dma_wait3A_75 : memref<158x128xi32, #tpu.memory_space<hbm>>) dst(%arg7 : memref<158x128xi32, #tpu.memory_space<vmem>>)
      tpu.yield
    }) : () -> ()
    %mul3A = arith.constant 10240 : i32
    %mul3A_0 = arith.muli %arg0, %mul3A : i32
    %mul3A_1 = arith.constant 640 : i32
    %mul3A_2 = arith.muli %arg1, %mul3A_1 : i32
    %add3A = arith.addi %mul3A_0, %mul3A_2 : i32
    %mul3A_3 = arith.constant 640 : i32
    %mul3A_4 = arith.muli %arg1, %mul3A_3 : i32
    "tpu.region"() ({
      %run_scoped3A = tpu.sem_alloc : memref<!tpu.dma_semaphore, #tpu.memory_space<semaphore_mem>>
      %dma_start3A_61 = arith.constant 0 : i32
      %dma_start3A_62 = tpu.memref_slice %arg12[%mul3A_4, %dma_start3A_61] : memref<10240x64xf32, #tpu.memory_space<vmem_shared>> -> memref<640x64xf32, #tpu.memory_space<vmem_shared>>
      %dma_start3A_63 = arith.constant 0 : i32
      %dma_start3A_64 = tpu.memref_slice %arg2[%add3A, %dma_start3A_63] : memref<20480x64xf32, #tpu.memory_space<hbm>> -> memref<640x64xf32, #tpu.memory_space<hbm>>
      tpu.enqueue_dma source(%dma_start3A_64 : memref<640x64xf32, #tpu.memory_space<hbm>>) target(%dma_start3A_62 : memref<640x64xf32, #tpu.memory_space<vmem_shared>>) target_semaphore(%run_scoped3A : memref<!tpu.dma_semaphore, #tpu.memory_space<semaphore_mem>>)
      %dma_wait3A = arith.constant 0 : i32
      %dma_wait3A_65 = tpu.memref_slice %arg12[%mul3A_4, %dma_wait3A] : memref<10240x64xf32, #tpu.memory_space<vmem_shared>> -> memref<640x64xf32, #tpu.memory_space<vmem_shared>>
      %dma_wait3A_66 = arith.constant 0 : i32
      %dma_wait3A_67 = tpu.memref_slice %arg2[%add3A, %dma_wait3A_66] : memref<20480x64xf32, #tpu.memory_space<hbm>> -> memref<640x64xf32, #tpu.memory_space<hbm>>
      tpu.wait_dma2 semaphore(%run_scoped3A : memref<!tpu.dma_semaphore, #tpu.memory_space<semaphore_mem>>) src(%dma_wait3A_67 : memref<640x64xf32, #tpu.memory_space<hbm>>) dst(%dma_wait3A_65 : memref<640x64xf32, #tpu.memory_space<vmem_shared>>)
      tpu.yield
    }) : () -> ()
    %mul3A_5 = arith.constant 640 : i32
    %mul3A_6 = arith.muli %arg1, %mul3A_5 : i32
    "tpu.region"() ({
      %run_scoped3A = tpu.sem_alloc : memref<!tpu.dma_semaphore, #tpu.memory_space<semaphore_mem>>
      %dma_start3A_61 = arith.constant 0 : i32
      %dma_start3A_62 = tpu.memref_slice %arg11[%mul3A_6, %dma_start3A_61] : memref<10240x64xf32, #tpu.memory_space<vmem_shared>> -> memref<640x64xf32, #tpu.memory_space<vmem_shared>>
      tpu.enqueue_dma source(%arg5 : memref<640x64xf32, #tpu.memory_space<hbm>>) target(%dma_start3A_62 : memref<640x64xf32, #tpu.memory_space<vmem_shared>>) target_semaphore(%run_scoped3A : memref<!tpu.dma_semaphore, #tpu.memory_space<semaphore_mem>>)
      %dma_wait3A = arith.constant 0 : i32
      %dma_wait3A_63 = tpu.memref_slice %arg11[%mul3A_6, %dma_wait3A] : memref<10240x64xf32, #tpu.memory_space<vmem_shared>> -> memref<640x64xf32, #tpu.memory_space<vmem_shared>>
      tpu.wait_dma2 semaphore(%run_scoped3A : memref<!tpu.dma_semaphore, #tpu.memory_space<semaphore_mem>>) src(%arg5 : memref<640x64xf32, #tpu.memory_space<hbm>>) dst(%dma_wait3A_63 : memref<640x64xf32, #tpu.memory_space<vmem_shared>>)
      tpu.yield
    }) : () -> ()
    %barrier3A = arith.constant 0 : index
    tpu.barrier barrier_id(%barrier3A)
    %dma_start3A = arith.constant 0 : i32
    %dma_start3A_7 = arith.constant 0 : i32
    %dma_start3A_8 = tpu.memref_slice %arg7[%dma_start3A, %dma_start3A_7] : memref<158x128xi32, #tpu.memory_space<vmem>> -> memref<1x128xi32, #tpu.memory_space<vmem>>
    %dma_start3A_9 = tpu.memref_squeeze %dma_start3A_8 : memref<1x128xi32, #tpu.memory_space<vmem>> -> memref<128xi32, #tpu.memory_space<vmem>>
    %dma_start3A_10 = arith.constant 0 : i32
    %dma_start3A_11 = arith.constant 0 : i32
    %dma_start3A_12 = tpu.memref_slice %arg12[%dma_start3A_10, %dma_start3A_11] : memref<10240x64xf32, #tpu.memory_space<vmem_shared>> -> memref<10240x64xf32, #tpu.memory_space<vmem_shared>>
    tpu.enqueue_indirect_dma source(%dma_start3A_12 : memref<10240x64xf32, #tpu.memory_space<vmem_shared>>) target(%arg9 : memref<128x64xf32, #tpu.memory_space<vmem>>) offsets(%dma_start3A_9 : memref<128xi32, #tpu.memory_space<vmem>>) semaphore(%arg13 : memref<!tpu.dma_semaphore, #tpu.memory_space<semaphore_mem>>)
    %dma_start3A_13 = arith.constant 1 : i32
    %dma_start3A_14 = arith.constant 0 : i32
    %dma_start3A_15 = tpu.memref_slice %arg7[%dma_start3A_13, %dma_start3A_14] : memref<158x128xi32, #tpu.memory_space<vmem>> -> memref<1x128xi32, #tpu.memory_space<vmem>>
    %dma_start3A_16 = tpu.memref_squeeze %dma_start3A_15 : memref<1x128xi32, #tpu.memory_space<vmem>> -> memref<128xi32, #tpu.memory_space<vmem>>
    %dma_start3A_17 = arith.constant 0 : i32
    %dma_start3A_18 = arith.constant 0 : i32
    %dma_start3A_19 = tpu.memref_slice %arg12[%dma_start3A_17, %dma_start3A_18] : memref<10240x64xf32, #tpu.memory_space<vmem_shared>> -> memref<10240x64xf32, #tpu.memory_space<vmem_shared>>
    tpu.enqueue_indirect_dma source(%dma_start3A_19 : memref<10240x64xf32, #tpu.memory_space<vmem_shared>>) target(%arg10 : memref<128x64xf32, #tpu.memory_space<vmem>>) offsets(%dma_start3A_16 : memref<128xi32, #tpu.memory_space<vmem>>) semaphore(%arg14 : memref<!tpu.dma_semaphore, #tpu.memory_space<semaphore_mem>>)
    %dma_start3A_20 = arith.constant 0 : i32
    %dma_start3A_21 = arith.constant 0 : i32
    %dma_start3A_22 = arith.constant 0 : i32
    %dma_start3A_23 = tpu.memref_slice %arg8[%dma_start3A_21, %dma_start3A_22] : memref<2x128xi32, #tpu.memory_space<vmem>> -> memref<1x128xi32, #tpu.memory_space<vmem>>
    %dma_start3A_24 = tpu.memref_squeeze %dma_start3A_23 : memref<1x128xi32, #tpu.memory_space<vmem>> -> memref<128xi32, #tpu.memory_space<vmem>>
    %dma_start3A_25 = arith.constant 0 : i32
    %dma_start3A_26 = tpu.memref_slice %arg4[%arg1, %dma_start3A_20, %dma_start3A_25] : memref<16x158x128xi32, #tpu.memory_space<hbm>> -> memref<1x1x128xi32, #tpu.memory_space<hbm>>
    %dma_start3A_27 = tpu.memref_squeeze %dma_start3A_26 : memref<1x1x128xi32, #tpu.memory_space<hbm>> -> memref<128xi32, #tpu.memory_space<hbm>>
    %dma_start3A_28 = arith.constant 0 : i32
    %dma_start3A_29 = tpu.memref_slice %arg8[%dma_start3A_21, %dma_start3A_28] : memref<2x128xi32, #tpu.memory_space<vmem>> -> memref<1x128xi32, #tpu.memory_space<vmem>>
    %dma_start3A_30 = tpu.memref_squeeze %dma_start3A_29 : memref<1x128xi32, #tpu.memory_space<vmem>> -> memref<128xi32, #tpu.memory_space<vmem>>
    %dma_start3A_31 = arith.constant 0 : i32
    %dma_start3A_32 = tpu.memref_slice %arg4[%arg1, %dma_start3A_20, %dma_start3A_31] : memref<16x158x128xi32, #tpu.memory_space<hbm>> -> memref<1x1x128xi32, #tpu.memory_space<hbm>>
    %dma_start3A_33 = tpu.memref_squeeze %dma_start3A_32 : memref<1x1x128xi32, #tpu.memory_space<hbm>> -> memref<128xi32, #tpu.memory_space<hbm>>
    tpu.enqueue_dma source(%dma_start3A_33 : memref<128xi32, #tpu.memory_space<hbm>>) target(%dma_start3A_30 : memref<128xi32, #tpu.memory_space<vmem>>) target_semaphore(%arg17 : memref<!tpu.dma_semaphore, #tpu.memory_space<semaphore_mem>>)
    %dma_start3A_34 = arith.constant 1 : i32
    %dma_start3A_35 = arith.constant 1 : i32
    %dma_start3A_36 = arith.constant 0 : i32
    %dma_start3A_37 = tpu.memref_slice %arg8[%dma_start3A_35, %dma_start3A_36] : memref<2x128xi32, #tpu.memory_space<vmem>> -> memref<1x128xi32, #tpu.memory_space<vmem>>
    %dma_start3A_38 = tpu.memref_squeeze %dma_start3A_37 : memref<1x128xi32, #tpu.memory_space<vmem>> -> memref<128xi32, #tpu.memory_space<vmem>>
    %dma_start3A_39 = arith.constant 0 : i32
    %dma_start3A_40 = tpu.memref_slice %arg4[%arg1, %dma_start3A_34, %dma_start3A_39] : memref<16x158x128xi32, #tpu.memory_space<hbm>> -> memref<1x1x128xi32, #tpu.memory_space<hbm>>
    %dma_start3A_41 = tpu.memref_squeeze %dma_start3A_40 : memref<1x1x128xi32, #tpu.memory_space<hbm>> -> memref<128xi32, #tpu.memory_space<hbm>>
    %dma_start3A_42 = arith.constant 0 : i32
    %dma_start3A_43 = tpu.memref_slice %arg8[%dma_start3A_35, %dma_start3A_42] : memref<2x128xi32, #tpu.memory_space<vmem>> -> memref<1x128xi32, #tpu.memory_space<vmem>>
    %dma_start3A_44 = tpu.memref_squeeze %dma_start3A_43 : memref<1x128xi32, #tpu.memory_space<vmem>> -> memref<128xi32, #tpu.memory_space<vmem>>
    %dma_start3A_45 = arith.constant 0 : i32
    %dma_start3A_46 = tpu.memref_slice %arg4[%arg1, %dma_start3A_34, %dma_start3A_45] : memref<16x158x128xi32, #tpu.memory_space<hbm>> -> memref<1x1x128xi32, #tpu.memory_space<hbm>>
    %dma_start3A_47 = tpu.memref_squeeze %dma_start3A_46 : memref<1x1x128xi32, #tpu.memory_space<hbm>> -> memref<128xi32, #tpu.memory_space<hbm>>
    tpu.enqueue_dma source(%dma_start3A_47 : memref<128xi32, #tpu.memory_space<hbm>>) target(%dma_start3A_44 : memref<128xi32, #tpu.memory_space<vmem>>) target_semaphore(%arg18 : memref<!tpu.dma_semaphore, #tpu.memory_space<semaphore_mem>>)
    %scan3A = arith.constant 0 : i32
    %scan3A_48 = arith.constant 0 : i32
    %scan3A_49 = arith.constant 79 : i32
    %scan3A_50 = arith.addi %scan3A_48, %scan3A_49 : i32
    %scan3A_51 = arith.constant 1 : i32
    scf.for %scan3A_61 = %scan3A_48 to %scan3A_50 step %scan3A_51  : i32 {
      %mul3A_62 = arith.constant 2 : i32
      %mul3A_63 = arith.muli %mul3A_62, %scan3A_61 : i32
      %add3A_64 = arith.constant 1 : i32
      %add3A_65 = arith.addi %mul3A_63, %add3A_64 : i32
      %dma_wait3A = arith.constant 0 : i32
      %dma_wait3A_66 = tpu.memref_slice %arg7[%mul3A_63, %dma_wait3A] : memref<158x128xi32, #tpu.memory_space<vmem>> -> memref<1x128xi32, #tpu.memory_space<vmem>>
      %dma_wait3A_67 = tpu.memref_squeeze %dma_wait3A_66 : memref<1x128xi32, #tpu.memory_space<vmem>> -> memref<128xi32, #tpu.memory_space<vmem>>
      %dma_wait3A_68 = arith.constant 0 : i32
      %dma_wait3A_69 = arith.constant 0 : i32
      %dma_wait3A_70 = tpu.memref_slice %arg12[%dma_wait3A_68, %dma_wait3A_69] : memref<10240x64xf32, #tpu.memory_space<vmem_shared>> -> memref<10240x64xf32, #tpu.memory_space<vmem_shared>>
      tpu.wait_indirect_dma semaphore(%arg13 : memref<!tpu.dma_semaphore, #tpu.memory_space<semaphore_mem>>) src(%dma_wait3A_70 : memref<10240x64xf32, #tpu.memory_space<vmem_shared>>) dst(%arg9 : memref<128x64xf32, #tpu.memory_space<vmem>>)
      %dma_wait3A_71 = arith.constant 0 : i32
      %dma_wait3A_72 = arith.constant 0 : i32
      %dma_wait3A_73 = tpu.memref_slice %arg8[%dma_wait3A_71, %dma_wait3A_72] : memref<2x128xi32, #tpu.memory_space<vmem>> -> memref<1x128xi32, #tpu.memory_space<vmem>>
      %dma_wait3A_74 = tpu.memref_squeeze %dma_wait3A_73 : memref<1x128xi32, #tpu.memory_space<vmem>> -> memref<128xi32, #tpu.memory_space<vmem>>
      %dma_wait3A_75 = arith.constant 0 : i32
      %dma_wait3A_76 = tpu.memref_slice %arg4[%arg1, %mul3A_63, %dma_wait3A_75] : memref<16x158x128xi32, #tpu.memory_space<hbm>> -> memref<1x1x128xi32, #tpu.memory_space<hbm>>
      %dma_wait3A_77 = tpu.memref_squeeze %dma_wait3A_76 : memref<1x1x128xi32, #tpu.memory_space<hbm>> -> memref<128xi32, #tpu.memory_space<hbm>>
      %dma_wait3A_78 = arith.constant 0 : i32
      %dma_wait3A_79 = tpu.memref_slice %arg8[%dma_wait3A_71, %dma_wait3A_78] : memref<2x128xi32, #tpu.memory_space<vmem>> -> memref<1x128xi32, #tpu.memory_space<vmem>>
      %dma_wait3A_80 = tpu.memref_squeeze %dma_wait3A_79 : memref<1x128xi32, #tpu.memory_space<vmem>> -> memref<128xi32, #tpu.memory_space<vmem>>
      %dma_wait3A_81 = arith.constant 0 : i32
      %dma_wait3A_82 = tpu.memref_slice %arg4[%arg1, %mul3A_63, %dma_wait3A_81] : memref<16x158x128xi32, #tpu.memory_space<hbm>> -> memref<1x1x128xi32, #tpu.memory_space<hbm>>
      %dma_wait3A_83 = tpu.memref_squeeze %dma_wait3A_82 : memref<1x1x128xi32, #tpu.memory_space<hbm>> -> memref<128xi32, #tpu.memory_space<hbm>>
      tpu.wait_dma2 semaphore(%arg17 : memref<!tpu.dma_semaphore, #tpu.memory_space<semaphore_mem>>) src(%dma_wait3A_83 : memref<128xi32, #tpu.memory_space<hbm>>) dst(%dma_wait3A_80 : memref<128xi32, #tpu.memory_space<vmem>>)
      %dma_start3A_84 = arith.constant 0 : i32
      %dma_start3A_85 = arith.constant 0 : i32
      %dma_start3A_86 = tpu.memref_slice %arg8[%dma_start3A_84, %dma_start3A_85] : memref<2x128xi32, #tpu.memory_space<vmem>> -> memref<1x128xi32, #tpu.memory_space<vmem>>
      %dma_start3A_87 = tpu.memref_squeeze %dma_start3A_86 : memref<1x128xi32, #tpu.memory_space<vmem>> -> memref<128xi32, #tpu.memory_space<vmem>>
      %dma_start3A_88 = arith.constant 0 : i32
      %dma_start3A_89 = arith.constant 0 : i32
      %dma_start3A_90 = tpu.memref_slice %arg11[%dma_start3A_88, %dma_start3A_89] : memref<10240x64xf32, #tpu.memory_space<vmem_shared>> -> memref<10240x64xf32, #tpu.memory_space<vmem_shared>>
      tpu.enqueue_indirect_dma source(%arg9 : memref<128x64xf32, #tpu.memory_space<vmem>>) target(%dma_start3A_90 : memref<10240x64xf32, #tpu.memory_space<vmem_shared>>) offsets(%dma_start3A_87 : memref<128xi32, #tpu.memory_space<vmem>>) semaphore(%arg15 : memref<!tpu.dma_semaphore, #tpu.memory_space<semaphore_mem>>) {add = true}
      %dma_wait3A_91 = arith.constant 0 : i32
      %dma_wait3A_92 = tpu.memref_slice %arg7[%add3A_65, %dma_wait3A_91] : memref<158x128xi32, #tpu.memory_space<vmem>> -> memref<1x128xi32, #tpu.memory_space<vmem>>
      %dma_wait3A_93 = tpu.memref_squeeze %dma_wait3A_92 : memref<1x128xi32, #tpu.memory_space<vmem>> -> memref<128xi32, #tpu.memory_space<vmem>>
      %dma_wait3A_94 = arith.constant 0 : i32
      %dma_wait3A_95 = arith.constant 0 : i32
      %dma_wait3A_96 = tpu.memref_slice %arg12[%dma_wait3A_94, %dma_wait3A_95] : memref<10240x64xf32, #tpu.memory_space<vmem_shared>> -> memref<10240x64xf32, #tpu.memory_space<vmem_shared>>
      tpu.wait_indirect_dma semaphore(%arg14 : memref<!tpu.dma_semaphore, #tpu.memory_space<semaphore_mem>>) src(%dma_wait3A_96 : memref<10240x64xf32, #tpu.memory_space<vmem_shared>>) dst(%arg10 : memref<128x64xf32, #tpu.memory_space<vmem>>)
      %dma_wait3A_97 = arith.constant 1 : i32
      %dma_wait3A_98 = arith.constant 0 : i32
      %dma_wait3A_99 = tpu.memref_slice %arg8[%dma_wait3A_97, %dma_wait3A_98] : memref<2x128xi32, #tpu.memory_space<vmem>> -> memref<1x128xi32, #tpu.memory_space<vmem>>
      %dma_wait3A_100 = tpu.memref_squeeze %dma_wait3A_99 : memref<1x128xi32, #tpu.memory_space<vmem>> -> memref<128xi32, #tpu.memory_space<vmem>>
      %dma_wait3A_101 = arith.constant 0 : i32
      %dma_wait3A_102 = tpu.memref_slice %arg4[%arg1, %add3A_65, %dma_wait3A_101] : memref<16x158x128xi32, #tpu.memory_space<hbm>> -> memref<1x1x128xi32, #tpu.memory_space<hbm>>
      %dma_wait3A_103 = tpu.memref_squeeze %dma_wait3A_102 : memref<1x1x128xi32, #tpu.memory_space<hbm>> -> memref<128xi32, #tpu.memory_space<hbm>>
      %dma_wait3A_104 = arith.constant 0 : i32
      %dma_wait3A_105 = tpu.memref_slice %arg8[%dma_wait3A_97, %dma_wait3A_104] : memref<2x128xi32, #tpu.memory_space<vmem>> -> memref<1x128xi32, #tpu.memory_space<vmem>>
      %dma_wait3A_106 = tpu.memref_squeeze %dma_wait3A_105 : memref<1x128xi32, #tpu.memory_space<vmem>> -> memref<128xi32, #tpu.memory_space<vmem>>
      %dma_wait3A_107 = arith.constant 0 : i32
      %dma_wait3A_108 = tpu.memref_slice %arg4[%arg1, %add3A_65, %dma_wait3A_107] : memref<16x158x128xi32, #tpu.memory_space<hbm>> -> memref<1x1x128xi32, #tpu.memory_space<hbm>>
      %dma_wait3A_109 = tpu.memref_squeeze %dma_wait3A_108 : memref<1x1x128xi32, #tpu.memory_space<hbm>> -> memref<128xi32, #tpu.memory_space<hbm>>
      tpu.wait_dma2 semaphore(%arg18 : memref<!tpu.dma_semaphore, #tpu.memory_space<semaphore_mem>>) src(%dma_wait3A_109 : memref<128xi32, #tpu.memory_space<hbm>>) dst(%dma_wait3A_106 : memref<128xi32, #tpu.memory_space<vmem>>)
      %dma_start3A_110 = arith.constant 1 : i32
      %dma_start3A_111 = arith.constant 0 : i32
      %dma_start3A_112 = tpu.memref_slice %arg8[%dma_start3A_110, %dma_start3A_111] : memref<2x128xi32, #tpu.memory_space<vmem>> -> memref<1x128xi32, #tpu.memory_space<vmem>>
      %dma_start3A_113 = tpu.memref_squeeze %dma_start3A_112 : memref<1x128xi32, #tpu.memory_space<vmem>> -> memref<128xi32, #tpu.memory_space<vmem>>
      %dma_start3A_114 = arith.constant 0 : i32
      %dma_start3A_115 = arith.constant 0 : i32
      %dma_start3A_116 = tpu.memref_slice %arg11[%dma_start3A_114, %dma_start3A_115] : memref<10240x64xf32, #tpu.memory_space<vmem_shared>> -> memref<10240x64xf32, #tpu.memory_space<vmem_shared>>
      tpu.enqueue_indirect_dma source(%arg10 : memref<128x64xf32, #tpu.memory_space<vmem>>) target(%dma_start3A_116 : memref<10240x64xf32, #tpu.memory_space<vmem_shared>>) offsets(%dma_start3A_113 : memref<128xi32, #tpu.memory_space<vmem>>) semaphore(%arg16 : memref<!tpu.dma_semaphore, #tpu.memory_space<semaphore_mem>>) {add = true}
      %dma_wait3A_117 = arith.constant 0 : i32
      %dma_wait3A_118 = arith.constant 0 : i32
      %dma_wait3A_119 = tpu.memref_slice %arg8[%dma_wait3A_117, %dma_wait3A_118] : memref<2x128xi32, #tpu.memory_space<vmem>> -> memref<1x128xi32, #tpu.memory_space<vmem>>
      %dma_wait3A_120 = tpu.memref_squeeze %dma_wait3A_119 : memref<1x128xi32, #tpu.memory_space<vmem>> -> memref<128xi32, #tpu.memory_space<vmem>>
      %dma_wait3A_121 = arith.constant 0 : i32
      %dma_wait3A_122 = arith.constant 0 : i32
      %dma_wait3A_123 = tpu.memref_slice %arg11[%dma_wait3A_121, %dma_wait3A_122] : memref<10240x64xf32, #tpu.memory_space<vmem_shared>> -> memref<10240x64xf32, #tpu.memory_space<vmem_shared>>
      tpu.wait_indirect_dma semaphore(%arg15 : memref<!tpu.dma_semaphore, #tpu.memory_space<semaphore_mem>>) src(%arg9 : memref<128x64xf32, #tpu.memory_space<vmem>>) dst(%dma_wait3A_123 : memref<10240x64xf32, #tpu.memory_space<vmem_shared>>)
      %add3A_124 = arith.constant 2 : i32
      %add3A_125 = arith.addi %mul3A_63, %add3A_124 : i32
      %lt3A = arith.constant 158 : i32
      %lt3A_126 = arith.cmpi slt, %add3A_125, %lt3A : i32
      %convert_element_type3A = arith.extui %lt3A_126 : i1 to i32
      %cond3A = arith.constant 0 : i32
      %cond3A_127 = arith.cmpi ne, %convert_element_type3A, %cond3A : i32
      scf.if %cond3A_127 {
        %add3A_142 = arith.constant 2 : i32
        %add3A_143 = arith.addi %mul3A_63, %add3A_142 : i32
        %dma_start3A_144 = arith.constant 0 : i32
        %dma_start3A_145 = tpu.memref_slice %arg7[%add3A_143, %dma_start3A_144] : memref<158x128xi32, #tpu.memory_space<vmem>> -> memref<1x128xi32, #tpu.memory_space<vmem>>
        %dma_start3A_146 = tpu.memref_squeeze %dma_start3A_145 : memref<1x128xi32, #tpu.memory_space<vmem>> -> memref<128xi32, #tpu.memory_space<vmem>>
        %dma_start3A_147 = arith.constant 0 : i32
        %dma_start3A_148 = arith.constant 0 : i32
        %dma_start3A_149 = tpu.memref_slice %arg12[%dma_start3A_147, %dma_start3A_148] : memref<10240x64xf32, #tpu.memory_space<vmem_shared>> -> memref<10240x64xf32, #tpu.memory_space<vmem_shared>>
        tpu.enqueue_indirect_dma source(%dma_start3A_149 : memref<10240x64xf32, #tpu.memory_space<vmem_shared>>) target(%arg9 : memref<128x64xf32, #tpu.memory_space<vmem>>) offsets(%dma_start3A_146 : memref<128xi32, #tpu.memory_space<vmem>>) semaphore(%arg13 : memref<!tpu.dma_semaphore, #tpu.memory_space<semaphore_mem>>)
        %add3A_150 = arith.constant 2 : i32
        %add3A_151 = arith.addi %mul3A_63, %add3A_150 : i32
        %dma_start3A_152 = arith.constant 0 : i32
        %dma_start3A_153 = arith.constant 0 : i32
        %dma_start3A_154 = tpu.memref_slice %arg8[%dma_start3A_152, %dma_start3A_153] : memref<2x128xi32, #tpu.memory_space<vmem>> -> memref<1x128xi32, #tpu.memory_space<vmem>>
        %dma_start3A_155 = tpu.memref_squeeze %dma_start3A_154 : memref<1x128xi32, #tpu.memory_space<vmem>> -> memref<128xi32, #tpu.memory_space<vmem>>
        %dma_start3A_156 = arith.constant 0 : i32
        %dma_start3A_157 = tpu.memref_slice %arg4[%arg1, %add3A_151, %dma_start3A_156] : memref<16x158x128xi32, #tpu.memory_space<hbm>> -> memref<1x1x128xi32, #tpu.memory_space<hbm>>
        %dma_start3A_158 = tpu.memref_squeeze %dma_start3A_157 : memref<1x1x128xi32, #tpu.memory_space<hbm>> -> memref<128xi32, #tpu.memory_space<hbm>>
        %dma_start3A_159 = arith.constant 0 : i32
        %dma_start3A_160 = tpu.memref_slice %arg8[%dma_start3A_152, %dma_start3A_159] : memref<2x128xi32, #tpu.memory_space<vmem>> -> memref<1x128xi32, #tpu.memory_space<vmem>>
        %dma_start3A_161 = tpu.memref_squeeze %dma_start3A_160 : memref<1x128xi32, #tpu.memory_space<vmem>> -> memref<128xi32, #tpu.memory_space<vmem>>
        %dma_start3A_162 = arith.constant 0 : i32
        %dma_start3A_163 = tpu.memref_slice %arg4[%arg1, %add3A_151, %dma_start3A_162] : memref<16x158x128xi32, #tpu.memory_space<hbm>> -> memref<1x1x128xi32, #tpu.memory_space<hbm>>
        %dma_start3A_164 = tpu.memref_squeeze %dma_start3A_163 : memref<1x1x128xi32, #tpu.memory_space<hbm>> -> memref<128xi32, #tpu.memory_space<hbm>>
        tpu.enqueue_dma source(%dma_start3A_164 : memref<128xi32, #tpu.memory_space<hbm>>) target(%dma_start3A_161 : memref<128xi32, #tpu.memory_space<vmem>>) target_semaphore(%arg17 : memref<!tpu.dma_semaphore, #tpu.memory_space<semaphore_mem>>)
      } else {
      }
      %dma_wait3A_128 = arith.constant 1 : i32
      %dma_wait3A_129 = arith.constant 0 : i32
      %dma_wait3A_130 = tpu.memref_slice %arg8[%dma_wait3A_128, %dma_wait3A_129] : memref<2x128xi32, #tpu.memory_space<vmem>> -> memref<1x128xi32, #tpu.memory_space<vmem>>
      %dma_wait3A_131 = tpu.memref_squeeze %dma_wait3A_130 : memref<1x128xi32, #tpu.memory_space<vmem>> -> memref<128xi32, #tpu.memory_space<vmem>>
      %dma_wait3A_132 = arith.constant 0 : i32
      %dma_wait3A_133 = arith.constant 0 : i32
      %dma_wait3A_134 = tpu.memref_slice %arg11[%dma_wait3A_132, %dma_wait3A_133] : memref<10240x64xf32, #tpu.memory_space<vmem_shared>> -> memref<10240x64xf32, #tpu.memory_space<vmem_shared>>
      tpu.wait_indirect_dma semaphore(%arg16 : memref<!tpu.dma_semaphore, #tpu.memory_space<semaphore_mem>>) src(%arg10 : memref<128x64xf32, #tpu.memory_space<vmem>>) dst(%dma_wait3A_134 : memref<10240x64xf32, #tpu.memory_space<vmem_shared>>)
      %add3A_135 = arith.constant 2 : i32
      %add3A_136 = arith.addi %add3A_65, %add3A_135 : i32
      %lt3A_137 = arith.constant 158 : i32
      %lt3A_138 = arith.cmpi slt, %add3A_136, %lt3A_137 : i32
      %convert_element_type3A_139 = arith.extui %lt3A_138 : i1 to i32
      %cond3A_140 = arith.constant 0 : i32
      %cond3A_141 = arith.cmpi ne, %convert_element_type3A_139, %cond3A_140 : i32
      scf.if %cond3A_141 {
        %add3A_142 = arith.constant 2 : i32
        %add3A_143 = arith.addi %add3A_65, %add3A_142 : i32
        %dma_start3A_144 = arith.constant 0 : i32
        %dma_start3A_145 = tpu.memref_slice %arg7[%add3A_143, %dma_start3A_144] : memref<158x128xi32, #tpu.memory_space<vmem>> -> memref<1x128xi32, #tpu.memory_space<vmem>>
        %dma_start3A_146 = tpu.memref_squeeze %dma_start3A_145 : memref<1x128xi32, #tpu.memory_space<vmem>> -> memref<128xi32, #tpu.memory_space<vmem>>
        %dma_start3A_147 = arith.constant 0 : i32
        %dma_start3A_148 = arith.constant 0 : i32
        %dma_start3A_149 = tpu.memref_slice %arg12[%dma_start3A_147, %dma_start3A_148] : memref<10240x64xf32, #tpu.memory_space<vmem_shared>> -> memref<10240x64xf32, #tpu.memory_space<vmem_shared>>
        tpu.enqueue_indirect_dma source(%dma_start3A_149 : memref<10240x64xf32, #tpu.memory_space<vmem_shared>>) target(%arg10 : memref<128x64xf32, #tpu.memory_space<vmem>>) offsets(%dma_start3A_146 : memref<128xi32, #tpu.memory_space<vmem>>) semaphore(%arg14 : memref<!tpu.dma_semaphore, #tpu.memory_space<semaphore_mem>>)
        %add3A_150 = arith.constant 2 : i32
        %add3A_151 = arith.addi %add3A_65, %add3A_150 : i32
        %dma_start3A_152 = arith.constant 1 : i32
        %dma_start3A_153 = arith.constant 0 : i32
        %dma_start3A_154 = tpu.memref_slice %arg8[%dma_start3A_152, %dma_start3A_153] : memref<2x128xi32, #tpu.memory_space<vmem>> -> memref<1x128xi32, #tpu.memory_space<vmem>>
        %dma_start3A_155 = tpu.memref_squeeze %dma_start3A_154 : memref<1x128xi32, #tpu.memory_space<vmem>> -> memref<128xi32, #tpu.memory_space<vmem>>
        %dma_start3A_156 = arith.constant 0 : i32
        %dma_start3A_157 = tpu.memref_slice %arg4[%arg1, %add3A_151, %dma_start3A_156] : memref<16x158x128xi32, #tpu.memory_space<hbm>> -> memref<1x1x128xi32, #tpu.memory_space<hbm>>
        %dma_start3A_158 = tpu.memref_squeeze %dma_start3A_157 : memref<1x1x128xi32, #tpu.memory_space<hbm>> -> memref<128xi32, #tpu.memory_space<hbm>>
        %dma_start3A_159 = arith.constant 0 : i32
        %dma_start3A_160 = tpu.memref_slice %arg8[%dma_start3A_152, %dma_start3A_159] : memref<2x128xi32, #tpu.memory_space<vmem>> -> memref<1x128xi32, #tpu.memory_space<vmem>>
        %dma_start3A_161 = tpu.memref_squeeze %dma_start3A_160 : memref<1x128xi32, #tpu.memory_space<vmem>> -> memref<128xi32, #tpu.memory_space<vmem>>
        %dma_start3A_162 = arith.constant 0 : i32
        %dma_start3A_163 = tpu.memref_slice %arg4[%arg1, %add3A_151, %dma_start3A_162] : memref<16x158x128xi32, #tpu.memory_space<hbm>> -> memref<1x1x128xi32, #tpu.memory_space<hbm>>
        %dma_start3A_164 = tpu.memref_squeeze %dma_start3A_163 : memref<1x1x128xi32, #tpu.memory_space<hbm>> -> memref<128xi32, #tpu.memory_space<hbm>>
        tpu.enqueue_dma source(%dma_start3A_164 : memref<128xi32, #tpu.memory_space<hbm>>) target(%dma_start3A_161 : memref<128xi32, #tpu.memory_space<vmem>>) target_semaphore(%arg18 : memref<!tpu.dma_semaphore, #tpu.memory_space<semaphore_mem>>)
      } else {
      }
    }
    %scan3A_52 = arith.constant 79 : i32
    %barrier3A_53 = arith.constant 0 : index
    tpu.barrier barrier_id(%barrier3A_53)
    %mul3A_54 = arith.constant 10240 : i32
    %mul3A_55 = arith.muli %arg0, %mul3A_54 : i32
    %mul3A_56 = arith.constant 640 : i32
    %mul3A_57 = arith.muli %arg1, %mul3A_56 : i32
    %add3A_58 = arith.addi %mul3A_55, %mul3A_57 : i32
    %mul3A_59 = arith.constant 640 : i32
    %mul3A_60 = arith.muli %arg1, %mul3A_59 : i32
    "tpu.region"() ({
      %run_scoped3A = tpu.sem_alloc : memref<!tpu.dma_semaphore, #tpu.memory_space<semaphore_mem>>
      %dma_start3A_61 = arith.constant 0 : i32
      %dma_start3A_62 = tpu.memref_slice %arg6[%add3A_58, %dma_start3A_61] : memref<20480x64xf32, #tpu.memory_space<hbm>> -> memref<640x64xf32, #tpu.memory_space<hbm>>
      %dma_start3A_63 = arith.constant 0 : i32
      %dma_start3A_64 = tpu.memref_slice %arg11[%mul3A_60, %dma_start3A_63] : memref<10240x64xf32, #tpu.memory_space<vmem_shared>> -> memref<640x64xf32, #tpu.memory_space<vmem_shared>>
      tpu.enqueue_dma source(%dma_start3A_64 : memref<640x64xf32, #tpu.memory_space<vmem_shared>>) target(%dma_start3A_62 : memref<640x64xf32, #tpu.memory_space<hbm>>) target_semaphore(%run_scoped3A : memref<!tpu.dma_semaphore, #tpu.memory_space<semaphore_mem>>)
      %dma_wait3A = arith.constant 0 : i32
      %dma_wait3A_65 = tpu.memref_slice %arg6[%add3A_58, %dma_wait3A] : memref<20480x64xf32, #tpu.memory_space<hbm>> -> memref<640x64xf32, #tpu.memory_space<hbm>>
      %dma_wait3A_66 = arith.constant 0 : i32
      %dma_wait3A_67 = tpu.memref_slice %arg11[%mul3A_60, %dma_wait3A_66] : memref<10240x64xf32, #tpu.memory_space<vmem_shared>> -> memref<640x64xf32, #tpu.memory_space<vmem_shared>>
      tpu.wait_dma2 semaphore(%run_scoped3A : memref<!tpu.dma_semaphore, #tpu.memory_space<semaphore_mem>>) src(%dma_wait3A_67 : memref<640x64xf32, #tpu.memory_space<vmem_shared>>) dst(%dma_wait3A_65 : memref<640x64xf32, #tpu.memory_space<hbm>>)
      tpu.yield
    }) : () -> ()
    return
  }
}

#map = affine_map<(d0, d1) -> (0, 0)>
#map1 = affine_map<(d0, d1) -> (0, 0, 0)>
module attributes {stable_mosaic.version = 14 : i64} {
  func.func @k(%arg0: i32, %arg1: i32, %arg2: memref<20480x32xf32, #tpu.memory_space<hbm>>, %arg3: memref<16x158x128xi32, #tpu.memory_space<hbm>>, %arg4: memref<16x158x128xi32, #tpu.memory_space<hbm>>, %arg5: memref<640x32xf32, #tpu.memory_space<hbm>>, %arg6: memref<20480x32xf32, #tpu.memory_space<hbm>>, %arg7: memref<158x128xi32, #tpu.memory_space<vmem>>, %arg8: memref<2x128xi32, #tpu.memory_space<vmem>>, %arg9: memref<128x32xf32, #tpu.memory_space<vmem>>, %arg10: memref<128x32xf32, #tpu.memory_space<vmem>>, %arg11: memref<10240x32xf32, #tpu.memory_space<vmem_shared>>, %arg12: memref<10240x32xf32, #tpu.memory_space<vmem_shared>>, %arg13: memref<!tpu.dma_semaphore, #tpu.memory_space<semaphore_mem>>, %arg14: memref<!tpu.dma_semaphore, #tpu.memory_space<semaphore_mem>>, %arg15: memref<!tpu.dma_semaphore, #tpu.memory_space<semaphore_mem>>, %arg16: memref<!tpu.dma_semaphore, #tpu.memory_space<semaphore_mem>>, %arg17: memref<!tpu.dma_semaphore, #tpu.memory_space<semaphore_mem>>, %arg18: memref<!tpu.dma_semaphore, #tpu.memory_space<semaphore_mem>>) attributes {dimension_semantics = [#tpu.dimension_semantics<core_parallel>, #tpu.dimension_semantics<subcore_parallel>], iteration_bounds = array<i64: 2, 16>, scalar_prefetch = 0 : i64, scratch_operands = 12 : i64, tpu.core_type = #tpu.core_type<sc_vector_subcore>, window_params = [{transform_indices = #map}, {transform_indices = #map1}, {transform_indices = #map1}, {transform_indices = #map}, {transform_indices = #map}]} {
    "tpu.region"() ({
      %run_scoped3A = tpu.sem_alloc : memref<!tpu.dma_semaphore, #tpu.memory_space<semaphore_mem>>
      %dma_start3A_61 = arith.constant 0 : i32
      %dma_start3A_62 = arith.constant 0 : i32
      %dma_start3A_63 = tpu.memref_slice %arg3[%arg1, %dma_start3A_61, %dma_start3A_62] : memref<16x158x128xi32, #tpu.memory_space<hbm>> -> memref<1x158x128xi32, #tpu.memory_space<hbm>>
      %dma_start3A_64 = tpu.memref_squeeze %dma_start3A_63 : memref<1x158x128xi32, #tpu.memory_space<hbm>> -> memref<158x128xi32, #tpu.memory_space<hbm>>
      %dma_start3A_65 = arith.constant 0 : i32
      %dma_start3A_66 = arith.constant 0 : i32
      %dma_start3A_67 = tpu.memref_slice %arg3[%arg1, %dma_start3A_65, %dma_start3A_66] : memref<16x158x128xi32, #tpu.memory_space<hbm>> -> memref<1x158x128xi32, #tpu.memory_space<hbm>>
      %dma_start3A_68 = tpu.memref_squeeze %dma_start3A_67 : memref<1x158x128xi32, #tpu.memory_space<hbm>> -> memref<158x128xi32, #tpu.memory_space<hbm>>
      tpu.enqueue_dma source(%dma_start3A_68 : memref<158x128xi32, #tpu.memory_space<hbm>>) target(%arg7 : memref<158x128xi32, #tpu.memory_space<vmem>>) target_semaphore(%run_scoped3A : memref<!tpu.dma_semaphore, #tpu.memory_space<semaphore_mem>>)
      %dma_wait3A = arith.constant 0 : i32
      %dma_wait3A_69 = arith.constant 0 : i32
      %dma_wait3A_70 = tpu.memref_slice %arg3[%arg1, %dma_wait3A, %dma_wait3A_69] : memref<16x158x128xi32, #tpu.memory_space<hbm>> -> memref<1x158x128xi32, #tpu.memory_space<hbm>>
      %dma_wait3A_71 = tpu.memref_squeeze %dma_wait3A_70 : memref<1x158x128xi32, #tpu.memory_space<hbm>> -> memref<158x128xi32, #tpu.memory_space<hbm>>
      %dma_wait3A_72 = arith.constant 0 : i32
      %dma_wait3A_73 = arith.constant 0 : i32
      %dma_wait3A_74 = tpu.memref_slice %arg3[%arg1, %dma_wait3A_72, %dma_wait3A_73] : memref<16x158x128xi32, #tpu.memory_space<hbm>> -> memref<1x158x128xi32, #tpu.memory_space<hbm>>
      %dma_wait3A_75 = tpu.memref_squeeze %dma_wait3A_74 : memref<1x158x128xi32, #tpu.memory_space<hbm>> -> memref<158x128xi32, #tpu.memory_space<hbm>>
      tpu.wait_dma2 semaphore(%run_scoped3A : memref<!tpu.dma_semaphore, #tpu.memory_space<semaphore_mem>>) src(%dma_wait3A_75 : memref<158x128xi32, #tpu.memory_space<hbm>>) dst(%arg7 : memref<158x128xi32, #tpu.memory_space<vmem>>)
      tpu.yield
    }) : () -> ()
    %mul3A = arith.constant 10240 : i32
    %mul3A_0 = arith.muli %arg0, %mul3A : i32
    %mul3A_1 = arith.constant 640 : i32
    %mul3A_2 = arith.muli %arg1, %mul3A_1 : i32
    %add3A = arith.addi %mul3A_0, %mul3A_2 : i32
    %mul3A_3 = arith.constant 640 : i32
    %mul3A_4 = arith.muli %arg1, %mul3A_3 : i32
    "tpu.region"() ({
      %run_scoped3A = tpu.sem_alloc : memref<!tpu.dma_semaphore, #tpu.memory_space<semaphore_mem>>
      %dma_start3A_61 = arith.constant 0 : i32
      %dma_start3A_62 = tpu.memref_slice %arg12[%mul3A_4, %dma_start3A_61] : memref<10240x32xf32, #tpu.memory_space<vmem_shared>> -> memref<640x32xf32, #tpu.memory_space<vmem_shared>>
      %dma_start3A_63 = arith.constant 0 : i32
      %dma_start3A_64 = tpu.memref_slice %arg2[%add3A, %dma_start3A_63] : memref<20480x32xf32, #tpu.memory_space<hbm>> -> memref<640x32xf32, #tpu.memory_space<hbm>>
      tpu.enqueue_dma source(%dma_start3A_64 : memref<640x32xf32, #tpu.memory_space<hbm>>) target(%dma_start3A_62 : memref<640x32xf32, #tpu.memory_space<vmem_shared>>) target_semaphore(%run_scoped3A : memref<!tpu.dma_semaphore, #tpu.memory_space<semaphore_mem>>)
      %dma_wait3A = arith.constant 0 : i32
      %dma_wait3A_65 = tpu.memref_slice %arg12[%mul3A_4, %dma_wait3A] : memref<10240x32xf32, #tpu.memory_space<vmem_shared>> -> memref<640x32xf32, #tpu.memory_space<vmem_shared>>
      %dma_wait3A_66 = arith.constant 0 : i32
      %dma_wait3A_67 = tpu.memref_slice %arg2[%add3A, %dma_wait3A_66] : memref<20480x32xf32, #tpu.memory_space<hbm>> -> memref<640x32xf32, #tpu.memory_space<hbm>>
      tpu.wait_dma2 semaphore(%run_scoped3A : memref<!tpu.dma_semaphore, #tpu.memory_space<semaphore_mem>>) src(%dma_wait3A_67 : memref<640x32xf32, #tpu.memory_space<hbm>>) dst(%dma_wait3A_65 : memref<640x32xf32, #tpu.memory_space<vmem_shared>>)
      tpu.yield
    }) : () -> ()
    %mul3A_5 = arith.constant 640 : i32
    %mul3A_6 = arith.muli %arg1, %mul3A_5 : i32
    "tpu.region"() ({
      %run_scoped3A = tpu.sem_alloc : memref<!tpu.dma_semaphore, #tpu.memory_space<semaphore_mem>>
      %dma_start3A_61 = arith.constant 0 : i32
      %dma_start3A_62 = tpu.memref_slice %arg11[%mul3A_6, %dma_start3A_61] : memref<10240x32xf32, #tpu.memory_space<vmem_shared>> -> memref<640x32xf32, #tpu.memory_space<vmem_shared>>
      tpu.enqueue_dma source(%arg5 : memref<640x32xf32, #tpu.memory_space<hbm>>) target(%dma_start3A_62 : memref<640x32xf32, #tpu.memory_space<vmem_shared>>) target_semaphore(%run_scoped3A : memref<!tpu.dma_semaphore, #tpu.memory_space<semaphore_mem>>)
      %dma_wait3A = arith.constant 0 : i32
      %dma_wait3A_63 = tpu.memref_slice %arg11[%mul3A_6, %dma_wait3A] : memref<10240x32xf32, #tpu.memory_space<vmem_shared>> -> memref<640x32xf32, #tpu.memory_space<vmem_shared>>
      tpu.wait_dma2 semaphore(%run_scoped3A : memref<!tpu.dma_semaphore, #tpu.memory_space<semaphore_mem>>) src(%arg5 : memref<640x32xf32, #tpu.memory_space<hbm>>) dst(%dma_wait3A_63 : memref<640x32xf32, #tpu.memory_space<vmem_shared>>)
      tpu.yield
    }) : () -> ()
    %barrier3A = arith.constant 0 : index
    tpu.barrier barrier_id(%barrier3A)
    %dma_start3A = arith.constant 0 : i32
    %dma_start3A_7 = arith.constant 0 : i32
    %dma_start3A_8 = tpu.memref_slice %arg7[%dma_start3A, %dma_start3A_7] : memref<158x128xi32, #tpu.memory_space<vmem>> -> memref<1x128xi32, #tpu.memory_space<vmem>>
    %dma_start3A_9 = tpu.memref_squeeze %dma_start3A_8 : memref<1x128xi32, #tpu.memory_space<vmem>> -> memref<128xi32, #tpu.memory_space<vmem>>
    %dma_start3A_10 = arith.constant 0 : i32
    %dma_start3A_11 = arith.constant 0 : i32
    %dma_start3A_12 = tpu.memref_slice %arg12[%dma_start3A_10, %dma_start3A_11] : memref<10240x32xf32, #tpu.memory_space<vmem_shared>> -> memref<10240x32xf32, #tpu.memory_space<vmem_shared>>
    tpu.enqueue_indirect_dma source(%dma_start3A_12 : memref<10240x32xf32, #tpu.memory_space<vmem_shared>>) target(%arg9 : memref<128x32xf32, #tpu.memory_space<vmem>>) offsets(%dma_start3A_9 : memref<128xi32, #tpu.memory_space<vmem>>) semaphore(%arg13 : memref<!tpu.dma_semaphore, #tpu.memory_space<semaphore_mem>>)
    %dma_start3A_13 = arith.constant 1 : i32
    %dma_start3A_14 = arith.constant 0 : i32
    %dma_start3A_15 = tpu.memref_slice %arg7[%dma_start3A_13, %dma_start3A_14] : memref<158x128xi32, #tpu.memory_space<vmem>> -> memref<1x128xi32, #tpu.memory_space<vmem>>
    %dma_start3A_16 = tpu.memref_squeeze %dma_start3A_15 : memref<1x128xi32, #tpu.memory_space<vmem>> -> memref<128xi32, #tpu.memory_space<vmem>>
    %dma_start3A_17 = arith.constant 0 : i32
    %dma_start3A_18 = arith.constant 0 : i32
    %dma_start3A_19 = tpu.memref_slice %arg12[%dma_start3A_17, %dma_start3A_18] : memref<10240x32xf32, #tpu.memory_space<vmem_shared>> -> memref<10240x32xf32, #tpu.memory_space<vmem_shared>>
    tpu.enqueue_indirect_dma source(%dma_start3A_19 : memref<10240x32xf32, #tpu.memory_space<vmem_shared>>) target(%arg10 : memref<128x32xf32, #tpu.memory_space<vmem>>) offsets(%dma_start3A_16 : memref<128xi32, #tpu.memory_space<vmem>>) semaphore(%arg14 : memref<!tpu.dma_semaphore, #tpu.memory_space<semaphore_mem>>)
    %dma_start3A_20 = arith.constant 0 : i32
    %dma_start3A_21 = arith.constant 0 : i32
    %dma_start3A_22 = arith.constant 0 : i32
    %dma_start3A_23 = tpu.memref_slice %arg8[%dma_start3A_21, %dma_start3A_22] : memref<2x128xi32, #tpu.memory_space<vmem>> -> memref<1x128xi32, #tpu.memory_space<vmem>>
    %dma_start3A_24 = tpu.memref_squeeze %dma_start3A_23 : memref<1x128xi32, #tpu.memory_space<vmem>> -> memref<128xi32, #tpu.memory_space<vmem>>
    %dma_start3A_25 = arith.constant 0 : i32
    %dma_start3A_26 = tpu.memref_slice %arg4[%arg1, %dma_start3A_20, %dma_start3A_25] : memref<16x158x128xi32, #tpu.memory_space<hbm>> -> memref<1x1x128xi32, #tpu.memory_space<hbm>>
    %dma_start3A_27 = tpu.memref_squeeze %dma_start3A_26 : memref<1x1x128xi32, #tpu.memory_space<hbm>> -> memref<128xi32, #tpu.memory_space<hbm>>
    %dma_start3A_28 = arith.constant 0 : i32
    %dma_start3A_29 = tpu.memref_slice %arg8[%dma_start3A_21, %dma_start3A_28] : memref<2x128xi32, #tpu.memory_space<vmem>> -> memref<1x128xi32, #tpu.memory_space<vmem>>
    %dma_start3A_30 = tpu.memref_squeeze %dma_start3A_29 : memref<1x128xi32, #tpu.memory_space<vmem>> -> memref<128xi32, #tpu.memory_space<vmem>>
    %dma_start3A_31 = arith.constant 0 : i32
    %dma_start3A_32 = tpu.memref_slice %arg4[%arg1, %dma_start3A_20, %dma_start3A_31] : memref<16x158x128xi32, #tpu.memory_space<hbm>> -> memref<1x1x128xi32, #tpu.memory_space<hbm>>
    %dma_start3A_33 = tpu.memref_squeeze %dma_start3A_32 : memref<1x1x128xi32, #tpu.memory_space<hbm>> -> memref<128xi32, #tpu.memory_space<hbm>>
    tpu.enqueue_dma source(%dma_start3A_33 : memref<128xi32, #tpu.memory_space<hbm>>) target(%dma_start3A_30 : memref<128xi32, #tpu.memory_space<vmem>>) target_semaphore(%arg17 : memref<!tpu.dma_semaphore, #tpu.memory_space<semaphore_mem>>)
    %dma_start3A_34 = arith.constant 1 : i32
    %dma_start3A_35 = arith.constant 1 : i32
    %dma_start3A_36 = arith.constant 0 : i32
    %dma_start3A_37 = tpu.memref_slice %arg8[%dma_start3A_35, %dma_start3A_36] : memref<2x128xi32, #tpu.memory_space<vmem>> -> memref<1x128xi32, #tpu.memory_space<vmem>>
    %dma_start3A_38 = tpu.memref_squeeze %dma_start3A_37 : memref<1x128xi32, #tpu.memory_space<vmem>> -> memref<128xi32, #tpu.memory_space<vmem>>
    %dma_start3A_39 = arith.constant 0 : i32
    %dma_start3A_40 = tpu.memref_slice %arg4[%arg1, %dma_start3A_34, %dma_start3A_39] : memref<16x158x128xi32, #tpu.memory_space<hbm>> -> memref<1x1x128xi32, #tpu.memory_space<hbm>>
    %dma_start3A_41 = tpu.memref_squeeze %dma_start3A_40 : memref<1x1x128xi32, #tpu.memory_space<hbm>> -> memref<128xi32, #tpu.memory_space<hbm>>
    %dma_start3A_42 = arith.constant 0 : i32
    %dma_start3A_43 = tpu.memref_slice %arg8[%dma_start3A_35, %dma_start3A_42] : memref<2x128xi32, #tpu.memory_space<vmem>> -> memref<1x128xi32, #tpu.memory_space<vmem>>
    %dma_start3A_44 = tpu.memref_squeeze %dma_start3A_43 : memref<1x128xi32, #tpu.memory_space<vmem>> -> memref<128xi32, #tpu.memory_space<vmem>>
    %dma_start3A_45 = arith.constant 0 : i32
    %dma_start3A_46 = tpu.memref_slice %arg4[%arg1, %dma_start3A_34, %dma_start3A_45] : memref<16x158x128xi32, #tpu.memory_space<hbm>> -> memref<1x1x128xi32, #tpu.memory_space<hbm>>
    %dma_start3A_47 = tpu.memref_squeeze %dma_start3A_46 : memref<1x1x128xi32, #tpu.memory_space<hbm>> -> memref<128xi32, #tpu.memory_space<hbm>>
    tpu.enqueue_dma source(%dma_start3A_47 : memref<128xi32, #tpu.memory_space<hbm>>) target(%dma_start3A_44 : memref<128xi32, #tpu.memory_space<vmem>>) target_semaphore(%arg18 : memref<!tpu.dma_semaphore, #tpu.memory_space<semaphore_mem>>)
    %scan3A = arith.constant 0 : i32
    %scan3A_48 = arith.constant 0 : i32
    %scan3A_49 = arith.constant 79 : i32
    %scan3A_50 = arith.addi %scan3A_48, %scan3A_49 : i32
    %scan3A_51 = arith.constant 1 : i32
    scf.for %scan3A_61 = %scan3A_48 to %scan3A_50 step %scan3A_51  : i32 {
      %mul3A_62 = arith.constant 2 : i32
      %mul3A_63 = arith.muli %mul3A_62, %scan3A_61 : i32
      %add3A_64 = arith.constant 1 : i32
      %add3A_65 = arith.addi %mul3A_63, %add3A_64 : i32
      %dma_wait3A = arith.constant 0 : i32
      %dma_wait3A_66 = tpu.memref_slice %arg7[%mul3A_63, %dma_wait3A] : memref<158x128xi32, #tpu.memory_space<vmem>> -> memref<1x128xi32, #tpu.memory_space<vmem>>
      %dma_wait3A_67 = tpu.memref_squeeze %dma_wait3A_66 : memref<1x128xi32, #tpu.memory_space<vmem>> -> memref<128xi32, #tpu.memory_space<vmem>>
      %dma_wait3A_68 = arith.constant 0 : i32
      %dma_wait3A_69 = arith.constant 0 : i32
      %dma_wait3A_70 = tpu.memref_slice %arg12[%dma_wait3A_68, %dma_wait3A_69] : memref<10240x32xf32, #tpu.memory_space<vmem_shared>> -> memref<10240x32xf32, #tpu.memory_space<vmem_shared>>
      tpu.wait_indirect_dma semaphore(%arg13 : memref<!tpu.dma_semaphore, #tpu.memory_space<semaphore_mem>>) src(%dma_wait3A_70 : memref<10240x32xf32, #tpu.memory_space<vmem_shared>>) dst(%arg9 : memref<128x32xf32, #tpu.memory_space<vmem>>)
      %dma_wait3A_71 = arith.constant 0 : i32
      %dma_wait3A_72 = arith.constant 0 : i32
      %dma_wait3A_73 = tpu.memref_slice %arg8[%dma_wait3A_71, %dma_wait3A_72] : memref<2x128xi32, #tpu.memory_space<vmem>> -> memref<1x128xi32, #tpu.memory_space<vmem>>
      %dma_wait3A_74 = tpu.memref_squeeze %dma_wait3A_73 : memref<1x128xi32, #tpu.memory_space<vmem>> -> memref<128xi32, #tpu.memory_space<vmem>>
      %dma_wait3A_75 = arith.constant 0 : i32
      %dma_wait3A_76 = tpu.memref_slice %arg4[%arg1, %mul3A_63, %dma_wait3A_75] : memref<16x158x128xi32, #tpu.memory_space<hbm>> -> memref<1x1x128xi32, #tpu.memory_space<hbm>>
      %dma_wait3A_77 = tpu.memref_squeeze %dma_wait3A_76 : memref<1x1x128xi32, #tpu.memory_space<hbm>> -> memref<128xi32, #tpu.memory_space<hbm>>
      %dma_wait3A_78 = arith.constant 0 : i32
      %dma_wait3A_79 = tpu.memref_slice %arg8[%dma_wait3A_71, %dma_wait3A_78] : memref<2x128xi32, #tpu.memory_space<vmem>> -> memref<1x128xi32, #tpu.memory_space<vmem>>
      %dma_wait3A_80 = tpu.memref_squeeze %dma_wait3A_79 : memref<1x128xi32, #tpu.memory_space<vmem>> -> memref<128xi32, #tpu.memory_space<vmem>>
      %dma_wait3A_81 = arith.constant 0 : i32
      %dma_wait3A_82 = tpu.memref_slice %arg4[%arg1, %mul3A_63, %dma_wait3A_81] : memref<16x158x128xi32, #tpu.memory_space<hbm>> -> memref<1x1x128xi32, #tpu.memory_space<hbm>>
      %dma_wait3A_83 = tpu.memref_squeeze %dma_wait3A_82 : memref<1x1x128xi32, #tpu.memory_space<hbm>> -> memref<128xi32, #tpu.memory_space<hbm>>
      tpu.wait_dma2 semaphore(%arg17 : memref<!tpu.dma_semaphore, #tpu.memory_space<semaphore_mem>>) src(%dma_wait3A_83 : memref<128xi32, #tpu.memory_space<hbm>>) dst(%dma_wait3A_80 : memref<128xi32, #tpu.memory_space<vmem>>)
      %dma_start3A_84 = arith.constant 0 : i32
      %dma_start3A_85 = arith.constant 0 : i32
      %dma_start3A_86 = tpu.memref_slice %arg8[%dma_start3A_84, %dma_start3A_85] : memref<2x128xi32, #tpu.memory_space<vmem>> -> memref<1x128xi32, #tpu.memory_space<vmem>>
      %dma_start3A_87 = tpu.memref_squeeze %dma_start3A_86 : memref<1x128xi32, #tpu.memory_space<vmem>> -> memref<128xi32, #tpu.memory_space<vmem>>
      %dma_start3A_88 = arith.constant 0 : i32
      %dma_start3A_89 = arith.constant 0 : i32
      %dma_start3A_90 = tpu.memref_slice %arg11[%dma_start3A_88, %dma_start3A_89] : memref<10240x32xf32, #tpu.memory_space<vmem_shared>> -> memref<10240x32xf32, #tpu.memory_space<vmem_shared>>
      tpu.enqueue_indirect_dma source(%arg9 : memref<128x32xf32, #tpu.memory_space<vmem>>) target(%dma_start3A_90 : memref<10240x32xf32, #tpu.memory_space<vmem_shared>>) offsets(%dma_start3A_87 : memref<128xi32, #tpu.memory_space<vmem>>) semaphore(%arg15 : memref<!tpu.dma_semaphore, #tpu.memory_space<semaphore_mem>>) {add = true}
      %dma_wait3A_91 = arith.constant 0 : i32
      %dma_wait3A_92 = tpu.memref_slice %arg7[%add3A_65, %dma_wait3A_91] : memref<158x128xi32, #tpu.memory_space<vmem>> -> memref<1x128xi32, #tpu.memory_space<vmem>>
      %dma_wait3A_93 = tpu.memref_squeeze %dma_wait3A_92 : memref<1x128xi32, #tpu.memory_space<vmem>> -> memref<128xi32, #tpu.memory_space<vmem>>
      %dma_wait3A_94 = arith.constant 0 : i32
      %dma_wait3A_95 = arith.constant 0 : i32
      %dma_wait3A_96 = tpu.memref_slice %arg12[%dma_wait3A_94, %dma_wait3A_95] : memref<10240x32xf32, #tpu.memory_space<vmem_shared>> -> memref<10240x32xf32, #tpu.memory_space<vmem_shared>>
      tpu.wait_indirect_dma semaphore(%arg14 : memref<!tpu.dma_semaphore, #tpu.memory_space<semaphore_mem>>) src(%dma_wait3A_96 : memref<10240x32xf32, #tpu.memory_space<vmem_shared>>) dst(%arg10 : memref<128x32xf32, #tpu.memory_space<vmem>>)
      %dma_wait3A_97 = arith.constant 1 : i32
      %dma_wait3A_98 = arith.constant 0 : i32
      %dma_wait3A_99 = tpu.memref_slice %arg8[%dma_wait3A_97, %dma_wait3A_98] : memref<2x128xi32, #tpu.memory_space<vmem>> -> memref<1x128xi32, #tpu.memory_space<vmem>>
      %dma_wait3A_100 = tpu.memref_squeeze %dma_wait3A_99 : memref<1x128xi32, #tpu.memory_space<vmem>> -> memref<128xi32, #tpu.memory_space<vmem>>
      %dma_wait3A_101 = arith.constant 0 : i32
      %dma_wait3A_102 = tpu.memref_slice %arg4[%arg1, %add3A_65, %dma_wait3A_101] : memref<16x158x128xi32, #tpu.memory_space<hbm>> -> memref<1x1x128xi32, #tpu.memory_space<hbm>>
      %dma_wait3A_103 = tpu.memref_squeeze %dma_wait3A_102 : memref<1x1x128xi32, #tpu.memory_space<hbm>> -> memref<128xi32, #tpu.memory_space<hbm>>
      %dma_wait3A_104 = arith.constant 0 : i32
      %dma_wait3A_105 = tpu.memref_slice %arg8[%dma_wait3A_97, %dma_wait3A_104] : memref<2x128xi32, #tpu.memory_space<vmem>> -> memref<1x128xi32, #tpu.memory_space<vmem>>
      %dma_wait3A_106 = tpu.memref_squeeze %dma_wait3A_105 : memref<1x128xi32, #tpu.memory_space<vmem>> -> memref<128xi32, #tpu.memory_space<vmem>>
      %dma_wait3A_107 = arith.constant 0 : i32
      %dma_wait3A_108 = tpu.memref_slice %arg4[%arg1, %add3A_65, %dma_wait3A_107] : memref<16x158x128xi32, #tpu.memory_space<hbm>> -> memref<1x1x128xi32, #tpu.memory_space<hbm>>
      %dma_wait3A_109 = tpu.memref_squeeze %dma_wait3A_108 : memref<1x1x128xi32, #tpu.memory_space<hbm>> -> memref<128xi32, #tpu.memory_space<hbm>>
      tpu.wait_dma2 semaphore(%arg18 : memref<!tpu.dma_semaphore, #tpu.memory_space<semaphore_mem>>) src(%dma_wait3A_109 : memref<128xi32, #tpu.memory_space<hbm>>) dst(%dma_wait3A_106 : memref<128xi32, #tpu.memory_space<vmem>>)
      %dma_start3A_110 = arith.constant 1 : i32
      %dma_start3A_111 = arith.constant 0 : i32
      %dma_start3A_112 = tpu.memref_slice %arg8[%dma_start3A_110, %dma_start3A_111] : memref<2x128xi32, #tpu.memory_space<vmem>> -> memref<1x128xi32, #tpu.memory_space<vmem>>
      %dma_start3A_113 = tpu.memref_squeeze %dma_start3A_112 : memref<1x128xi32, #tpu.memory_space<vmem>> -> memref<128xi32, #tpu.memory_space<vmem>>
      %dma_start3A_114 = arith.constant 0 : i32
      %dma_start3A_115 = arith.constant 0 : i32
      %dma_start3A_116 = tpu.memref_slice %arg11[%dma_start3A_114, %dma_start3A_115] : memref<10240x32xf32, #tpu.memory_space<vmem_shared>> -> memref<10240x32xf32, #tpu.memory_space<vmem_shared>>
      tpu.enqueue_indirect_dma source(%arg10 : memref<128x32xf32, #tpu.memory_space<vmem>>) target(%dma_start3A_116 : memref<10240x32xf32, #tpu.memory_space<vmem_shared>>) offsets(%dma_start3A_113 : memref<128xi32, #tpu.memory_space<vmem>>) semaphore(%arg16 : memref<!tpu.dma_semaphore, #tpu.memory_space<semaphore_mem>>) {add = true}
      %dma_wait3A_117 = arith.constant 0 : i32
      %dma_wait3A_118 = arith.constant 0 : i32
      %dma_wait3A_119 = tpu.memref_slice %arg8[%dma_wait3A_117, %dma_wait3A_118] : memref<2x128xi32, #tpu.memory_space<vmem>> -> memref<1x128xi32, #tpu.memory_space<vmem>>
      %dma_wait3A_120 = tpu.memref_squeeze %dma_wait3A_119 : memref<1x128xi32, #tpu.memory_space<vmem>> -> memref<128xi32, #tpu.memory_space<vmem>>
      %dma_wait3A_121 = arith.constant 0 : i32
      %dma_wait3A_122 = arith.constant 0 : i32
      %dma_wait3A_123 = tpu.memref_slice %arg11[%dma_wait3A_121, %dma_wait3A_122] : memref<10240x32xf32, #tpu.memory_space<vmem_shared>> -> memref<10240x32xf32, #tpu.memory_space<vmem_shared>>
      tpu.wait_indirect_dma semaphore(%arg15 : memref<!tpu.dma_semaphore, #tpu.memory_space<semaphore_mem>>) src(%arg9 : memref<128x32xf32, #tpu.memory_space<vmem>>) dst(%dma_wait3A_123 : memref<10240x32xf32, #tpu.memory_space<vmem_shared>>)
      %add3A_124 = arith.constant 2 : i32
      %add3A_125 = arith.addi %mul3A_63, %add3A_124 : i32
      %lt3A = arith.constant 158 : i32
      %lt3A_126 = arith.cmpi slt, %add3A_125, %lt3A : i32
      %convert_element_type3A = arith.extui %lt3A_126 : i1 to i32
      %cond3A = arith.constant 0 : i32
      %cond3A_127 = arith.cmpi ne, %convert_element_type3A, %cond3A : i32
      scf.if %cond3A_127 {
        %add3A_142 = arith.constant 2 : i32
        %add3A_143 = arith.addi %mul3A_63, %add3A_142 : i32
        %dma_start3A_144 = arith.constant 0 : i32
        %dma_start3A_145 = tpu.memref_slice %arg7[%add3A_143, %dma_start3A_144] : memref<158x128xi32, #tpu.memory_space<vmem>> -> memref<1x128xi32, #tpu.memory_space<vmem>>
        %dma_start3A_146 = tpu.memref_squeeze %dma_start3A_145 : memref<1x128xi32, #tpu.memory_space<vmem>> -> memref<128xi32, #tpu.memory_space<vmem>>
        %dma_start3A_147 = arith.constant 0 : i32
        %dma_start3A_148 = arith.constant 0 : i32
        %dma_start3A_149 = tpu.memref_slice %arg12[%dma_start3A_147, %dma_start3A_148] : memref<10240x32xf32, #tpu.memory_space<vmem_shared>> -> memref<10240x32xf32, #tpu.memory_space<vmem_shared>>
        tpu.enqueue_indirect_dma source(%dma_start3A_149 : memref<10240x32xf32, #tpu.memory_space<vmem_shared>>) target(%arg9 : memref<128x32xf32, #tpu.memory_space<vmem>>) offsets(%dma_start3A_146 : memref<128xi32, #tpu.memory_space<vmem>>) semaphore(%arg13 : memref<!tpu.dma_semaphore, #tpu.memory_space<semaphore_mem>>)
        %add3A_150 = arith.constant 2 : i32
        %add3A_151 = arith.addi %mul3A_63, %add3A_150 : i32
        %dma_start3A_152 = arith.constant 0 : i32
        %dma_start3A_153 = arith.constant 0 : i32
        %dma_start3A_154 = tpu.memref_slice %arg8[%dma_start3A_152, %dma_start3A_153] : memref<2x128xi32, #tpu.memory_space<vmem>> -> memref<1x128xi32, #tpu.memory_space<vmem>>
        %dma_start3A_155 = tpu.memref_squeeze %dma_start3A_154 : memref<1x128xi32, #tpu.memory_space<vmem>> -> memref<128xi32, #tpu.memory_space<vmem>>
        %dma_start3A_156 = arith.constant 0 : i32
        %dma_start3A_157 = tpu.memref_slice %arg4[%arg1, %add3A_151, %dma_start3A_156] : memref<16x158x128xi32, #tpu.memory_space<hbm>> -> memref<1x1x128xi32, #tpu.memory_space<hbm>>
        %dma_start3A_158 = tpu.memref_squeeze %dma_start3A_157 : memref<1x1x128xi32, #tpu.memory_space<hbm>> -> memref<128xi32, #tpu.memory_space<hbm>>
        %dma_start3A_159 = arith.constant 0 : i32
        %dma_start3A_160 = tpu.memref_slice %arg8[%dma_start3A_152, %dma_start3A_159] : memref<2x128xi32, #tpu.memory_space<vmem>> -> memref<1x128xi32, #tpu.memory_space<vmem>>
        %dma_start3A_161 = tpu.memref_squeeze %dma_start3A_160 : memref<1x128xi32, #tpu.memory_space<vmem>> -> memref<128xi32, #tpu.memory_space<vmem>>
        %dma_start3A_162 = arith.constant 0 : i32
        %dma_start3A_163 = tpu.memref_slice %arg4[%arg1, %add3A_151, %dma_start3A_162] : memref<16x158x128xi32, #tpu.memory_space<hbm>> -> memref<1x1x128xi32, #tpu.memory_space<hbm>>
        %dma_start3A_164 = tpu.memref_squeeze %dma_start3A_163 : memref<1x1x128xi32, #tpu.memory_space<hbm>> -> memref<128xi32, #tpu.memory_space<hbm>>
        tpu.enqueue_dma source(%dma_start3A_164 : memref<128xi32, #tpu.memory_space<hbm>>) target(%dma_start3A_161 : memref<128xi32, #tpu.memory_space<vmem>>) target_semaphore(%arg17 : memref<!tpu.dma_semaphore, #tpu.memory_space<semaphore_mem>>)
      } else {
      }
      %dma_wait3A_128 = arith.constant 1 : i32
      %dma_wait3A_129 = arith.constant 0 : i32
      %dma_wait3A_130 = tpu.memref_slice %arg8[%dma_wait3A_128, %dma_wait3A_129] : memref<2x128xi32, #tpu.memory_space<vmem>> -> memref<1x128xi32, #tpu.memory_space<vmem>>
      %dma_wait3A_131 = tpu.memref_squeeze %dma_wait3A_130 : memref<1x128xi32, #tpu.memory_space<vmem>> -> memref<128xi32, #tpu.memory_space<vmem>>
      %dma_wait3A_132 = arith.constant 0 : i32
      %dma_wait3A_133 = arith.constant 0 : i32
      %dma_wait3A_134 = tpu.memref_slice %arg11[%dma_wait3A_132, %dma_wait3A_133] : memref<10240x32xf32, #tpu.memory_space<vmem_shared>> -> memref<10240x32xf32, #tpu.memory_space<vmem_shared>>
      tpu.wait_indirect_dma semaphore(%arg16 : memref<!tpu.dma_semaphore, #tpu.memory_space<semaphore_mem>>) src(%arg10 : memref<128x32xf32, #tpu.memory_space<vmem>>) dst(%dma_wait3A_134 : memref<10240x32xf32, #tpu.memory_space<vmem_shared>>)
      %add3A_135 = arith.constant 2 : i32
      %add3A_136 = arith.addi %add3A_65, %add3A_135 : i32
      %lt3A_137 = arith.constant 158 : i32
      %lt3A_138 = arith.cmpi slt, %add3A_136, %lt3A_137 : i32
      %convert_element_type3A_139 = arith.extui %lt3A_138 : i1 to i32
      %cond3A_140 = arith.constant 0 : i32
      %cond3A_141 = arith.cmpi ne, %convert_element_type3A_139, %cond3A_140 : i32
      scf.if %cond3A_141 {
        %add3A_142 = arith.constant 2 : i32
        %add3A_143 = arith.addi %add3A_65, %add3A_142 : i32
        %dma_start3A_144 = arith.constant 0 : i32
        %dma_start3A_145 = tpu.memref_slice %arg7[%add3A_143, %dma_start3A_144] : memref<158x128xi32, #tpu.memory_space<vmem>> -> memref<1x128xi32, #tpu.memory_space<vmem>>
        %dma_start3A_146 = tpu.memref_squeeze %dma_start3A_145 : memref<1x128xi32, #tpu.memory_space<vmem>> -> memref<128xi32, #tpu.memory_space<vmem>>
        %dma_start3A_147 = arith.constant 0 : i32
        %dma_start3A_148 = arith.constant 0 : i32
        %dma_start3A_149 = tpu.memref_slice %arg12[%dma_start3A_147, %dma_start3A_148] : memref<10240x32xf32, #tpu.memory_space<vmem_shared>> -> memref<10240x32xf32, #tpu.memory_space<vmem_shared>>
        tpu.enqueue_indirect_dma source(%dma_start3A_149 : memref<10240x32xf32, #tpu.memory_space<vmem_shared>>) target(%arg10 : memref<128x32xf32, #tpu.memory_space<vmem>>) offsets(%dma_start3A_146 : memref<128xi32, #tpu.memory_space<vmem>>) semaphore(%arg14 : memref<!tpu.dma_semaphore, #tpu.memory_space<semaphore_mem>>)
        %add3A_150 = arith.constant 2 : i32
        %add3A_151 = arith.addi %add3A_65, %add3A_150 : i32
        %dma_start3A_152 = arith.constant 1 : i32
        %dma_start3A_153 = arith.constant 0 : i32
        %dma_start3A_154 = tpu.memref_slice %arg8[%dma_start3A_152, %dma_start3A_153] : memref<2x128xi32, #tpu.memory_space<vmem>> -> memref<1x128xi32, #tpu.memory_space<vmem>>
        %dma_start3A_155 = tpu.memref_squeeze %dma_start3A_154 : memref<1x128xi32, #tpu.memory_space<vmem>> -> memref<128xi32, #tpu.memory_space<vmem>>
        %dma_start3A_156 = arith.constant 0 : i32
        %dma_start3A_157 = tpu.memref_slice %arg4[%arg1, %add3A_151, %dma_start3A_156] : memref<16x158x128xi32, #tpu.memory_space<hbm>> -> memref<1x1x128xi32, #tpu.memory_space<hbm>>
        %dma_start3A_158 = tpu.memref_squeeze %dma_start3A_157 : memref<1x1x128xi32, #tpu.memory_space<hbm>> -> memref<128xi32, #tpu.memory_space<hbm>>
        %dma_start3A_159 = arith.constant 0 : i32
        %dma_start3A_160 = tpu.memref_slice %arg8[%dma_start3A_152, %dma_start3A_159] : memref<2x128xi32, #tpu.memory_space<vmem>> -> memref<1x128xi32, #tpu.memory_space<vmem>>
        %dma_start3A_161 = tpu.memref_squeeze %dma_start3A_160 : memref<1x128xi32, #tpu.memory_space<vmem>> -> memref<128xi32, #tpu.memory_space<vmem>>
        %dma_start3A_162 = arith.constant 0 : i32
        %dma_start3A_163 = tpu.memref_slice %arg4[%arg1, %add3A_151, %dma_start3A_162] : memref<16x158x128xi32, #tpu.memory_space<hbm>> -> memref<1x1x128xi32, #tpu.memory_space<hbm>>
        %dma_start3A_164 = tpu.memref_squeeze %dma_start3A_163 : memref<1x1x128xi32, #tpu.memory_space<hbm>> -> memref<128xi32, #tpu.memory_space<hbm>>
        tpu.enqueue_dma source(%dma_start3A_164 : memref<128xi32, #tpu.memory_space<hbm>>) target(%dma_start3A_161 : memref<128xi32, #tpu.memory_space<vmem>>) target_semaphore(%arg18 : memref<!tpu.dma_semaphore, #tpu.memory_space<semaphore_mem>>)
      } else {
      }
    }
    %scan3A_52 = arith.constant 79 : i32
    %barrier3A_53 = arith.constant 0 : index
    tpu.barrier barrier_id(%barrier3A_53)
    %mul3A_54 = arith.constant 10240 : i32
    %mul3A_55 = arith.muli %arg0, %mul3A_54 : i32
    %mul3A_56 = arith.constant 640 : i32
    %mul3A_57 = arith.muli %arg1, %mul3A_56 : i32
    %add3A_58 = arith.addi %mul3A_55, %mul3A_57 : i32
    %mul3A_59 = arith.constant 640 : i32
    %mul3A_60 = arith.muli %arg1, %mul3A_59 : i32
    "tpu.region"() ({
      %run_scoped3A = tpu.sem_alloc : memref<!tpu.dma_semaphore, #tpu.memory_space<semaphore_mem>>
      %dma_start3A_61 = arith.constant 0 : i32
      %dma_start3A_62 = tpu.memref_slice %arg6[%add3A_58, %dma_start3A_61] : memref<20480x32xf32, #tpu.memory_space<hbm>> -> memref<640x32xf32, #tpu.memory_space<hbm>>
      %dma_start3A_63 = arith.constant 0 : i32
      %dma_start3A_64 = tpu.memref_slice %arg11[%mul3A_60, %dma_start3A_63] : memref<10240x32xf32, #tpu.memory_space<vmem_shared>> -> memref<640x32xf32, #tpu.memory_space<vmem_shared>>
      tpu.enqueue_dma source(%dma_start3A_64 : memref<640x32xf32, #tpu.memory_space<vmem_shared>>) target(%dma_start3A_62 : memref<640x32xf32, #tpu.memory_space<hbm>>) target_semaphore(%run_scoped3A : memref<!tpu.dma_semaphore, #tpu.memory_space<semaphore_mem>>)
      %dma_wait3A = arith.constant 0 : i32
      %dma_wait3A_65 = tpu.memref_slice %arg6[%add3A_58, %dma_wait3A] : memref<20480x32xf32, #tpu.memory_space<hbm>> -> memref<640x32xf32, #tpu.memory_space<hbm>>
      %dma_wait3A_66 = arith.constant 0 : i32
      %dma_wait3A_67 = tpu.memref_slice %arg11[%mul3A_60, %dma_wait3A_66] : memref<10240x32xf32, #tpu.memory_space<vmem_shared>> -> memref<640x32xf32, #tpu.memory_space<vmem_shared>>
      tpu.wait_dma2 semaphore(%run_scoped3A : memref<!tpu.dma_semaphore, #tpu.memory_space<semaphore_mem>>) src(%dma_wait3A_67 : memref<640x32xf32, #tpu.memory_space<vmem_shared>>) dst(%dma_wait3A_65 : memref<640x32xf32, #tpu.memory_space<hbm>>)
      tpu.yield
    }) : () -> ()
    return
  }
}

#map = affine_map<(d0, d1) -> (0, 0)>
#map1 = affine_map<(d0, d1) -> (0, 0, 0)>
module attributes {stable_mosaic.version = 14 : i64} {
  func.func @_edge_sum_kernel(%arg0: i32, %arg1: i32, %arg2: memref<10240x64xf32, #tpu.memory_space<hbm>>, %arg3: memref<10240x64xf32, #tpu.memory_space<hbm>>, %arg4: memref<32x80x128xi32, #tpu.memory_space<hbm>>, %arg5: memref<32x80x128xi32, #tpu.memory_space<hbm>>, %arg6: memref<327680x64xf32, #tpu.memory_space<hbm>>, %arg7: memref<80x128xi32, #tpu.memory_space<vmem>>, %arg8: memref<80x128xi32, #tpu.memory_space<vmem>>, %arg9: memref<128x64xf32, #tpu.memory_space<vmem>>, %arg10: memref<128x64xf32, #tpu.memory_space<vmem>>, %arg11: memref<128x64xf32, #tpu.memory_space<vmem>>, %arg12: memref<128x64xf32, #tpu.memory_space<vmem>>, %arg13: memref<128x64xf32, #tpu.memory_space<vmem>>, %arg14: memref<128x64xf32, #tpu.memory_space<vmem>>, %arg15: memref<10240x64xf32, #tpu.memory_space<vmem_shared>>, %arg16: memref<!tpu.dma_semaphore, #tpu.memory_space<semaphore_mem>>, %arg17: memref<!tpu.dma_semaphore, #tpu.memory_space<semaphore_mem>>, %arg18: memref<!tpu.dma_semaphore, #tpu.memory_space<semaphore_mem>>, %arg19: memref<!tpu.dma_semaphore, #tpu.memory_space<semaphore_mem>>, %arg20: memref<!tpu.dma_semaphore, #tpu.memory_space<semaphore_mem>>, %arg21: memref<!tpu.dma_semaphore, #tpu.memory_space<semaphore_mem>>) attributes {dimension_semantics = [#tpu.dimension_semantics<core_parallel>, #tpu.dimension_semantics<subcore_parallel>], iteration_bounds = array<i64: 2, 16>, scalar_prefetch = 0 : i64, scratch_operands = 15 : i64, tpu.core_type = #tpu.core_type<sc_vector_subcore>, window_params = [{transform_indices = #map}, {transform_indices = #map}, {transform_indices = #map1}, {transform_indices = #map1}, {transform_indices = #map}]} {
    %mul3A = arith.constant 2 : i32
    %mul3A_0 = arith.muli %arg1, %mul3A : i32
    %add3A = arith.addi %mul3A_0, %arg0 : i32
    "tpu.region"() ({
      %run_scoped3A = tpu.sem_alloc : memref<!tpu.dma_semaphore, #tpu.memory_space<semaphore_mem>>
      %dma_start3A_56 = arith.constant 0 : i32
      %dma_start3A_57 = arith.constant 0 : i32
      %dma_start3A_58 = tpu.memref_slice %arg4[%add3A, %dma_start3A_56, %dma_start3A_57] : memref<32x80x128xi32, #tpu.memory_space<hbm>> -> memref<1x80x128xi32, #tpu.memory_space<hbm>>
      %dma_start3A_59 = tpu.memref_squeeze %dma_start3A_58 : memref<1x80x128xi32, #tpu.memory_space<hbm>> -> memref<80x128xi32, #tpu.memory_space<hbm>>
      %dma_start3A_60 = arith.constant 0 : i32
      %dma_start3A_61 = arith.constant 0 : i32
      %dma_start3A_62 = tpu.memref_slice %arg4[%add3A, %dma_start3A_60, %dma_start3A_61] : memref<32x80x128xi32, #tpu.memory_space<hbm>> -> memref<1x80x128xi32, #tpu.memory_space<hbm>>
      %dma_start3A_63 = tpu.memref_squeeze %dma_start3A_62 : memref<1x80x128xi32, #tpu.memory_space<hbm>> -> memref<80x128xi32, #tpu.memory_space<hbm>>
      tpu.enqueue_dma source(%dma_start3A_63 : memref<80x128xi32, #tpu.memory_space<hbm>>) target(%arg7 : memref<80x128xi32, #tpu.memory_space<vmem>>) target_semaphore(%run_scoped3A : memref<!tpu.dma_semaphore, #tpu.memory_space<semaphore_mem>>)
      %dma_wait3A_64 = arith.constant 0 : i32
      %dma_wait3A_65 = arith.constant 0 : i32
      %dma_wait3A_66 = tpu.memref_slice %arg4[%add3A, %dma_wait3A_64, %dma_wait3A_65] : memref<32x80x128xi32, #tpu.memory_space<hbm>> -> memref<1x80x128xi32, #tpu.memory_space<hbm>>
      %dma_wait3A_67 = tpu.memref_squeeze %dma_wait3A_66 : memref<1x80x128xi32, #tpu.memory_space<hbm>> -> memref<80x128xi32, #tpu.memory_space<hbm>>
      %dma_wait3A_68 = arith.constant 0 : i32
      %dma_wait3A_69 = arith.constant 0 : i32
      %dma_wait3A_70 = tpu.memref_slice %arg4[%add3A, %dma_wait3A_68, %dma_wait3A_69] : memref<32x80x128xi32, #tpu.memory_space<hbm>> -> memref<1x80x128xi32, #tpu.memory_space<hbm>>
      %dma_wait3A_71 = tpu.memref_squeeze %dma_wait3A_70 : memref<1x80x128xi32, #tpu.memory_space<hbm>> -> memref<80x128xi32, #tpu.memory_space<hbm>>
      tpu.wait_dma2 semaphore(%run_scoped3A : memref<!tpu.dma_semaphore, #tpu.memory_space<semaphore_mem>>) src(%dma_wait3A_71 : memref<80x128xi32, #tpu.memory_space<hbm>>) dst(%arg7 : memref<80x128xi32, #tpu.memory_space<vmem>>)
      tpu.yield
    }) : () -> ()
    "tpu.region"() ({
      %run_scoped3A = tpu.sem_alloc : memref<!tpu.dma_semaphore, #tpu.memory_space<semaphore_mem>>
      %dma_start3A_56 = arith.constant 0 : i32
      %dma_start3A_57 = arith.constant 0 : i32
      %dma_start3A_58 = tpu.memref_slice %arg5[%add3A, %dma_start3A_56, %dma_start3A_57] : memref<32x80x128xi32, #tpu.memory_space<hbm>> -> memref<1x80x128xi32, #tpu.memory_space<hbm>>
      %dma_start3A_59 = tpu.memref_squeeze %dma_start3A_58 : memref<1x80x128xi32, #tpu.memory_space<hbm>> -> memref<80x128xi32, #tpu.memory_space<hbm>>
      %dma_start3A_60 = arith.constant 0 : i32
      %dma_start3A_61 = arith.constant 0 : i32
      %dma_start3A_62 = tpu.memref_slice %arg5[%add3A, %dma_start3A_60, %dma_start3A_61] : memref<32x80x128xi32, #tpu.memory_space<hbm>> -> memref<1x80x128xi32, #tpu.memory_space<hbm>>
      %dma_start3A_63 = tpu.memref_squeeze %dma_start3A_62 : memref<1x80x128xi32, #tpu.memory_space<hbm>> -> memref<80x128xi32, #tpu.memory_space<hbm>>
      tpu.enqueue_dma source(%dma_start3A_63 : memref<80x128xi32, #tpu.memory_space<hbm>>) target(%arg8 : memref<80x128xi32, #tpu.memory_space<vmem>>) target_semaphore(%run_scoped3A : memref<!tpu.dma_semaphore, #tpu.memory_space<semaphore_mem>>)
      %dma_wait3A_64 = arith.constant 0 : i32
      %dma_wait3A_65 = arith.constant 0 : i32
      %dma_wait3A_66 = tpu.memref_slice %arg5[%add3A, %dma_wait3A_64, %dma_wait3A_65] : memref<32x80x128xi32, #tpu.memory_space<hbm>> -> memref<1x80x128xi32, #tpu.memory_space<hbm>>
      %dma_wait3A_67 = tpu.memref_squeeze %dma_wait3A_66 : memref<1x80x128xi32, #tpu.memory_space<hbm>> -> memref<80x128xi32, #tpu.memory_space<hbm>>
      %dma_wait3A_68 = arith.constant 0 : i32
      %dma_wait3A_69 = arith.constant 0 : i32
      %dma_wait3A_70 = tpu.memref_slice %arg5[%add3A, %dma_wait3A_68, %dma_wait3A_69] : memref<32x80x128xi32, #tpu.memory_space<hbm>> -> memref<1x80x128xi32, #tpu.memory_space<hbm>>
      %dma_wait3A_71 = tpu.memref_squeeze %dma_wait3A_70 : memref<1x80x128xi32, #tpu.memory_space<hbm>> -> memref<80x128xi32, #tpu.memory_space<hbm>>
      tpu.wait_dma2 semaphore(%run_scoped3A : memref<!tpu.dma_semaphore, #tpu.memory_space<semaphore_mem>>) src(%dma_wait3A_71 : memref<80x128xi32, #tpu.memory_space<hbm>>) dst(%arg8 : memref<80x128xi32, #tpu.memory_space<vmem>>)
      tpu.yield
    }) : () -> ()
    %mul3A_1 = arith.constant 640 : i32
    %mul3A_2 = arith.muli %arg1, %mul3A_1 : i32
    %mul3A_3 = arith.constant 640 : i32
    %mul3A_4 = arith.muli %arg1, %mul3A_3 : i32
    "tpu.region"() ({
      %run_scoped3A = tpu.sem_alloc : memref<!tpu.dma_semaphore, #tpu.memory_space<semaphore_mem>>
      %dma_start3A_56 = arith.constant 0 : i32
      %dma_start3A_57 = tpu.memref_slice %arg15[%mul3A_4, %dma_start3A_56] : memref<10240x64xf32, #tpu.memory_space<vmem_shared>> -> memref<640x64xf32, #tpu.memory_space<vmem_shared>>
      %dma_start3A_58 = arith.constant 0 : i32
      %dma_start3A_59 = tpu.memref_slice %arg2[%mul3A_2, %dma_start3A_58] : memref<10240x64xf32, #tpu.memory_space<hbm>> -> memref<640x64xf32, #tpu.memory_space<hbm>>
      tpu.enqueue_dma source(%dma_start3A_59 : memref<640x64xf32, #tpu.memory_space<hbm>>) target(%dma_start3A_57 : memref<640x64xf32, #tpu.memory_space<vmem_shared>>) target_semaphore(%run_scoped3A : memref<!tpu.dma_semaphore, #tpu.memory_space<semaphore_mem>>)
      %dma_wait3A_60 = arith.constant 0 : i32
      %dma_wait3A_61 = tpu.memref_slice %arg15[%mul3A_4, %dma_wait3A_60] : memref<10240x64xf32, #tpu.memory_space<vmem_shared>> -> memref<640x64xf32, #tpu.memory_space<vmem_shared>>
      %dma_wait3A_62 = arith.constant 0 : i32
      %dma_wait3A_63 = tpu.memref_slice %arg2[%mul3A_2, %dma_wait3A_62] : memref<10240x64xf32, #tpu.memory_space<hbm>> -> memref<640x64xf32, #tpu.memory_space<hbm>>
      tpu.wait_dma2 semaphore(%run_scoped3A : memref<!tpu.dma_semaphore, #tpu.memory_space<semaphore_mem>>) src(%dma_wait3A_63 : memref<640x64xf32, #tpu.memory_space<hbm>>) dst(%dma_wait3A_61 : memref<640x64xf32, #tpu.memory_space<vmem_shared>>)
      tpu.yield
    }) : () -> ()
    %barrier3A = arith.constant 0 : index
    tpu.barrier barrier_id(%barrier3A)
    %dma_start3A = arith.constant 0 : i32
    %dma_start3A_5 = arith.constant 0 : i32
    %dma_start3A_6 = tpu.memref_slice %arg7[%dma_start3A, %dma_start3A_5] : memref<80x128xi32, #tpu.memory_space<vmem>> -> memref<1x128xi32, #tpu.memory_space<vmem>>
    %dma_start3A_7 = tpu.memref_squeeze %dma_start3A_6 : memref<1x128xi32, #tpu.memory_space<vmem>> -> memref<128xi32, #tpu.memory_space<vmem>>
    %dma_start3A_8 = arith.constant 0 : i32
    %dma_start3A_9 = arith.constant 0 : i32
    %dma_start3A_10 = tpu.memref_slice %arg15[%dma_start3A_8, %dma_start3A_9] : memref<10240x64xf32, #tpu.memory_space<vmem_shared>> -> memref<10240x64xf32, #tpu.memory_space<vmem_shared>>
    tpu.enqueue_indirect_dma source(%dma_start3A_10 : memref<10240x64xf32, #tpu.memory_space<vmem_shared>>) target(%arg9 : memref<128x64xf32, #tpu.memory_space<vmem>>) offsets(%dma_start3A_7 : memref<128xi32, #tpu.memory_space<vmem>>) semaphore(%arg16 : memref<!tpu.dma_semaphore, #tpu.memory_space<semaphore_mem>>)
    %dma_start3A_11 = arith.constant 0 : i32
    %dma_start3A_12 = arith.constant 0 : i32
    %dma_start3A_13 = tpu.memref_slice %arg8[%dma_start3A_11, %dma_start3A_12] : memref<80x128xi32, #tpu.memory_space<vmem>> -> memref<1x128xi32, #tpu.memory_space<vmem>>
    %dma_start3A_14 = tpu.memref_squeeze %dma_start3A_13 : memref<1x128xi32, #tpu.memory_space<vmem>> -> memref<128xi32, #tpu.memory_space<vmem>>
    %dma_start3A_15 = arith.constant 0 : i32
    %dma_start3A_16 = arith.constant 0 : i32
    %dma_start3A_17 = tpu.memref_slice %arg3[%dma_start3A_15, %dma_start3A_16] : memref<10240x64xf32, #tpu.memory_space<hbm>> -> memref<10240x64xf32, #tpu.memory_space<hbm>>
    tpu.enqueue_indirect_dma source(%dma_start3A_17 : memref<10240x64xf32, #tpu.memory_space<hbm>>) target(%arg10 : memref<128x64xf32, #tpu.memory_space<vmem>>) offsets(%dma_start3A_14 : memref<128xi32, #tpu.memory_space<vmem>>) semaphore(%arg17 : memref<!tpu.dma_semaphore, #tpu.memory_space<semaphore_mem>>)
    %dma_start3A_18 = arith.constant 1 : i32
    %dma_start3A_19 = arith.constant 0 : i32
    %dma_start3A_20 = tpu.memref_slice %arg7[%dma_start3A_18, %dma_start3A_19] : memref<80x128xi32, #tpu.memory_space<vmem>> -> memref<1x128xi32, #tpu.memory_space<vmem>>
    %dma_start3A_21 = tpu.memref_squeeze %dma_start3A_20 : memref<1x128xi32, #tpu.memory_space<vmem>> -> memref<128xi32, #tpu.memory_space<vmem>>
    %dma_start3A_22 = arith.constant 0 : i32
    %dma_start3A_23 = arith.constant 0 : i32
    %dma_start3A_24 = tpu.memref_slice %arg15[%dma_start3A_22, %dma_start3A_23] : memref<10240x64xf32, #tpu.memory_space<vmem_shared>> -> memref<10240x64xf32, #tpu.memory_space<vmem_shared>>
    tpu.enqueue_indirect_dma source(%dma_start3A_24 : memref<10240x64xf32, #tpu.memory_space<vmem_shared>>) target(%arg11 : memref<128x64xf32, #tpu.memory_space<vmem>>) offsets(%dma_start3A_21 : memref<128xi32, #tpu.memory_space<vmem>>) semaphore(%arg18 : memref<!tpu.dma_semaphore, #tpu.memory_space<semaphore_mem>>)
    %dma_start3A_25 = arith.constant 1 : i32
    %dma_start3A_26 = arith.constant 0 : i32
    %dma_start3A_27 = tpu.memref_slice %arg8[%dma_start3A_25, %dma_start3A_26] : memref<80x128xi32, #tpu.memory_space<vmem>> -> memref<1x128xi32, #tpu.memory_space<vmem>>
    %dma_start3A_28 = tpu.memref_squeeze %dma_start3A_27 : memref<1x128xi32, #tpu.memory_space<vmem>> -> memref<128xi32, #tpu.memory_space<vmem>>
    %dma_start3A_29 = arith.constant 0 : i32
    %dma_start3A_30 = arith.constant 0 : i32
    %dma_start3A_31 = tpu.memref_slice %arg3[%dma_start3A_29, %dma_start3A_30] : memref<10240x64xf32, #tpu.memory_space<hbm>> -> memref<10240x64xf32, #tpu.memory_space<hbm>>
    tpu.enqueue_indirect_dma source(%dma_start3A_31 : memref<10240x64xf32, #tpu.memory_space<hbm>>) target(%arg12 : memref<128x64xf32, #tpu.memory_space<vmem>>) offsets(%dma_start3A_28 : memref<128xi32, #tpu.memory_space<vmem>>) semaphore(%arg19 : memref<!tpu.dma_semaphore, #tpu.memory_space<semaphore_mem>>)
    %scan3A = arith.constant 0 : i32
    %scan3A_32 = arith.constant 0 : i32
    %scan3A_33 = arith.constant 40 : i32
    %scan3A_34 = arith.addi %scan3A_32, %scan3A_33 : i32
    %scan3A_35 = arith.constant 1 : i32
    scf.for %scan3A_56 = %scan3A_32 to %scan3A_34 step %scan3A_35  : i32 {
      %mul3A_57 = arith.constant 2 : i32
      %mul3A_58 = arith.muli %mul3A_57, %scan3A_56 : i32
      %add3A_59 = arith.constant 1 : i32
      %add3A_60 = arith.addi %mul3A_58, %add3A_59 : i32
      %dma_wait3A_61 = arith.constant 0 : i32
      %dma_wait3A_62 = tpu.memref_slice %arg7[%mul3A_58, %dma_wait3A_61] : memref<80x128xi32, #tpu.memory_space<vmem>> -> memref<1x128xi32, #tpu.memory_space<vmem>>
      %dma_wait3A_63 = tpu.memref_squeeze %dma_wait3A_62 : memref<1x128xi32, #tpu.memory_space<vmem>> -> memref<128xi32, #tpu.memory_space<vmem>>
      %dma_wait3A_64 = arith.constant 0 : i32
      %dma_wait3A_65 = arith.constant 0 : i32
      %dma_wait3A_66 = tpu.memref_slice %arg15[%dma_wait3A_64, %dma_wait3A_65] : memref<10240x64xf32, #tpu.memory_space<vmem_shared>> -> memref<10240x64xf32, #tpu.memory_space<vmem_shared>>
      tpu.wait_indirect_dma semaphore(%arg16 : memref<!tpu.dma_semaphore, #tpu.memory_space<semaphore_mem>>) src(%dma_wait3A_66 : memref<10240x64xf32, #tpu.memory_space<vmem_shared>>) dst(%arg9 : memref<128x64xf32, #tpu.memory_space<vmem>>)
      %dma_wait3A_67 = arith.constant 0 : i32
      %dma_wait3A_68 = tpu.memref_slice %arg8[%mul3A_58, %dma_wait3A_67] : memref<80x128xi32, #tpu.memory_space<vmem>> -> memref<1x128xi32, #tpu.memory_space<vmem>>
      %dma_wait3A_69 = tpu.memref_squeeze %dma_wait3A_68 : memref<1x128xi32, #tpu.memory_space<vmem>> -> memref<128xi32, #tpu.memory_space<vmem>>
      %dma_wait3A_70 = arith.constant 0 : i32
      %dma_wait3A_71 = arith.constant 0 : i32
      %dma_wait3A_72 = tpu.memref_slice %arg3[%dma_wait3A_70, %dma_wait3A_71] : memref<10240x64xf32, #tpu.memory_space<hbm>> -> memref<10240x64xf32, #tpu.memory_space<hbm>>
      tpu.wait_indirect_dma semaphore(%arg17 : memref<!tpu.dma_semaphore, #tpu.memory_space<semaphore_mem>>) src(%dma_wait3A_72 : memref<10240x64xf32, #tpu.memory_space<hbm>>) dst(%arg10 : memref<128x64xf32, #tpu.memory_space<vmem>>)
      %gt3A = arith.constant 0 : i32
      %gt3A_73 = arith.cmpi sgt, %scan3A_56, %gt3A : i32
      %convert_element_type3A = arith.extui %gt3A_73 : i1 to i32
      %cond3A = arith.constant 0 : i32
      %cond3A_74 = arith.cmpi ne, %convert_element_type3A, %cond3A : i32
      scf.if %cond3A_74 {
        %sub3A = arith.constant 2 : i32
        %sub3A_135 = arith.subi %mul3A_58, %sub3A : i32
        %mul3A_136 = arith.constant 80 : i32
        %mul3A_137 = arith.muli %add3A, %mul3A_136 : i32
        %add3A_138 = arith.addi %mul3A_137, %sub3A_135 : i32
        %mul3A_139 = arith.constant 128 : i32
        %mul3A_140 = arith.muli %add3A_138, %mul3A_139 : i32
        %dma_wait3A_141 = arith.constant 0 : i32
        %dma_wait3A_142 = tpu.memref_slice %arg6[%mul3A_140, %dma_wait3A_141] : memref<327680x64xf32, #tpu.memory_space<hbm>> -> memref<128x64xf32, #tpu.memory_space<hbm>>
        %dma_wait3A_143 = arith.constant 0 : i32
        %dma_wait3A_144 = tpu.memref_slice %arg6[%mul3A_140, %dma_wait3A_143] : memref<327680x64xf32, #tpu.memory_space<hbm>> -> memref<128x64xf32, #tpu.memory_space<hbm>>
        tpu.wait_dma2 semaphore(%arg20 : memref<!tpu.dma_semaphore, #tpu.memory_space<semaphore_mem>>) src(%arg13 : memref<128x64xf32, #tpu.memory_space<vmem>>) dst(%dma_wait3A_144 : memref<128x64xf32, #tpu.memory_space<hbm>>)
      } else {
      }
      %scan3A_75 = arith.constant 0 : i32
      %scan3A_76 = arith.constant 0 : i32
      %scan3A_77 = arith.constant 32 : i32
      %scan3A_78 = arith.addi %scan3A_76, %scan3A_77 : i32
      %scan3A_79 = arith.constant 1 : i32
      scf.for %scan3A_135 = %scan3A_76 to %scan3A_78 step %scan3A_79  : i32 {
        %mul3A_136 = arith.constant 4 : i32
        %mul3A_137 = arith.muli %scan3A_135, %mul3A_136 : i32
        %add3A_138 = arith.constant 0 : i32
        %add3A_139 = arith.addi %mul3A_137, %add3A_138 : i32
        %get3A = arith.index_cast %add3A_139 : i32 to index
        %get3A_140 = arith.constant 0 : index
        %get3A_141 = tpu.vector_load %arg9[%get3A, %get3A_140] {strides = array<i32>} : memref<128x64xf32, #tpu.memory_space<vmem>>, vector<1x16xf32>,
        %get3A_142 = vector.shape_cast %get3A_141 : vector<1x16xf32> to vector<16xf32>
        %mul3A_143 = arith.constant 4 : i32
        %mul3A_144 = arith.muli %scan3A_135, %mul3A_143 : i32
        %add3A_145 = arith.constant 0 : i32
        %add3A_146 = arith.addi %mul3A_144, %add3A_145 : i32
        %get3A_147 = arith.index_cast %add3A_146 : i32 to index
        %get3A_148 = arith.constant 0 : index
        %get3A_149 = tpu.vector_load %arg10[%get3A_147, %get3A_148] {strides = array<i32>} : memref<128x64xf32, #tpu.memory_space<vmem>>, vector<1x16xf32>,
        %get3A_150 = vector.shape_cast %get3A_149 : vector<1x16xf32> to vector<16xf32>
        %add3A_151 = arith.addf %get3A_142, %get3A_150 : vector<16xf32>
        %mul3A_152 = arith.constant 4 : i32
        %mul3A_153 = arith.muli %scan3A_135, %mul3A_152 : i32
        %add3A_154 = arith.constant 0 : i32
        %add3A_155 = arith.addi %mul3A_153, %add3A_154 : i32
        %swap3A = arith.index_cast %add3A_155 : i32 to index
        %swap3A_156 = arith.constant 0 : index
        %swap3A_157 = tpu.vector_load %arg13[%swap3A, %swap3A_156] {strides = array<i32>} : memref<128x64xf32, #tpu.memory_space<vmem>>, vector<1x16xf32>,
        %swap3A_158 = vector.shape_cast %swap3A_157 : vector<1x16xf32> to vector<16xf32>
        %swap3A_159 = vector.shape_cast %add3A_151 : vector<16xf32> to vector<1x16xf32>
        tpu.vector_store %arg13[%swap3A, %swap3A_156], %swap3A_159 {strides = array<i32>} : memref<128x64xf32, #tpu.memory_space<vmem>>, vector<1x16xf32>,
        %mul3A_160 = arith.constant 4 : i32
        %mul3A_161 = arith.muli %scan3A_135, %mul3A_160 : i32
        %add3A_162 = arith.constant 0 : i32
        %add3A_163 = arith.addi %mul3A_161, %add3A_162 : i32
        %get3A_164 = arith.index_cast %add3A_163 : i32 to index
        %get3A_165 = arith.constant 16 : index
        %get3A_166 = tpu.vector_load %arg9[%get3A_164, %get3A_165] {strides = array<i32>} : memref<128x64xf32, #tpu.memory_space<vmem>>, vector<1x16xf32>,
        %get3A_167 = vector.shape_cast %get3A_166 : vector<1x16xf32> to vector<16xf32>
        %mul3A_168 = arith.constant 4 : i32
        %mul3A_169 = arith.muli %scan3A_135, %mul3A_168 : i32
        %add3A_170 = arith.constant 0 : i32
        %add3A_171 = arith.addi %mul3A_169, %add3A_170 : i32
        %get3A_172 = arith.index_cast %add3A_171 : i32 to index
        %get3A_173 = arith.constant 16 : index
        %get3A_174 = tpu.vector_load %arg10[%get3A_172, %get3A_173] {strides = array<i32>} : memref<128x64xf32, #tpu.memory_space<vmem>>, vector<1x16xf32>,
        %get3A_175 = vector.shape_cast %get3A_174 : vector<1x16xf32> to vector<16xf32>
        %add3A_176 = arith.addf %get3A_167, %get3A_175 : vector<16xf32>
        %mul3A_177 = arith.constant 4 : i32
        %mul3A_178 = arith.muli %scan3A_135, %mul3A_177 : i32
        %add3A_179 = arith.constant 0 : i32
        %add3A_180 = arith.addi %mul3A_178, %add3A_179 : i32
        %swap3A_181 = arith.index_cast %add3A_180 : i32 to index
        %swap3A_182 = arith.constant 16 : index
        %swap3A_183 = tpu.vector_load %arg13[%swap3A_181, %swap3A_182] {strides = array<i32>} : memref<128x64xf32, #tpu.memory_space<vmem>>, vector<1x16xf32>,
        %swap3A_184 = vector.shape_cast %swap3A_183 : vector<1x16xf32> to vector<16xf32>
        %swap3A_185 = vector.shape_cast %add3A_176 : vector<16xf32> to vector<1x16xf32>
        tpu.vector_store %arg13[%swap3A_181, %swap3A_182], %swap3A_185 {strides = array<i32>} : memref<128x64xf32, #tpu.memory_space<vmem>>, vector<1x16xf32>,
        %mul3A_186 = arith.constant 4 : i32
        %mul3A_187 = arith.muli %scan3A_135, %mul3A_186 : i32
        %add3A_188 = arith.constant 0 : i32
        %add3A_189 = arith.addi %mul3A_187, %add3A_188 : i32
        %get3A_190 = arith.index_cast %add3A_189 : i32 to index
        %get3A_191 = arith.constant 32 : index
        %get3A_192 = tpu.vector_load %arg9[%get3A_190, %get3A_191] {strides = array<i32>} : memref<128x64xf32, #tpu.memory_space<vmem>>, vector<1x16xf32>,
        %get3A_193 = vector.shape_cast %get3A_192 : vector<1x16xf32> to vector<16xf32>
        %mul3A_194 = arith.constant 4 : i32
        %mul3A_195 = arith.muli %scan3A_135, %mul3A_194 : i32
        %add3A_196 = arith.constant 0 : i32
        %add3A_197 = arith.addi %mul3A_195, %add3A_196 : i32
        %get3A_198 = arith.index_cast %add3A_197 : i32 to index
        %get3A_199 = arith.constant 32 : index
        %get3A_200 = tpu.vector_load %arg10[%get3A_198, %get3A_199] {strides = array<i32>} : memref<128x64xf32, #tpu.memory_space<vmem>>, vector<1x16xf32>,
        %get3A_201 = vector.shape_cast %get3A_200 : vector<1x16xf32> to vector<16xf32>
        %add3A_202 = arith.addf %get3A_193, %get3A_201 : vector<16xf32>
        %mul3A_203 = arith.constant 4 : i32
        %mul3A_204 = arith.muli %scan3A_135, %mul3A_203 : i32
        %add3A_205 = arith.constant 0 : i32
        %add3A_206 = arith.addi %mul3A_204, %add3A_205 : i32
        %swap3A_207 = arith.index_cast %add3A_206 : i32 to index
        %swap3A_208 = arith.constant 32 : index
        %swap3A_209 = tpu.vector_load %arg13[%swap3A_207, %swap3A_208] {strides = array<i32>} : memref<128x64xf32, #tpu.memory_space<vmem>>, vector<1x16xf32>,
        %swap3A_210 = vector.shape_cast %swap3A_209 : vector<1x16xf32> to vector<16xf32>
        %swap3A_211 = vector.shape_cast %add3A_202 : vector<16xf32> to vector<1x16xf32>
        tpu.vector_store %arg13[%swap3A_207, %swap3A_208], %swap3A_211 {strides = array<i32>} : memref<128x64xf32, #tpu.memory_space<vmem>>, vector<1x16xf32>,
        %mul3A_212 = arith.constant 4 : i32
        %mul3A_213 = arith.muli %scan3A_135, %mul3A_212 : i32
        %add3A_214 = arith.constant 0 : i32
        %add3A_215 = arith.addi %mul3A_213, %add3A_214 : i32
        %get3A_216 = arith.index_cast %add3A_215 : i32 to index
        %get3A_217 = arith.constant 48 : index
        %get3A_218 = tpu.vector_load %arg9[%get3A_216, %get3A_217] {strides = array<i32>} : memref<128x64xf32, #tpu.memory_space<vmem>>, vector<1x16xf32>,
        %get3A_219 = vector.shape_cast %get3A_218 : vector<1x16xf32> to vector<16xf32>
        %mul3A_220 = arith.constant 4 : i32
        %mul3A_221 = arith.muli %scan3A_135, %mul3A_220 : i32
        %add3A_222 = arith.constant 0 : i32
        %add3A_223 = arith.addi %mul3A_221, %add3A_222 : i32
        %get3A_224 = arith.index_cast %add3A_223 : i32 to index
        %get3A_225 = arith.constant 48 : index
        %get3A_226 = tpu.vector_load %arg10[%get3A_224, %get3A_225] {strides = array<i32>} : memref<128x64xf32, #tpu.memory_space<vmem>>, vector<1x16xf32>,
        %get3A_227 = vector.shape_cast %get3A_226 : vector<1x16xf32> to vector<16xf32>
        %add3A_228 = arith.addf %get3A_219, %get3A_227 : vector<16xf32>
        %mul3A_229 = arith.constant 4 : i32
        %mul3A_230 = arith.muli %scan3A_135, %mul3A_229 : i32
        %add3A_231 = arith.constant 0 : i32
        %add3A_232 = arith.addi %mul3A_230, %add3A_231 : i32
        %swap3A_233 = arith.index_cast %add3A_232 : i32 to index
        %swap3A_234 = arith.constant 48 : index
        %swap3A_235 = tpu.vector_load %arg13[%swap3A_233, %swap3A_234] {strides = array<i32>} : memref<128x64xf32, #tpu.memory_space<vmem>>, vector<1x16xf32>,
        %swap3A_236 = vector.shape_cast %swap3A_235 : vector<1x16xf32> to vector<16xf32>
        %swap3A_237 = vector.shape_cast %add3A_228 : vector<16xf32> to vector<1x16xf32>
        tpu.vector_store %arg13[%swap3A_233, %swap3A_234], %swap3A_237 {strides = array<i32>} : memref<128x64xf32, #tpu.memory_space<vmem>>, vector<1x16xf32>,
        %mul3A_238 = arith.constant 4 : i32
        %mul3A_239 = arith.muli %scan3A_135, %mul3A_238 : i32
        %add3A_240 = arith.constant 1 : i32
        %add3A_241 = arith.addi %mul3A_239, %add3A_240 : i32
        %get3A_242 = arith.index_cast %add3A_241 : i32 to index
        %get3A_243 = arith.constant 0 : index
        %get3A_244 = tpu.vector_load %arg9[%get3A_242, %get3A_243] {strides = array<i32>} : memref<128x64xf32, #tpu.memory_space<vmem>>, vector<1x16xf32>,
        %get3A_245 = vector.shape_cast %get3A_244 : vector<1x16xf32> to vector<16xf32>
        %mul3A_246 = arith.constant 4 : i32
        %mul3A_247 = arith.muli %scan3A_135, %mul3A_246 : i32
        %add3A_248 = arith.constant 1 : i32
        %add3A_249 = arith.addi %mul3A_247, %add3A_248 : i32
        %get3A_250 = arith.index_cast %add3A_249 : i32 to index
        %get3A_251 = arith.constant 0 : index
        %get3A_252 = tpu.vector_load %arg10[%get3A_250, %get3A_251] {strides = array<i32>} : memref<128x64xf32, #tpu.memory_space<vmem>>, vector<1x16xf32>,
        %get3A_253 = vector.shape_cast %get3A_252 : vector<1x16xf32> to vector<16xf32>
        %add3A_254 = arith.addf %get3A_245, %get3A_253 : vector<16xf32>
        %mul3A_255 = arith.constant 4 : i32
        %mul3A_256 = arith.muli %scan3A_135, %mul3A_255 : i32
        %add3A_257 = arith.constant 1 : i32
        %add3A_258 = arith.addi %mul3A_256, %add3A_257 : i32
        %swap3A_259 = arith.index_cast %add3A_258 : i32 to index
        %swap3A_260 = arith.constant 0 : index
        %swap3A_261 = tpu.vector_load %arg13[%swap3A_259, %swap3A_260] {strides = array<i32>} : memref<128x64xf32, #tpu.memory_space<vmem>>, vector<1x16xf32>,
        %swap3A_262 = vector.shape_cast %swap3A_261 : vector<1x16xf32> to vector<16xf32>
        %swap3A_263 = vector.shape_cast %add3A_254 : vector<16xf32> to vector<1x16xf32>
        tpu.vector_store %arg13[%swap3A_259, %swap3A_260], %swap3A_263 {strides = array<i32>} : memref<128x64xf32, #tpu.memory_space<vmem>>, vector<1x16xf32>,
        %mul3A_264 = arith.constant 4 : i32
        %mul3A_265 = arith.muli %scan3A_135, %mul3A_264 : i32
        %add3A_266 = arith.constant 1 : i32
        %add3A_267 = arith.addi %mul3A_265, %add3A_266 : i32
        %get3A_268 = arith.index_cast %add3A_267 : i32 to index
        %get3A_269 = arith.constant 16 : index
        %get3A_270 = tpu.vector_load %arg9[%get3A_268, %get3A_269] {strides = array<i32>} : memref<128x64xf32, #tpu.memory_space<vmem>>, vector<1x16xf32>,
        %get3A_271 = vector.shape_cast %get3A_270 : vector<1x16xf32> to vector<16xf32>
        %mul3A_272 = arith.constant 4 : i32
        %mul3A_273 = arith.muli %scan3A_135, %mul3A_272 : i32
        %add3A_274 = arith.constant 1 : i32
        %add3A_275 = arith.addi %mul3A_273, %add3A_274 : i32
        %get3A_276 = arith.index_cast %add3A_275 : i32 to index
        %get3A_277 = arith.constant 16 : index
        %get3A_278 = tpu.vector_load %arg10[%get3A_276, %get3A_277] {strides = array<i32>} : memref<128x64xf32, #tpu.memory_space<vmem>>, vector<1x16xf32>,
        %get3A_279 = vector.shape_cast %get3A_278 : vector<1x16xf32> to vector<16xf32>
        %add3A_280 = arith.addf %get3A_271, %get3A_279 : vector<16xf32>
        %mul3A_281 = arith.constant 4 : i32
        %mul3A_282 = arith.muli %scan3A_135, %mul3A_281 : i32
        %add3A_283 = arith.constant 1 : i32
        %add3A_284 = arith.addi %mul3A_282, %add3A_283 : i32
        %swap3A_285 = arith.index_cast %add3A_284 : i32 to index
        %swap3A_286 = arith.constant 16 : index
        %swap3A_287 = tpu.vector_load %arg13[%swap3A_285, %swap3A_286] {strides = array<i32>} : memref<128x64xf32, #tpu.memory_space<vmem>>, vector<1x16xf32>,
        %swap3A_288 = vector.shape_cast %swap3A_287 : vector<1x16xf32> to vector<16xf32>
        %swap3A_289 = vector.shape_cast %add3A_280 : vector<16xf32> to vector<1x16xf32>
        tpu.vector_store %arg13[%swap3A_285, %swap3A_286], %swap3A_289 {strides = array<i32>} : memref<128x64xf32, #tpu.memory_space<vmem>>, vector<1x16xf32>,
        %mul3A_290 = arith.constant 4 : i32
        %mul3A_291 = arith.muli %scan3A_135, %mul3A_290 : i32
        %add3A_292 = arith.constant 1 : i32
        %add3A_293 = arith.addi %mul3A_291, %add3A_292 : i32
        %get3A_294 = arith.index_cast %add3A_293 : i32 to index
        %get3A_295 = arith.constant 32 : index
        %get3A_296 = tpu.vector_load %arg9[%get3A_294, %get3A_295] {strides = array<i32>} : memref<128x64xf32, #tpu.memory_space<vmem>>, vector<1x16xf32>,
        %get3A_297 = vector.shape_cast %get3A_296 : vector<1x16xf32> to vector<16xf32>
        %mul3A_298 = arith.constant 4 : i32
        %mul3A_299 = arith.muli %scan3A_135, %mul3A_298 : i32
        %add3A_300 = arith.constant 1 : i32
        %add3A_301 = arith.addi %mul3A_299, %add3A_300 : i32
        %get3A_302 = arith.index_cast %add3A_301 : i32 to index
        %get3A_303 = arith.constant 32 : index
        %get3A_304 = tpu.vector_load %arg10[%get3A_302, %get3A_303] {strides = array<i32>} : memref<128x64xf32, #tpu.memory_space<vmem>>, vector<1x16xf32>,
        %get3A_305 = vector.shape_cast %get3A_304 : vector<1x16xf32> to vector<16xf32>
        %add3A_306 = arith.addf %get3A_297, %get3A_305 : vector<16xf32>
        %mul3A_307 = arith.constant 4 : i32
        %mul3A_308 = arith.muli %scan3A_135, %mul3A_307 : i32
        %add3A_309 = arith.constant 1 : i32
        %add3A_310 = arith.addi %mul3A_308, %add3A_309 : i32
        %swap3A_311 = arith.index_cast %add3A_310 : i32 to index
        %swap3A_312 = arith.constant 32 : index
        %swap3A_313 = tpu.vector_load %arg13[%swap3A_311, %swap3A_312] {strides = array<i32>} : memref<128x64xf32, #tpu.memory_space<vmem>>, vector<1x16xf32>,
        %swap3A_314 = vector.shape_cast %swap3A_313 : vector<1x16xf32> to vector<16xf32>
        %swap3A_315 = vector.shape_cast %add3A_306 : vector<16xf32> to vector<1x16xf32>
        tpu.vector_store %arg13[%swap3A_311, %swap3A_312], %swap3A_315 {strides = array<i32>} : memref<128x64xf32, #tpu.memory_space<vmem>>, vector<1x16xf32>,
        %mul3A_316 = arith.constant 4 : i32
        %mul3A_317 = arith.muli %scan3A_135, %mul3A_316 : i32
        %add3A_318 = arith.constant 1 : i32
        %add3A_319 = arith.addi %mul3A_317, %add3A_318 : i32
        %get3A_320 = arith.index_cast %add3A_319 : i32 to index
        %get3A_321 = arith.constant 48 : index
        %get3A_322 = tpu.vector_load %arg9[%get3A_320, %get3A_321] {strides = array<i32>} : memref<128x64xf32, #tpu.memory_space<vmem>>, vector<1x16xf32>,
        %get3A_323 = vector.shape_cast %get3A_322 : vector<1x16xf32> to vector<16xf32>
        %mul3A_324 = arith.constant 4 : i32
        %mul3A_325 = arith.muli %scan3A_135, %mul3A_324 : i32
        %add3A_326 = arith.constant 1 : i32
        %add3A_327 = arith.addi %mul3A_325, %add3A_326 : i32
        %get3A_328 = arith.index_cast %add3A_327 : i32 to index
        %get3A_329 = arith.constant 48 : index
        %get3A_330 = tpu.vector_load %arg10[%get3A_328, %get3A_329] {strides = array<i32>} : memref<128x64xf32, #tpu.memory_space<vmem>>, vector<1x16xf32>,
        %get3A_331 = vector.shape_cast %get3A_330 : vector<1x16xf32> to vector<16xf32>
        %add3A_332 = arith.addf %get3A_323, %get3A_331 : vector<16xf32>
        %mul3A_333 = arith.constant 4 : i32
        %mul3A_334 = arith.muli %scan3A_135, %mul3A_333 : i32
        %add3A_335 = arith.constant 1 : i32
        %add3A_336 = arith.addi %mul3A_334, %add3A_335 : i32
        %swap3A_337 = arith.index_cast %add3A_336 : i32 to index
        %swap3A_338 = arith.constant 48 : index
        %swap3A_339 = tpu.vector_load %arg13[%swap3A_337, %swap3A_338] {strides = array<i32>} : memref<128x64xf32, #tpu.memory_space<vmem>>, vector<1x16xf32>,
        %swap3A_340 = vector.shape_cast %swap3A_339 : vector<1x16xf32> to vector<16xf32>
        %swap3A_341 = vector.shape_cast %add3A_332 : vector<16xf32> to vector<1x16xf32>
        tpu.vector_store %arg13[%swap3A_337, %swap3A_338], %swap3A_341 {strides = array<i32>} : memref<128x64xf32, #tpu.memory_space<vmem>>, vector<1x16xf32>,
        %mul3A_342 = arith.constant 4 : i32
        %mul3A_343 = arith.muli %scan3A_135, %mul3A_342 : i32
        %add3A_344 = arith.constant 2 : i32
        %add3A_345 = arith.addi %mul3A_343, %add3A_344 : i32
        %get3A_346 = arith.index_cast %add3A_345 : i32 to index
        %get3A_347 = arith.constant 0 : index
        %get3A_348 = tpu.vector_load %arg9[%get3A_346, %get3A_347] {strides = array<i32>} : memref<128x64xf32, #tpu.memory_space<vmem>>, vector<1x16xf32>,
        %get3A_349 = vector.shape_cast %get3A_348 : vector<1x16xf32> to vector<16xf32>
        %mul3A_350 = arith.constant 4 : i32
        %mul3A_351 = arith.muli %scan3A_135, %mul3A_350 : i32
        %add3A_352 = arith.constant 2 : i32
        %add3A_353 = arith.addi %mul3A_351, %add3A_352 : i32
        %get3A_354 = arith.index_cast %add3A_353 : i32 to index
        %get3A_355 = arith.constant 0 : index
        %get3A_356 = tpu.vector_load %arg10[%get3A_354, %get3A_355] {strides = array<i32>} : memref<128x64xf32, #tpu.memory_space<vmem>>, vector<1x16xf32>,
        %get3A_357 = vector.shape_cast %get3A_356 : vector<1x16xf32> to vector<16xf32>
        %add3A_358 = arith.addf %get3A_349, %get3A_357 : vector<16xf32>
        %mul3A_359 = arith.constant 4 : i32
        %mul3A_360 = arith.muli %scan3A_135, %mul3A_359 : i32
        %add3A_361 = arith.constant 2 : i32
        %add3A_362 = arith.addi %mul3A_360, %add3A_361 : i32
        %swap3A_363 = arith.index_cast %add3A_362 : i32 to index
        %swap3A_364 = arith.constant 0 : index
        %swap3A_365 = tpu.vector_load %arg13[%swap3A_363, %swap3A_364] {strides = array<i32>} : memref<128x64xf32, #tpu.memory_space<vmem>>, vector<1x16xf32>,
        %swap3A_366 = vector.shape_cast %swap3A_365 : vector<1x16xf32> to vector<16xf32>
        %swap3A_367 = vector.shape_cast %add3A_358 : vector<16xf32> to vector<1x16xf32>
        tpu.vector_store %arg13[%swap3A_363, %swap3A_364], %swap3A_367 {strides = array<i32>} : memref<128x64xf32, #tpu.memory_space<vmem>>, vector<1x16xf32>,
        %mul3A_368 = arith.constant 4 : i32
        %mul3A_369 = arith.muli %scan3A_135, %mul3A_368 : i32
        %add3A_370 = arith.constant 2 : i32
        %add3A_371 = arith.addi %mul3A_369, %add3A_370 : i32
        %get3A_372 = arith.index_cast %add3A_371 : i32 to index
        %get3A_373 = arith.constant 16 : index
        %get3A_374 = tpu.vector_load %arg9[%get3A_372, %get3A_373] {strides = array<i32>} : memref<128x64xf32, #tpu.memory_space<vmem>>, vector<1x16xf32>,
        %get3A_375 = vector.shape_cast %get3A_374 : vector<1x16xf32> to vector<16xf32>
        %mul3A_376 = arith.constant 4 : i32
        %mul3A_377 = arith.muli %scan3A_135, %mul3A_376 : i32
        %add3A_378 = arith.constant 2 : i32
        %add3A_379 = arith.addi %mul3A_377, %add3A_378 : i32
        %get3A_380 = arith.index_cast %add3A_379 : i32 to index
        %get3A_381 = arith.constant 16 : index
        %get3A_382 = tpu.vector_load %arg10[%get3A_380, %get3A_381] {strides = array<i32>} : memref<128x64xf32, #tpu.memory_space<vmem>>, vector<1x16xf32>,
        %get3A_383 = vector.shape_cast %get3A_382 : vector<1x16xf32> to vector<16xf32>
        %add3A_384 = arith.addf %get3A_375, %get3A_383 : vector<16xf32>
        %mul3A_385 = arith.constant 4 : i32
        %mul3A_386 = arith.muli %scan3A_135, %mul3A_385 : i32
        %add3A_387 = arith.constant 2 : i32
        %add3A_388 = arith.addi %mul3A_386, %add3A_387 : i32
        %swap3A_389 = arith.index_cast %add3A_388 : i32 to index
        %swap3A_390 = arith.constant 16 : index
        %swap3A_391 = tpu.vector_load %arg13[%swap3A_389, %swap3A_390] {strides = array<i32>} : memref<128x64xf32, #tpu.memory_space<vmem>>, vector<1x16xf32>,
        %swap3A_392 = vector.shape_cast %swap3A_391 : vector<1x16xf32> to vector<16xf32>
        %swap3A_393 = vector.shape_cast %add3A_384 : vector<16xf32> to vector<1x16xf32>
        tpu.vector_store %arg13[%swap3A_389, %swap3A_390], %swap3A_393 {strides = array<i32>} : memref<128x64xf32, #tpu.memory_space<vmem>>, vector<1x16xf32>,
        %mul3A_394 = arith.constant 4 : i32
        %mul3A_395 = arith.muli %scan3A_135, %mul3A_394 : i32
        %add3A_396 = arith.constant 2 : i32
        %add3A_397 = arith.addi %mul3A_395, %add3A_396 : i32
        %get3A_398 = arith.index_cast %add3A_397 : i32 to index
        %get3A_399 = arith.constant 32 : index
        %get3A_400 = tpu.vector_load %arg9[%get3A_398, %get3A_399] {strides = array<i32>} : memref<128x64xf32, #tpu.memory_space<vmem>>, vector<1x16xf32>,
        %get3A_401 = vector.shape_cast %get3A_400 : vector<1x16xf32> to vector<16xf32>
        %mul3A_402 = arith.constant 4 : i32
        %mul3A_403 = arith.muli %scan3A_135, %mul3A_402 : i32
        %add3A_404 = arith.constant 2 : i32
        %add3A_405 = arith.addi %mul3A_403, %add3A_404 : i32
        %get3A_406 = arith.index_cast %add3A_405 : i32 to index
        %get3A_407 = arith.constant 32 : index
        %get3A_408 = tpu.vector_load %arg10[%get3A_406, %get3A_407] {strides = array<i32>} : memref<128x64xf32, #tpu.memory_space<vmem>>, vector<1x16xf32>,
        %get3A_409 = vector.shape_cast %get3A_408 : vector<1x16xf32> to vector<16xf32>
        %add3A_410 = arith.addf %get3A_401, %get3A_409 : vector<16xf32>
        %mul3A_411 = arith.constant 4 : i32
        %mul3A_412 = arith.muli %scan3A_135, %mul3A_411 : i32
        %add3A_413 = arith.constant 2 : i32
        %add3A_414 = arith.addi %mul3A_412, %add3A_413 : i32
        %swap3A_415 = arith.index_cast %add3A_414 : i32 to index
        %swap3A_416 = arith.constant 32 : index
        %swap3A_417 = tpu.vector_load %arg13[%swap3A_415, %swap3A_416] {strides = array<i32>} : memref<128x64xf32, #tpu.memory_space<vmem>>, vector<1x16xf32>,
        %swap3A_418 = vector.shape_cast %swap3A_417 : vector<1x16xf32> to vector<16xf32>
        %swap3A_419 = vector.shape_cast %add3A_410 : vector<16xf32> to vector<1x16xf32>
        tpu.vector_store %arg13[%swap3A_415, %swap3A_416], %swap3A_419 {strides = array<i32>} : memref<128x64xf32, #tpu.memory_space<vmem>>, vector<1x16xf32>,
        %mul3A_420 = arith.constant 4 : i32
        %mul3A_421 = arith.muli %scan3A_135, %mul3A_420 : i32
        %add3A_422 = arith.constant 2 : i32
        %add3A_423 = arith.addi %mul3A_421, %add3A_422 : i32
        %get3A_424 = arith.index_cast %add3A_423 : i32 to index
        %get3A_425 = arith.constant 48 : index
        %get3A_426 = tpu.vector_load %arg9[%get3A_424, %get3A_425] {strides = array<i32>} : memref<128x64xf32, #tpu.memory_space<vmem>>, vector<1x16xf32>,
        %get3A_427 = vector.shape_cast %get3A_426 : vector<1x16xf32> to vector<16xf32>
        %mul3A_428 = arith.constant 4 : i32
        %mul3A_429 = arith.muli %scan3A_135, %mul3A_428 : i32
        %add3A_430 = arith.constant 2 : i32
        %add3A_431 = arith.addi %mul3A_429, %add3A_430 : i32
        %get3A_432 = arith.index_cast %add3A_431 : i32 to index
        %get3A_433 = arith.constant 48 : index
        %get3A_434 = tpu.vector_load %arg10[%get3A_432, %get3A_433] {strides = array<i32>} : memref<128x64xf32, #tpu.memory_space<vmem>>, vector<1x16xf32>,
        %get3A_435 = vector.shape_cast %get3A_434 : vector<1x16xf32> to vector<16xf32>
        %add3A_436 = arith.addf %get3A_427, %get3A_435 : vector<16xf32>
        %mul3A_437 = arith.constant 4 : i32
        %mul3A_438 = arith.muli %scan3A_135, %mul3A_437 : i32
        %add3A_439 = arith.constant 2 : i32
        %add3A_440 = arith.addi %mul3A_438, %add3A_439 : i32
        %swap3A_441 = arith.index_cast %add3A_440 : i32 to index
        %swap3A_442 = arith.constant 48 : index
        %swap3A_443 = tpu.vector_load %arg13[%swap3A_441, %swap3A_442] {strides = array<i32>} : memref<128x64xf32, #tpu.memory_space<vmem>>, vector<1x16xf32>,
        %swap3A_444 = vector.shape_cast %swap3A_443 : vector<1x16xf32> to vector<16xf32>
        %swap3A_445 = vector.shape_cast %add3A_436 : vector<16xf32> to vector<1x16xf32>
        tpu.vector_store %arg13[%swap3A_441, %swap3A_442], %swap3A_445 {strides = array<i32>} : memref<128x64xf32, #tpu.memory_space<vmem>>, vector<1x16xf32>,
        %mul3A_446 = arith.constant 4 : i32
        %mul3A_447 = arith.muli %scan3A_135, %mul3A_446 : i32
        %add3A_448 = arith.constant 3 : i32
        %add3A_449 = arith.addi %mul3A_447, %add3A_448 : i32
        %get3A_450 = arith.index_cast %add3A_449 : i32 to index
        %get3A_451 = arith.constant 0 : index
        %get3A_452 = tpu.vector_load %arg9[%get3A_450, %get3A_451] {strides = array<i32>} : memref<128x64xf32, #tpu.memory_space<vmem>>, vector<1x16xf32>,
        %get3A_453 = vector.shape_cast %get3A_452 : vector<1x16xf32> to vector<16xf32>
        %mul3A_454 = arith.constant 4 : i32
        %mul3A_455 = arith.muli %scan3A_135, %mul3A_454 : i32
        %add3A_456 = arith.constant 3 : i32
        %add3A_457 = arith.addi %mul3A_455, %add3A_456 : i32
        %get3A_458 = arith.index_cast %add3A_457 : i32 to index
        %get3A_459 = arith.constant 0 : index
        %get3A_460 = tpu.vector_load %arg10[%get3A_458, %get3A_459] {strides = array<i32>} : memref<128x64xf32, #tpu.memory_space<vmem>>, vector<1x16xf32>,
        %get3A_461 = vector.shape_cast %get3A_460 : vector<1x16xf32> to vector<16xf32>
        %add3A_462 = arith.addf %get3A_453, %get3A_461 : vector<16xf32>
        %mul3A_463 = arith.constant 4 : i32
        %mul3A_464 = arith.muli %scan3A_135, %mul3A_463 : i32
        %add3A_465 = arith.constant 3 : i32
        %add3A_466 = arith.addi %mul3A_464, %add3A_465 : i32
        %swap3A_467 = arith.index_cast %add3A_466 : i32 to index
        %swap3A_468 = arith.constant 0 : index
        %swap3A_469 = tpu.vector_load %arg13[%swap3A_467, %swap3A_468] {strides = array<i32>} : memref<128x64xf32, #tpu.memory_space<vmem>>, vector<1x16xf32>,
        %swap3A_470 = vector.shape_cast %swap3A_469 : vector<1x16xf32> to vector<16xf32>
        %swap3A_471 = vector.shape_cast %add3A_462 : vector<16xf32> to vector<1x16xf32>
        tpu.vector_store %arg13[%swap3A_467, %swap3A_468], %swap3A_471 {strides = array<i32>} : memref<128x64xf32, #tpu.memory_space<vmem>>, vector<1x16xf32>,
        %mul3A_472 = arith.constant 4 : i32
        %mul3A_473 = arith.muli %scan3A_135, %mul3A_472 : i32
        %add3A_474 = arith.constant 3 : i32
        %add3A_475 = arith.addi %mul3A_473, %add3A_474 : i32
        %get3A_476 = arith.index_cast %add3A_475 : i32 to index
        %get3A_477 = arith.constant 16 : index
        %get3A_478 = tpu.vector_load %arg9[%get3A_476, %get3A_477] {strides = array<i32>} : memref<128x64xf32, #tpu.memory_space<vmem>>, vector<1x16xf32>,
        %get3A_479 = vector.shape_cast %get3A_478 : vector<1x16xf32> to vector<16xf32>
        %mul3A_480 = arith.constant 4 : i32
        %mul3A_481 = arith.muli %scan3A_135, %mul3A_480 : i32
        %add3A_482 = arith.constant 3 : i32
        %add3A_483 = arith.addi %mul3A_481, %add3A_482 : i32
        %get3A_484 = arith.index_cast %add3A_483 : i32 to index
        %get3A_485 = arith.constant 16 : index
        %get3A_486 = tpu.vector_load %arg10[%get3A_484, %get3A_485] {strides = array<i32>} : memref<128x64xf32, #tpu.memory_space<vmem>>, vector<1x16xf32>,
        %get3A_487 = vector.shape_cast %get3A_486 : vector<1x16xf32> to vector<16xf32>
        %add3A_488 = arith.addf %get3A_479, %get3A_487 : vector<16xf32>
        %mul3A_489 = arith.constant 4 : i32
        %mul3A_490 = arith.muli %scan3A_135, %mul3A_489 : i32
        %add3A_491 = arith.constant 3 : i32
        %add3A_492 = arith.addi %mul3A_490, %add3A_491 : i32
        %swap3A_493 = arith.index_cast %add3A_492 : i32 to index
        %swap3A_494 = arith.constant 16 : index
        %swap3A_495 = tpu.vector_load %arg13[%swap3A_493, %swap3A_494] {strides = array<i32>} : memref<128x64xf32, #tpu.memory_space<vmem>>, vector<1x16xf32>,
        %swap3A_496 = vector.shape_cast %swap3A_495 : vector<1x16xf32> to vector<16xf32>
        %swap3A_497 = vector.shape_cast %add3A_488 : vector<16xf32> to vector<1x16xf32>
        tpu.vector_store %arg13[%swap3A_493, %swap3A_494], %swap3A_497 {strides = array<i32>} : memref<128x64xf32, #tpu.memory_space<vmem>>, vector<1x16xf32>,
        %mul3A_498 = arith.constant 4 : i32
        %mul3A_499 = arith.muli %scan3A_135, %mul3A_498 : i32
        %add3A_500 = arith.constant 3 : i32
        %add3A_501 = arith.addi %mul3A_499, %add3A_500 : i32
        %get3A_502 = arith.index_cast %add3A_501 : i32 to index
        %get3A_503 = arith.constant 32 : index
        %get3A_504 = tpu.vector_load %arg9[%get3A_502, %get3A_503] {strides = array<i32>} : memref<128x64xf32, #tpu.memory_space<vmem>>, vector<1x16xf32>,
        %get3A_505 = vector.shape_cast %get3A_504 : vector<1x16xf32> to vector<16xf32>
        %mul3A_506 = arith.constant 4 : i32
        %mul3A_507 = arith.muli %scan3A_135, %mul3A_506 : i32
        %add3A_508 = arith.constant 3 : i32
        %add3A_509 = arith.addi %mul3A_507, %add3A_508 : i32
        %get3A_510 = arith.index_cast %add3A_509 : i32 to index
        %get3A_511 = arith.constant 32 : index
        %get3A_512 = tpu.vector_load %arg10[%get3A_510, %get3A_511] {strides = array<i32>} : memref<128x64xf32, #tpu.memory_space<vmem>>, vector<1x16xf32>,
        %get3A_513 = vector.shape_cast %get3A_512 : vector<1x16xf32> to vector<16xf32>
        %add3A_514 = arith.addf %get3A_505, %get3A_513 : vector<16xf32>
        %mul3A_515 = arith.constant 4 : i32
        %mul3A_516 = arith.muli %scan3A_135, %mul3A_515 : i32
        %add3A_517 = arith.constant 3 : i32
        %add3A_518 = arith.addi %mul3A_516, %add3A_517 : i32
        %swap3A_519 = arith.index_cast %add3A_518 : i32 to index
        %swap3A_520 = arith.constant 32 : index
        %swap3A_521 = tpu.vector_load %arg13[%swap3A_519, %swap3A_520] {strides = array<i32>} : memref<128x64xf32, #tpu.memory_space<vmem>>, vector<1x16xf32>,
        %swap3A_522 = vector.shape_cast %swap3A_521 : vector<1x16xf32> to vector<16xf32>
        %swap3A_523 = vector.shape_cast %add3A_514 : vector<16xf32> to vector<1x16xf32>
        tpu.vector_store %arg13[%swap3A_519, %swap3A_520], %swap3A_523 {strides = array<i32>} : memref<128x64xf32, #tpu.memory_space<vmem>>, vector<1x16xf32>,
        %mul3A_524 = arith.constant 4 : i32
        %mul3A_525 = arith.muli %scan3A_135, %mul3A_524 : i32
        %add3A_526 = arith.constant 3 : i32
        %add3A_527 = arith.addi %mul3A_525, %add3A_526 : i32
        %get3A_528 = arith.index_cast %add3A_527 : i32 to index
        %get3A_529 = arith.constant 48 : index
        %get3A_530 = tpu.vector_load %arg9[%get3A_528, %get3A_529] {strides = array<i32>} : memref<128x64xf32, #tpu.memory_space<vmem>>, vector<1x16xf32>,
        %get3A_531 = vector.shape_cast %get3A_530 : vector<1x16xf32> to vector<16xf32>
        %mul3A_532 = arith.constant 4 : i32
        %mul3A_533 = arith.muli %scan3A_135, %mul3A_532 : i32
        %add3A_534 = arith.constant 3 : i32
        %add3A_535 = arith.addi %mul3A_533, %add3A_534 : i32
        %get3A_536 = arith.index_cast %add3A_535 : i32 to index
        %get3A_537 = arith.constant 48 : index
        %get3A_538 = tpu.vector_load %arg10[%get3A_536, %get3A_537] {strides = array<i32>} : memref<128x64xf32, #tpu.memory_space<vmem>>, vector<1x16xf32>,
        %get3A_539 = vector.shape_cast %get3A_538 : vector<1x16xf32> to vector<16xf32>
        %add3A_540 = arith.addf %get3A_531, %get3A_539 : vector<16xf32>
        %mul3A_541 = arith.constant 4 : i32
        %mul3A_542 = arith.muli %scan3A_135, %mul3A_541 : i32
        %add3A_543 = arith.constant 3 : i32
        %add3A_544 = arith.addi %mul3A_542, %add3A_543 : i32
        %swap3A_545 = arith.index_cast %add3A_544 : i32 to index
        %swap3A_546 = arith.constant 48 : index
        %swap3A_547 = tpu.vector_load %arg13[%swap3A_545, %swap3A_546] {strides = array<i32>} : memref<128x64xf32, #tpu.memory_space<vmem>>, vector<1x16xf32>,
        %swap3A_548 = vector.shape_cast %swap3A_547 : vector<1x16xf32> to vector<16xf32>
        %swap3A_549 = vector.shape_cast %add3A_540 : vector<16xf32> to vector<1x16xf32>
        tpu.vector_store %arg13[%swap3A_545, %swap3A_546], %swap3A_549 {strides = array<i32>} : memref<128x64xf32, #tpu.memory_space<vmem>>, vector<1x16xf32>,
      }
      %scan3A_80 = arith.constant 32 : i32
      %mul3A_81 = arith.constant 80 : i32
      %mul3A_82 = arith.muli %add3A, %mul3A_81 : i32
      %add3A_83 = arith.addi %mul3A_82, %mul3A_58 : i32
      %mul3A_84 = arith.constant 128 : i32
      %mul3A_85 = arith.muli %add3A_83, %mul3A_84 : i32
      %dma_start3A_86 = arith.constant 0 : i32
      %dma_start3A_87 = tpu.memref_slice %arg6[%mul3A_85, %dma_start3A_86] : memref<327680x64xf32, #tpu.memory_space<hbm>> -> memref<128x64xf32, #tpu.memory_space<hbm>>
      %dma_start3A_88 = arith.constant 0 : i32
      %dma_start3A_89 = tpu.memref_slice %arg6[%mul3A_85, %dma_start3A_88] : memref<327680x64xf32, #tpu.memory_space<hbm>> -> memref<128x64xf32, #tpu.memory_space<hbm>>
      tpu.enqueue_dma source(%arg13 : memref<128x64xf32, #tpu.memory_space<vmem>>) target(%dma_start3A_89 : memref<128x64xf32, #tpu.memory_space<hbm>>) target_semaphore(%arg20 : memref<!tpu.dma_semaphore, #tpu.memory_space<semaphore_mem>>)
      %add3A_90 = arith.constant 2 : i32
      %add3A_91 = arith.addi %mul3A_58, %add3A_90 : i32
      %lt3A = arith.constant 80 : i32
      %lt3A_92 = arith.cmpi slt, %add3A_91, %lt3A : i32
      %convert_element_type3A_93 = arith.extui %lt3A_92 : i1 to i32
      %cond3A_94 = arith.constant 0 : i32
      %cond3A_95 = arith.cmpi ne, %convert_element_type3A_93, %cond3A_94 : i32
      scf.if %cond3A_95 {
        %add3A_135 = arith.constant 2 : i32
        %add3A_136 = arith.addi %mul3A_58, %add3A_135 : i32
        %dma_start3A_137 = arith.constant 0 : i32
        %dma_start3A_138 = tpu.memref_slice %arg7[%add3A_136, %dma_start3A_137] : memref<80x128xi32, #tpu.memory_space<vmem>> -> memref<1x128xi32, #tpu.memory_space<vmem>>
        %dma_start3A_139 = tpu.memref_squeeze %dma_start3A_138 : memref<1x128xi32, #tpu.memory_space<vmem>> -> memref<128xi32, #tpu.memory_space<vmem>>
        %dma_start3A_140 = arith.constant 0 : i32
        %dma_start3A_141 = arith.constant 0 : i32
        %dma_start3A_142 = tpu.memref_slice %arg15[%dma_start3A_140, %dma_start3A_141] : memref<10240x64xf32, #tpu.memory_space<vmem_shared>> -> memref<10240x64xf32, #tpu.memory_space<vmem_shared>>
        tpu.enqueue_indirect_dma source(%dma_start3A_142 : memref<10240x64xf32, #tpu.memory_space<vmem_shared>>) target(%arg9 : memref<128x64xf32, #tpu.memory_space<vmem>>) offsets(%dma_start3A_139 : memref<128xi32, #tpu.memory_space<vmem>>) semaphore(%arg16 : memref<!tpu.dma_semaphore, #tpu.memory_space<semaphore_mem>>)
        %add3A_143 = arith.constant 2 : i32
        %add3A_144 = arith.addi %mul3A_58, %add3A_143 : i32
        %dma_start3A_145 = arith.constant 0 : i32
        %dma_start3A_146 = tpu.memref_slice %arg8[%add3A_144, %dma_start3A_145] : memref<80x128xi32, #tpu.memory_space<vmem>> -> memref<1x128xi32, #tpu.memory_space<vmem>>
        %dma_start3A_147 = tpu.memref_squeeze %dma_start3A_146 : memref<1x128xi32, #tpu.memory_space<vmem>> -> memref<128xi32, #tpu.memory_space<vmem>>
        %dma_start3A_148 = arith.constant 0 : i32
        %dma_start3A_149 = arith.constant 0 : i32
        %dma_start3A_150 = tpu.memref_slice %arg3[%dma_start3A_148, %dma_start3A_149] : memref<10240x64xf32, #tpu.memory_space<hbm>> -> memref<10240x64xf32, #tpu.memory_space<hbm>>
        tpu.enqueue_indirect_dma source(%dma_start3A_150 : memref<10240x64xf32, #tpu.memory_space<hbm>>) target(%arg10 : memref<128x64xf32, #tpu.memory_space<vmem>>) offsets(%dma_start3A_147 : memref<128xi32, #tpu.memory_space<vmem>>) semaphore(%arg17 : memref<!tpu.dma_semaphore, #tpu.memory_space<semaphore_mem>>)
      } else {
      }
      %dma_wait3A_96 = arith.constant 0 : i32
      %dma_wait3A_97 = tpu.memref_slice %arg7[%add3A_60, %dma_wait3A_96] : memref<80x128xi32, #tpu.memory_space<vmem>> -> memref<1x128xi32, #tpu.memory_space<vmem>>
      %dma_wait3A_98 = tpu.memref_squeeze %dma_wait3A_97 : memref<1x128xi32, #tpu.memory_space<vmem>> -> memref<128xi32, #tpu.memory_space<vmem>>
      %dma_wait3A_99 = arith.constant 0 : i32
      %dma_wait3A_100 = arith.constant 0 : i32
      %dma_wait3A_101 = tpu.memref_slice %arg15[%dma_wait3A_99, %dma_wait3A_100] : memref<10240x64xf32, #tpu.memory_space<vmem_shared>> -> memref<10240x64xf32, #tpu.memory_space<vmem_shared>>
      tpu.wait_indirect_dma semaphore(%arg18 : memref<!tpu.dma_semaphore, #tpu.memory_space<semaphore_mem>>) src(%dma_wait3A_101 : memref<10240x64xf32, #tpu.memory_space<vmem_shared>>) dst(%arg11 : memref<128x64xf32, #tpu.memory_space<vmem>>)
      %dma_wait3A_102 = arith.constant 0 : i32
      %dma_wait3A_103 = tpu.memref_slice %arg8[%add3A_60, %dma_wait3A_102] : memref<80x128xi32, #tpu.memory_space<vmem>> -> memref<1x128xi32, #tpu.memory_space<vmem>>
      %dma_wait3A_104 = tpu.memref_squeeze %dma_wait3A_103 : memref<1x128xi32, #tpu.memory_space<vmem>> -> memref<128xi32, #tpu.memory_space<vmem>>
      %dma_wait3A_105 = arith.constant 0 : i32
      %dma_wait3A_106 = arith.constant 0 : i32
      %dma_wait3A_107 = tpu.memref_slice %arg3[%dma_wait3A_105, %dma_wait3A_106] : memref<10240x64xf32, #tpu.memory_space<hbm>> -> memref<10240x64xf32, #tpu.memory_space<hbm>>
      tpu.wait_indirect_dma semaphore(%arg19 : memref<!tpu.dma_semaphore, #tpu.memory_space<semaphore_mem>>) src(%dma_wait3A_107 : memref<10240x64xf32, #tpu.memory_space<hbm>>) dst(%arg12 : memref<128x64xf32, #tpu.memory_space<vmem>>)
      %gt3A_108 = arith.constant 0 : i32
      %gt3A_109 = arith.cmpi sgt, %scan3A_56, %gt3A_108 : i32
      %convert_element_type3A_110 = arith.extui %gt3A_109 : i1 to i32
      %cond3A_111 = arith.constant 0 : i32
      %cond3A_112 = arith.cmpi ne, %convert_element_type3A_110, %cond3A_111 : i32
      scf.if %cond3A_112 {
        %sub3A = arith.constant 2 : i32
        %sub3A_135 = arith.subi %add3A_60, %sub3A : i32
        %mul3A_136 = arith.constant 80 : i32
        %mul3A_137 = arith.muli %add3A, %mul3A_136 : i32
        %add3A_138 = arith.addi %mul3A_137, %sub3A_135 : i32
        %mul3A_139 = arith.constant 128 : i32
        %mul3A_140 = arith.muli %add3A_138, %mul3A_139 : i32
        %dma_wait3A_141 = arith.constant 0 : i32
        %dma_wait3A_142 = tpu.memref_slice %arg6[%mul3A_140, %dma_wait3A_141] : memref<327680x64xf32, #tpu.memory_space<hbm>> -> memref<128x64xf32, #tpu.memory_space<hbm>>
        %dma_wait3A_143 = arith.constant 0 : i32
        %dma_wait3A_144 = tpu.memref_slice %arg6[%mul3A_140, %dma_wait3A_143] : memref<327680x64xf32, #tpu.memory_space<hbm>> -> memref<128x64xf32, #tpu.memory_space<hbm>>
        tpu.wait_dma2 semaphore(%arg21 : memref<!tpu.dma_semaphore, #tpu.memory_space<semaphore_mem>>) src(%arg14 : memref<128x64xf32, #tpu.memory_space<vmem>>) dst(%dma_wait3A_144 : memref<128x64xf32, #tpu.memory_space<hbm>>)
      } else {
      }
      %scan3A_113 = arith.constant 0 : i32
      %scan3A_114 = arith.constant 0 : i32
      %scan3A_115 = arith.constant 32 : i32
      %scan3A_116 = arith.addi %scan3A_114, %scan3A_115 : i32
      %scan3A_117 = arith.constant 1 : i32
      scf.for %scan3A_135 = %scan3A_114 to %scan3A_116 step %scan3A_117  : i32 {
        %mul3A_136 = arith.constant 4 : i32
        %mul3A_137 = arith.muli %scan3A_135, %mul3A_136 : i32
        %add3A_138 = arith.constant 0 : i32
        %add3A_139 = arith.addi %mul3A_137, %add3A_138 : i32
        %get3A = arith.index_cast %add3A_139 : i32 to index
        %get3A_140 = arith.constant 0 : index
        %get3A_141 = tpu.vector_load %arg11[%get3A, %get3A_140] {strides = array<i32>} : memref<128x64xf32, #tpu.memory_space<vmem>>, vector<1x16xf32>,
        %get3A_142 = vector.shape_cast %get3A_141 : vector<1x16xf32> to vector<16xf32>
        %mul3A_143 = arith.constant 4 : i32
        %mul3A_144 = arith.muli %scan3A_135, %mul3A_143 : i32
        %add3A_145 = arith.constant 0 : i32
        %add3A_146 = arith.addi %mul3A_144, %add3A_145 : i32
        %get3A_147 = arith.index_cast %add3A_146 : i32 to index
        %get3A_148 = arith.constant 0 : index
        %get3A_149 = tpu.vector_load %arg12[%get3A_147, %get3A_148] {strides = array<i32>} : memref<128x64xf32, #tpu.memory_space<vmem>>, vector<1x16xf32>,
        %get3A_150 = vector.shape_cast %get3A_149 : vector<1x16xf32> to vector<16xf32>
        %add3A_151 = arith.addf %get3A_142, %get3A_150 : vector<16xf32>
        %mul3A_152 = arith.constant 4 : i32
        %mul3A_153 = arith.muli %scan3A_135, %mul3A_152 : i32
        %add3A_154 = arith.constant 0 : i32
        %add3A_155 = arith.addi %mul3A_153, %add3A_154 : i32
        %swap3A = arith.index_cast %add3A_155 : i32 to index
        %swap3A_156 = arith.constant 0 : index
        %swap3A_157 = tpu.vector_load %arg14[%swap3A, %swap3A_156] {strides = array<i32>} : memref<128x64xf32, #tpu.memory_space<vmem>>, vector<1x16xf32>,
        %swap3A_158 = vector.shape_cast %swap3A_157 : vector<1x16xf32> to vector<16xf32>
        %swap3A_159 = vector.shape_cast %add3A_151 : vector<16xf32> to vector<1x16xf32>
        tpu.vector_store %arg14[%swap3A, %swap3A_156], %swap3A_159 {strides = array<i32>} : memref<128x64xf32, #tpu.memory_space<vmem>>, vector<1x16xf32>,
        %mul3A_160 = arith.constant 4 : i32
        %mul3A_161 = arith.muli %scan3A_135, %mul3A_160 : i32
        %add3A_162 = arith.constant 0 : i32
        %add3A_163 = arith.addi %mul3A_161, %add3A_162 : i32
        %get3A_164 = arith.index_cast %add3A_163 : i32 to index
        %get3A_165 = arith.constant 16 : index
        %get3A_166 = tpu.vector_load %arg11[%get3A_164, %get3A_165] {strides = array<i32>} : memref<128x64xf32, #tpu.memory_space<vmem>>, vector<1x16xf32>,
        %get3A_167 = vector.shape_cast %get3A_166 : vector<1x16xf32> to vector<16xf32>
        %mul3A_168 = arith.constant 4 : i32
        %mul3A_169 = arith.muli %scan3A_135, %mul3A_168 : i32
        %add3A_170 = arith.constant 0 : i32
        %add3A_171 = arith.addi %mul3A_169, %add3A_170 : i32
        %get3A_172 = arith.index_cast %add3A_171 : i32 to index
        %get3A_173 = arith.constant 16 : index
        %get3A_174 = tpu.vector_load %arg12[%get3A_172, %get3A_173] {strides = array<i32>} : memref<128x64xf32, #tpu.memory_space<vmem>>, vector<1x16xf32>,
        %get3A_175 = vector.shape_cast %get3A_174 : vector<1x16xf32> to vector<16xf32>
        %add3A_176 = arith.addf %get3A_167, %get3A_175 : vector<16xf32>
        %mul3A_177 = arith.constant 4 : i32
        %mul3A_178 = arith.muli %scan3A_135, %mul3A_177 : i32
        %add3A_179 = arith.constant 0 : i32
        %add3A_180 = arith.addi %mul3A_178, %add3A_179 : i32
        %swap3A_181 = arith.index_cast %add3A_180 : i32 to index
        %swap3A_182 = arith.constant 16 : index
        %swap3A_183 = tpu.vector_load %arg14[%swap3A_181, %swap3A_182] {strides = array<i32>} : memref<128x64xf32, #tpu.memory_space<vmem>>, vector<1x16xf32>,
        %swap3A_184 = vector.shape_cast %swap3A_183 : vector<1x16xf32> to vector<16xf32>
        %swap3A_185 = vector.shape_cast %add3A_176 : vector<16xf32> to vector<1x16xf32>
        tpu.vector_store %arg14[%swap3A_181, %swap3A_182], %swap3A_185 {strides = array<i32>} : memref<128x64xf32, #tpu.memory_space<vmem>>, vector<1x16xf32>,
        %mul3A_186 = arith.constant 4 : i32
        %mul3A_187 = arith.muli %scan3A_135, %mul3A_186 : i32
        %add3A_188 = arith.constant 0 : i32
        %add3A_189 = arith.addi %mul3A_187, %add3A_188 : i32
        %get3A_190 = arith.index_cast %add3A_189 : i32 to index
        %get3A_191 = arith.constant 32 : index
        %get3A_192 = tpu.vector_load %arg11[%get3A_190, %get3A_191] {strides = array<i32>} : memref<128x64xf32, #tpu.memory_space<vmem>>, vector<1x16xf32>,
        %get3A_193 = vector.shape_cast %get3A_192 : vector<1x16xf32> to vector<16xf32>
        %mul3A_194 = arith.constant 4 : i32
        %mul3A_195 = arith.muli %scan3A_135, %mul3A_194 : i32
        %add3A_196 = arith.constant 0 : i32
        %add3A_197 = arith.addi %mul3A_195, %add3A_196 : i32
        %get3A_198 = arith.index_cast %add3A_197 : i32 to index
        %get3A_199 = arith.constant 32 : index
        %get3A_200 = tpu.vector_load %arg12[%get3A_198, %get3A_199] {strides = array<i32>} : memref<128x64xf32, #tpu.memory_space<vmem>>, vector<1x16xf32>,
        %get3A_201 = vector.shape_cast %get3A_200 : vector<1x16xf32> to vector<16xf32>
        %add3A_202 = arith.addf %get3A_193, %get3A_201 : vector<16xf32>
        %mul3A_203 = arith.constant 4 : i32
        %mul3A_204 = arith.muli %scan3A_135, %mul3A_203 : i32
        %add3A_205 = arith.constant 0 : i32
        %add3A_206 = arith.addi %mul3A_204, %add3A_205 : i32
        %swap3A_207 = arith.index_cast %add3A_206 : i32 to index
        %swap3A_208 = arith.constant 32 : index
        %swap3A_209 = tpu.vector_load %arg14[%swap3A_207, %swap3A_208] {strides = array<i32>} : memref<128x64xf32, #tpu.memory_space<vmem>>, vector<1x16xf32>,
        %swap3A_210 = vector.shape_cast %swap3A_209 : vector<1x16xf32> to vector<16xf32>
        %swap3A_211 = vector.shape_cast %add3A_202 : vector<16xf32> to vector<1x16xf32>
        tpu.vector_store %arg14[%swap3A_207, %swap3A_208], %swap3A_211 {strides = array<i32>} : memref<128x64xf32, #tpu.memory_space<vmem>>, vector<1x16xf32>,
        %mul3A_212 = arith.constant 4 : i32
        %mul3A_213 = arith.muli %scan3A_135, %mul3A_212 : i32
        %add3A_214 = arith.constant 0 : i32
        %add3A_215 = arith.addi %mul3A_213, %add3A_214 : i32
        %get3A_216 = arith.index_cast %add3A_215 : i32 to index
        %get3A_217 = arith.constant 48 : index
        %get3A_218 = tpu.vector_load %arg11[%get3A_216, %get3A_217] {strides = array<i32>} : memref<128x64xf32, #tpu.memory_space<vmem>>, vector<1x16xf32>,
        %get3A_219 = vector.shape_cast %get3A_218 : vector<1x16xf32> to vector<16xf32>
        %mul3A_220 = arith.constant 4 : i32
        %mul3A_221 = arith.muli %scan3A_135, %mul3A_220 : i32
        %add3A_222 = arith.constant 0 : i32
        %add3A_223 = arith.addi %mul3A_221, %add3A_222 : i32
        %get3A_224 = arith.index_cast %add3A_223 : i32 to index
        %get3A_225 = arith.constant 48 : index
        %get3A_226 = tpu.vector_load %arg12[%get3A_224, %get3A_225] {strides = array<i32>} : memref<128x64xf32, #tpu.memory_space<vmem>>, vector<1x16xf32>,
        %get3A_227 = vector.shape_cast %get3A_226 : vector<1x16xf32> to vector<16xf32>
        %add3A_228 = arith.addf %get3A_219, %get3A_227 : vector<16xf32>
        %mul3A_229 = arith.constant 4 : i32
        %mul3A_230 = arith.muli %scan3A_135, %mul3A_229 : i32
        %add3A_231 = arith.constant 0 : i32
        %add3A_232 = arith.addi %mul3A_230, %add3A_231 : i32
        %swap3A_233 = arith.index_cast %add3A_232 : i32 to index
        %swap3A_234 = arith.constant 48 : index
        %swap3A_235 = tpu.vector_load %arg14[%swap3A_233, %swap3A_234] {strides = array<i32>} : memref<128x64xf32, #tpu.memory_space<vmem>>, vector<1x16xf32>,
        %swap3A_236 = vector.shape_cast %swap3A_235 : vector<1x16xf32> to vector<16xf32>
        %swap3A_237 = vector.shape_cast %add3A_228 : vector<16xf32> to vector<1x16xf32>
        tpu.vector_store %arg14[%swap3A_233, %swap3A_234], %swap3A_237 {strides = array<i32>} : memref<128x64xf32, #tpu.memory_space<vmem>>, vector<1x16xf32>,
        %mul3A_238 = arith.constant 4 : i32
        %mul3A_239 = arith.muli %scan3A_135, %mul3A_238 : i32
        %add3A_240 = arith.constant 1 : i32
        %add3A_241 = arith.addi %mul3A_239, %add3A_240 : i32
        %get3A_242 = arith.index_cast %add3A_241 : i32 to index
        %get3A_243 = arith.constant 0 : index
        %get3A_244 = tpu.vector_load %arg11[%get3A_242, %get3A_243] {strides = array<i32>} : memref<128x64xf32, #tpu.memory_space<vmem>>, vector<1x16xf32>,
        %get3A_245 = vector.shape_cast %get3A_244 : vector<1x16xf32> to vector<16xf32>
        %mul3A_246 = arith.constant 4 : i32
        %mul3A_247 = arith.muli %scan3A_135, %mul3A_246 : i32
        %add3A_248 = arith.constant 1 : i32
        %add3A_249 = arith.addi %mul3A_247, %add3A_248 : i32
        %get3A_250 = arith.index_cast %add3A_249 : i32 to index
        %get3A_251 = arith.constant 0 : index
        %get3A_252 = tpu.vector_load %arg12[%get3A_250, %get3A_251] {strides = array<i32>} : memref<128x64xf32, #tpu.memory_space<vmem>>, vector<1x16xf32>,
        %get3A_253 = vector.shape_cast %get3A_252 : vector<1x16xf32> to vector<16xf32>
        %add3A_254 = arith.addf %get3A_245, %get3A_253 : vector<16xf32>
        %mul3A_255 = arith.constant 4 : i32
        %mul3A_256 = arith.muli %scan3A_135, %mul3A_255 : i32
        %add3A_257 = arith.constant 1 : i32
        %add3A_258 = arith.addi %mul3A_256, %add3A_257 : i32
        %swap3A_259 = arith.index_cast %add3A_258 : i32 to index
        %swap3A_260 = arith.constant 0 : index
        %swap3A_261 = tpu.vector_load %arg14[%swap3A_259, %swap3A_260] {strides = array<i32>} : memref<128x64xf32, #tpu.memory_space<vmem>>, vector<1x16xf32>,
        %swap3A_262 = vector.shape_cast %swap3A_261 : vector<1x16xf32> to vector<16xf32>
        %swap3A_263 = vector.shape_cast %add3A_254 : vector<16xf32> to vector<1x16xf32>
        tpu.vector_store %arg14[%swap3A_259, %swap3A_260], %swap3A_263 {strides = array<i32>} : memref<128x64xf32, #tpu.memory_space<vmem>>, vector<1x16xf32>,
        %mul3A_264 = arith.constant 4 : i32
        %mul3A_265 = arith.muli %scan3A_135, %mul3A_264 : i32
        %add3A_266 = arith.constant 1 : i32
        %add3A_267 = arith.addi %mul3A_265, %add3A_266 : i32
        %get3A_268 = arith.index_cast %add3A_267 : i32 to index
        %get3A_269 = arith.constant 16 : index
        %get3A_270 = tpu.vector_load %arg11[%get3A_268, %get3A_269] {strides = array<i32>} : memref<128x64xf32, #tpu.memory_space<vmem>>, vector<1x16xf32>,
        %get3A_271 = vector.shape_cast %get3A_270 : vector<1x16xf32> to vector<16xf32>
        %mul3A_272 = arith.constant 4 : i32
        %mul3A_273 = arith.muli %scan3A_135, %mul3A_272 : i32
        %add3A_274 = arith.constant 1 : i32
        %add3A_275 = arith.addi %mul3A_273, %add3A_274 : i32
        %get3A_276 = arith.index_cast %add3A_275 : i32 to index
        %get3A_277 = arith.constant 16 : index
        %get3A_278 = tpu.vector_load %arg12[%get3A_276, %get3A_277] {strides = array<i32>} : memref<128x64xf32, #tpu.memory_space<vmem>>, vector<1x16xf32>,
        %get3A_279 = vector.shape_cast %get3A_278 : vector<1x16xf32> to vector<16xf32>
        %add3A_280 = arith.addf %get3A_271, %get3A_279 : vector<16xf32>
        %mul3A_281 = arith.constant 4 : i32
        %mul3A_282 = arith.muli %scan3A_135, %mul3A_281 : i32
        %add3A_283 = arith.constant 1 : i32
        %add3A_284 = arith.addi %mul3A_282, %add3A_283 : i32
        %swap3A_285 = arith.index_cast %add3A_284 : i32 to index
        %swap3A_286 = arith.constant 16 : index
        %swap3A_287 = tpu.vector_load %arg14[%swap3A_285, %swap3A_286] {strides = array<i32>} : memref<128x64xf32, #tpu.memory_space<vmem>>, vector<1x16xf32>,
        %swap3A_288 = vector.shape_cast %swap3A_287 : vector<1x16xf32> to vector<16xf32>
        %swap3A_289 = vector.shape_cast %add3A_280 : vector<16xf32> to vector<1x16xf32>
        tpu.vector_store %arg14[%swap3A_285, %swap3A_286], %swap3A_289 {strides = array<i32>} : memref<128x64xf32, #tpu.memory_space<vmem>>, vector<1x16xf32>,
        %mul3A_290 = arith.constant 4 : i32
        %mul3A_291 = arith.muli %scan3A_135, %mul3A_290 : i32
        %add3A_292 = arith.constant 1 : i32
        %add3A_293 = arith.addi %mul3A_291, %add3A_292 : i32
        %get3A_294 = arith.index_cast %add3A_293 : i32 to index
        %get3A_295 = arith.constant 32 : index
        %get3A_296 = tpu.vector_load %arg11[%get3A_294, %get3A_295] {strides = array<i32>} : memref<128x64xf32, #tpu.memory_space<vmem>>, vector<1x16xf32>,
        %get3A_297 = vector.shape_cast %get3A_296 : vector<1x16xf32> to vector<16xf32>
        %mul3A_298 = arith.constant 4 : i32
        %mul3A_299 = arith.muli %scan3A_135, %mul3A_298 : i32
        %add3A_300 = arith.constant 1 : i32
        %add3A_301 = arith.addi %mul3A_299, %add3A_300 : i32
        %get3A_302 = arith.index_cast %add3A_301 : i32 to index
        %get3A_303 = arith.constant 32 : index
        %get3A_304 = tpu.vector_load %arg12[%get3A_302, %get3A_303] {strides = array<i32>} : memref<128x64xf32, #tpu.memory_space<vmem>>, vector<1x16xf32>,
        %get3A_305 = vector.shape_cast %get3A_304 : vector<1x16xf32> to vector<16xf32>
        %add3A_306 = arith.addf %get3A_297, %get3A_305 : vector<16xf32>
        %mul3A_307 = arith.constant 4 : i32
        %mul3A_308 = arith.muli %scan3A_135, %mul3A_307 : i32
        %add3A_309 = arith.constant 1 : i32
        %add3A_310 = arith.addi %mul3A_308, %add3A_309 : i32
        %swap3A_311 = arith.index_cast %add3A_310 : i32 to index
        %swap3A_312 = arith.constant 32 : index
        %swap3A_313 = tpu.vector_load %arg14[%swap3A_311, %swap3A_312] {strides = array<i32>} : memref<128x64xf32, #tpu.memory_space<vmem>>, vector<1x16xf32>,
        %swap3A_314 = vector.shape_cast %swap3A_313 : vector<1x16xf32> to vector<16xf32>
        %swap3A_315 = vector.shape_cast %add3A_306 : vector<16xf32> to vector<1x16xf32>
        tpu.vector_store %arg14[%swap3A_311, %swap3A_312], %swap3A_315 {strides = array<i32>} : memref<128x64xf32, #tpu.memory_space<vmem>>, vector<1x16xf32>,
        %mul3A_316 = arith.constant 4 : i32
        %mul3A_317 = arith.muli %scan3A_135, %mul3A_316 : i32
        %add3A_318 = arith.constant 1 : i32
        %add3A_319 = arith.addi %mul3A_317, %add3A_318 : i32
        %get3A_320 = arith.index_cast %add3A_319 : i32 to index
        %get3A_321 = arith.constant 48 : index
        %get3A_322 = tpu.vector_load %arg11[%get3A_320, %get3A_321] {strides = array<i32>} : memref<128x64xf32, #tpu.memory_space<vmem>>, vector<1x16xf32>,
        %get3A_323 = vector.shape_cast %get3A_322 : vector<1x16xf32> to vector<16xf32>
        %mul3A_324 = arith.constant 4 : i32
        %mul3A_325 = arith.muli %scan3A_135, %mul3A_324 : i32
        %add3A_326 = arith.constant 1 : i32
        %add3A_327 = arith.addi %mul3A_325, %add3A_326 : i32
        %get3A_328 = arith.index_cast %add3A_327 : i32 to index
        %get3A_329 = arith.constant 48 : index
        %get3A_330 = tpu.vector_load %arg12[%get3A_328, %get3A_329] {strides = array<i32>} : memref<128x64xf32, #tpu.memory_space<vmem>>, vector<1x16xf32>,
        %get3A_331 = vector.shape_cast %get3A_330 : vector<1x16xf32> to vector<16xf32>
        %add3A_332 = arith.addf %get3A_323, %get3A_331 : vector<16xf32>
        %mul3A_333 = arith.constant 4 : i32
        %mul3A_334 = arith.muli %scan3A_135, %mul3A_333 : i32
        %add3A_335 = arith.constant 1 : i32
        %add3A_336 = arith.addi %mul3A_334, %add3A_335 : i32
        %swap3A_337 = arith.index_cast %add3A_336 : i32 to index
        %swap3A_338 = arith.constant 48 : index
        %swap3A_339 = tpu.vector_load %arg14[%swap3A_337, %swap3A_338] {strides = array<i32>} : memref<128x64xf32, #tpu.memory_space<vmem>>, vector<1x16xf32>,
        %swap3A_340 = vector.shape_cast %swap3A_339 : vector<1x16xf32> to vector<16xf32>
        %swap3A_341 = vector.shape_cast %add3A_332 : vector<16xf32> to vector<1x16xf32>
        tpu.vector_store %arg14[%swap3A_337, %swap3A_338], %swap3A_341 {strides = array<i32>} : memref<128x64xf32, #tpu.memory_space<vmem>>, vector<1x16xf32>,
        %mul3A_342 = arith.constant 4 : i32
        %mul3A_343 = arith.muli %scan3A_135, %mul3A_342 : i32
        %add3A_344 = arith.constant 2 : i32
        %add3A_345 = arith.addi %mul3A_343, %add3A_344 : i32
        %get3A_346 = arith.index_cast %add3A_345 : i32 to index
        %get3A_347 = arith.constant 0 : index
        %get3A_348 = tpu.vector_load %arg11[%get3A_346, %get3A_347] {strides = array<i32>} : memref<128x64xf32, #tpu.memory_space<vmem>>, vector<1x16xf32>,
        %get3A_349 = vector.shape_cast %get3A_348 : vector<1x16xf32> to vector<16xf32>
        %mul3A_350 = arith.constant 4 : i32
        %mul3A_351 = arith.muli %scan3A_135, %mul3A_350 : i32
        %add3A_352 = arith.constant 2 : i32
        %add3A_353 = arith.addi %mul3A_351, %add3A_352 : i32
        %get3A_354 = arith.index_cast %add3A_353 : i32 to index
        %get3A_355 = arith.constant 0 : index
        %get3A_356 = tpu.vector_load %arg12[%get3A_354, %get3A_355] {strides = array<i32>} : memref<128x64xf32, #tpu.memory_space<vmem>>, vector<1x16xf32>,
        %get3A_357 = vector.shape_cast %get3A_356 : vector<1x16xf32> to vector<16xf32>
        %add3A_358 = arith.addf %get3A_349, %get3A_357 : vector<16xf32>
        %mul3A_359 = arith.constant 4 : i32
        %mul3A_360 = arith.muli %scan3A_135, %mul3A_359 : i32
        %add3A_361 = arith.constant 2 : i32
        %add3A_362 = arith.addi %mul3A_360, %add3A_361 : i32
        %swap3A_363 = arith.index_cast %add3A_362 : i32 to index
        %swap3A_364 = arith.constant 0 : index
        %swap3A_365 = tpu.vector_load %arg14[%swap3A_363, %swap3A_364] {strides = array<i32>} : memref<128x64xf32, #tpu.memory_space<vmem>>, vector<1x16xf32>,
        %swap3A_366 = vector.shape_cast %swap3A_365 : vector<1x16xf32> to vector<16xf32>
        %swap3A_367 = vector.shape_cast %add3A_358 : vector<16xf32> to vector<1x16xf32>
        tpu.vector_store %arg14[%swap3A_363, %swap3A_364], %swap3A_367 {strides = array<i32>} : memref<128x64xf32, #tpu.memory_space<vmem>>, vector<1x16xf32>,
        %mul3A_368 = arith.constant 4 : i32
        %mul3A_369 = arith.muli %scan3A_135, %mul3A_368 : i32
        %add3A_370 = arith.constant 2 : i32
        %add3A_371 = arith.addi %mul3A_369, %add3A_370 : i32
        %get3A_372 = arith.index_cast %add3A_371 : i32 to index
        %get3A_373 = arith.constant 16 : index
        %get3A_374 = tpu.vector_load %arg11[%get3A_372, %get3A_373] {strides = array<i32>} : memref<128x64xf32, #tpu.memory_space<vmem>>, vector<1x16xf32>,
        %get3A_375 = vector.shape_cast %get3A_374 : vector<1x16xf32> to vector<16xf32>
        %mul3A_376 = arith.constant 4 : i32
        %mul3A_377 = arith.muli %scan3A_135, %mul3A_376 : i32
        %add3A_378 = arith.constant 2 : i32
        %add3A_379 = arith.addi %mul3A_377, %add3A_378 : i32
        %get3A_380 = arith.index_cast %add3A_379 : i32 to index
        %get3A_381 = arith.constant 16 : index
        %get3A_382 = tpu.vector_load %arg12[%get3A_380, %get3A_381] {strides = array<i32>} : memref<128x64xf32, #tpu.memory_space<vmem>>, vector<1x16xf32>,
        %get3A_383 = vector.shape_cast %get3A_382 : vector<1x16xf32> to vector<16xf32>
        %add3A_384 = arith.addf %get3A_375, %get3A_383 : vector<16xf32>
        %mul3A_385 = arith.constant 4 : i32
        %mul3A_386 = arith.muli %scan3A_135, %mul3A_385 : i32
        %add3A_387 = arith.constant 2 : i32
        %add3A_388 = arith.addi %mul3A_386, %add3A_387 : i32
        %swap3A_389 = arith.index_cast %add3A_388 : i32 to index
        %swap3A_390 = arith.constant 16 : index
        %swap3A_391 = tpu.vector_load %arg14[%swap3A_389, %swap3A_390] {strides = array<i32>} : memref<128x64xf32, #tpu.memory_space<vmem>>, vector<1x16xf32>,
        %swap3A_392 = vector.shape_cast %swap3A_391 : vector<1x16xf32> to vector<16xf32>
        %swap3A_393 = vector.shape_cast %add3A_384 : vector<16xf32> to vector<1x16xf32>
        tpu.vector_store %arg14[%swap3A_389, %swap3A_390], %swap3A_393 {strides = array<i32>} : memref<128x64xf32, #tpu.memory_space<vmem>>, vector<1x16xf32>,
        %mul3A_394 = arith.constant 4 : i32
        %mul3A_395 = arith.muli %scan3A_135, %mul3A_394 : i32
        %add3A_396 = arith.constant 2 : i32
        %add3A_397 = arith.addi %mul3A_395, %add3A_396 : i32
        %get3A_398 = arith.index_cast %add3A_397 : i32 to index
        %get3A_399 = arith.constant 32 : index
        %get3A_400 = tpu.vector_load %arg11[%get3A_398, %get3A_399] {strides = array<i32>} : memref<128x64xf32, #tpu.memory_space<vmem>>, vector<1x16xf32>,
        %get3A_401 = vector.shape_cast %get3A_400 : vector<1x16xf32> to vector<16xf32>
        %mul3A_402 = arith.constant 4 : i32
        %mul3A_403 = arith.muli %scan3A_135, %mul3A_402 : i32
        %add3A_404 = arith.constant 2 : i32
        %add3A_405 = arith.addi %mul3A_403, %add3A_404 : i32
        %get3A_406 = arith.index_cast %add3A_405 : i32 to index
        %get3A_407 = arith.constant 32 : index
        %get3A_408 = tpu.vector_load %arg12[%get3A_406, %get3A_407] {strides = array<i32>} : memref<128x64xf32, #tpu.memory_space<vmem>>, vector<1x16xf32>,
        %get3A_409 = vector.shape_cast %get3A_408 : vector<1x16xf32> to vector<16xf32>
        %add3A_410 = arith.addf %get3A_401, %get3A_409 : vector<16xf32>
        %mul3A_411 = arith.constant 4 : i32
        %mul3A_412 = arith.muli %scan3A_135, %mul3A_411 : i32
        %add3A_413 = arith.constant 2 : i32
        %add3A_414 = arith.addi %mul3A_412, %add3A_413 : i32
        %swap3A_415 = arith.index_cast %add3A_414 : i32 to index
        %swap3A_416 = arith.constant 32 : index
        %swap3A_417 = tpu.vector_load %arg14[%swap3A_415, %swap3A_416] {strides = array<i32>} : memref<128x64xf32, #tpu.memory_space<vmem>>, vector<1x16xf32>,
        %swap3A_418 = vector.shape_cast %swap3A_417 : vector<1x16xf32> to vector<16xf32>
        %swap3A_419 = vector.shape_cast %add3A_410 : vector<16xf32> to vector<1x16xf32>
        tpu.vector_store %arg14[%swap3A_415, %swap3A_416], %swap3A_419 {strides = array<i32>} : memref<128x64xf32, #tpu.memory_space<vmem>>, vector<1x16xf32>,
        %mul3A_420 = arith.constant 4 : i32
        %mul3A_421 = arith.muli %scan3A_135, %mul3A_420 : i32
        %add3A_422 = arith.constant 2 : i32
        %add3A_423 = arith.addi %mul3A_421, %add3A_422 : i32
        %get3A_424 = arith.index_cast %add3A_423 : i32 to index
        %get3A_425 = arith.constant 48 : index
        %get3A_426 = tpu.vector_load %arg11[%get3A_424, %get3A_425] {strides = array<i32>} : memref<128x64xf32, #tpu.memory_space<vmem>>, vector<1x16xf32>,
        %get3A_427 = vector.shape_cast %get3A_426 : vector<1x16xf32> to vector<16xf32>
        %mul3A_428 = arith.constant 4 : i32
        %mul3A_429 = arith.muli %scan3A_135, %mul3A_428 : i32
        %add3A_430 = arith.constant 2 : i32
        %add3A_431 = arith.addi %mul3A_429, %add3A_430 : i32
        %get3A_432 = arith.index_cast %add3A_431 : i32 to index
        %get3A_433 = arith.constant 48 : index
        %get3A_434 = tpu.vector_load %arg12[%get3A_432, %get3A_433] {strides = array<i32>} : memref<128x64xf32, #tpu.memory_space<vmem>>, vector<1x16xf32>,
        %get3A_435 = vector.shape_cast %get3A_434 : vector<1x16xf32> to vector<16xf32>
        %add3A_436 = arith.addf %get3A_427, %get3A_435 : vector<16xf32>
        %mul3A_437 = arith.constant 4 : i32
        %mul3A_438 = arith.muli %scan3A_135, %mul3A_437 : i32
        %add3A_439 = arith.constant 2 : i32
        %add3A_440 = arith.addi %mul3A_438, %add3A_439 : i32
        %swap3A_441 = arith.index_cast %add3A_440 : i32 to index
        %swap3A_442 = arith.constant 48 : index
        %swap3A_443 = tpu.vector_load %arg14[%swap3A_441, %swap3A_442] {strides = array<i32>} : memref<128x64xf32, #tpu.memory_space<vmem>>, vector<1x16xf32>,
        %swap3A_444 = vector.shape_cast %swap3A_443 : vector<1x16xf32> to vector<16xf32>
        %swap3A_445 = vector.shape_cast %add3A_436 : vector<16xf32> to vector<1x16xf32>
        tpu.vector_store %arg14[%swap3A_441, %swap3A_442], %swap3A_445 {strides = array<i32>} : memref<128x64xf32, #tpu.memory_space<vmem>>, vector<1x16xf32>,
        %mul3A_446 = arith.constant 4 : i32
        %mul3A_447 = arith.muli %scan3A_135, %mul3A_446 : i32
        %add3A_448 = arith.constant 3 : i32
        %add3A_449 = arith.addi %mul3A_447, %add3A_448 : i32
        %get3A_450 = arith.index_cast %add3A_449 : i32 to index
        %get3A_451 = arith.constant 0 : index
        %get3A_452 = tpu.vector_load %arg11[%get3A_450, %get3A_451] {strides = array<i32>} : memref<128x64xf32, #tpu.memory_space<vmem>>, vector<1x16xf32>,
        %get3A_453 = vector.shape_cast %get3A_452 : vector<1x16xf32> to vector<16xf32>
        %mul3A_454 = arith.constant 4 : i32
        %mul3A_455 = arith.muli %scan3A_135, %mul3A_454 : i32
        %add3A_456 = arith.constant 3 : i32
        %add3A_457 = arith.addi %mul3A_455, %add3A_456 : i32
        %get3A_458 = arith.index_cast %add3A_457 : i32 to index
        %get3A_459 = arith.constant 0 : index
        %get3A_460 = tpu.vector_load %arg12[%get3A_458, %get3A_459] {strides = array<i32>} : memref<128x64xf32, #tpu.memory_space<vmem>>, vector<1x16xf32>,
        %get3A_461 = vector.shape_cast %get3A_460 : vector<1x16xf32> to vector<16xf32>
        %add3A_462 = arith.addf %get3A_453, %get3A_461 : vector<16xf32>
        %mul3A_463 = arith.constant 4 : i32
        %mul3A_464 = arith.muli %scan3A_135, %mul3A_463 : i32
        %add3A_465 = arith.constant 3 : i32
        %add3A_466 = arith.addi %mul3A_464, %add3A_465 : i32
        %swap3A_467 = arith.index_cast %add3A_466 : i32 to index
        %swap3A_468 = arith.constant 0 : index
        %swap3A_469 = tpu.vector_load %arg14[%swap3A_467, %swap3A_468] {strides = array<i32>} : memref<128x64xf32, #tpu.memory_space<vmem>>, vector<1x16xf32>,
        %swap3A_470 = vector.shape_cast %swap3A_469 : vector<1x16xf32> to vector<16xf32>
        %swap3A_471 = vector.shape_cast %add3A_462 : vector<16xf32> to vector<1x16xf32>
        tpu.vector_store %arg14[%swap3A_467, %swap3A_468], %swap3A_471 {strides = array<i32>} : memref<128x64xf32, #tpu.memory_space<vmem>>, vector<1x16xf32>,
        %mul3A_472 = arith.constant 4 : i32
        %mul3A_473 = arith.muli %scan3A_135, %mul3A_472 : i32
        %add3A_474 = arith.constant 3 : i32
        %add3A_475 = arith.addi %mul3A_473, %add3A_474 : i32
        %get3A_476 = arith.index_cast %add3A_475 : i32 to index
        %get3A_477 = arith.constant 16 : index
        %get3A_478 = tpu.vector_load %arg11[%get3A_476, %get3A_477] {strides = array<i32>} : memref<128x64xf32, #tpu.memory_space<vmem>>, vector<1x16xf32>,
        %get3A_479 = vector.shape_cast %get3A_478 : vector<1x16xf32> to vector<16xf32>
        %mul3A_480 = arith.constant 4 : i32
        %mul3A_481 = arith.muli %scan3A_135, %mul3A_480 : i32
        %add3A_482 = arith.constant 3 : i32
        %add3A_483 = arith.addi %mul3A_481, %add3A_482 : i32
        %get3A_484 = arith.index_cast %add3A_483 : i32 to index
        %get3A_485 = arith.constant 16 : index
        %get3A_486 = tpu.vector_load %arg12[%get3A_484, %get3A_485] {strides = array<i32>} : memref<128x64xf32, #tpu.memory_space<vmem>>, vector<1x16xf32>,
        %get3A_487 = vector.shape_cast %get3A_486 : vector<1x16xf32> to vector<16xf32>
        %add3A_488 = arith.addf %get3A_479, %get3A_487 : vector<16xf32>
        %mul3A_489 = arith.constant 4 : i32
        %mul3A_490 = arith.muli %scan3A_135, %mul3A_489 : i32
        %add3A_491 = arith.constant 3 : i32
        %add3A_492 = arith.addi %mul3A_490, %add3A_491 : i32
        %swap3A_493 = arith.index_cast %add3A_492 : i32 to index
        %swap3A_494 = arith.constant 16 : index
        %swap3A_495 = tpu.vector_load %arg14[%swap3A_493, %swap3A_494] {strides = array<i32>} : memref<128x64xf32, #tpu.memory_space<vmem>>, vector<1x16xf32>,
        %swap3A_496 = vector.shape_cast %swap3A_495 : vector<1x16xf32> to vector<16xf32>
        %swap3A_497 = vector.shape_cast %add3A_488 : vector<16xf32> to vector<1x16xf32>
        tpu.vector_store %arg14[%swap3A_493, %swap3A_494], %swap3A_497 {strides = array<i32>} : memref<128x64xf32, #tpu.memory_space<vmem>>, vector<1x16xf32>,
        %mul3A_498 = arith.constant 4 : i32
        %mul3A_499 = arith.muli %scan3A_135, %mul3A_498 : i32
        %add3A_500 = arith.constant 3 : i32
        %add3A_501 = arith.addi %mul3A_499, %add3A_500 : i32
        %get3A_502 = arith.index_cast %add3A_501 : i32 to index
        %get3A_503 = arith.constant 32 : index
        %get3A_504 = tpu.vector_load %arg11[%get3A_502, %get3A_503] {strides = array<i32>} : memref<128x64xf32, #tpu.memory_space<vmem>>, vector<1x16xf32>,
        %get3A_505 = vector.shape_cast %get3A_504 : vector<1x16xf32> to vector<16xf32>
        %mul3A_506 = arith.constant 4 : i32
        %mul3A_507 = arith.muli %scan3A_135, %mul3A_506 : i32
        %add3A_508 = arith.constant 3 : i32
        %add3A_509 = arith.addi %mul3A_507, %add3A_508 : i32
        %get3A_510 = arith.index_cast %add3A_509 : i32 to index
        %get3A_511 = arith.constant 32 : index
        %get3A_512 = tpu.vector_load %arg12[%get3A_510, %get3A_511] {strides = array<i32>} : memref<128x64xf32, #tpu.memory_space<vmem>>, vector<1x16xf32>,
        %get3A_513 = vector.shape_cast %get3A_512 : vector<1x16xf32> to vector<16xf32>
        %add3A_514 = arith.addf %get3A_505, %get3A_513 : vector<16xf32>
        %mul3A_515 = arith.constant 4 : i32
        %mul3A_516 = arith.muli %scan3A_135, %mul3A_515 : i32
        %add3A_517 = arith.constant 3 : i32
        %add3A_518 = arith.addi %mul3A_516, %add3A_517 : i32
        %swap3A_519 = arith.index_cast %add3A_518 : i32 to index
        %swap3A_520 = arith.constant 32 : index
        %swap3A_521 = tpu.vector_load %arg14[%swap3A_519, %swap3A_520] {strides = array<i32>} : memref<128x64xf32, #tpu.memory_space<vmem>>, vector<1x16xf32>,
        %swap3A_522 = vector.shape_cast %swap3A_521 : vector<1x16xf32> to vector<16xf32>
        %swap3A_523 = vector.shape_cast %add3A_514 : vector<16xf32> to vector<1x16xf32>
        tpu.vector_store %arg14[%swap3A_519, %swap3A_520], %swap3A_523 {strides = array<i32>} : memref<128x64xf32, #tpu.memory_space<vmem>>, vector<1x16xf32>,
        %mul3A_524 = arith.constant 4 : i32
        %mul3A_525 = arith.muli %scan3A_135, %mul3A_524 : i32
        %add3A_526 = arith.constant 3 : i32
        %add3A_527 = arith.addi %mul3A_525, %add3A_526 : i32
        %get3A_528 = arith.index_cast %add3A_527 : i32 to index
        %get3A_529 = arith.constant 48 : index
        %get3A_530 = tpu.vector_load %arg11[%get3A_528, %get3A_529] {strides = array<i32>} : memref<128x64xf32, #tpu.memory_space<vmem>>, vector<1x16xf32>,
        %get3A_531 = vector.shape_cast %get3A_530 : vector<1x16xf32> to vector<16xf32>
        %mul3A_532 = arith.constant 4 : i32
        %mul3A_533 = arith.muli %scan3A_135, %mul3A_532 : i32
        %add3A_534 = arith.constant 3 : i32
        %add3A_535 = arith.addi %mul3A_533, %add3A_534 : i32
        %get3A_536 = arith.index_cast %add3A_535 : i32 to index
        %get3A_537 = arith.constant 48 : index
        %get3A_538 = tpu.vector_load %arg12[%get3A_536, %get3A_537] {strides = array<i32>} : memref<128x64xf32, #tpu.memory_space<vmem>>, vector<1x16xf32>,
        %get3A_539 = vector.shape_cast %get3A_538 : vector<1x16xf32> to vector<16xf32>
        %add3A_540 = arith.addf %get3A_531, %get3A_539 : vector<16xf32>
        %mul3A_541 = arith.constant 4 : i32
        %mul3A_542 = arith.muli %scan3A_135, %mul3A_541 : i32
        %add3A_543 = arith.constant 3 : i32
        %add3A_544 = arith.addi %mul3A_542, %add3A_543 : i32
        %swap3A_545 = arith.index_cast %add3A_544 : i32 to index
        %swap3A_546 = arith.constant 48 : index
        %swap3A_547 = tpu.vector_load %arg14[%swap3A_545, %swap3A_546] {strides = array<i32>} : memref<128x64xf32, #tpu.memory_space<vmem>>, vector<1x16xf32>,
        %swap3A_548 = vector.shape_cast %swap3A_547 : vector<1x16xf32> to vector<16xf32>
        %swap3A_549 = vector.shape_cast %add3A_540 : vector<16xf32> to vector<1x16xf32>
        tpu.vector_store %arg14[%swap3A_545, %swap3A_546], %swap3A_549 {strides = array<i32>} : memref<128x64xf32, #tpu.memory_space<vmem>>, vector<1x16xf32>,
      }
      %scan3A_118 = arith.constant 32 : i32
      %mul3A_119 = arith.constant 80 : i32
      %mul3A_120 = arith.muli %add3A, %mul3A_119 : i32
      %add3A_121 = arith.addi %mul3A_120, %add3A_60 : i32
      %mul3A_122 = arith.constant 128 : i32
      %mul3A_123 = arith.muli %add3A_121, %mul3A_122 : i32
      %dma_start3A_124 = arith.constant 0 : i32
      %dma_start3A_125 = tpu.memref_slice %arg6[%mul3A_123, %dma_start3A_124] : memref<327680x64xf32, #tpu.memory_space<hbm>> -> memref<128x64xf32, #tpu.memory_space<hbm>>
      %dma_start3A_126 = arith.constant 0 : i32
      %dma_start3A_127 = tpu.memref_slice %arg6[%mul3A_123, %dma_start3A_126] : memref<327680x64xf32, #tpu.memory_space<hbm>> -> memref<128x64xf32, #tpu.memory_space<hbm>>
      tpu.enqueue_dma source(%arg14 : memref<128x64xf32, #tpu.memory_space<vmem>>) target(%dma_start3A_127 : memref<128x64xf32, #tpu.memory_space<hbm>>) target_semaphore(%arg21 : memref<!tpu.dma_semaphore, #tpu.memory_space<semaphore_mem>>)
      %add3A_128 = arith.constant 2 : i32
      %add3A_129 = arith.addi %add3A_60, %add3A_128 : i32
      %lt3A_130 = arith.constant 80 : i32
      %lt3A_131 = arith.cmpi slt, %add3A_129, %lt3A_130 : i32
      %convert_element_type3A_132 = arith.extui %lt3A_131 : i1 to i32
      %cond3A_133 = arith.constant 0 : i32
      %cond3A_134 = arith.cmpi ne, %convert_element_type3A_132, %cond3A_133 : i32
      scf.if %cond3A_134 {
        %add3A_135 = arith.constant 2 : i32
        %add3A_136 = arith.addi %add3A_60, %add3A_135 : i32
        %dma_start3A_137 = arith.constant 0 : i32
        %dma_start3A_138 = tpu.memref_slice %arg7[%add3A_136, %dma_start3A_137] : memref<80x128xi32, #tpu.memory_space<vmem>> -> memref<1x128xi32, #tpu.memory_space<vmem>>
        %dma_start3A_139 = tpu.memref_squeeze %dma_start3A_138 : memref<1x128xi32, #tpu.memory_space<vmem>> -> memref<128xi32, #tpu.memory_space<vmem>>
        %dma_start3A_140 = arith.constant 0 : i32
        %dma_start3A_141 = arith.constant 0 : i32
        %dma_start3A_142 = tpu.memref_slice %arg15[%dma_start3A_140, %dma_start3A_141] : memref<10240x64xf32, #tpu.memory_space<vmem_shared>> -> memref<10240x64xf32, #tpu.memory_space<vmem_shared>>
        tpu.enqueue_indirect_dma source(%dma_start3A_142 : memref<10240x64xf32, #tpu.memory_space<vmem_shared>>) target(%arg11 : memref<128x64xf32, #tpu.memory_space<vmem>>) offsets(%dma_start3A_139 : memref<128xi32, #tpu.memory_space<vmem>>) semaphore(%arg18 : memref<!tpu.dma_semaphore, #tpu.memory_space<semaphore_mem>>)
        %add3A_143 = arith.constant 2 : i32
        %add3A_144 = arith.addi %add3A_60, %add3A_143 : i32
        %dma_start3A_145 = arith.constant 0 : i32
        %dma_start3A_146 = tpu.memref_slice %arg8[%add3A_144, %dma_start3A_145] : memref<80x128xi32, #tpu.memory_space<vmem>> -> memref<1x128xi32, #tpu.memory_space<vmem>>
        %dma_start3A_147 = tpu.memref_squeeze %dma_start3A_146 : memref<1x128xi32, #tpu.memory_space<vmem>> -> memref<128xi32, #tpu.memory_space<vmem>>
        %dma_start3A_148 = arith.constant 0 : i32
        %dma_start3A_149 = arith.constant 0 : i32
        %dma_start3A_150 = tpu.memref_slice %arg3[%dma_start3A_148, %dma_start3A_149] : memref<10240x64xf32, #tpu.memory_space<hbm>> -> memref<10240x64xf32, #tpu.memory_space<hbm>>
        tpu.enqueue_indirect_dma source(%dma_start3A_150 : memref<10240x64xf32, #tpu.memory_space<hbm>>) target(%arg12 : memref<128x64xf32, #tpu.memory_space<vmem>>) offsets(%dma_start3A_147 : memref<128xi32, #tpu.memory_space<vmem>>) semaphore(%arg19 : memref<!tpu.dma_semaphore, #tpu.memory_space<semaphore_mem>>)
      } else {
      }
    }
    %scan3A_36 = arith.constant 40 : i32
    %mul3A_37 = arith.constant 80 : i32
    %mul3A_38 = arith.muli %add3A, %mul3A_37 : i32
    %add3A_39 = arith.constant 78 : i32
    %add3A_40 = arith.addi %mul3A_38, %add3A_39 : i32
    %mul3A_41 = arith.constant 128 : i32
    %mul3A_42 = arith.muli %add3A_40, %mul3A_41 : i32
    %dma_wait3A = arith.constant 0 : i32
    %dma_wait3A_43 = tpu.memref_slice %arg6[%mul3A_42, %dma_wait3A] : memref<327680x64xf32, #tpu.memory_space<hbm>> -> memref<128x64xf32, #tpu.memory_space<hbm>>
    %dma_wait3A_44 = arith.constant 0 : i32
    %dma_wait3A_45 = tpu.memref_slice %arg6[%mul3A_42, %dma_wait3A_44] : memref<327680x64xf32, #tpu.memory_space<hbm>> -> memref<128x64xf32, #tpu.memory_space<hbm>>
    tpu.wait_dma2 semaphore(%arg20 : memref<!tpu.dma_semaphore, #tpu.memory_space<semaphore_mem>>) src(%arg13 : memref<128x64xf32, #tpu.memory_space<vmem>>) dst(%dma_wait3A_45 : memref<128x64xf32, #tpu.memory_space<hbm>>)
    %mul3A_46 = arith.constant 80 : i32
    %mul3A_47 = arith.muli %add3A, %mul3A_46 : i32
    %add3A_48 = arith.constant 79 : i32
    %add3A_49 = arith.addi %mul3A_47, %add3A_48 : i32
    %mul3A_50 = arith.constant 128 : i32
    %mul3A_51 = arith.muli %add3A_49, %mul3A_50 : i32
    %dma_wait3A_52 = arith.constant 0 : i32
    %dma_wait3A_53 = tpu.memref_slice %arg6[%mul3A_51, %dma_wait3A_52] : memref<327680x64xf32, #tpu.memory_space<hbm>> -> memref<128x64xf32, #tpu.memory_space<hbm>>
    %dma_wait3A_54 = arith.constant 0 : i32
    %dma_wait3A_55 = tpu.memref_slice %arg6[%mul3A_51, %dma_wait3A_54] : memref<327680x64xf32, #tpu.memory_space<hbm>> -> memref<128x64xf32, #tpu.memory_space<hbm>>
    tpu.wait_dma2 semaphore(%arg21 : memref<!tpu.dma_semaphore, #tpu.memory_space<semaphore_mem>>) src(%arg14 : memref<128x64xf32, #tpu.memory_space<vmem>>) dst(%dma_wait3A_55 : memref<128x64xf32, #tpu.memory_space<hbm>>)
    return
  }
}

module attributes {stable_mosaic.version = 14 : i64} {
  func.func @_mm_split_body(%arg0: memref<10240x128xf32, #tpu.memory_space<vmem>>, %arg1: memref<128x128xf32, #tpu.memory_space<vmem>>, %arg2: memref<2x10240x64xf32, #tpu.memory_space<vmem>>) attributes {dimension_semantics = [], scalar_prefetch = 0 : i64, scratch_operands = 0 : i64, tpu.core_type = #tpu.core_type<tc>} {
    %get3A = arith.constant 0 : index
    %get3A_0 = arith.constant 0 : index
    %get3A_1 = vector.load %arg0[%get3A, %get3A_0] : memref<10240x128xf32, #tpu.memory_space<vmem>>, vector<10240x128xf32>
    %get3A_2 = arith.constant 0 : index
    %get3A_3 = arith.constant 0 : index
    %get3A_4 = vector.load %arg1[%get3A_2, %get3A_3] : memref<128x128xf32, #tpu.memory_space<vmem>>, vector<128x128xf32>
    %dot_general3A = arith.constant dense<0.000000e+00> : vector<10240x128xf32>
    %dot_general3A_5 = tpu.matmul %get3A_1, %get3A_4, %dot_general3A {dimension_numbers = #tpu.dot_dimension_numbers<[1], [0], [0], [1], [0, 0, 1, 1], [], []>, transpose_lhs_hint = false} : vector<10240x128xf32>, vector<128x128xf32>, vector<10240x128xf32> -> vector<10240x128xf32>
    %slice3A = vector.extract_strided_slice %dot_general3A_5 {offsets = [0, 0], sizes = [10240, 64], strides = [1, 1]} : vector<10240x128xf32> to vector<10240x64xf32>
    %swap3A = arith.constant 0 : index
    %swap3A_6 = arith.constant 0 : index
    %swap3A_7 = arith.constant 0 : index
    %swap3A_8 = vector.load %arg2[%swap3A, %swap3A_6, %swap3A_7] : memref<2x10240x64xf32, #tpu.memory_space<vmem>>, vector<1x10240x64xf32>
    %swap3A_9 = vector.shape_cast %swap3A_8 : vector<1x10240x64xf32> to vector<10240x64xf32>
    %swap3A_10 = vector.shape_cast %slice3A : vector<10240x64xf32> to vector<1x10240x64xf32>
    tpu.vector_store %arg2[%swap3A, %swap3A_6, %swap3A_7], %swap3A_10 {strides = array<i32>} : memref<2x10240x64xf32, #tpu.memory_space<vmem>>, vector<1x10240x64xf32>,
    %slice3A_11 = vector.extract_strided_slice %dot_general3A_5 {offsets = [0, 64], sizes = [10240, 64], strides = [1, 1]} : vector<10240x128xf32> to vector<10240x64xf32>
    %swap3A_12 = arith.constant 1 : index
    %swap3A_13 = arith.constant 0 : index
    %swap3A_14 = arith.constant 0 : index
    %swap3A_15 = vector.load %arg2[%swap3A_12, %swap3A_13, %swap3A_14] : memref<2x10240x64xf32, #tpu.memory_space<vmem>>, vector<1x10240x64xf32>
    %swap3A_16 = vector.shape_cast %swap3A_15 : vector<1x10240x64xf32> to vector<10240x64xf32>
    %swap3A_17 = vector.shape_cast %slice3A_11 : vector<10240x64xf32> to vector<1x10240x64xf32>
    tpu.vector_store %arg2[%swap3A_12, %swap3A_13, %swap3A_14], %swap3A_17 {strides = array<i32>} : memref<2x10240x64xf32, #tpu.memory_space<vmem>>, vector<1x10240x64xf32>,
    return
  }
}

module attributes {stable_mosaic.version = 14 : i64} {
  func.func @_comb1_body(%arg0: memref<20480x64xf32, #tpu.memory_space<vmem>>, %arg1: memref<10240x16xf32, #tpu.memory_space<vmem>>, %arg2: memref<128x64xf32, #tpu.memory_space<vmem>>, %arg3: memref<2x10240x32xf32, #tpu.memory_space<vmem>>, %arg4: memref<10240x16xf32, #tpu.memory_space<vmem>>) attributes {dimension_semantics = [], scalar_prefetch = 0 : i64, scratch_operands = 0 : i64, tpu.core_type = #tpu.core_type<tc>} {
    %get3A = arith.constant 0 : index
    %get3A_0 = arith.constant 0 : index
    %get3A_1 = vector.load %arg0[%get3A, %get3A_0] : memref<20480x64xf32, #tpu.memory_space<vmem>>, vector<10240x64xf32>
    %get3A_2 = arith.constant 10240 : index
    %get3A_3 = arith.constant 0 : index
    %get3A_4 = vector.load %arg0[%get3A_2, %get3A_3] : memref<20480x64xf32, #tpu.memory_space<vmem>>, vector<10240x64xf32>
    %concatenate3A = tpu.concatenate %get3A_1, %get3A_4 in 1 : vector<10240x64xf32>, vector<10240x64xf32> -> vector<10240x128xf32>
    %get3A_5 = arith.constant 0 : index
    %get3A_6 = arith.constant 0 : index
    %get3A_7 = vector.load %arg1[%get3A_5, %get3A_6] : memref<10240x16xf32, #tpu.memory_space<vmem>>, vector<10240x1xf32>
    %max3A = arith.constant 1.000000e+00 : f32
    %max3A_8 = vector.broadcast %max3A : f32 to vector<10240x1xf32>
    %max3A_9 = arith.maximumf %get3A_7, %max3A_8 : vector<10240x1xf32>
    %div3A = arith.constant 1.000000e+00 : f32
    %div3A_10 = vector.broadcast %div3A : f32 to vector<10240x1xf32>
    %div3A_11 = arith.divf %div3A_10, %max3A_9 : vector<10240x1xf32>
    %mul3A = vector.broadcast %div3A_11 : vector<10240x1xf32> to vector<10240x128xf32>
    %mul3A_12 = arith.mulf %concatenate3A, %mul3A : vector<10240x128xf32>
    %max3A_13 = arith.constant 0.000000e+00 : f32
    %max3A_14 = vector.broadcast %max3A_13 : f32 to vector<10240x128xf32>
    %max3A_15 = arith.maximumf %mul3A_12, %max3A_14 : vector<10240x128xf32>
    %get3A_16 = arith.constant 0 : index
    %get3A_17 = arith.constant 0 : index
    %get3A_18 = vector.load %arg2[%get3A_16, %get3A_17] : memref<128x64xf32, #tpu.memory_space<vmem>>, vector<128x64xf32>
    %dot_general3A = arith.constant dense<0.000000e+00> : vector<10240x64xf32>
    %dot_general3A_19 = tpu.matmul %max3A_15, %get3A_18, %dot_general3A {dimension_numbers = #tpu.dot_dimension_numbers<[1], [0], [0], [1], [0, 0, 1, 1], [], []>, transpose_lhs_hint = false} : vector<10240x128xf32>, vector<128x64xf32>, vector<10240x64xf32> -> vector<10240x64xf32>
    %slice3A = vector.extract_strided_slice %dot_general3A_19 {offsets = [0, 0], sizes = [10240, 32], strides = [1, 1]} : vector<10240x64xf32> to vector<10240x32xf32>
    %swap3A = arith.constant 0 : index
    %swap3A_20 = arith.constant 0 : index
    %swap3A_21 = arith.constant 0 : index
    %swap3A_22 = vector.load %arg3[%swap3A, %swap3A_20, %swap3A_21] : memref<2x10240x32xf32, #tpu.memory_space<vmem>>, vector<1x10240x32xf32>
    %swap3A_23 = vector.shape_cast %swap3A_22 : vector<1x10240x32xf32> to vector<10240x32xf32>
    %swap3A_24 = vector.shape_cast %slice3A : vector<10240x32xf32> to vector<1x10240x32xf32>
    tpu.vector_store %arg3[%swap3A, %swap3A_20, %swap3A_21], %swap3A_24 {strides = array<i32>} : memref<2x10240x32xf32, #tpu.memory_space<vmem>>, vector<1x10240x32xf32>,
    %slice3A_25 = vector.extract_strided_slice %dot_general3A_19 {offsets = [0, 32], sizes = [10240, 32], strides = [1, 1]} : vector<10240x64xf32> to vector<10240x32xf32>
    %swap3A_26 = arith.constant 1 : index
    %swap3A_27 = arith.constant 0 : index
    %swap3A_28 = arith.constant 0 : index
    %swap3A_29 = vector.load %arg3[%swap3A_26, %swap3A_27, %swap3A_28] : memref<2x10240x32xf32, #tpu.memory_space<vmem>>, vector<1x10240x32xf32>
    %swap3A_30 = vector.shape_cast %swap3A_29 : vector<1x10240x32xf32> to vector<10240x32xf32>
    %swap3A_31 = vector.shape_cast %slice3A_25 : vector<10240x32xf32> to vector<1x10240x32xf32>
    tpu.vector_store %arg3[%swap3A_26, %swap3A_27, %swap3A_28], %swap3A_31 {strides = array<i32>} : memref<2x10240x32xf32, #tpu.memory_space<vmem>>, vector<1x10240x32xf32>,
    %broadcast_in_dim3A = vector.shape_cast %div3A_11 : vector<10240x1xf32> to vector<10240x1xf32>
    %broadcast_in_dim3A_32 = vector.broadcast %broadcast_in_dim3A : vector<10240x1xf32> to vector<10240x16xf32>
    %swap3A_33 = arith.constant 0 : index
    %swap3A_34 = arith.constant 0 : index
    %swap3A_35 = vector.load %arg4[%swap3A_33, %swap3A_34] : memref<10240x16xf32, #tpu.memory_space<vmem>>, vector<10240x16xf32>
    tpu.vector_store %arg4[%swap3A_33, %swap3A_34], %broadcast_in_dim3A_32 {strides = array<i32>} : memref<10240x16xf32, #tpu.memory_space<vmem>>, vector<10240x16xf32>,
    return
  }
}

module attributes {stable_mosaic.version = 14 : i64} {
  func.func @_comb2_body(%arg0: memref<20480x32xf32, #tpu.memory_space<vmem>>, %arg1: memref<10240x16xf32, #tpu.memory_space<vmem>>, %arg2: memref<64x64xf32, #tpu.memory_space<vmem>>, %arg3: memref<1x64xf32, #tpu.memory_space<vmem>>, %arg4: memref<10240x64xf32, #tpu.memory_space<vmem>>, %arg5: memref<10240x64xf32, #tpu.memory_space<vmem>>) attributes {dimension_semantics = [], scalar_prefetch = 0 : i64, scratch_operands = 0 : i64, tpu.core_type = #tpu.core_type<tc>} {
    %get3A = arith.constant 0 : index
    %get3A_0 = arith.constant 0 : index
    %get3A_1 = vector.load %arg0[%get3A, %get3A_0] : memref<20480x32xf32, #tpu.memory_space<vmem>>, vector<10240x32xf32>
    %get3A_2 = arith.constant 10240 : index
    %get3A_3 = arith.constant 0 : index
    %get3A_4 = vector.load %arg0[%get3A_2, %get3A_3] : memref<20480x32xf32, #tpu.memory_space<vmem>>, vector<10240x32xf32>
    %concatenate3A = tpu.concatenate %get3A_1, %get3A_4 in 1 : vector<10240x32xf32>, vector<10240x32xf32> -> vector<10240x64xf32>
    %get3A_5 = arith.constant 0 : index
    %get3A_6 = arith.constant 0 : index
    %get3A_7 = vector.load %arg1[%get3A_5, %get3A_6] : memref<10240x16xf32, #tpu.memory_space<vmem>>, vector<10240x1xf32>
    %mul3A = vector.broadcast %get3A_7 : vector<10240x1xf32> to vector<10240x64xf32>
    %mul3A_8 = arith.mulf %concatenate3A, %mul3A : vector<10240x64xf32>
    %swap3A = arith.constant 0 : index
    %swap3A_9 = arith.constant 0 : index
    %swap3A_10 = vector.load %arg4[%swap3A, %swap3A_9] : memref<10240x64xf32, #tpu.memory_space<vmem>>, vector<10240x64xf32>
    tpu.vector_store %arg4[%swap3A, %swap3A_9], %mul3A_8 {strides = array<i32>} : memref<10240x64xf32, #tpu.memory_space<vmem>>, vector<10240x64xf32>,
    %get3A_11 = arith.constant 0 : index
    %get3A_12 = arith.constant 0 : index
    %get3A_13 = vector.load %arg2[%get3A_11, %get3A_12] : memref<64x64xf32, #tpu.memory_space<vmem>>, vector<64x64xf32>
    %dot_general3A = arith.constant dense<0.000000e+00> : vector<10240x64xf32>
    %dot_general3A_14 = tpu.matmul %mul3A_8, %get3A_13, %dot_general3A {dimension_numbers = #tpu.dot_dimension_numbers<[1], [0], [0], [1], [0, 0, 1, 1], [], []>, transpose_lhs_hint = false} : vector<10240x64xf32>, vector<64x64xf32>, vector<10240x64xf32> -> vector<10240x64xf32>
    %get3A_15 = arith.constant 0 : index
    %get3A_16 = arith.constant 0 : index
    %get3A_17 = vector.load %arg3[%get3A_15, %get3A_16] : memref<1x64xf32, #tpu.memory_space<vmem>>, vector<1x64xf32>
    %add3A = vector.broadcast %get3A_17 : vector<1x64xf32> to vector<10240x64xf32>
    %add3A_18 = arith.addf %dot_general3A_14, %add3A : vector<10240x64xf32>
    %swap3A_19 = arith.constant 0 : index
    %swap3A_20 = arith.constant 0 : index
    %swap3A_21 = vector.load %arg5[%swap3A_19, %swap3A_20] : memref<10240x64xf32, #tpu.memory_space<vmem>>, vector<10240x64xf32>
    tpu.vector_store %arg5[%swap3A_19, %swap3A_20], %add3A_18 {strides = array<i32>} : memref<10240x64xf32, #tpu.memory_space<vmem>>, vector<10240x64xf32>,
    return
  }
}

module attributes {stable_mosaic.version = 14 : i64} {
  func.func @_dec_body(%arg0: i32, %arg1: memref<4096x64xf32, #tpu.memory_space<vmem>>, %arg2: memref<64x2xf32, #tpu.memory_space<vmem>>, %arg3: memref<1x2xf32, #tpu.memory_space<vmem>>, %arg4: memref<4096x2xf32, #tpu.memory_space<vmem>>) attributes {dimension_semantics = [#tpu.dimension_semantics<arbitrary>], iteration_bounds = array<i64: 80>, scalar_prefetch = 0 : i64, scratch_operands = 0 : i64, tpu.core_type = #tpu.core_type<tc>, window_params = [{transform_indices = @transform_0, window_bounds = array<i64: 4096, 64>}, {pipeline_mode = #tpu.pipeline_mode<synchronous>, transform_indices = @transform_1, window_bounds = array<i64: 64, 2>}, {pipeline_mode = #tpu.pipeline_mode<synchronous>, transform_indices = @transform_2, window_bounds = array<i64: 1, 2>}, {transform_indices = @transform_3, window_bounds = array<i64: 4096, 2>}]} {
    %get3A = arith.constant 0 : index
    %get3A_0 = arith.constant 0 : index
    %get3A_1 = vector.load %arg1[%get3A, %get3A_0] : memref<4096x64xf32, #tpu.memory_space<vmem>>, vector<4096x64xf32>
    %max3A = arith.constant 0.000000e+00 : f32
    %max3A_2 = vector.broadcast %max3A : f32 to vector<4096x64xf32>
    %max3A_3 = arith.maximumf %get3A_1, %max3A_2 : vector<4096x64xf32>
    %get3A_4 = arith.constant 0 : index
    %get3A_5 = arith.constant 0 : index
    %get3A_6 = vector.load %arg2[%get3A_4, %get3A_5] : memref<64x2xf32, #tpu.memory_space<vmem>>, vector<64x2xf32>
    %dot_general3A = arith.constant dense<0.000000e+00> : vector<4096x2xf32>
    %dot_general3A_7 = tpu.matmul %max3A_3, %get3A_6, %dot_general3A {dimension_numbers = #tpu.dot_dimension_numbers<[1], [0], [0], [1], [0, 0, 1, 1], [], []>, transpose_lhs_hint = false} : vector<4096x64xf32>, vector<64x2xf32>, vector<4096x2xf32> -> vector<4096x2xf32>
    %get3A_8 = arith.constant 0 : index
    %get3A_9 = arith.constant 0 : index
    %get3A_10 = vector.load %arg3[%get3A_8, %get3A_9] : memref<1x2xf32, #tpu.memory_space<vmem>>, vector<1x2xf32>
    %add3A = vector.broadcast %get3A_10 : vector<1x2xf32> to vector<4096x2xf32>
    %add3A_11 = arith.addf %dot_general3A_7, %add3A : vector<4096x2xf32>
    %swap3A = arith.constant 0 : index
    %swap3A_12 = arith.constant 0 : index
    %swap3A_13 = vector.load %arg4[%swap3A, %swap3A_12] : memref<4096x2xf32, #tpu.memory_space<vmem>>, vector<4096x2xf32>
    tpu.vector_store %arg4[%swap3A, %swap3A_12], %add3A_11 {strides = array<i32>} : memref<4096x2xf32, #tpu.memory_space<vmem>>, vector<4096x2xf32>,
    return
  }
  func.func @transform_0(%arg0: i32) -> (i32, i32) {
    %c0_i32 = arith.constant 0 : i32
    %c0_i32_0 = arith.constant 0 : i32
    return %arg0, %c0_i32 : i32, i32
  }
  func.func @transform_1(%arg0: i32) -> (i32, i32) {
    %c0_i32 = arith.constant 0 : i32
    %c0_i32_0 = arith.constant 0 : i32
    %c0_i32_1 = arith.constant 0 : i32
    return %c0_i32, %c0_i32_0 : i32, i32
  }
  func.func @transform_2(%arg0: i32) -> (i32, i32) {
    %c0_i32 = arith.constant 0 : i32
    %c0_i32_0 = arith.constant 0 : i32
    %c0_i32_1 = arith.constant 0 : i32
    return %c0_i32, %c0_i32_0 : i32, i32
  }
  func.func @transform_3(%arg0: i32) -> (i32, i32) {
    %c0_i32 = arith.constant 0 : i32
    %c0_i32_0 = arith.constant 0 : i32
    return %arg0, %c0_i32 : i32, i32
  }
}

</mosaic_0001>

<sc_bundles>
// kernel: kernel.15.cloned.1.call-start
scs
__scs_entry_jumppad:
0x0: {  	(pc) =	sbr.rel $0x88, $3  }
0x1: {  	(tag) =	ssettag $0x0;
	lr =	simm.s32 $0x1  }
0x2: {  	[smem:$0x3F94] =	sst lr;
	_ =	strace $0xD0000000  }
0x3: {  	_ = 	snop  }
0x4: {  	_ = 	snop  }
0x5: {  	_ = 	snop  }
0x6: {  	_ = 	snop  }
0x7: {  	_ = 	snop  }
__scs_overlays_trampoline_lowered:
0x8: {  	[smem:$0x3FA3] =	sst s0  }
0x9: {  	[smem:$0x3FA4] =	sst s1  }
0xa: {  	[smem:$0x3FA5] =	sst s2  }
0xb: {  	[smem:$0x3FA6] =	sst s3  }
0xc: {  	[smem:$0x3FA7] =	sst s4  }
0xd: {  	[smem:$0x3FA8] =	sst s5  }
0xe: {  	[smem:$0x3FA9] =	sst s6  }
0xf: {  	[smem:$0x3FAA] =	sst s7  }
0x10: {  	[smem:$0x3FAB] =	sst s8  }
0x11: {  	[smem:$0x3FAC] =	sst s9;
	s0 =	simm.s32 @!p0 $0x0  }
0x12: {  	s1 =	sld [smem:$0x3F92];
	s0 =	simm.s32 @p0 $0x1  }
0x13: {  	[smem:$0x3FAD] =	sst s0;
	s0 =	simm.s32 @!p1 $0x0  }
0x14: {  	s2 =	sld [smem:$0x3F91];
	s0 =	simm.s32 @p1 $0x1  }
0x15: {  	[smem:$0x3FAE] =	sst s0;
	s0 =	simm.s32 @!p2 $0x0  }
0x16: {  	s3 =	sld [smem:$0x3FDB];
	s0 =	simm.s32 @p2 $0x1  }
0x17: {  	s4 =	simm.s32 $0x1BF5;
	[smem:$0x3FB0] =	sst s0  }
0x18: {  	s0 =	sld [smem:$0x3F93];
	_ =	swait.ge [sflag:s4], $0x0  }
0x19: {  	s7 =	sld [smem:$0x3F94]  }
0x1a: {  	s8 =	sadd.s32 $0xFFFFE003, lr  }
0x1b: {  	s9 =	sadd.s32 $0xFFFFFEF7, lr;
	s5 =	simm.s32 $0xFFFFFFFF;
	p2 =	slt.u32 s8, $0xFFFFF086  }
0x1c: {  	p1 =	slt.u32 s9, $0xF7A;
	s5 =	simm.s32 @!p2 $0x0  }
0x1d: {  	s5 =	simm.s32 @p1 $0x1;
	p0 =	seq.s32 s7, s2  }
0x1e: {  	s7 =	smul.u32 @!p0 $0xF7A, s2;
	p2 =	seq.s32 @!p0 s5, $0x0  }
0x1f: {  	s9 =	smul.u32 $0xF7A, s1;
	s8 =	simm.s32 @!p0 $0x1BF5;
	p2 =	por !p2, p0  }
0x20: {  	[sflag:s8] =	ssyncset.s32 @!p0 $0xFFFFF086;
	s6 =	sadd.s32 @!p0 s3, s7;
	s7 =	simm.s32 @!p0 $0x108  }
0x21: {  	s3 =	sadd.s32 s3, s9;
	s6 =	sadd.s32 @!p0 $0x88, s6;
	s7 =	simm.s32 @p2 $0x1082  }
0x22: {  	[simem:s7], [sflag:s8] =	dma.local @!p0 [hbm:s6], $0xF7A  }
0x23: {  	s9 =	sor.u32 $0xD0000000, s2;
	s6 =	simm.s32 $0x108;
	_ =	swait.ge @!p0 [sflag:s8], $0x0  }
0x24: {  	s3 =	sadd.s32 $0x88, s3;
	s6 =	simm.s32 @!p1 $0x1082;
	[sflag:s4] =	ssyncset.s32 $0xFFFFF086  }
0x25: {  	[simem:s6], [sflag:s4] =	dma.local [hbm:s3], $0xF7A  }
0x26: {  	[smem:$0x3F94] =	sst s1;
	(tag) =	ssettag s2;
	_ =	strace s9  }
0x27: {  	s1 =	sld [smem:$0x3FA4]  }
0x28: {  	s2 =	sld [smem:$0x3FA5]  }
0x29: {  	s4 =	sld [smem:$0x3FA7]  }
0x2a: {  	p0 =	seq.s32 s5, $0x0;
	s5 =	sld [smem:$0x3FA8]  }
0x2b: {  	s6 =	sld [smem:$0x3FA9]  }
0x2c: {  	s7 =	sld [smem:$0x3FAA]  }
0x2d: {  	s3 =	simm.s32 $0x108;
	s8 =	sld [smem:$0x3FAB]  }
0x2e: {  	s3 =	simm.s32 @!p0 $0x1082;
	s9 =	sld [smem:$0x3FAC]  }
0x2f: {  	lr =	sadd.s32 s0, s3;
	s0 =	sld [smem:$0x3FA3]  }
0x30: {  	s3 =	sld [smem:$0x3FA6]  }
0x31: {  	[smem:$0x3FAF] =	sst s10  }
0x32: {  	s10 =	sld [smem:$0x3FAD];
	_ =	sdelay $0x3  }
0x33: {  	p0 =	seq.s32 s10, $0x1;
	s10 =	sld [smem:$0x3FAF];
	_ =	sdelay $0x3  }
0x34: {  	[smem:$0x3FAF] =	sst s10  }
0x35: {  	s10 =	sld [smem:$0x3FAE];
	_ =	sdelay $0x3  }
0x36: {  	p1 =	seq.s32 s10, $0x1;
	s10 =	sld [smem:$0x3FAF];
	_ =	sdelay $0x3  }
0x37: {  	[smem:$0x3FAF] =	sst s10  }
0x38: {  	s10 =	sld [smem:$0x3FB0]  }
0x39: {  	_ = 	snop;
	(pc) =	sbr.ind lr, $3  }
0x3a: {  	_ = 	snop  }
0x3b: {  	_ = 	snop  }
0x3c: {  	p2 =	seq.s32 s10, $0x1;
	s10 =	sld [smem:$0x3FAF]  }
0x3d: {  	_ =	shalt  }
0x3e: {  	_ =	shalt  }
0x3f: {  	_ =	shalt  }
0x40: {  	_ =	shalt  }
0x41: {  	_ =	shalt  }
0x42: {  	_ =	shalt  }
0x43: {  	_ =	shalt  }
0x44: {  	_ =	shalt  }
0x45: {  	_ =	shalt  }
0x46: {  	_ =	shalt  }
0x47: {  	_ =	shalt  }
0x48: {  	_ =	shalt  }
0x49: {  	_ =	shalt  }
0x4a: {  	_ =	shalt  }
0x4b: {  	_ =	shalt  }
0x4c: {  	_ =	shalt  }
0x4d: {  	_ =	shalt  }
0x4e: {  	_ =	shalt  }
0x4f: {  	_ =	shalt  }
0x50: {  	_ =	shalt  }
0x51: {  	_ =	shalt  }
0x52: {  	_ =	shalt  }
0x53: {  	_ =	shalt  }
0x54: {  	_ =	shalt  }
0x55: {  	_ =	shalt  }
0x56: {  	_ =	shalt  }
0x57: {  	_ =	shalt  }
0x58: {  	_ =	shalt  }
0x59: {  	_ =	shalt  }
0x5a: {  	_ =	shalt  }
0x5b: {  	_ =	shalt  }
0x5c: {  	_ =	shalt  }
0x5d: {  	_ =	shalt  }
0x5e: {  	_ =	shalt  }
0x5f: {  	_ =	shalt  }
0x60: {  	_ =	shalt  }
0x61: {  	_ =	shalt  }
0x62: {  	_ =	shalt  }
0x63: {  	_ =	shalt  }
0x64: {  	_ =	shalt  }
0x65: {  	_ =	shalt  }
0x66: {  	_ =	shalt  }
0x67: {  	_ =	shalt  }
0x68: {  	_ =	shalt  }
0x69: {  	_ =	shalt  }
0x6a: {  	_ =	shalt  }
0x6b: {  	_ =	shalt  }
0x6c: {  	_ =	shalt  }
0x6d: {  	_ =	shalt  }
0x6e: {  	_ =	shalt  }
0x6f: {  	_ =	shalt  }
0x70: {  	_ =	shalt  }
0x71: {  	_ =	shalt  }
0x72: {  	_ =	shalt  }
0x73: {  	_ =	shalt  }
0x74: {  	_ =	shalt  }
0x75: {  	_ =	shalt  }
0x76: {  	_ =	shalt  }
0x77: {  	_ =	shalt  }
0x78: {  	_ =	shalt  }
0x79: {  	_ =	shalt  }
0x7a: {  	_ =	shalt  }
0x7b: {  	_ =	shalt  }
0x7c: {  	_ =	shalt  }
0x7d: {  	_ =	shalt  }
0x7e: {  	_ =	shalt  }
0x7f: {  	_ =	shalt  }
0x80: {  	_ =	shalt  }
0x81: {  	_ =	shalt  }
0x82: {  	_ =	shalt  }
0x83: {  	_ =	shalt  }
0x84: {  	_ =	shalt  }
0x85: {  	_ =	shalt  }
0x86: {  	_ =	shalt  }
0x87: {  	_ =	shalt  }
.Lfunc_end0:
.L_simem_size_0:
called_computation_lowered:
.L_overlay_start_0:
0x88: {  	s2 =	sld [smem:$0x3FD9]  }
0x89: {  	s3 =	sld [smem:$0x3FFE];
	_ =	sdelay $0x1  }
0x8a: {  	s1 =	srdreg.scid  }
0x8b: {  	s0 =	sand.u32 $0x1, s1  }
0x8c: {  	s15 =	sshll.u32 s0, $0xA;
	s2 =	sadd.s32 s3, s2  }
0x8d: {  	s2 =	sadd.s32 s2, s15  }
0x8e: {  	[smem:$0x3FBB] =	sst s2  }
0x8f: {  	_ = 	snop  }
0x90: {  	s2 =	sld [smem:$0x3FD0];
	_ =	sdelay $0x2  }
0x91: {  	s4 =	simm.s32 $0xC;
	s16 =	simm.s32 $0x10  }
0x92: {  	[smem:s16], [sflag:s4] =	dma.local [hbm:s2], $0x1  }
0x93: {  	_ =	swait.eq [sflag:s4], $0x1  }
0x94: {  	[sflag:s4] =	ssyncset.done $0x0  }
0x95: {  	s17 =	sld [smem:$0x10];
	[sflag:s4] =	ssyncadd.s32 $0xFFFFFFFF  }
0x96: {  	s18 =	sld [smem:$0x14];
	(tm) =	ssettm $0x1  }
0x97: {  	s19 =	sld [smem:$0x3FFB];
	_ =	sdelay $0x3  }
0x98: {  	_ =	strace s19  }
0x99: {  	s2 =	sld [smem:$0x3FFC];
	_ =	sdelay $0x3  }
0x9a: {  	_ =	strace s2  }
0x9b: {  	s2 =	sld [smem:$0x3FFD];
	_ =	sdelay $0x3  }
0x9c: {  	_ =	strace s2  }
0x9d: {  	_ =	strace $0x8FFFFFFF  }
0x9e: {  	s20 =	sld [smem:$0x3FDB];
	_ =	sdelay $0x1  }
0x9f: {  	s5 =	simm.s32 $_scs_section_size  }
0xa0: {  	s6 =	simm.s32 $_size__tile_overlayer_lowered;
	s7 =	simm.s32 $_tile_overlayer_lowered  }
0xa1: {  	s8 =	simm.s32 $0x1BFF;
	s21 =	sshll.u32 s7, $0x1;
	s5 =	sadd.s32 s5, s20  }
0xa2: {  	s22 =	simm.s32 $0x0;
	s6 =	sshll.u32 s6, $0x1;
	s7 =	sadd.s32 s21, s5  }
0xa3: {  	[timem:s22], [sflag:s8] =	dma.local [hbm:s7], s6  }
0xa4: {  	_ =	swait.ge [sflag:s8], s6  }
0xa5: {  	s6 =	ssub.s32 $0x0, s6;
	[sflag:s8] =	ssyncset.done $0x0  }
0xa6: {  	[sflag:s8] =	ssyncadd.s32 s6;
	_ =	sdelay $0x1  }
0xa7: {  	s23 =	simm.s32 $0x1B8B  }
0xa8: {  	_ =	swait.ge [sflag:s23], $0x1  }
0xa9: {  	[sflag:s23] =	ssyncset.done $0x0  }
0xaa: {  	[sflag:s23] =	ssyncadd.s32 $0xFFFFFFFF  }
0xab: {  	s6 =	sld [smem:$0x0]  }
0xac: {  	s7 =	sand.u32 $0xFFFFFFFE, s1  }
0xad: {  	p0 =	sne.s32 s1, s7  }
0xae: {  	s7 =	sshll.u32 @p0 s7, $0xE  }
0xaf: {  	s7 =	sadd.s32 @p0 $0x11B8D, s7;
	s8 =	sshll.u32 @p0 s6, $0x11  }
0xb0: {  	s7 =	sor.u32 @p0 s8, s7  }
0xb1: {  	[sflag:s7] =	ssyncadd.remote.s32 @p0 $0x1;
	_ =	sdelay $0x1  }
0xb2: {  	s7 =	simm.s32 @p0 $0x1B8D  }
0xb3: {  	_ =	swait.eq @p0 [sflag:s7], $0x1  }
0xb4: {  	[sflag:s7] =	ssyncadd.s32 @p0 $0xFFFFFFFF  }
0xb5: {  	s8 =	sshll.u32 @!p0 s1, $0xE  }
0xb6: {  	s8 =	sor.u32 @!p0 $0x4000, s8;
	s7 =	simm.s32 @!p0 $0x1B8D  }
0xb7: {  	s6 =	sshll.u32 @!p0 s6, $0x11;
	s8 =	sadd.s32 @!p0 $0x11B8D, s8;
	_ =	swait.eq @!p0 [sflag:s7], $0x1  }
0xb8: {  	s6 =	sor.u32 @!p0 s6, s8;
	[sflag:s7] =	ssyncadd.s32 @!p0 $0xFFFFFFFF  }
0xb9: {  	s25 =	simm.s32 $0x1B8E;
	s24 =	sld [smem:$0x3FFE];
	[sflag:s6] =	ssyncadd.remote.s32 @!p0 $0x1  }
0xba: {  	s26 =	simm.s32 $execute0_lowered;
	[smem:$0x3FD2] =	sst s25  }
0xbb: {  	s7 =	sshll.u32 s26, $0x1;
	_ =	strace $0x80000049;
	[dreg:$0x1] =	wrdreg $0xFFFFFFFF  }
0xbc: {  	s28 =	simm.s32 $_size_execute0_lowered;
	s5 =	sadd.s32 s5, s7;
	[dreg:$0x0] =	wrdreg $0x0  }
0xbd: {  	s7 =	sshll.u32 s28, $0x1;
	[dreg:$0x2] =	wrdreg s5  }
0xbe: {  	[dreg:$0x3] =	wrdreg s7  }
0xbf: {  	[dreg:$0x4] =	wrdreg $0xC0  }
0xc0: {  	_ =	task [dreg:s22], $0x5FFFF  }
0xc1: {  	[dreg:$0x1] =	wrdreg $0xFFFFFFFF  }
0xc2: {  	[dreg:$0x0] =	wrdreg $0x60  }
0xc3: {  	[dreg:$0x2] =	wrdreg s18  }
0xc4: {  	[dreg:$0x3] =	wrdreg s24  }
0xc5: {  	[dreg:$0x4] =	wrdreg s17  }
0xc6: {  	[dreg:$0x5] =	wrdreg $0x57000  }
0xc7: {  	[dreg:$0x6] =	wrdreg $0xA  }
0xc8: {  	_ =	task.clear_ibuf [dreg:s22], $0x7FFFF;
	_ =	strace $0x90000049  }
0xc9: {  	s29 =	simm.s32 $0xA;
	_ =	strace $0x8000004B  }
0xca: {  	_ =	swait.ge [sflag:s29], $0x1  }
0xcb: {  	[sflag:s29] =	ssyncadd.s32 $0xFFFFFFFF  }
0xcc: {  	_ =	strace $0x9000004B  }
0xcd: {  	_ =	sfence  }
0xce: {  	s30 =	sld [smem:$0x0];
	_ =	sdelay $0x2  }
0xcf: {  	s31 =	sshll.u32 s1, $0xD;
	s1 =	sshrl.u32 s1, $0x2  }
0xd0: {  	s4 =	sand.u32 $0x4000, s31;
	s1 =	sadd.s32 s1, s30  }
0xd1: {  	s0 =	sor.u32 s4, s0;
	s1 =	sshll.u32 s1, $0x11  }
0xd2: {  	s0 =	sor.u32 s1, s0  }
0xd3: {  	s0 =	sadd.s32 $0x8F2B, s0  }
0xd4: {  	[sflag:s0] =	ssyncadd.remote.s32 $0x1  }
0xd5: {  	_ =	sfence.sel $0xFFFF  }
0xd6: {  	[dreg:$0x0] =	wrdreg $0xFFFFFFFF;
	(pc) =	sbr.abs _section_cstart, $3  }
0xd7: {  	[dreg:$0x1] =	wrdreg $0xFFFFFFFF  }
0xd8: {  	_ =	task.clear_ibuf [dreg:s22], $0x2FFFF;
	_ =	strace $0x9FFFFFFF  }
0xd9: {  	(tm) =	ssettm $0x7FFFFFFF  }
tec
execute0_lowered:
.L_overlay_start_1:
0x0: {  	(tag) =	ssettag $0x1  }
0x1: {  	s6 =	rddreg [dreg:$0x0]  }
0x2: {  	s5 =	rddreg [dreg:$0x1]  }
0x3: {  	s7 =	rddreg [dreg:$0x2];
	s0 =	srdreg.scid  }
0x4: {  	s2 =	rddreg [dreg:$0x3];
	s1 =	stileid.u32;
	s3 =	simm.s32 $0x0  }
0x5: {  	s13 =	simm.s32 $0x80;
	s14 =	simm.s32 $0x1;
	s15 =	simm.s32 $0x2  }
0x6: {  	s8 =	sand.u32 $0x1, s0;
	s0 =	rddreg [dreg:$0x4];
	s10 =	smul.u32 $0x4F00, s1  }
0x7: {  	s16 =	simm.s32 $0x0;
	[smem:$0x7FF] =	sst s3;
	s11 =	smul.u32 $0x2800, s1  }
0x8: {  	s4 =	sadd.s32 $0x67A00, s5;
	s5 =	sadd.s32 $0x67C00, s5;
	s9 =	smul.u32 $0x4F000, s8  }
0x9: {  	s31 =	sshll.u32 s1, $0x6;
	s12 =	smul.u32 $0x28000, s8;
	s8 =	ssub.s32 $0x2, s8  }
0xa: {  	_ =	strace $0x8000004A;
	s28 =	sshrl.u32 s8, $0x1;
	s30 =	sadd.s32 s11, s2  }
0xb: {  	s9 =	sadd.s32 s10, s9;
	s12 =	sadd.s32 s11, s12;
	s8 =	ssub.s32 s8, s28  }
0xc: {  	s10 =	simm.s32 $0x4F00;
	s11 =	sor.u32 $0x1C03, s31;
	s9 =	sshrl.u32 s9, $0x3  }
0xd: {  	s29 =	sshrl.u32 s12, $0x3;
	s8 =	smax.u32 s8, $0x1;
	s12 =	sshrl.u32 s30, $0x3  }
0xe: {  	s6 =	sadd.s32 s6, s9;
	s7 =	sadd.s32 s7, s29;
	s9 =	simm.s32 $0x3  }
.LBB2_1:
0xf: {  	[tilespmem:s3], [sflag:$0x3] =	stream.linear.gather [hbm4b:s6+s3], $0x4F00, $0x38;
	[tilespmem:$0x7F00] =	vst v63  }
0x10: {  	_ =	swait.ge [sflag:s9], $0x4F00  }
0x11: {  	[sflag:s9] =	ssyncset.done $0x0  }
0x12: {  	[sflag:s9] =	ssyncadd.s32 $0xFFFFB100  }
0x13: {  	[tilespmem:s10], [sflag:$0x3] =	stream.linear.gather [hbm4b:s4+s3], $0x800, $0x38;
	[tilespmem:$0x7F00] =	vst v63  }
0x14: {  	_ =	swait.ge [sflag:s9], $0x800  }
0x15: {  	[sflag:s9] =	ssyncset.done $0x0  }
0x16: {  	[sflag:s9] =	ssyncadd.s32 $0xFFFFF800  }
0x17: {  	[spmem:s12], [sflag:s11] =	dma.local [hbm:s5], $0x500  }
0x18: {  	_ =	swait.ge [sflag:s9], $0x500  }
0x19: {  	[sflag:s9] =	ssyncset.done $0x0  }
0x1a: {  	[sflag:s9] =	ssyncadd.s32 $0xFFFFFB00  }
0x1b: {  	s17 =	simm.s32 $0x0;
	[bflag:$0x0] =	sbarrier.arrive $0xFFFF  }
0x1c: {  	[spmem:s2] =	stream.indirect.scatter.add.f32 [tilespmem:s10], [sflag:$0x1], $0x10, s17, s13, $0xb8;
	[tilespmem:$0x7F00] =	vst v63  }
0x1d: {  	s31 =	simm.s32 $0x80  }
0x1e: {  	[spmem:s2] =	stream.indirect.scatter.add.f32 [tilespmem:s10], [sflag:$0x2], $0x10, s31, s13, $0xb8;
	[tilespmem:$0x7F00] =	vst v63  }
0x1f: {  	_ =	swait.ge [sflag:s14], $0x800  }
0x20: {  	[sflag:s14] =	ssyncset.done $0x0  }
0x21: {  	[sflag:s14] =	ssyncadd.s32 $0xFFFFF800  }
0x22: {  	_ =	swait.ge [sflag:s15], $0x800  }
0x23: {  	s18 =	simm.s32 $0x800;
	s17 =	simm.s32 $0x400;
	[sflag:s15] =	ssyncset.done $0x0  }
.LBB2_2:
0x24: {  	s19 =	sshra.s32 s17, $0x2  }
0x25: {  	[sflag:s15] =	ssyncadd.s32 $0xFFFFF800;
	s17 =	smov.u32 s18;
	s20 =	sadd.s32 $0x400, s18  }
0x26: {  	[spmem:s2] =	stream.indirect.scatter.add.f32 [tilespmem:s10], [sflag:$0x1], $0x10, s19, s13, $0xb8;
	[tilespmem:$0x7F00] =	vst v63  }
0x27: {  	p0 =	sne.s32 s18, $0x13800;
	s18 =	sadd.s32 $0x80, s19  }
0x28: {  	[spmem:s2] =	stream.indirect.scatter.add.f32 [tilespmem:s10], [sflag:$0x2], $0x10, s18, s13, $0xb8;
	[tilespmem:$0x7F00] =	vst v63  }
.Ltmp0:
0x29: {  	_ =	swait.ge [sflag:s14], $0x800;
	(pc) =	sbr.rel @p0 .LBB2_2-.Ltmp0, $4  }
0x2a: {  	[sflag:s14] =	ssyncset.done $0x0  }
0x2b: {  	[sflag:s14] =	ssyncadd.s32 $0xFFFFF800  }
0x2c: {  	_ =	swait.ge [sflag:s15], $0x800  }
0x2d: {  	s18 =	smov.u32 s20;
	[sflag:s15] =	ssyncset.done $0x0  }
0x2e: {  	s17 =	sshra.s32 s17, $0x2;
	[sflag:s15] =	ssyncadd.s32 $0xFFFFF800  }
0x2f: {  	[spmem:s2] =	stream.indirect.scatter.add.f32 [tilespmem:s10], [sflag:$0x1], $0x10, s17, s13, $0xb8;
	[tilespmem:$0x7F00] =	vst v63  }
0x30: {  	s17 =	sadd.s32 $0x80, s17  }
0x31: {  	[spmem:s2] =	stream.indirect.scatter.add.f32 [tilespmem:s10], [sflag:$0x2], $0x10, s17, s13, $0xb8;
	[tilespmem:$0x7F00] =	vst v63  }
0x32: {  	_ =	swait.ge [sflag:s14], $0x800  }
0x33: {  	[sflag:s14] =	ssyncset.done $0x0  }
0x34: {  	[sflag:s14] =	ssyncadd.s32 $0xFFFFF800  }
0x35: {  	_ =	swait.ge [sflag:s15], $0x800  }
0x36: {  	s16 =	sadd.s32 $0x1, s16;
	[sflag:s15] =	ssyncset.done $0x0  }
0x37: {  	p0 =	sne.s32 s16, s8;
	[sflag:s15] =	ssyncadd.s32 $0xFFFFF800  }
.Ltmp1:
0x38: {  	[bflag:$0x0] =	sbarrier.arrive $0xFFFF;
	(pc) =	sbr.rel @p0 .LBB2_1-.Ltmp1, $4  }
0x39: {  	[hbm:s7], [sflag:s11] =	dma.local [spmem:s12], $0x500  }
0x3a: {  	_ =	swait.ge [sflag:s9], $0x500  }
0x3b: {  	[sflag:s9] =	ssyncset.done $0x0  }
0x3c: {  	[sflag:s9] =	ssyncadd.s32 $0xFFFFFB00  }
0x3d: {  	_ =	sfence.sel $0x180000  }
0x3e: {  	[bflag:$0x0] =	sbarrier.arrive $0xFFFF  }
0x3f: {  	p0 =	sne.s32 s1, $0x0;
	_ =	strace $0x9000004A  }
0x40: {  	s0 =	sadd.s32 @!p0 $0x100000, s0;
	[bflag:$0x2] =	sbarrier.arrive $0xFFFF  }
0x41: {  	[sflag:s0] =	ssyncadd.tile.s32 @!p0 $0x1;
	_ =	shalt  }
.Lfunc_end2:
_tile_overlayer_lowered:
.L_overlay_start_2:
0x42: {  	(tag) =	ssettag $0x2  }
0x43: {  	s0 =	rddreg [dreg:$0x0];
	s2 =	stileid.u32  }
0x44: {  	s1 =	rddreg [dreg:$0x1];
	p0 =	sne.s32 s2, $0x0  }
0x45: {  	s3 =	rddreg [dreg:$0x2];
	[bflag:$0x3] =	sbarrier.arrive $0xFFFF;
	s2 =	simm.s32 @!p0 $0x1C03  }
0x46: {  	[timem:s3], [sflag:s2] =	dma.local @!p0 [hbm:s0], s1  }
0x47: {  	s0 =	simm.s32 @!p0 $0x3  }
0x48: {  	_ =	swait.ge @!p0 [sflag:s0], s1  }
0x49: {  	s1 =	ssub.s32 @!p0 $0x0, s1;
	[sflag:s0] =	ssyncset.done @!p0 $0x0  }
0x4a: {  	[sflag:s0] =	ssyncadd.s32 @!p0 s1  }
0x4b: {  	[bflag:$0x3] =	sbarrier.arrive $0xFFFF  }
0x4c: {  	_ =	shalt  }

// kernel: kernel.18.cloned.1.call-start
scs
__scs_entry_jumppad:
0x0: {  	(pc) =	sbr.rel $0x88, $3  }
0x1: {  	(tag) =	ssettag $0x0;
	lr =	simm.s32 $0x1  }
0x2: {  	[smem:$0x3F94] =	sst lr;
	_ =	strace $0xD0000000  }
0x3: {  	_ = 	snop  }
0x4: {  	_ = 	snop  }
0x5: {  	_ = 	snop  }
0x6: {  	_ = 	snop  }
0x7: {  	_ = 	snop  }
__scs_overlays_trampoline_lowered:
0x8: {  	[smem:$0x3FA3] =	sst s0  }
0x9: {  	[smem:$0x3FA4] =	sst s1  }
0xa: {  	[smem:$0x3FA5] =	sst s2  }
0xb: {  	[smem:$0x3FA6] =	sst s3  }
0xc: {  	[smem:$0x3FA7] =	sst s4  }
0xd: {  	[smem:$0x3FA8] =	sst s5  }
0xe: {  	[smem:$0x3FA9] =	sst s6  }
0xf: {  	[smem:$0x3FAA] =	sst s7  }
0x10: {  	[smem:$0x3FAB] =	sst s8  }
0x11: {  	[smem:$0x3FAC] =	sst s9;
	s0 =	simm.s32 @!p0 $0x0  }
0x12: {  	s1 =	sld [smem:$0x3F92];
	s0 =	simm.s32 @p0 $0x1  }
0x13: {  	[smem:$0x3FAD] =	sst s0;
	s0 =	simm.s32 @!p1 $0x0  }
0x14: {  	s2 =	sld [smem:$0x3F91];
	s0 =	simm.s32 @p1 $0x1  }
0x15: {  	[smem:$0x3FAE] =	sst s0;
	s0 =	simm.s32 @!p2 $0x0  }
0x16: {  	s3 =	sld [smem:$0x3FDB];
	s0 =	simm.s32 @p2 $0x1  }
0x17: {  	s4 =	simm.s32 $0x1BF5;
	[smem:$0x3FB0] =	sst s0  }
0x18: {  	s0 =	sld [smem:$0x3F93];
	_ =	swait.ge [sflag:s4], $0x0  }
0x19: {  	s7 =	sld [smem:$0x3F94]  }
0x1a: {  	s8 =	sadd.s32 $0xFFFFE003, lr  }
0x1b: {  	s9 =	sadd.s32 $0xFFFFFEF7, lr;
	s5 =	simm.s32 $0xFFFFFFFF;
	p2 =	slt.u32 s8, $0xFFFFF086  }
0x1c: {  	p1 =	slt.u32 s9, $0xF7A;
	s5 =	simm.s32 @!p2 $0x0  }
0x1d: {  	s5 =	simm.s32 @p1 $0x1;
	p0 =	seq.s32 s7, s2  }
0x1e: {  	s7 =	smul.u32 @!p0 $0xF7A, s2;
	p2 =	seq.s32 @!p0 s5, $0x0  }
0x1f: {  	s9 =	smul.u32 $0xF7A, s1;
	s8 =	simm.s32 @!p0 $0x1BF5;
	p2 =	por !p2, p0  }
0x20: {  	[sflag:s8] =	ssyncset.s32 @!p0 $0xFFFFF086;
	s6 =	sadd.s32 @!p0 s3, s7;
	s7 =	simm.s32 @!p0 $0x108  }
0x21: {  	s3 =	sadd.s32 s3, s9;
	s6 =	sadd.s32 @!p0 $0x88, s6;
	s7 =	simm.s32 @p2 $0x1082  }
0x22: {  	[simem:s7], [sflag:s8] =	dma.local @!p0 [hbm:s6], $0xF7A  }
0x23: {  	s9 =	sor.u32 $0xD0000000, s2;
	s6 =	simm.s32 $0x108;
	_ =	swait.ge @!p0 [sflag:s8], $0x0  }
0x24: {  	s3 =	sadd.s32 $0x88, s3;
	s6 =	simm.s32 @!p1 $0x1082;
	[sflag:s4] =	ssyncset.s32 $0xFFFFF086  }
0x25: {  	[simem:s6], [sflag:s4] =	dma.local [hbm:s3], $0xF7A  }
0x26: {  	[smem:$0x3F94] =	sst s1;
	(tag) =	ssettag s2;
	_ =	strace s9  }
0x27: {  	s1 =	sld [smem:$0x3FA4]  }
0x28: {  	s2 =	sld [smem:$0x3FA5]  }
0x29: {  	s4 =	sld [smem:$0x3FA7]  }
0x2a: {  	p0 =	seq.s32 s5, $0x0;
	s5 =	sld [smem:$0x3FA8]  }
0x2b: {  	s6 =	sld [smem:$0x3FA9]  }
0x2c: {  	s7 =	sld [smem:$0x3FAA]  }
0x2d: {  	s3 =	simm.s32 $0x108;
	s8 =	sld [smem:$0x3FAB]  }
0x2e: {  	s3 =	simm.s32 @!p0 $0x1082;
	s9 =	sld [smem:$0x3FAC]  }
0x2f: {  	lr =	sadd.s32 s0, s3;
	s0 =	sld [smem:$0x3FA3]  }
0x30: {  	s3 =	sld [smem:$0x3FA6]  }
0x31: {  	[smem:$0x3FAF] =	sst s10  }
0x32: {  	s10 =	sld [smem:$0x3FAD];
	_ =	sdelay $0x3  }
0x33: {  	p0 =	seq.s32 s10, $0x1;
	s10 =	sld [smem:$0x3FAF];
	_ =	sdelay $0x3  }
0x34: {  	[smem:$0x3FAF] =	sst s10  }
0x35: {  	s10 =	sld [smem:$0x3FAE];
	_ =	sdelay $0x3  }
0x36: {  	p1 =	seq.s32 s10, $0x1;
	s10 =	sld [smem:$0x3FAF];
	_ =	sdelay $0x3  }
0x37: {  	[smem:$0x3FAF] =	sst s10  }
0x38: {  	s10 =	sld [smem:$0x3FB0]  }
0x39: {  	_ = 	snop;
	(pc) =	sbr.ind lr, $3  }
0x3a: {  	_ = 	snop  }
0x3b: {  	_ = 	snop  }
0x3c: {  	p2 =	seq.s32 s10, $0x1;
	s10 =	sld [smem:$0x3FAF]  }
0x3d: {  	_ =	shalt  }
0x3e: {  	_ =	shalt  }
0x3f: {  	_ =	shalt  }
0x40: {  	_ =	shalt  }
0x41: {  	_ =	shalt  }
0x42: {  	_ =	shalt  }
0x43: {  	_ =	shalt  }
0x44: {  	_ =	shalt  }
0x45: {  	_ =	shalt  }
0x46: {  	_ =	shalt  }
0x47: {  	_ =	shalt  }
0x48: {  	_ =	shalt  }
0x49: {  	_ =	shalt  }
0x4a: {  	_ =	shalt  }
0x4b: {  	_ =	shalt  }
0x4c: {  	_ =	shalt  }
0x4d: {  	_ =	shalt  }
0x4e: {  	_ =	shalt  }
0x4f: {  	_ =	shalt  }
0x50: {  	_ =	shalt  }
0x51: {  	_ =	shalt  }
0x52: {  	_ =	shalt  }
0x53: {  	_ =	shalt  }
0x54: {  	_ =	shalt  }
0x55: {  	_ =	shalt  }
0x56: {  	_ =	shalt  }
0x57: {  	_ =	shalt  }
0x58: {  	_ =	shalt  }
0x59: {  	_ =	shalt  }
0x5a: {  	_ =	shalt  }
0x5b: {  	_ =	shalt  }
0x5c: {  	_ =	shalt  }
0x5d: {  	_ =	shalt  }
0x5e: {  	_ =	shalt  }
0x5f: {  	_ =	shalt  }
0x60: {  	_ =	shalt  }
0x61: {  	_ =	shalt  }
0x62: {  	_ =	shalt  }
0x63: {  	_ =	shalt  }
0x64: {  	_ =	shalt  }
0x65: {  	_ =	shalt  }
0x66: {  	_ =	shalt  }
0x67: {  	_ =	shalt  }
0x68: {  	_ =	shalt  }
0x69: {  	_ =	shalt  }
0x6a: {  	_ =	shalt  }
0x6b: {  	_ =	shalt  }
0x6c: {  	_ =	shalt  }
0x6d: {  	_ =	shalt  }
0x6e: {  	_ =	shalt  }
0x6f: {  	_ =	shalt  }
0x70: {  	_ =	shalt  }
0x71: {  	_ =	shalt  }
0x72: {  	_ =	shalt  }
0x73: {  	_ =	shalt  }
0x74: {  	_ =	shalt  }
0x75: {  	_ =	shalt  }
0x76: {  	_ =	shalt  }
0x77: {  	_ =	shalt  }
0x78: {  	_ =	shalt  }
0x79: {  	_ =	shalt  }
0x7a: {  	_ =	shalt  }
0x7b: {  	_ =	shalt  }
0x7c: {  	_ =	shalt  }
0x7d: {  	_ =	shalt  }
0x7e: {  	_ =	shalt  }
0x7f: {  	_ =	shalt  }
0x80: {  	_ =	shalt  }
0x81: {  	_ =	shalt  }
0x82: {  	_ =	shalt  }
0x83: {  	_ =	shalt  }
0x84: {  	_ =	shalt  }
0x85: {  	_ =	shalt  }
0x86: {  	_ =	shalt  }
0x87: {  	_ =	shalt  }
.Lfunc_end0:
.L_simem_size_0:
called_computation.1_lowered:
.L_overlay_start_0:
0x88: {  	s2 =	sld [smem:$0x3FD9]  }
0x89: {  	s3 =	sld [smem:$0x3FFE];
	_ =	sdelay $0x1  }
0x8a: {  	s1 =	srdreg.scid  }
0x8b: {  	s0 =	sand.u32 $0x1, s1  }
0x8c: {  	s14 =	sshll.u32 s0, $0xA;
	s2 =	sadd.s32 s3, s2  }
0x8d: {  	s2 =	sadd.s32 s2, s14  }
0x8e: {  	[smem:$0x3FBB] =	sst s2  }
0x8f: {  	_ = 	snop  }
0x90: {  	s2 =	sld [smem:$0x3FD0];
	_ =	sdelay $0x2  }
0x91: {  	s15 =	simm.s32 $0xC;
	s4 =	simm.s32 $0x10  }
0x92: {  	[smem:s4], [sflag:s15] =	dma.local [hbm:s2], $0x1  }
0x93: {  	_ =	swait.eq [sflag:s15], $0x1  }
0x94: {  	[sflag:s15] =	ssyncset.done $0x0  }
0x95: {  	[sflag:s15] =	ssyncadd.s32 $0xFFFFFFFF  }
0x96: {  	s16 =	sld [smem:$0x13];
	(tm) =	ssettm $0x1  }
0x97: {  	s17 =	sld [smem:$0x3FFB];
	_ =	sdelay $0x3  }
0x98: {  	_ =	strace s17  }
0x99: {  	s3 =	sld [smem:$0x3FFC];
	_ =	sdelay $0x3  }
0x9a: {  	_ =	strace s3  }
0x9b: {  	s3 =	sld [smem:$0x3FFD];
	_ =	sdelay $0x3  }
0x9c: {  	_ =	strace s3  }
0x9d: {  	_ =	strace $0x8FFFFFFF  }
0x9e: {  	s18 =	sld [smem:$0x3FDB];
	_ =	sdelay $0x1  }
0x9f: {  	s19 =	simm.s32 $_scs_section_size  }
0xa0: {  	s5 =	simm.s32 $_size__tile_overlayer_lowered;
	s6 =	simm.s32 $_tile_overlayer_lowered  }
0xa1: {  	s22 =	simm.s32 $0x1BFF;
	s21 =	sshll.u32 s6, $0x1;
	s3 =	sadd.s32 s19, s18  }
0xa2: {  	s7 =	simm.s32 $0x0;
	s20 =	sshll.u32 s5, $0x1;
	s5 =	sadd.s32 s21, s3  }
0xa3: {  	[timem:s7], [sflag:s22] =	dma.local [hbm:s5], s20  }
0xa4: {  	_ =	swait.ge [sflag:s22], s20  }
0xa5: {  	s4 =	ssub.s32 $0x0, s20;
	[sflag:s22] =	ssyncset.done $0x0  }
0xa6: {  	[sflag:s22] =	ssyncadd.s32 s4;
	_ =	sdelay $0x1  }
0xa7: {  	s23 =	simm.s32 $0x1B8B  }
0xa8: {  	_ =	swait.ge [sflag:s23], $0x1  }
0xa9: {  	[sflag:s23] =	ssyncset.done $0x0  }
0xaa: {  	s25 =	simm.s32 $0x1B8E;
	s24 =	sld [smem:$0x3FFE];
	[sflag:s23] =	ssyncadd.s32 $0xFFFFFFFF  }
0xab: {  	s26 =	simm.s32 $execute0_lowered;
	[smem:$0x3FD2] =	sst s25  }
0xac: {  	s5 =	sshll.u32 s26, $0x1;
	_ =	strace $0x80000046;
	[dreg:$0x1] =	wrdreg $0xFFFFFFFF  }
0xad: {  	s28 =	simm.s32 $_size_execute0_lowered;
	s3 =	sadd.s32 s3, s5;
	[dreg:$0x0] =	wrdreg $0x0  }
0xae: {  	s5 =	sshll.u32 s28, $0x1;
	[dreg:$0x2] =	wrdreg s3  }
0xaf: {  	[dreg:$0x3] =	wrdreg s5  }
0xb0: {  	[dreg:$0x4] =	wrdreg $0xC0  }
0xb1: {  	_ =	task [dreg:s7], $0x5FFFF  }
0xb2: {  	[dreg:$0x1] =	wrdreg $0xFFFFFFFF  }
0xb3: {  	[dreg:$0x0] =	wrdreg $0x60  }
0xb4: {  	[dreg:$0x2] =	wrdreg s24  }
0xb5: {  	[dreg:$0x3] =	wrdreg s16  }
0xb6: {  	[dreg:$0x4] =	wrdreg $0x130000  }
0xb7: {  	[dreg:$0x5] =	wrdreg $0x90000  }
0xb8: {  	[dreg:$0x6] =	wrdreg $0xB  }
0xb9: {  	_ =	task.clear_ibuf [dreg:s7], $0x7FFFF;
	_ =	strace $0x90000046  }
0xba: {  	s29 =	simm.s32 $0xB;
	_ =	strace $0x80000048  }
0xbb: {  	_ =	swait.ge [sflag:s29], $0x1  }
0xbc: {  	[sflag:s29] =	ssyncadd.s32 $0xFFFFFFFF  }
0xbd: {  	_ =	strace $0x90000048  }
0xbe: {  	_ =	sfence  }
0xbf: {  	s30 =	sld [smem:$0x0];
	_ =	sdelay $0x2  }
0xc0: {  	s31 =	sshll.u32 s1, $0xD;
	s1 =	sshrl.u32 s1, $0x2  }
0xc1: {  	s3 =	sand.u32 $0x4000, s31;
	s1 =	sadd.s32 s1, s30  }
0xc2: {  	s0 =	sor.u32 s3, s0;
	s1 =	sshll.u32 s1, $0x11  }
0xc3: {  	s0 =	sor.u32 s1, s0  }
0xc4: {  	s0 =	sadd.s32 $0x8F2B, s0  }
0xc5: {  	[sflag:s0] =	ssyncadd.remote.s32 $0x1  }
0xc6: {  	_ =	sfence.sel $0xFFFF  }
0xc7: {  	[dreg:$0x0] =	wrdreg $0xFFFFFFFF;
	(pc) =	sbr.abs _section_cstart, $3  }
0xc8: {  	[dreg:$0x1] =	wrdreg $0xFFFFFFFF  }
0xc9: {  	_ =	task.clear_ibuf [dreg:s7], $0x2FFFF;
	_ =	strace $0x9FFFFFFF  }
0xca: {  	(tm) =	ssettm $0x7FFFFFFF  }
0xcb: {  	_ =	shalt  }
tec
execute0_lowered:
.L_overlay_start_1:
0x0: {  	(tag) =	ssettag $0x1  }
0x1: {  	s0 =	rddreg [dreg:$0x0]  }
0x2: {  	s6 =	rddreg [dreg:$0x1]  }
0x3: {  	s1 =	rddreg [dreg:$0x2]  }
0x4: {  	s2 =	rddreg [dreg:$0x3];
	s3 =	srdreg.scid  }
0x5: {  	s4 =	simm.s32 $0x0;
	s25 =	stileid.u32;
	s17 =	simm.s32 $0x80  }
0x6: {  	s18 =	simm.s32 $0x5000;
	s19 =	simm.s32 $0x7000;
	s20 =	simm.s32 $0x4F00  }
0x7: {  	s21 =	simm.s32 $0x4F80;
	s22 =	simm.s32 $0x1;
	s23 =	simm.s32 $0x5  }
0x8: {  	s24 =	simm.s32 $0x2;
	s28 =	simm.s32 $0x4;
	s9 =	smul.u32 $0x280, s25  }
0x9: {  	s29 =	simm.s32 $0x0;
	s7 =	sand.u32 $0x1, s3;
	s26 =	smul.u32 $0x4F00, s25  }
0xa: {  	[smem:$0x7FF] =	sst s4;
	s12 =	sadd.s32 $0x2AA00, s0;
	s11 =	smul.u32 $0xA000, s25  }
0xb: {  	s5 =	sadd.s32 $0x34800, s0;
	s14 =	smul.u32 $0x9E0, s25;
	s31 =	sshll.u32 s25, $0x6  }
0xc: {  	s25 =	simm.s32 $0x6;
	s8 =	smul.u32 $0x2800, s7;
	s7 =	ssub.s32 $0x2, s7  }
0xd: {  	_ =	strace $0x80000047;
	s10 =	sshrl.u32 s7, $0x1;
	s30 =	sshrl.u32 s26, $0x3  }
0xe: {  	s15 =	sadd.s32 s11, s1;
	s16 =	sadd.s32 s11, s2;
	s26 =	simm.s32 $0x3  }
0xf: {  	s8 =	sadd.s32 s9, s8;
	s13 =	ssub.s32 s7, s10;
	s6 =	sadd.s32 s6, s30  }
0x10: {  	s15 =	sshrl.u32 s15, $0x3;
	s16 =	sshrl.u32 s16, $0x3;
	s8 =	sshll.u32 s8, $0x3  }
0x11: {  	s11 =	smax.u32 s13, $0x1;
	s13 =	simm.s32 $0x7;
	s0 =	sadd.s32 s8, s0  }
0x12: {  	s8 =	sadd.s32 s12, s30;
	s12 =	sadd.s32 s14, s12;
	s14 =	sor.u32 $0x1C07, s31  }
0x13: {  	s7 =	sadd.s32 $0x2A00, s0;
	s9 =	sadd.s32 $0x10, s8;
	s10 =	sadd.s32 $0x35C00, s0  }
.LBB2_1:
0x14: {  	[tilespmem:s4], [sflag:$0x7] =	stream.linear.gather [hbm4b:s6+s4], $0x4F00, $0x38;
	[tilespmem:$0x1D000] =	vst v63  }
0x15: {  	_ =	swait.ge [sflag:s13], $0x4F00  }
0x16: {  	[sflag:s13] =	ssyncset.done $0x0  }
0x17: {  	[sflag:s13] =	ssyncadd.s32 $0xFFFFB100  }
0x18: {  	[spmem:s15], [sflag:s14] =	dma.local [hbm:s7], $0x1400  }
0x19: {  	_ =	swait.ge [sflag:s13], $0x1400  }
0x1a: {  	[sflag:s13] =	ssyncset.done $0x0  }
0x1b: {  	[sflag:s13] =	ssyncadd.s32 $0xFFFFEC00  }
0x1c: {  	[spmem:s16], [sflag:s14] =	dma.local [hbm:s5], $0x1400  }
0x1d: {  	_ =	swait.ge [sflag:s13], $0x1400  }
0x1e: {  	[sflag:s13] =	ssyncset.done $0x0  }
0x1f: {  	[sflag:s13] =	ssyncadd.s32 $0xFFFFEC00  }
0x20: {  	[bflag:$0x0] =	sbarrier.arrive $0xFFFF  }
0x21: {  	[tilespmem:s18], [sflag:$0x1] =	stream.indirect.gather [spmem:s1], $0x40, s4, s17, $0xb8;
	[tilespmem:$0x1D000] =	vst v63  }
0x22: {  	_ = 	snop  }
0x23: {  	[tilespmem:s19], [sflag:$0x2] =	stream.indirect.gather [spmem:s1], $0x40, s17, s17, $0xb8;
	[tilespmem:$0x1D000] =	vst v63  }
0x24: {  	_ = 	snop  }
0x25: {  	[tilespmem:s20], [sflag:$0x5] =	stream.linear.gather [hbm4b:s8+s4], $0x80, $0x38;
	[tilespmem:$0x1D000] =	vst v63  }
0x26: {  	_ = 	snop  }
0x27: {  	[tilespmem:s21], [sflag:$0x6] =	stream.linear.gather [hbm4b:s9+s4], $0x80, $0x38;
	[tilespmem:$0x1D000] =	vst v63  }
0x28: {  	_ =	swait.ge [sflag:s22], $0x2000  }
0x29: {  	[sflag:s22] =	ssyncset.done $0x0  }
0x2a: {  	[sflag:s22] =	ssyncadd.s32 $0xFFFFE000  }
0x2b: {  	_ =	swait.ge [sflag:s23], $0x80  }
0x2c: {  	[sflag:s23] =	ssyncset.done $0x0  }
0x2d: {  	[sflag:s23] =	ssyncadd.s32 $0xFFFFFF80  }
0x2e: {  	[spmem:s2] =	stream.indirect.scatter.add.f32 [tilespmem:s18], [sflag:$0x3], $0x40, s20, s17, $0xb8;
	[tilespmem:$0x1D000] =	vst v63  }
0x2f: {  	_ =	swait.ge [sflag:s24], $0x2000  }
0x30: {  	[sflag:s24] =	ssyncset.done $0x0  }
0x31: {  	[sflag:s24] =	ssyncadd.s32 $0xFFFFE000  }
0x32: {  	_ =	swait.ge [sflag:s25], $0x80  }
0x33: {  	[sflag:s25] =	ssyncset.done $0x0  }
0x34: {  	[sflag:s25] =	ssyncadd.s32 $0xFFFFFF80  }
0x35: {  	[spmem:s2] =	stream.indirect.scatter.add.f32 [tilespmem:s19], [sflag:$0x4], $0x40, s21, s17, $0xb8;
	[tilespmem:$0x1D000] =	vst v63  }
0x36: {  	_ =	swait.ge [sflag:s26], $0x2000  }
0x37: {  	[sflag:s26] =	ssyncset.done $0x0  }
0x38: {  	s0 =	simm.s32 $0x100;
	s31 =	sadd.s32 $0xFFFFF640, s12;
	[sflag:s26] =	ssyncadd.s32 $0xFFFFE000  }
0x39: {  	[tilespmem:s18], [sflag:$0x1] =	stream.indirect.gather [spmem:s1], $0x40, s0, s17, $0xb8;
	[tilespmem:$0x1D000] =	vst v63  }
0x3a: {  	s3 =	sadd.s32 $0x9E0, s31  }
0x3b: {  	[tilespmem:s20], [sflag:$0x5] =	stream.linear.gather [hbm4b:s3+s4], $0x80, $0x38;
	[tilespmem:$0x1D000] =	vst v63  }
0x3c: {  	_ =	swait.ge [sflag:s28], $0x2000  }
0x3d: {  	s30 =	simm.s32 $0xFFFFF660;
	s0 =	sadd.s32 $0x9F0, s31;
	[sflag:s28] =	ssyncset.done $0x0  }
0x3e: {  	s31 =	simm.s32 $0x200;
	s3 =	simm.s32 $0x180;
	[sflag:s28] =	ssyncadd.s32 $0xFFFFE000  }
0x3f: {  	[tilespmem:s19], [sflag:$0x2] =	stream.indirect.gather [spmem:s1], $0x40, s3, s17, $0xb8;
	[tilespmem:$0x1D000] =	vst v63  }
.LBB2_2:
0x40: {  	[tilespmem:s21], [sflag:$0x6] =	stream.linear.gather [hbm4b:s0+s4], $0x80, $0x38;
	[tilespmem:$0x1D000] =	vst v63  }
0x41: {  	s0 =	smov.u32 s30  }
0x42: {  	p0 =	sne.s32 s30, $0xFFFFFFE0;
	s30 =	sadd.s32 $0x20, s30;
	_ =	swait.ge [sflag:s22], $0x2000  }
0x43: {  	[sflag:s22] =	ssyncset.done $0x0  }
0x44: {  	[sflag:s22] =	ssyncadd.s32 $0xFFFFE000  }
0x45: {  	_ =	swait.ge [sflag:s23], $0x80  }
0x46: {  	[sflag:s23] =	ssyncset.done $0x0  }
0x47: {  	[sflag:s23] =	ssyncadd.s32 $0xFFFFFF80  }
0x48: {  	[spmem:s2] =	stream.indirect.scatter.add.f32 [tilespmem:s18], [sflag:$0x3], $0x40, s20, s17, $0xb8;
	[tilespmem:$0x1D000] =	vst v63  }
0x49: {  	_ =	swait.ge [sflag:s24], $0x2000  }
0x4a: {  	[sflag:s24] =	ssyncset.done $0x0  }
0x4b: {  	[sflag:s24] =	ssyncadd.s32 $0xFFFFE000  }
0x4c: {  	_ =	swait.ge [sflag:s25], $0x80  }
0x4d: {  	[sflag:s25] =	ssyncset.done $0x0  }
0x4e: {  	[sflag:s25] =	ssyncadd.s32 $0xFFFFFF80  }
0x4f: {  	[spmem:s2] =	stream.indirect.scatter.add.f32 [tilespmem:s19], [sflag:$0x4], $0x40, s21, s17, $0xb8;
	[tilespmem:$0x1D000] =	vst v63  }
0x50: {  	_ =	swait.ge [sflag:s26], $0x2000  }
0x51: {  	[sflag:s26] =	ssyncset.done $0x0  }
0x52: {  	s0 =	sadd.s32 s0, s12;
	[sflag:s26] =	ssyncadd.s32 $0xFFFFE000  }
0x53: {  	[tilespmem:s18], [sflag:$0x1] =	stream.indirect.gather [spmem:s1], $0x40, s31, s17, $0xb8;
	[tilespmem:$0x1D000] =	vst v63  }
0x54: {  	s3 =	sadd.s32 $0x9E0, s0  }
0x55: {  	[tilespmem:s20], [sflag:$0x5] =	stream.linear.gather [hbm4b:s3+s4], $0x80, $0x38;
	[tilespmem:$0x1D000] =	vst v63  }
.Ltmp0:
0x56: {  	_ =	swait.ge [sflag:s28], $0x2000;
	(pc) =	sbr.rel @p0 .LBB2_2-.Ltmp0, $4  }
0x57: {  	[sflag:s28] =	ssyncset.done $0x0  }
0x58: {  	s3 =	sadd.s32 $0x80, s31;
	[sflag:s28] =	ssyncadd.s32 $0xFFFFE000  }
0x59: {  	[tilespmem:s19], [sflag:$0x2] =	stream.indirect.gather [spmem:s1], $0x40, s3, s17, $0xb8;
	[tilespmem:$0x1D000] =	vst v63  }
0x5a: {  	s0 =	sadd.s32 $0x9F0, s0;
	s31 =	sadd.s32 $0x100, s31  }
0x5b: {  	[tilespmem:s21], [sflag:$0x6] =	stream.linear.gather [hbm4b:s0+s4], $0x80, $0x38;
	[tilespmem:$0x1D000] =	vst v63  }
0x5c: {  	_ =	swait.ge [sflag:s22], $0x2000  }
0x5d: {  	[sflag:s22] =	ssyncset.done $0x0  }
0x5e: {  	[sflag:s22] =	ssyncadd.s32 $0xFFFFE000  }
0x5f: {  	_ =	swait.ge [sflag:s23], $0x80  }
0x60: {  	[sflag:s23] =	ssyncset.done $0x0  }
0x61: {  	[sflag:s23] =	ssyncadd.s32 $0xFFFFFF80  }
0x62: {  	[spmem:s2] =	stream.indirect.scatter.add.f32 [tilespmem:s18], [sflag:$0x3], $0x40, s20, s17, $0xb8;
	[tilespmem:$0x1D000] =	vst v63  }
0x63: {  	_ =	swait.ge [sflag:s24], $0x2000  }
0x64: {  	[sflag:s24] =	ssyncset.done $0x0  }
0x65: {  	[sflag:s24] =	ssyncadd.s32 $0xFFFFE000  }
0x66: {  	_ =	swait.ge [sflag:s25], $0x80  }
0x67: {  	[sflag:s25] =	ssyncset.done $0x0  }
0x68: {  	[sflag:s25] =	ssyncadd.s32 $0xFFFFFF80  }
0x69: {  	[spmem:s2] =	stream.indirect.scatter.add.f32 [tilespmem:s19], [sflag:$0x4], $0x40, s21, s17, $0xb8;
	[tilespmem:$0x1D000] =	vst v63  }
0x6a: {  	_ =	swait.ge [sflag:s26], $0x2000  }
0x6b: {  	[sflag:s26] =	ssyncset.done $0x0  }
0x6c: {  	[sflag:s26] =	ssyncadd.s32 $0xFFFFE000  }
0x6d: {  	_ =	swait.ge [sflag:s28], $0x2000  }
0x6e: {  	s29 =	sadd.s32 $0x1, s29;
	[sflag:s28] =	ssyncset.done $0x0  }
0x6f: {  	p0 =	sne.s32 s29, s11;
	[sflag:s28] =	ssyncadd.s32 $0xFFFFE000  }
.Ltmp1:
0x70: {  	[bflag:$0x0] =	sbarrier.arrive $0xFFFF;
	(pc) =	sbr.rel @p0 .LBB2_1-.Ltmp1, $4  }
0x71: {  	[hbm:s10], [sflag:s14] =	dma.local [spmem:s16], $0x1400  }
0x72: {  	_ =	swait.ge [sflag:s13], $0x1400  }
0x73: {  	[sflag:s13] =	ssyncset.done $0x0  }
0x74: {  	[sflag:s13] =	ssyncadd.s32 $0xFFFFEC00  }
0x75: {  	_ =	sfence.sel $0x180000  }
0x76: {  	[bflag:$0x0] =	sbarrier.arrive $0xFFFF  }
0x77: {  	_ =	strace $0x90000047  }
0x78: {  	s0 =	stileid.u32;
	[bflag:$0x2] =	sbarrier.arrive $0xFFFF  }
0x79: {  	p0 =	sne.s32 s0, $0x0;
	s0 =	rddreg [dreg:$0x4]  }
0x7a: {  	s0 =	sadd.s32 @!p0 $0x100000, s0  }
0x7b: {  	[sflag:s0] =	ssyncadd.tile.s32 @!p0 $0x1;
	_ =	shalt  }
.Lfunc_end2:
_tile_overlayer_lowered:
.L_overlay_start_2:
0x7c: {  	(tag) =	ssettag $0x2  }
0x7d: {  	s0 =	rddreg [dreg:$0x0];
	s2 =	stileid.u32  }
0x7e: {  	s1 =	rddreg [dreg:$0x1];
	p0 =	sne.s32 s2, $0x0  }
0x7f: {  	s3 =	rddreg [dreg:$0x2];
	[bflag:$0x3] =	sbarrier.arrive $0xFFFF;
	s2 =	simm.s32 @!p0 $0x1C07  }
0x80: {  	[timem:s3], [sflag:s2] =	dma.local @!p0 [hbm:s0], s1  }
0x81: {  	s0 =	simm.s32 @!p0 $0x7  }
0x82: {  	_ =	swait.ge @!p0 [sflag:s0], s1  }
0x83: {  	s1 =	ssub.s32 @!p0 $0x0, s1;
	[sflag:s0] =	ssyncset.done @!p0 $0x0  }
0x84: {  	[sflag:s0] =	ssyncadd.s32 @!p0 s1  }
0x85: {  	[bflag:$0x3] =	sbarrier.arrive $0xFFFF  }
0x86: {  	_ =	shalt  }

// kernel: kernel.21.cloned.1.call-start
scs
__scs_entry_jumppad:
0x0: {  	(pc) =	sbr.rel $0x88, $3  }
0x1: {  	(tag) =	ssettag $0x0;
	lr =	simm.s32 $0x1  }
0x2: {  	[smem:$0x3F94] =	sst lr;
	_ =	strace $0xD0000000  }
0x3: {  	_ = 	snop  }
0x4: {  	_ = 	snop  }
0x5: {  	_ = 	snop  }
0x6: {  	_ = 	snop  }
0x7: {  	_ = 	snop  }
__scs_overlays_trampoline_lowered:
0x8: {  	[smem:$0x3FA3] =	sst s0  }
0x9: {  	[smem:$0x3FA4] =	sst s1  }
0xa: {  	[smem:$0x3FA5] =	sst s2  }
0xb: {  	[smem:$0x3FA6] =	sst s3  }
0xc: {  	[smem:$0x3FA7] =	sst s4  }
0xd: {  	[smem:$0x3FA8] =	sst s5  }
0xe: {  	[smem:$0x3FA9] =	sst s6  }
0xf: {  	[smem:$0x3FAA] =	sst s7  }
0x10: {  	[smem:$0x3FAB] =	sst s8  }
0x11: {  	[smem:$0x3FAC] =	sst s9;
	s0 =	simm.s32 @!p0 $0x0  }
0x12: {  	s1 =	sld [smem:$0x3F92];
	s0 =	simm.s32 @p0 $0x1  }
0x13: {  	[smem:$0x3FAD] =	sst s0;
	s0 =	simm.s32 @!p1 $0x0  }
0x14: {  	s2 =	sld [smem:$0x3F91];
	s0 =	simm.s32 @p1 $0x1  }
0x15: {  	[smem:$0x3FAE] =	sst s0;
	s0 =	simm.s32 @!p2 $0x0  }
0x16: {  	s3 =	sld [smem:$0x3FDB];
	s0 =	simm.s32 @p2 $0x1  }
0x17: {  	s4 =	simm.s32 $0x1BF5;
	[smem:$0x3FB0] =	sst s0  }
0x18: {  	s0 =	sld [smem:$0x3F93];
	_ =	swait.ge [sflag:s4], $0x0  }
0x19: {  	s7 =	sld [smem:$0x3F94]  }
0x1a: {  	s8 =	sadd.s32 $0xFFFFE003, lr  }
0x1b: {  	s9 =	sadd.s32 $0xFFFFFEF7, lr;
	s5 =	simm.s32 $0xFFFFFFFF;
	p2 =	slt.u32 s8, $0xFFFFF086  }
0x1c: {  	p1 =	slt.u32 s9, $0xF7A;
	s5 =	simm.s32 @!p2 $0x0  }
0x1d: {  	s5 =	simm.s32 @p1 $0x1;
	p0 =	seq.s32 s7, s2  }
0x1e: {  	s7 =	smul.u32 @!p0 $0xF7A, s2;
	p2 =	seq.s32 @!p0 s5, $0x0  }
0x1f: {  	s9 =	smul.u32 $0xF7A, s1;
	s8 =	simm.s32 @!p0 $0x1BF5;
	p2 =	por !p2, p0  }
0x20: {  	[sflag:s8] =	ssyncset.s32 @!p0 $0xFFFFF086;
	s6 =	sadd.s32 @!p0 s3, s7;
	s7 =	simm.s32 @!p0 $0x108  }
0x21: {  	s3 =	sadd.s32 s3, s9;
	s6 =	sadd.s32 @!p0 $0x88, s6;
	s7 =	simm.s32 @p2 $0x1082  }
0x22: {  	[simem:s7], [sflag:s8] =	dma.local @!p0 [hbm:s6], $0xF7A  }
0x23: {  	s9 =	sor.u32 $0xD0000000, s2;
	s6 =	simm.s32 $0x108;
	_ =	swait.ge @!p0 [sflag:s8], $0x0  }
0x24: {  	s3 =	sadd.s32 $0x88, s3;
	s6 =	simm.s32 @!p1 $0x1082;
	[sflag:s4] =	ssyncset.s32 $0xFFFFF086  }
0x25: {  	[simem:s6], [sflag:s4] =	dma.local [hbm:s3], $0xF7A  }
0x26: {  	[smem:$0x3F94] =	sst s1;
	(tag) =	ssettag s2;
	_ =	strace s9  }
0x27: {  	s1 =	sld [smem:$0x3FA4]  }
0x28: {  	s2 =	sld [smem:$0x3FA5]  }
0x29: {  	s4 =	sld [smem:$0x3FA7]  }
0x2a: {  	p0 =	seq.s32 s5, $0x0;
	s5 =	sld [smem:$0x3FA8]  }
0x2b: {  	s6 =	sld [smem:$0x3FA9]  }
0x2c: {  	s7 =	sld [smem:$0x3FAA]  }
0x2d: {  	s3 =	simm.s32 $0x108;
	s8 =	sld [smem:$0x3FAB]  }
0x2e: {  	s3 =	simm.s32 @!p0 $0x1082;
	s9 =	sld [smem:$0x3FAC]  }
0x2f: {  	lr =	sadd.s32 s0, s3;
	s0 =	sld [smem:$0x3FA3]  }
0x30: {  	s3 =	sld [smem:$0x3FA6]  }
0x31: {  	[smem:$0x3FAF] =	sst s10  }
0x32: {  	s10 =	sld [smem:$0x3FAD];
	_ =	sdelay $0x3  }
0x33: {  	p0 =	seq.s32 s10, $0x1;
	s10 =	sld [smem:$0x3FAF];
	_ =	sdelay $0x3  }
0x34: {  	[smem:$0x3FAF] =	sst s10  }
0x35: {  	s10 =	sld [smem:$0x3FAE];
	_ =	sdelay $0x3  }
0x36: {  	p1 =	seq.s32 s10, $0x1;
	s10 =	sld [smem:$0x3FAF];
	_ =	sdelay $0x3  }
0x37: {  	[smem:$0x3FAF] =	sst s10  }
0x38: {  	s10 =	sld [smem:$0x3FB0]  }
0x39: {  	_ = 	snop;
	(pc) =	sbr.ind lr, $3  }
0x3a: {  	_ = 	snop  }
0x3b: {  	_ = 	snop  }
0x3c: {  	p2 =	seq.s32 s10, $0x1;
	s10 =	sld [smem:$0x3FAF]  }
0x3d: {  	_ =	shalt  }
0x3e: {  	_ =	shalt  }
0x3f: {  	_ =	shalt  }
0x40: {  	_ =	shalt  }
0x41: {  	_ =	shalt  }
0x42: {  	_ =	shalt  }
0x43: {  	_ =	shalt  }
0x44: {  	_ =	shalt  }
0x45: {  	_ =	shalt  }
0x46: {  	_ =	shalt  }
0x47: {  	_ =	shalt  }
0x48: {  	_ =	shalt  }
0x49: {  	_ =	shalt  }
0x4a: {  	_ =	shalt  }
0x4b: {  	_ =	shalt  }
0x4c: {  	_ =	shalt  }
0x4d: {  	_ =	shalt  }
0x4e: {  	_ =	shalt  }
0x4f: {  	_ =	shalt  }
0x50: {  	_ =	shalt  }
0x51: {  	_ =	shalt  }
0x52: {  	_ =	shalt  }
0x53: {  	_ =	shalt  }
0x54: {  	_ =	shalt  }
0x55: {  	_ =	shalt  }
0x56: {  	_ =	shalt  }
0x57: {  	_ =	shalt  }
0x58: {  	_ =	shalt  }
0x59: {  	_ =	shalt  }
0x5a: {  	_ =	shalt  }
0x5b: {  	_ =	shalt  }
0x5c: {  	_ =	shalt  }
0x5d: {  	_ =	shalt  }
0x5e: {  	_ =	shalt  }
0x5f: {  	_ =	shalt  }
0x60: {  	_ =	shalt  }
0x61: {  	_ =	shalt  }
0x62: {  	_ =	shalt  }
0x63: {  	_ =	shalt  }
0x64: {  	_ =	shalt  }
0x65: {  	_ =	shalt  }
0x66: {  	_ =	shalt  }
0x67: {  	_ =	shalt  }
0x68: {  	_ =	shalt  }
0x69: {  	_ =	shalt  }
0x6a: {  	_ =	shalt  }
0x6b: {  	_ =	shalt  }
0x6c: {  	_ =	shalt  }
0x6d: {  	_ =	shalt  }
0x6e: {  	_ =	shalt  }
0x6f: {  	_ =	shalt  }
0x70: {  	_ =	shalt  }
0x71: {  	_ =	shalt  }
0x72: {  	_ =	shalt  }
0x73: {  	_ =	shalt  }
0x74: {  	_ =	shalt  }
0x75: {  	_ =	shalt  }
0x76: {  	_ =	shalt  }
0x77: {  	_ =	shalt  }
0x78: {  	_ =	shalt  }
0x79: {  	_ =	shalt  }
0x7a: {  	_ =	shalt  }
0x7b: {  	_ =	shalt  }
0x7c: {  	_ =	shalt  }
0x7d: {  	_ =	shalt  }
0x7e: {  	_ =	shalt  }
0x7f: {  	_ =	shalt  }
0x80: {  	_ =	shalt  }
0x81: {  	_ =	shalt  }
0x82: {  	_ =	shalt  }
0x83: {  	_ =	shalt  }
0x84: {  	_ =	shalt  }
0x85: {  	_ =	shalt  }
0x86: {  	_ =	shalt  }
0x87: {  	_ =	shalt  }
.Lfunc_end0:
.L_simem_size_0:
called_computation.2_lowered:
.L_overlay_start_0:
0x88: {  	s2 =	sld [smem:$0x3FD9]  }
0x89: {  	s3 =	sld [smem:$0x3FFE];
	_ =	sdelay $0x1  }
0x8a: {  	s1 =	srdreg.scid  }
0x8b: {  	s0 =	sand.u32 $0x1, s1  }
0x8c: {  	s15 =	sshll.u32 s0, $0xA;
	s2 =	sadd.s32 s3, s2  }
0x8d: {  	s2 =	sadd.s32 s2, s15  }
0x8e: {  	[smem:$0x3FBB] =	sst s2  }
0x8f: {  	_ = 	snop  }
0x90: {  	s2 =	sld [smem:$0x3FD0];
	_ =	sdelay $0x2  }
0x91: {  	s4 =	simm.s32 $0xC;
	s16 =	simm.s32 $0x10  }
0x92: {  	[smem:s16], [sflag:s4] =	dma.local [hbm:s2], $0x1  }
0x93: {  	_ =	swait.eq [sflag:s4], $0x1  }
0x94: {  	[sflag:s4] =	ssyncset.done $0x0  }
0x95: {  	s17 =	sld [smem:$0x13];
	[sflag:s4] =	ssyncadd.s32 $0xFFFFFFFF  }
0x96: {  	s18 =	sld [smem:$0x14];
	(tm) =	ssettm $0x1  }
0x97: {  	s19 =	sld [smem:$0x3FFB];
	_ =	sdelay $0x3  }
0x98: {  	_ =	strace s19  }
0x99: {  	s2 =	sld [smem:$0x3FFC];
	_ =	sdelay $0x3  }
0x9a: {  	_ =	strace s2  }
0x9b: {  	s2 =	sld [smem:$0x3FFD];
	_ =	sdelay $0x3  }
0x9c: {  	_ =	strace s2  }
0x9d: {  	_ =	strace $0x8FFFFFFF  }
0x9e: {  	s20 =	sld [smem:$0x3FDB];
	_ =	sdelay $0x1  }
0x9f: {  	s5 =	simm.s32 $_scs_section_size  }
0xa0: {  	s6 =	simm.s32 $_size__tile_overlayer_lowered;
	s7 =	simm.s32 $_tile_overlayer_lowered  }
0xa1: {  	s8 =	simm.s32 $0x1BFF;
	s21 =	sshll.u32 s7, $0x1;
	s5 =	sadd.s32 s5, s20  }
0xa2: {  	s22 =	simm.s32 $0x0;
	s6 =	sshll.u32 s6, $0x1;
	s7 =	sadd.s32 s21, s5  }
0xa3: {  	[timem:s22], [sflag:s8] =	dma.local [hbm:s7], s6  }
0xa4: {  	_ =	swait.ge [sflag:s8], s6  }
0xa5: {  	s6 =	ssub.s32 $0x0, s6;
	[sflag:s8] =	ssyncset.done $0x0  }
0xa6: {  	[sflag:s8] =	ssyncadd.s32 s6;
	_ =	sdelay $0x1  }
0xa7: {  	s23 =	simm.s32 $0x1B8B  }
0xa8: {  	_ =	swait.ge [sflag:s23], $0x1  }
0xa9: {  	[sflag:s23] =	ssyncset.done $0x0  }
0xaa: {  	[sflag:s23] =	ssyncadd.s32 $0xFFFFFFFF  }
0xab: {  	s6 =	sld [smem:$0x0]  }
0xac: {  	s7 =	sand.u32 $0xFFFFFFFE, s1  }
0xad: {  	p0 =	sne.s32 s1, s7  }
0xae: {  	s7 =	sshll.u32 @p0 s7, $0xE  }
0xaf: {  	s7 =	sadd.s32 @p0 $0x11B8D, s7;
	s8 =	sshll.u32 @p0 s6, $0x11  }
0xb0: {  	s7 =	sor.u32 @p0 s8, s7  }
0xb1: {  	[sflag:s7] =	ssyncadd.remote.s32 @p0 $0x1;
	_ =	sdelay $0x1  }
0xb2: {  	s7 =	simm.s32 @p0 $0x1B8D  }
0xb3: {  	_ =	swait.eq @p0 [sflag:s7], $0x1  }
0xb4: {  	[sflag:s7] =	ssyncadd.s32 @p0 $0xFFFFFFFF  }
0xb5: {  	s8 =	sshll.u32 @!p0 s1, $0xE  }
0xb6: {  	s8 =	sor.u32 @!p0 $0x4000, s8;
	s7 =	simm.s32 @!p0 $0x1B8D  }
0xb7: {  	s6 =	sshll.u32 @!p0 s6, $0x11;
	s8 =	sadd.s32 @!p0 $0x11B8D, s8;
	_ =	swait.eq @!p0 [sflag:s7], $0x1  }
0xb8: {  	s6 =	sor.u32 @!p0 s6, s8;
	[sflag:s7] =	ssyncadd.s32 @!p0 $0xFFFFFFFF  }
0xb9: {  	s25 =	simm.s32 $0x1B8E;
	s24 =	sld [smem:$0x3FFE];
	[sflag:s6] =	ssyncadd.remote.s32 @!p0 $0x1  }
0xba: {  	s26 =	simm.s32 $execute0_lowered;
	[smem:$0x3FD2] =	sst s25  }
0xbb: {  	s7 =	sshll.u32 s26, $0x1;
	_ =	strace $0x8000004F;
	[dreg:$0x1] =	wrdreg $0xFFFFFFFF  }
0xbc: {  	s28 =	simm.s32 $_size_execute0_lowered;
	s5 =	sadd.s32 s5, s7;
	[dreg:$0x0] =	wrdreg $0x0  }
0xbd: {  	s7 =	sshll.u32 s28, $0x1;
	[dreg:$0x2] =	wrdreg s5  }
0xbe: {  	[dreg:$0x3] =	wrdreg s7  }
0xbf: {  	[dreg:$0x4] =	wrdreg $0xC0  }
0xc0: {  	_ =	task [dreg:s22], $0x5FFFF  }
0xc1: {  	[dreg:$0x1] =	wrdreg $0xFFFFFFFF  }
0xc2: {  	[dreg:$0x0] =	wrdreg $0x60  }
0xc3: {  	[dreg:$0x2] =	wrdreg s24  }
0xc4: {  	[dreg:$0x3] =	wrdreg s17  }
0xc5: {  	[dreg:$0x4] =	wrdreg s18  }
0xc6: {  	[dreg:$0x5] =	wrdreg $0xC0000  }
0xc7: {  	[dreg:$0x6] =	wrdreg $0x70000  }
0xc8: {  	[dreg:$0x7] =	wrdreg $0xA  }
0xc9: {  	_ =	task.clear_ibuf [dreg:s22], $0x8FFFF;
	_ =	strace $0x9000004F  }
0xca: {  	s29 =	simm.s32 $0xA;
	_ =	strace $0x80000051  }
0xcb: {  	_ =	swait.ge [sflag:s29], $0x1  }
0xcc: {  	[sflag:s29] =	ssyncadd.s32 $0xFFFFFFFF  }
0xcd: {  	_ =	strace $0x90000051  }
0xce: {  	_ =	sfence  }
0xcf: {  	s30 =	sld [smem:$0x0];
	_ =	sdelay $0x2  }
0xd0: {  	s31 =	sshll.u32 s1, $0xD;
	s1 =	sshrl.u32 s1, $0x2  }
0xd1: {  	s4 =	sand.u32 $0x4000, s31;
	s1 =	sadd.s32 s1, s30  }
0xd2: {  	s0 =	sor.u32 s4, s0;
	s1 =	sshll.u32 s1, $0x11  }
0xd3: {  	s0 =	sor.u32 s1, s0  }
0xd4: {  	s0 =	sadd.s32 $0x8F2B, s0  }
0xd5: {  	[sflag:s0] =	ssyncadd.remote.s32 $0x1  }
0xd6: {  	_ =	sfence.sel $0xFFFF  }
0xd7: {  	[dreg:$0x0] =	wrdreg $0xFFFFFFFF;
	(pc) =	sbr.abs _section_cstart, $3  }
0xd8: {  	[dreg:$0x1] =	wrdreg $0xFFFFFFFF  }
0xd9: {  	_ =	task.clear_ibuf [dreg:s22], $0x2FFFF;
	_ =	strace $0x9FFFFFFF  }
0xda: {  	(tm) =	ssettm $0x7FFFFFFF  }
0xdb: {  	_ =	shalt  }
tec
execute0_lowered:
.L_overlay_start_1:
0x0: {  	(tag) =	ssettag $0x1  }
0x1: {  	s0 =	rddreg [dreg:$0x0]  }
0x2: {  	s6 =	rddreg [dreg:$0x1]  }
0x3: {  	s1 =	rddreg [dreg:$0x2]  }
0x4: {  	s2 =	rddreg [dreg:$0x3]  }
0x5: {  	s3 =	rddreg [dreg:$0x4]  }
0x6: {  	s4 =	srdreg.scid;
	s5 =	simm.s32 $0x0;
	s25 =	stileid.u32  }
0x7: {  	s17 =	simm.s32 $0x80;
	s18 =	simm.s32 $0x5000;
	s19 =	simm.s32 $0x6000  }
0x8: {  	s20 =	simm.s32 $0x4F00;
	s21 =	simm.s32 $0x4F80;
	s22 =	simm.s32 $0x1  }
0x9: {  	s23 =	simm.s32 $0x5;
	s24 =	simm.s32 $0x2;
	s9 =	smul.u32 $0x280, s25  }
0xa: {  	s28 =	simm.s32 $0x4;
	s29 =	simm.s32 $0x0;
	s26 =	smul.u32 $0x4F00, s25  }
0xb: {  	s7 =	sand.u32 $0x1, s4;
	[smem:$0x7FF] =	sst s5;
	s11 =	smul.u32 $0x5000, s25  }
0xc: {  	s12 =	sadd.s32 $0x2AA00, s0;
	s14 =	smul.u32 $0x9E0, s25;
	s31 =	sshll.u32 s25, $0x6  }
0xd: {  	s25 =	simm.s32 $0x6;
	s8 =	smul.u32 $0x2800, s7;
	s7 =	ssub.s32 $0x2, s7  }
0xe: {  	_ =	strace $0x80000050;
	s10 =	sshrl.u32 s7, $0x1;
	s30 =	sshrl.u32 s26, $0x3  }
0xf: {  	s15 =	sadd.s32 s11, s2;
	s16 =	sadd.s32 s11, s3;
	s26 =	simm.s32 $0x3  }
0x10: {  	s8 =	sadd.s32 s9, s8;
	s13 =	ssub.s32 s7, s10;
	s6 =	sadd.s32 s6, s30  }
0x11: {  	s15 =	sshrl.u32 s15, $0x3;
	s16 =	sshrl.u32 s16, $0x3;
	s8 =	sshll.u32 s8, $0x2  }
0x12: {  	s11 =	smax.u32 s13, $0x1;
	s13 =	simm.s32 $0x7;
	s0 =	sadd.s32 s8, s0  }
0x13: {  	s8 =	sadd.s32 s12, s30;
	s12 =	sadd.s32 s14, s12;
	s14 =	sor.u32 $0x1C07, s31  }
0x14: {  	s7 =	sadd.s32 $0x2A00, s0;
	s9 =	sadd.s32 $0x10, s8;
	s10 =	sadd.s32 $0x16A00, s0  }
.LBB2_1:
0x15: {  	[tilespmem:s5], [sflag:$0x7] =	stream.linear.gather [hbm4b:s6+s5], $0x4F00, $0x38;
	[tilespmem:$0x11000] =	vst v63  }
0x16: {  	_ =	swait.ge [sflag:s13], $0x4F00  }
0x17: {  	[sflag:s13] =	ssyncset.done $0x0  }
0x18: {  	[sflag:s13] =	ssyncadd.s32 $0xFFFFB100  }
0x19: {  	[spmem:s15], [sflag:s14] =	dma.local [hbm:s7], $0xA00  }
0x1a: {  	_ =	swait.ge [sflag:s13], $0xA00  }
0x1b: {  	[sflag:s13] =	ssyncset.done $0x0  }
0x1c: {  	[sflag:s13] =	ssyncadd.s32 $0xFFFFF600  }
0x1d: {  	[spmem:s16], [sflag:s14] =	dma.local [hbm:s1], $0xA00  }
0x1e: {  	_ =	swait.ge [sflag:s13], $0xA00  }
0x1f: {  	[sflag:s13] =	ssyncset.done $0x0  }
0x20: {  	[sflag:s13] =	ssyncadd.s32 $0xFFFFF600  }
0x21: {  	[bflag:$0x0] =	sbarrier.arrive $0xFFFF  }
0x22: {  	[tilespmem:s18], [sflag:$0x1] =	stream.indirect.gather [spmem:s2], $0x20, s5, s17, $0xb8;
	[tilespmem:$0x11000] =	vst v63  }
0x23: {  	_ = 	snop  }
0x24: {  	[tilespmem:s19], [sflag:$0x2] =	stream.indirect.gather [spmem:s2], $0x20, s17, s17, $0xb8;
	[tilespmem:$0x11000] =	vst v63  }
0x25: {  	_ = 	snop  }
0x26: {  	[tilespmem:s20], [sflag:$0x5] =	stream.linear.gather [hbm4b:s8+s5], $0x80, $0x38;
	[tilespmem:$0x11000] =	vst v63  }
0x27: {  	_ = 	snop  }
0x28: {  	[tilespmem:s21], [sflag:$0x6] =	stream.linear.gather [hbm4b:s9+s5], $0x80, $0x38;
	[tilespmem:$0x11000] =	vst v63  }
0x29: {  	_ =	swait.ge [sflag:s22], $0x1000  }
0x2a: {  	[sflag:s22] =	ssyncset.done $0x0  }
0x2b: {  	[sflag:s22] =	ssyncadd.s32 $0xFFFFF000  }
0x2c: {  	_ =	swait.ge [sflag:s23], $0x80  }
0x2d: {  	[sflag:s23] =	ssyncset.done $0x0  }
0x2e: {  	[sflag:s23] =	ssyncadd.s32 $0xFFFFFF80  }
0x2f: {  	[spmem:s3] =	stream.indirect.scatter.add.f32 [tilespmem:s18], [sflag:$0x3], $0x20, s20, s17, $0xb8;
	[tilespmem:$0x11000] =	vst v63  }
0x30: {  	_ =	swait.ge [sflag:s24], $0x1000  }
0x31: {  	[sflag:s24] =	ssyncset.done $0x0  }
0x32: {  	[sflag:s24] =	ssyncadd.s32 $0xFFFFF000  }
0x33: {  	_ =	swait.ge [sflag:s25], $0x80  }
0x34: {  	[sflag:s25] =	ssyncset.done $0x0  }
0x35: {  	[sflag:s25] =	ssyncadd.s32 $0xFFFFFF80  }
0x36: {  	[spmem:s3] =	stream.indirect.scatter.add.f32 [tilespmem:s19], [sflag:$0x4], $0x20, s21, s17, $0xb8;
	[tilespmem:$0x11000] =	vst v63  }
0x37: {  	_ =	swait.ge [sflag:s26], $0x1000  }
0x38: {  	[sflag:s26] =	ssyncset.done $0x0  }
0x39: {  	s0 =	simm.s32 $0x100;
	s31 =	sadd.s32 $0xFFFFF640, s12;
	[sflag:s26] =	ssyncadd.s32 $0xFFFFF000  }
0x3a: {  	[tilespmem:s18], [sflag:$0x1] =	stream.indirect.gather [spmem:s2], $0x20, s0, s17, $0xb8;
	[tilespmem:$0x11000] =	vst v63  }
0x3b: {  	s4 =	sadd.s32 $0x9E0, s31  }
0x3c: {  	[tilespmem:s20], [sflag:$0x5] =	stream.linear.gather [hbm4b:s4+s5], $0x80, $0x38;
	[tilespmem:$0x11000] =	vst v63  }
0x3d: {  	_ =	swait.ge [sflag:s28], $0x1000  }
0x3e: {  	s30 =	simm.s32 $0xFFFFF660;
	s0 =	sadd.s32 $0x9F0, s31;
	[sflag:s28] =	ssyncset.done $0x0  }
0x3f: {  	s31 =	simm.s32 $0x200;
	s4 =	simm.s32 $0x180;
	[sflag:s28] =	ssyncadd.s32 $0xFFFFF000  }
0x40: {  	[tilespmem:s19], [sflag:$0x2] =	stream.indirect.gather [spmem:s2], $0x20, s4, s17, $0xb8;
	[tilespmem:$0x11000] =	vst v63  }
.LBB2_2:
0x41: {  	[tilespmem:s21], [sflag:$0x6] =	stream.linear.gather [hbm4b:s0+s5], $0x80, $0x38;
	[tilespmem:$0x11000] =	vst v63  }
0x42: {  	s0 =	smov.u32 s30  }
0x43: {  	p0 =	sne.s32 s30, $0xFFFFFFE0;
	s30 =	sadd.s32 $0x20, s30;
	_ =	swait.ge [sflag:s22], $0x1000  }
0x44: {  	[sflag:s22] =	ssyncset.done $0x0  }
0x45: {  	[sflag:s22] =	ssyncadd.s32 $0xFFFFF000  }
0x46: {  	_ =	swait.ge [sflag:s23], $0x80  }
0x47: {  	[sflag:s23] =	ssyncset.done $0x0  }
0x48: {  	[sflag:s23] =	ssyncadd.s32 $0xFFFFFF80  }
0x49: {  	[spmem:s3] =	stream.indirect.scatter.add.f32 [tilespmem:s18], [sflag:$0x3], $0x20, s20, s17, $0xb8;
	[tilespmem:$0x11000] =	vst v63  }
0x4a: {  	_ =	swait.ge [sflag:s24], $0x1000  }
0x4b: {  	[sflag:s24] =	ssyncset.done $0x0  }
0x4c: {  	[sflag:s24] =	ssyncadd.s32 $0xFFFFF000  }
0x4d: {  	_ =	swait.ge [sflag:s25], $0x80  }
0x4e: {  	[sflag:s25] =	ssyncset.done $0x0  }
0x4f: {  	[sflag:s25] =	ssyncadd.s32 $0xFFFFFF80  }
0x50: {  	[spmem:s3] =	stream.indirect.scatter.add.f32 [tilespmem:s19], [sflag:$0x4], $0x20, s21, s17, $0xb8;
	[tilespmem:$0x11000] =	vst v63  }
0x51: {  	_ =	swait.ge [sflag:s26], $0x1000  }
0x52: {  	[sflag:s26] =	ssyncset.done $0x0  }
0x53: {  	s0 =	sadd.s32 s0, s12;
	[sflag:s26] =	ssyncadd.s32 $0xFFFFF000  }
0x54: {  	[tilespmem:s18], [sflag:$0x1] =	stream.indirect.gather [spmem:s2], $0x20, s31, s17, $0xb8;
	[tilespmem:$0x11000] =	vst v63  }
0x55: {  	s4 =	sadd.s32 $0x9E0, s0  }
0x56: {  	[tilespmem:s20], [sflag:$0x5] =	stream.linear.gather [hbm4b:s4+s5], $0x80, $0x38;
	[tilespmem:$0x11000] =	vst v63  }
.Ltmp0:
0x57: {  	_ =	swait.ge [sflag:s28], $0x1000;
	(pc) =	sbr.rel @p0 .LBB2_2-.Ltmp0, $4  }
0x58: {  	[sflag:s28] =	ssyncset.done $0x0  }
0x59: {  	s4 =	sadd.s32 $0x80, s31;
	[sflag:s28] =	ssyncadd.s32 $0xFFFFF000  }
0x5a: {  	[tilespmem:s19], [sflag:$0x2] =	stream.indirect.gather [spmem:s2], $0x20, s4, s17, $0xb8;
	[tilespmem:$0x11000] =	vst v63  }
0x5b: {  	s0 =	sadd.s32 $0x9F0, s0;
	s31 =	sadd.s32 $0x100, s31  }
0x5c: {  	[tilespmem:s21], [sflag:$0x6] =	stream.linear.gather [hbm4b:s0+s5], $0x80, $0x38;
	[tilespmem:$0x11000] =	vst v63  }
0x5d: {  	_ =	swait.ge [sflag:s22], $0x1000  }
0x5e: {  	[sflag:s22] =	ssyncset.done $0x0  }
0x5f: {  	[sflag:s22] =	ssyncadd.s32 $0xFFFFF000  }
0x60: {  	_ =	swait.ge [sflag:s23], $0x80  }
0x61: {  	[sflag:s23] =	ssyncset.done $0x0  }
0x62: {  	[sflag:s23] =	ssyncadd.s32 $0xFFFFFF80  }
0x63: {  	[spmem:s3] =	stream.indirect.scatter.add.f32 [tilespmem:s18], [sflag:$0x3], $0x20, s20, s17, $0xb8;
	[tilespmem:$0x11000] =	vst v63  }
0x64: {  	_ =	swait.ge [sflag:s24], $0x1000  }
0x65: {  	[sflag:s24] =	ssyncset.done $0x0  }
0x66: {  	[sflag:s24] =	ssyncadd.s32 $0xFFFFF000  }
0x67: {  	_ =	swait.ge [sflag:s25], $0x80  }
0x68: {  	[sflag:s25] =	ssyncset.done $0x0  }
0x69: {  	[sflag:s25] =	ssyncadd.s32 $0xFFFFFF80  }
0x6a: {  	[spmem:s3] =	stream.indirect.scatter.add.f32 [tilespmem:s19], [sflag:$0x4], $0x20, s21, s17, $0xb8;
	[tilespmem:$0x11000] =	vst v63  }
0x6b: {  	_ =	swait.ge [sflag:s26], $0x1000  }
0x6c: {  	[sflag:s26] =	ssyncset.done $0x0  }
0x6d: {  	[sflag:s26] =	ssyncadd.s32 $0xFFFFF000  }
0x6e: {  	_ =	swait.ge [sflag:s28], $0x1000  }
0x6f: {  	s29 =	sadd.s32 $0x1, s29;
	[sflag:s28] =	ssyncset.done $0x0  }
0x70: {  	p0 =	sne.s32 s29, s11;
	[sflag:s28] =	ssyncadd.s32 $0xFFFFF000  }
.Ltmp1:
0x71: {  	[bflag:$0x0] =	sbarrier.arrive $0xFFFF;
	(pc) =	sbr.rel @p0 .LBB2_1-.Ltmp1, $4  }
0x72: {  	[hbm:s10], [sflag:s14] =	dma.local [spmem:s16], $0xA00  }
0x73: {  	_ =	swait.ge [sflag:s13], $0xA00  }
0x74: {  	[sflag:s13] =	ssyncset.done $0x0  }
0x75: {  	[sflag:s13] =	ssyncadd.s32 $0xFFFFF600  }
0x76: {  	_ =	sfence.sel $0x180000  }
0x77: {  	[bflag:$0x0] =	sbarrier.arrive $0xFFFF  }
0x78: {  	_ =	strace $0x90000050  }
0x79: {  	s0 =	stileid.u32;
	[bflag:$0x2] =	sbarrier.arrive $0xFFFF  }
0x7a: {  	p0 =	sne.s32 s0, $0x0;
	s0 =	rddreg [dreg:$0x5]  }
0x7b: {  	s0 =	sadd.s32 @!p0 $0x100000, s0  }
0x7c: {  	[sflag:s0] =	ssyncadd.tile.s32 @!p0 $0x1;
	_ =	shalt  }
.Lfunc_end2:
_tile_overlayer_lowered:
.L_overlay_start_2:
0x7d: {  	(tag) =	ssettag $0x2  }
0x7e: {  	s0 =	rddreg [dreg:$0x0];
	s2 =	stileid.u32  }
0x7f: {  	s1 =	rddreg [dreg:$0x1];
	p0 =	sne.s32 s2, $0x0  }
0x80: {  	s3 =	rddreg [dreg:$0x2];
	[bflag:$0x3] =	sbarrier.arrive $0xFFFF;
	s2 =	simm.s32 @!p0 $0x1C07  }
0x81: {  	[timem:s3], [sflag:s2] =	dma.local @!p0 [hbm:s0], s1  }
0x82: {  	s0 =	simm.s32 @!p0 $0x7  }
0x83: {  	_ =	swait.ge @!p0 [sflag:s0], s1  }
0x84: {  	s1 =	ssub.s32 @!p0 $0x0, s1;
	[sflag:s0] =	ssyncset.done @!p0 $0x0  }
0x85: {  	[sflag:s0] =	ssyncadd.s32 @!p0 s1  }
0x86: {  	[bflag:$0x3] =	sbarrier.arrive $0xFFFF  }
0x87: {  	_ =	shalt  }

// kernel: kernel.24.cloned.1.call-start
scs
__scs_entry_jumppad:
0x0: {  	(pc) =	sbr.rel $0x88, $3  }
0x1: {  	(tag) =	ssettag $0x0;
	lr =	simm.s32 $0x1  }
0x2: {  	[smem:$0x3F94] =	sst lr;
	_ =	strace $0xD0000000  }
0x3: {  	_ = 	snop  }
0x4: {  	_ = 	snop  }
0x5: {  	_ = 	snop  }
0x6: {  	_ = 	snop  }
0x7: {  	_ = 	snop  }
__scs_overlays_trampoline_lowered:
0x8: {  	[smem:$0x3FA3] =	sst s0  }
0x9: {  	[smem:$0x3FA4] =	sst s1  }
0xa: {  	[smem:$0x3FA5] =	sst s2  }
0xb: {  	[smem:$0x3FA6] =	sst s3  }
0xc: {  	[smem:$0x3FA7] =	sst s4  }
0xd: {  	[smem:$0x3FA8] =	sst s5  }
0xe: {  	[smem:$0x3FA9] =	sst s6  }
0xf: {  	[smem:$0x3FAA] =	sst s7  }
0x10: {  	[smem:$0x3FAB] =	sst s8  }
0x11: {  	[smem:$0x3FAC] =	sst s9;
	s0 =	simm.s32 @!p0 $0x0  }
0x12: {  	s1 =	sld [smem:$0x3F92];
	s0 =	simm.s32 @p0 $0x1  }
0x13: {  	[smem:$0x3FAD] =	sst s0;
	s0 =	simm.s32 @!p1 $0x0  }
0x14: {  	s2 =	sld [smem:$0x3F91];
	s0 =	simm.s32 @p1 $0x1  }
0x15: {  	[smem:$0x3FAE] =	sst s0;
	s0 =	simm.s32 @!p2 $0x0  }
0x16: {  	s3 =	sld [smem:$0x3FDB];
	s0 =	simm.s32 @p2 $0x1  }
0x17: {  	s4 =	simm.s32 $0x1BF5;
	[smem:$0x3FB0] =	sst s0  }
0x18: {  	s0 =	sld [smem:$0x3F93];
	_ =	swait.ge [sflag:s4], $0x0  }
0x19: {  	s7 =	sld [smem:$0x3F94]  }
0x1a: {  	s8 =	sadd.s32 $0xFFFFE003, lr  }
0x1b: {  	s9 =	sadd.s32 $0xFFFFFEF7, lr;
	s5 =	simm.s32 $0xFFFFFFFF;
	p2 =	slt.u32 s8, $0xFFFFF086  }
0x1c: {  	p1 =	slt.u32 s9, $0xF7A;
	s5 =	simm.s32 @!p2 $0x0  }
0x1d: {  	s5 =	simm.s32 @p1 $0x1;
	p0 =	seq.s32 s7, s2  }
0x1e: {  	s7 =	smul.u32 @!p0 $0xF7A, s2;
	p2 =	seq.s32 @!p0 s5, $0x0  }
0x1f: {  	s9 =	smul.u32 $0xF7A, s1;
	s8 =	simm.s32 @!p0 $0x1BF5;
	p2 =	por !p2, p0  }
0x20: {  	[sflag:s8] =	ssyncset.s32 @!p0 $0xFFFFF086;
	s6 =	sadd.s32 @!p0 s3, s7;
	s7 =	simm.s32 @!p0 $0x108  }
0x21: {  	s3 =	sadd.s32 s3, s9;
	s6 =	sadd.s32 @!p0 $0x88, s6;
	s7 =	simm.s32 @p2 $0x1082  }
0x22: {  	[simem:s7], [sflag:s8] =	dma.local @!p0 [hbm:s6], $0xF7A  }
0x23: {  	s9 =	sor.u32 $0xD0000000, s2;
	s6 =	simm.s32 $0x108;
	_ =	swait.ge @!p0 [sflag:s8], $0x0  }
0x24: {  	s3 =	sadd.s32 $0x88, s3;
	s6 =	simm.s32 @!p1 $0x1082;
	[sflag:s4] =	ssyncset.s32 $0xFFFFF086  }
0x25: {  	[simem:s6], [sflag:s4] =	dma.local [hbm:s3], $0xF7A  }
0x26: {  	[smem:$0x3F94] =	sst s1;
	(tag) =	ssettag s2;
	_ =	strace s9  }
0x27: {  	s1 =	sld [smem:$0x3FA4]  }
0x28: {  	s2 =	sld [smem:$0x3FA5]  }
0x29: {  	s4 =	sld [smem:$0x3FA7]  }
0x2a: {  	p0 =	seq.s32 s5, $0x0;
	s5 =	sld [smem:$0x3FA8]  }
0x2b: {  	s6 =	sld [smem:$0x3FA9]  }
0x2c: {  	s7 =	sld [smem:$0x3FAA]  }
0x2d: {  	s3 =	simm.s32 $0x108;
	s8 =	sld [smem:$0x3FAB]  }
0x2e: {  	s3 =	simm.s32 @!p0 $0x1082;
	s9 =	sld [smem:$0x3FAC]  }
0x2f: {  	lr =	sadd.s32 s0, s3;
	s0 =	sld [smem:$0x3FA3]  }
0x30: {  	s3 =	sld [smem:$0x3FA6]  }
0x31: {  	[smem:$0x3FAF] =	sst s10  }
0x32: {  	s10 =	sld [smem:$0x3FAD];
	_ =	sdelay $0x3  }
0x33: {  	p0 =	seq.s32 s10, $0x1;
	s10 =	sld [smem:$0x3FAF];
	_ =	sdelay $0x3  }
0x34: {  	[smem:$0x3FAF] =	sst s10  }
0x35: {  	s10 =	sld [smem:$0x3FAE];
	_ =	sdelay $0x3  }
0x36: {  	p1 =	seq.s32 s10, $0x1;
	s10 =	sld [smem:$0x3FAF];
	_ =	sdelay $0x3  }
0x37: {  	[smem:$0x3FAF] =	sst s10  }
0x38: {  	s10 =	sld [smem:$0x3FB0]  }
0x39: {  	_ = 	snop;
	(pc) =	sbr.ind lr, $3  }
0x3a: {  	_ = 	snop  }
0x3b: {  	_ = 	snop  }
0x3c: {  	p2 =	seq.s32 s10, $0x1;
	s10 =	sld [smem:$0x3FAF]  }
0x3d: {  	_ =	shalt  }
0x3e: {  	_ =	shalt  }
0x3f: {  	_ =	shalt  }
0x40: {  	_ =	shalt  }
0x41: {  	_ =	shalt  }
0x42: {  	_ =	shalt  }
0x43: {  	_ =	shalt  }
0x44: {  	_ =	shalt  }
0x45: {  	_ =	shalt  }
0x46: {  	_ =	shalt  }
0x47: {  	_ =	shalt  }
0x48: {  	_ =	shalt  }
0x49: {  	_ =	shalt  }
0x4a: {  	_ =	shalt  }
0x4b: {  	_ =	shalt  }
0x4c: {  	_ =	shalt  }
0x4d: {  	_ =	shalt  }
0x4e: {  	_ =	shalt  }
0x4f: {  	_ =	shalt  }
0x50: {  	_ =	shalt  }
0x51: {  	_ =	shalt  }
0x52: {  	_ =	shalt  }
0x53: {  	_ =	shalt  }
0x54: {  	_ =	shalt  }
0x55: {  	_ =	shalt  }
0x56: {  	_ =	shalt  }
0x57: {  	_ =	shalt  }
0x58: {  	_ =	shalt  }
0x59: {  	_ =	shalt  }
0x5a: {  	_ =	shalt  }
0x5b: {  	_ =	shalt  }
0x5c: {  	_ =	shalt  }
0x5d: {  	_ =	shalt  }
0x5e: {  	_ =	shalt  }
0x5f: {  	_ =	shalt  }
0x60: {  	_ =	shalt  }
0x61: {  	_ =	shalt  }
0x62: {  	_ =	shalt  }
0x63: {  	_ =	shalt  }
0x64: {  	_ =	shalt  }
0x65: {  	_ =	shalt  }
0x66: {  	_ =	shalt  }
0x67: {  	_ =	shalt  }
0x68: {  	_ =	shalt  }
0x69: {  	_ =	shalt  }
0x6a: {  	_ =	shalt  }
0x6b: {  	_ =	shalt  }
0x6c: {  	_ =	shalt  }
0x6d: {  	_ =	shalt  }
0x6e: {  	_ =	shalt  }
0x6f: {  	_ =	shalt  }
0x70: {  	_ =	shalt  }
0x71: {  	_ =	shalt  }
0x72: {  	_ =	shalt  }
0x73: {  	_ =	shalt  }
0x74: {  	_ =	shalt  }
0x75: {  	_ =	shalt  }
0x76: {  	_ =	shalt  }
0x77: {  	_ =	shalt  }
0x78: {  	_ =	shalt  }
0x79: {  	_ =	shalt  }
0x7a: {  	_ =	shalt  }
0x7b: {  	_ =	shalt  }
0x7c: {  	_ =	shalt  }
0x7d: {  	_ =	shalt  }
0x7e: {  	_ =	shalt  }
0x7f: {  	_ =	shalt  }
0x80: {  	_ =	shalt  }
0x81: {  	_ =	shalt  }
0x82: {  	_ =	shalt  }
0x83: {  	_ =	shalt  }
0x84: {  	_ =	shalt  }
0x85: {  	_ =	shalt  }
0x86: {  	_ =	shalt  }
0x87: {  	_ =	shalt  }
.Lfunc_end0:
.L_simem_size_0:
called_computation.3_lowered:
.L_overlay_start_0:
0x88: {  	s2 =	sld [smem:$0x3FD9]  }
0x89: {  	s3 =	sld [smem:$0x3FFE];
	_ =	sdelay $0x1  }
0x8a: {  	s1 =	srdreg.scid  }
0x8b: {  	s0 =	sand.u32 $0x1, s1  }
0x8c: {  	s17 =	sshll.u32 s0, $0xA;
	s2 =	sadd.s32 s3, s2  }
0x8d: {  	s2 =	sadd.s32 s2, s17  }
0x8e: {  	[smem:$0x3FBB] =	sst s2  }
0x8f: {  	_ = 	snop  }
0x90: {  	(tm) =	ssettm $0x1  }
0x91: {  	s18 =	sld [smem:$0x3FFB];
	_ =	sdelay $0x3  }
0x92: {  	_ =	strace s18  }
0x93: {  	s2 =	sld [smem:$0x3FFC];
	_ =	sdelay $0x3  }
0x94: {  	_ =	strace s2  }
0x95: {  	s2 =	sld [smem:$0x3FFD];
	_ =	sdelay $0x3  }
0x96: {  	_ =	strace s2  }
0x97: {  	_ =	strace $0x8FFFFFFF  }
0x98: {  	s19 =	sld [smem:$0x3FDB];
	_ =	sdelay $0x1  }
0x99: {  	s20 =	simm.s32 $_scs_section_size  }
0x9a: {  	s4 =	simm.s32 $_size__tile_overlayer_lowered;
	s5 =	simm.s32 $_tile_overlayer_lowered  }
0x9b: {  	s6 =	simm.s32 $0x1BFF;
	s21 =	sshll.u32 s5, $0x1;
	s3 =	sadd.s32 s20, s19  }
0x9c: {  	s22 =	simm.s32 $0x0;
	s4 =	sshll.u32 s4, $0x1;
	s5 =	sadd.s32 s21, s3  }
0x9d: {  	[timem:s22], [sflag:s6] =	dma.local [hbm:s5], s4  }
0x9e: {  	_ =	swait.ge [sflag:s6], s4  }
0x9f: {  	s4 =	ssub.s32 $0x0, s4;
	[sflag:s6] =	ssyncset.done $0x0  }
0xa0: {  	[sflag:s6] =	ssyncadd.s32 s4;
	_ =	sdelay $0x1  }
0xa1: {  	s23 =	simm.s32 $0x1B8B  }
0xa2: {  	_ =	swait.ge [sflag:s23], $0x1  }
0xa3: {  	[sflag:s23] =	ssyncset.done $0x0  }
0xa4: {  	[sflag:s23] =	ssyncadd.s32 $0xFFFFFFFF  }
0xa5: {  	s4 =	sld [smem:$0x0]  }
0xa6: {  	s5 =	sand.u32 $0xFFFFFFFE, s1  }
0xa7: {  	p0 =	sne.s32 s1, s5  }
0xa8: {  	s5 =	sshll.u32 @p0 s5, $0xE  }
0xa9: {  	s5 =	sadd.s32 @p0 $0x11B8D, s5;
	s6 =	sshll.u32 @p0 s4, $0x11  }
0xaa: {  	s5 =	sor.u32 @p0 s6, s5  }
0xab: {  	[sflag:s5] =	ssyncadd.remote.s32 @p0 $0x1;
	_ =	sdelay $0x1  }
0xac: {  	s5 =	simm.s32 @p0 $0x1B8D  }
0xad: {  	_ =	swait.eq @p0 [sflag:s5], $0x1  }
0xae: {  	[sflag:s5] =	ssyncadd.s32 @p0 $0xFFFFFFFF  }
0xaf: {  	s6 =	sshll.u32 @!p0 s1, $0xE  }
0xb0: {  	s6 =	sor.u32 @!p0 $0x4000, s6;
	s5 =	simm.s32 @!p0 $0x1B8D  }
0xb1: {  	s4 =	sshll.u32 @!p0 s4, $0x11;
	s6 =	sadd.s32 @!p0 $0x11B8D, s6;
	_ =	swait.eq @!p0 [sflag:s5], $0x1  }
0xb2: {  	s4 =	sor.u32 @!p0 s4, s6;
	[sflag:s5] =	ssyncadd.s32 @!p0 $0xFFFFFFFF  }
0xb3: {  	s25 =	simm.s32 $0x1B8E;
	s24 =	sld [smem:$0x3FFE];
	[sflag:s4] =	ssyncadd.remote.s32 @!p0 $0x1  }
0xb4: {  	s26 =	simm.s32 $execute0_lowered;
	[smem:$0x3FD2] =	sst s25  }
0xb5: {  	s5 =	sshll.u32 s26, $0x1;
	_ =	strace $0x8000004C;
	[dreg:$0x1] =	wrdreg $0xFFFFFFFF  }
0xb6: {  	s28 =	simm.s32 $_size_execute0_lowered;
	s3 =	sadd.s32 s3, s5;
	[dreg:$0x0] =	wrdreg $0x0  }
0xb7: {  	s5 =	sshll.u32 s28, $0x1;
	[dreg:$0x2] =	wrdreg s3  }
0xb8: {  	[dreg:$0x3] =	wrdreg s5  }
0xb9: {  	[dreg:$0x4] =	wrdreg $0xC0  }
0xba: {  	_ =	task [dreg:s22], $0x5FFFF  }
0xbb: {  	[dreg:$0x1] =	wrdreg $0xFFFFFFFF  }
0xbc: {  	[dreg:$0x0] =	wrdreg $0x60  }
0xbd: {  	[dreg:$0x2] =	wrdreg s24  }
0xbe: {  	[dreg:$0x3] =	wrdreg $0x130000  }
0xbf: {  	[dreg:$0x4] =	wrdreg $0x90000  }
0xc0: {  	[dreg:$0x5] =	wrdreg $0x9  }
0xc1: {  	_ =	task.clear_ibuf [dreg:s22], $0x6FFFF;
	_ =	strace $0x9000004C  }
0xc2: {  	s29 =	simm.s32 $0x9;
	_ =	strace $0x8000004E  }
0xc3: {  	_ =	swait.ge [sflag:s29], $0x1  }
0xc4: {  	[sflag:s29] =	ssyncadd.s32 $0xFFFFFFFF  }
0xc5: {  	_ =	strace $0x9000004E  }
0xc6: {  	_ =	sfence  }
0xc7: {  	s30 =	sld [smem:$0x0];
	_ =	sdelay $0x2  }
0xc8: {  	s31 =	sshll.u32 s1, $0xD;
	s1 =	sshrl.u32 s1, $0x2  }
0xc9: {  	s4 =	sand.u32 $0x4000, s31;
	s1 =	sadd.s32 s1, s30  }
0xca: {  	s0 =	sor.u32 s4, s0;
	s1 =	sshll.u32 s1, $0x11  }
0xcb: {  	s0 =	sor.u32 s1, s0  }
0xcc: {  	s0 =	sadd.s32 $0x8F2B, s0  }
0xcd: {  	[sflag:s0] =	ssyncadd.remote.s32 $0x1  }
0xce: {  	_ =	sfence.sel $0xFFFF  }
0xcf: {  	[dreg:$0x0] =	wrdreg $0xFFFFFFFF;
	(pc) =	sbr.abs _section_cstart, $3  }
0xd0: {  	[dreg:$0x1] =	wrdreg $0xFFFFFFFF  }
0xd1: {  	_ =	task.clear_ibuf [dreg:s22], $0x2FFFF;
	_ =	strace $0x9FFFFFFF  }
0xd2: {  	(tm) =	ssettm $0x7FFFFFFF  }
0xd3: {  	_ =	shalt  }
tec
execute0_lowered:
.L_overlay_start_1:
0x0: {  	(tag) =	ssettag $0x1  }
0x1: {  	s1 =	rddreg [dreg:$0x0]  }
0x2: {  	s2 =	rddreg [dreg:$0x1];
	s0 =	stileid.u32  }
0x3: {  	s4 =	srdreg.scid;
	s3 =	rddreg [dreg:$0x2]  }
0x4: {  	s17 =	simm.s32 $0x80;
	s18 =	simm.s32 $0x5000;
	s19 =	simm.s32 $0x7000  }
0x5: {  	s20 =	simm.s32 $0x4F00;
	s21 =	simm.s32 $0x4F80;
	s22 =	simm.s32 $0x1  }
0x6: {  	s23 =	simm.s32 $0x5;
	s24 =	simm.s32 $0x2;
	s5 =	smul.u32 $0x4F00, s0  }
0x7: {  	s25 =	simm.s32 $0x6;
	s26 =	simm.s32 $0x3;
	s30 =	smul.u32 $0x280, s0  }
0x8: {  	s28 =	simm.s32 $0x4;
	s29 =	simm.s32 $0x0;
	s11 =	smul.u32 $0xA000, s0  }
0x9: {  	s6 =	sand.u32 $0x1, s4;
	s4 =	simm.s32 $0x0;
	s14 =	smul.u32 $0x9E0, s0  }
0xa: {  	s12 =	sadd.s32 $0x5DC00, s1;
	s31 =	sshll.u32 s0, $0x6;
	s7 =	smul.u32 $0x2800, s6  }
0xb: {  	[smem:$0x7FF] =	sst s4;
	s6 =	ssub.s32 $0x2, s6;
	s8 =	sshrl.u32 s5, $0x3  }
0xc: {  	_ =	strace $0x8000004D;
	s10 =	sshrl.u32 s6, $0x1;
	s15 =	sadd.s32 s11, s2  }
0xd: {  	s16 =	sadd.s32 s11, s3;
	s9 =	sadd.s32 s8, s1;
	s5 =	sadd.s32 s30, s7  }
0xe: {  	s13 =	ssub.s32 s6, s10;
	s8 =	sadd.s32 s12, s8;
	s12 =	sadd.s32 s14, s12  }
0xf: {  	s14 =	sor.u32 $0x1C07, s31;
	s15 =	sshrl.u32 s15, $0x3;
	s16 =	sshrl.u32 s16, $0x3  }
0x10: {  	s7 =	sshll.u32 s5, $0x3;
	s5 =	sadd.s32 $0x34800, s1;
	s6 =	sadd.s32 $0x68200, s9  }
0x11: {  	s9 =	sadd.s32 $0x10, s8;
	s11 =	smax.u32 s13, $0x1;
	s1 =	sadd.s32 s7, s1  }
0x12: {  	s13 =	simm.s32 $0x7;
	s7 =	sadd.s32 $0x72000, s1;
	s10 =	sadd.s32 $0x9A000, s1  }
.LBB2_1:
0x13: {  	[tilespmem:s4], [sflag:$0x7] =	stream.linear.gather [hbm4b:s6+s4], $0x4F00, $0x38;
	[tilespmem:$0x1D000] =	vst v63  }
0x14: {  	_ =	swait.ge [sflag:s13], $0x4F00  }
0x15: {  	[sflag:s13] =	ssyncset.done $0x0  }
0x16: {  	[sflag:s13] =	ssyncadd.s32 $0xFFFFB100  }
0x17: {  	[spmem:s15], [sflag:s14] =	dma.local [hbm:s7], $0x1400  }
0x18: {  	_ =	swait.ge [sflag:s13], $0x1400  }
0x19: {  	[sflag:s13] =	ssyncset.done $0x0  }
0x1a: {  	[sflag:s13] =	ssyncadd.s32 $0xFFFFEC00  }
0x1b: {  	[spmem:s16], [sflag:s14] =	dma.local [hbm:s5], $0x1400  }
0x1c: {  	_ =	swait.ge [sflag:s13], $0x1400  }
0x1d: {  	[sflag:s13] =	ssyncset.done $0x0  }
0x1e: {  	[sflag:s13] =	ssyncadd.s32 $0xFFFFEC00  }
0x1f: {  	[bflag:$0x0] =	sbarrier.arrive $0xFFFF  }
0x20: {  	[tilespmem:s18], [sflag:$0x1] =	stream.indirect.gather [spmem:s2], $0x40, s4, s17, $0xb8;
	[tilespmem:$0x1D000] =	vst v63  }
0x21: {  	_ = 	snop  }
0x22: {  	[tilespmem:s19], [sflag:$0x2] =	stream.indirect.gather [spmem:s2], $0x40, s17, s17, $0xb8;
	[tilespmem:$0x1D000] =	vst v63  }
0x23: {  	_ = 	snop  }
0x24: {  	[tilespmem:s20], [sflag:$0x5] =	stream.linear.gather [hbm4b:s8+s4], $0x80, $0x38;
	[tilespmem:$0x1D000] =	vst v63  }
0x25: {  	_ = 	snop  }
0x26: {  	[tilespmem:s21], [sflag:$0x6] =	stream.linear.gather [hbm4b:s9+s4], $0x80, $0x38;
	[tilespmem:$0x1D000] =	vst v63  }
0x27: {  	_ =	swait.ge [sflag:s22], $0x2000  }
0x28: {  	[sflag:s22] =	ssyncset.done $0x0  }
0x29: {  	[sflag:s22] =	ssyncadd.s32 $0xFFFFE000  }
0x2a: {  	_ =	swait.ge [sflag:s23], $0x80  }
0x2b: {  	[sflag:s23] =	ssyncset.done $0x0  }
0x2c: {  	[sflag:s23] =	ssyncadd.s32 $0xFFFFFF80  }
0x2d: {  	[spmem:s3] =	stream.indirect.scatter.add.f32 [tilespmem:s18], [sflag:$0x3], $0x40, s20, s17, $0xb8;
	[tilespmem:$0x1D000] =	vst v63  }
0x2e: {  	_ =	swait.ge [sflag:s24], $0x2000  }
0x2f: {  	[sflag:s24] =	ssyncset.done $0x0  }
0x30: {  	[sflag:s24] =	ssyncadd.s32 $0xFFFFE000  }
0x31: {  	_ =	swait.ge [sflag:s25], $0x80  }
0x32: {  	[sflag:s25] =	ssyncset.done $0x0  }
0x33: {  	[sflag:s25] =	ssyncadd.s32 $0xFFFFFF80  }
0x34: {  	[spmem:s3] =	stream.indirect.scatter.add.f32 [tilespmem:s19], [sflag:$0x4], $0x40, s21, s17, $0xb8;
	[tilespmem:$0x1D000] =	vst v63  }
0x35: {  	_ =	swait.ge [sflag:s26], $0x2000  }
0x36: {  	[sflag:s26] =	ssyncset.done $0x0  }
0x37: {  	s1 =	simm.s32 $0x100;
	s31 =	sadd.s32 $0xFFFFF640, s12;
	[sflag:s26] =	ssyncadd.s32 $0xFFFFE000  }
0x38: {  	[tilespmem:s18], [sflag:$0x1] =	stream.indirect.gather [spmem:s2], $0x40, s1, s17, $0xb8;
	[tilespmem:$0x1D000] =	vst v63  }
0x39: {  	s0 =	sadd.s32 $0x9E0, s31  }
0x3a: {  	[tilespmem:s20], [sflag:$0x5] =	stream.linear.gather [hbm4b:s0+s4], $0x80, $0x38;
	[tilespmem:$0x1D000] =	vst v63  }
0x3b: {  	_ =	swait.ge [sflag:s28], $0x2000  }
0x3c: {  	s30 =	simm.s32 $0xFFFFF660;
	s1 =	sadd.s32 $0x9F0, s31;
	[sflag:s28] =	ssyncset.done $0x0  }
0x3d: {  	s31 =	simm.s32 $0x200;
	s0 =	simm.s32 $0x180;
	[sflag:s28] =	ssyncadd.s32 $0xFFFFE000  }
0x3e: {  	[tilespmem:s19], [sflag:$0x2] =	stream.indirect.gather [spmem:s2], $0x40, s0, s17, $0xb8;
	[tilespmem:$0x1D000] =	vst v63  }
.LBB2_2:
0x3f: {  	[tilespmem:s21], [sflag:$0x6] =	stream.linear.gather [hbm4b:s1+s4], $0x80, $0x38;
	[tilespmem:$0x1D000] =	vst v63  }
0x40: {  	s1 =	smov.u32 s30  }
0x41: {  	p0 =	sne.s32 s30, $0xFFFFFFE0;
	s30 =	sadd.s32 $0x20, s30;
	_ =	swait.ge [sflag:s22], $0x2000  }
0x42: {  	[sflag:s22] =	ssyncset.done $0x0  }
0x43: {  	[sflag:s22] =	ssyncadd.s32 $0xFFFFE000  }
0x44: {  	_ =	swait.ge [sflag:s23], $0x80  }
0x45: {  	[sflag:s23] =	ssyncset.done $0x0  }
0x46: {  	[sflag:s23] =	ssyncadd.s32 $0xFFFFFF80  }
0x47: {  	[spmem:s3] =	stream.indirect.scatter.add.f32 [tilespmem:s18], [sflag:$0x3], $0x40, s20, s17, $0xb8;
	[tilespmem:$0x1D000] =	vst v63  }
0x48: {  	_ =	swait.ge [sflag:s24], $0x2000  }
0x49: {  	[sflag:s24] =	ssyncset.done $0x0  }
0x4a: {  	[sflag:s24] =	ssyncadd.s32 $0xFFFFE000  }
0x4b: {  	_ =	swait.ge [sflag:s25], $0x80  }
0x4c: {  	[sflag:s25] =	ssyncset.done $0x0  }
0x4d: {  	[sflag:s25] =	ssyncadd.s32 $0xFFFFFF80  }
0x4e: {  	[spmem:s3] =	stream.indirect.scatter.add.f32 [tilespmem:s19], [sflag:$0x4], $0x40, s21, s17, $0xb8;
	[tilespmem:$0x1D000] =	vst v63  }
0x4f: {  	_ =	swait.ge [sflag:s26], $0x2000  }
0x50: {  	[sflag:s26] =	ssyncset.done $0x0  }
0x51: {  	s1 =	sadd.s32 s1, s12;
	[sflag:s26] =	ssyncadd.s32 $0xFFFFE000  }
0x52: {  	[tilespmem:s18], [sflag:$0x1] =	stream.indirect.gather [spmem:s2], $0x40, s31, s17, $0xb8;
	[tilespmem:$0x1D000] =	vst v63  }
0x53: {  	s0 =	sadd.s32 $0x9E0, s1  }
0x54: {  	[tilespmem:s20], [sflag:$0x5] =	stream.linear.gather [hbm4b:s0+s4], $0x80, $0x38;
	[tilespmem:$0x1D000] =	vst v63  }
.Ltmp0:
0x55: {  	_ =	swait.ge [sflag:s28], $0x2000;
	(pc) =	sbr.rel @p0 .LBB2_2-.Ltmp0, $4  }
0x56: {  	[sflag:s28] =	ssyncset.done $0x0  }
0x57: {  	s0 =	sadd.s32 $0x80, s31;
	[sflag:s28] =	ssyncadd.s32 $0xFFFFE000  }
0x58: {  	[tilespmem:s19], [sflag:$0x2] =	stream.indirect.gather [spmem:s2], $0x40, s0, s17, $0xb8;
	[tilespmem:$0x1D000] =	vst v63  }
0x59: {  	s1 =	sadd.s32 $0x9F0, s1;
	s31 =	sadd.s32 $0x100, s31  }
0x5a: {  	[tilespmem:s21], [sflag:$0x6] =	stream.linear.gather [hbm4b:s1+s4], $0x80, $0x38;
	[tilespmem:$0x1D000] =	vst v63  }
0x5b: {  	_ =	swait.ge [sflag:s22], $0x2000  }
0x5c: {  	[sflag:s22] =	ssyncset.done $0x0  }
0x5d: {  	[sflag:s22] =	ssyncadd.s32 $0xFFFFE000  }
0x5e: {  	_ =	swait.ge [sflag:s23], $0x80  }
0x5f: {  	[sflag:s23] =	ssyncset.done $0x0  }
0x60: {  	[sflag:s23] =	ssyncadd.s32 $0xFFFFFF80  }
0x61: {  	[spmem:s3] =	stream.indirect.scatter.add.f32 [tilespmem:s18], [sflag:$0x3], $0x40, s20, s17, $0xb8;
	[tilespmem:$0x1D000] =	vst v63  }
0x62: {  	_ =	swait.ge [sflag:s24], $0x2000  }
0x63: {  	[sflag:s24] =	ssyncset.done $0x0  }
0x64: {  	[sflag:s24] =	ssyncadd.s32 $0xFFFFE000  }
0x65: {  	_ =	swait.ge [sflag:s25], $0x80  }
0x66: {  	[sflag:s25] =	ssyncset.done $0x0  }
0x67: {  	[sflag:s25] =	ssyncadd.s32 $0xFFFFFF80  }
0x68: {  	[spmem:s3] =	stream.indirect.scatter.add.f32 [tilespmem:s19], [sflag:$0x4], $0x40, s21, s17, $0xb8;
	[tilespmem:$0x1D000] =	vst v63  }
0x69: {  	_ =	swait.ge [sflag:s26], $0x2000  }
0x6a: {  	[sflag:s26] =	ssyncset.done $0x0  }
0x6b: {  	[sflag:s26] =	ssyncadd.s32 $0xFFFFE000  }
0x6c: {  	_ =	swait.ge [sflag:s28], $0x2000  }
0x6d: {  	s29 =	sadd.s32 $0x1, s29;
	[sflag:s28] =	ssyncset.done $0x0  }
0x6e: {  	p0 =	sne.s32 s29, s11;
	[sflag:s28] =	ssyncadd.s32 $0xFFFFE000  }
.Ltmp1:
0x6f: {  	[bflag:$0x0] =	sbarrier.arrive $0xFFFF;
	(pc) =	sbr.rel @p0 .LBB2_1-.Ltmp1, $4  }
0x70: {  	[hbm:s10], [sflag:s14] =	dma.local [spmem:s16], $0x1400  }
0x71: {  	_ =	swait.ge [sflag:s13], $0x1400  }
0x72: {  	[sflag:s13] =	ssyncset.done $0x0  }
0x73: {  	[sflag:s13] =	ssyncadd.s32 $0xFFFFEC00  }
0x74: {  	_ =	sfence.sel $0x180000  }
0x75: {  	[bflag:$0x0] =	sbarrier.arrive $0xFFFF  }
0x76: {  	_ =	strace $0x9000004D  }
0x77: {  	s0 =	stileid.u32;
	[bflag:$0x2] =	sbarrier.arrive $0xFFFF  }
0x78: {  	p0 =	sne.s32 s0, $0x0;
	s0 =	rddreg [dreg:$0x3]  }
0x79: {  	s0 =	sadd.s32 @!p0 $0x100000, s0  }
0x7a: {  	[sflag:s0] =	ssyncadd.tile.s32 @!p0 $0x1;
	_ =	shalt  }
.Lfunc_end2:
_tile_overlayer_lowered:
.L_overlay_start_2:
0x7b: {  	(tag) =	ssettag $0x2  }
0x7c: {  	s0 =	rddreg [dreg:$0x0];
	s2 =	stileid.u32  }
0x7d: {  	s1 =	rddreg [dreg:$0x1];
	p0 =	sne.s32 s2, $0x0  }
0x7e: {  	s3 =	rddreg [dreg:$0x2];
	[bflag:$0x3] =	sbarrier.arrive $0xFFFF;
	s2 =	simm.s32 @!p0 $0x1C07  }
0x7f: {  	[timem:s3], [sflag:s2] =	dma.local @!p0 [hbm:s0], s1  }
0x80: {  	s0 =	simm.s32 @!p0 $0x7  }
0x81: {  	_ =	swait.ge @!p0 [sflag:s0], s1  }
0x82: {  	s1 =	ssub.s32 @!p0 $0x0, s1;
	[sflag:s0] =	ssyncset.done @!p0 $0x0  }
0x83: {  	[sflag:s0] =	ssyncadd.s32 @!p0 s1  }
0x84: {  	[bflag:$0x3] =	sbarrier.arrive $0xFFFF  }
0x85: {  	_ =	shalt  }

// kernel: kernel.27.cloned.1.call-start
scs
__scs_entry_jumppad:
0x0: {  	(pc) =	sbr.rel $0x88, $3  }
0x1: {  	(tag) =	ssettag $0x0;
	lr =	simm.s32 $0x1  }
0x2: {  	[smem:$0x3F94] =	sst lr;
	_ =	strace $0xD0000000  }
0x3: {  	_ = 	snop  }
0x4: {  	_ = 	snop  }
0x5: {  	_ = 	snop  }
0x6: {  	_ = 	snop  }
0x7: {  	_ = 	snop  }
__scs_overlays_trampoline_lowered:
0x8: {  	[smem:$0x3FA3] =	sst s0  }
0x9: {  	[smem:$0x3FA4] =	sst s1  }
0xa: {  	[smem:$0x3FA5] =	sst s2  }
0xb: {  	[smem:$0x3FA6] =	sst s3  }
0xc: {  	[smem:$0x3FA7] =	sst s4  }
0xd: {  	[smem:$0x3FA8] =	sst s5  }
0xe: {  	[smem:$0x3FA9] =	sst s6  }
0xf: {  	[smem:$0x3FAA] =	sst s7  }
0x10: {  	[smem:$0x3FAB] =	sst s8  }
0x11: {  	[smem:$0x3FAC] =	sst s9;
	s0 =	simm.s32 @!p0 $0x0  }
0x12: {  	s1 =	sld [smem:$0x3F92];
	s0 =	simm.s32 @p0 $0x1  }
0x13: {  	[smem:$0x3FAD] =	sst s0;
	s0 =	simm.s32 @!p1 $0x0  }
0x14: {  	s2 =	sld [smem:$0x3F91];
	s0 =	simm.s32 @p1 $0x1  }
0x15: {  	[smem:$0x3FAE] =	sst s0;
	s0 =	simm.s32 @!p2 $0x0  }
0x16: {  	s3 =	sld [smem:$0x3FDB];
	s0 =	simm.s32 @p2 $0x1  }
0x17: {  	s4 =	simm.s32 $0x1BF5;
	[smem:$0x3FB0] =	sst s0  }
0x18: {  	s0 =	sld [smem:$0x3F93];
	_ =	swait.ge [sflag:s4], $0x0  }
0x19: {  	s7 =	sld [smem:$0x3F94]  }
0x1a: {  	s8 =	sadd.s32 $0xFFFFE003, lr  }
0x1b: {  	s9 =	sadd.s32 $0xFFFFFEF7, lr;
	s5 =	simm.s32 $0xFFFFFFFF;
	p2 =	slt.u32 s8, $0xFFFFF086  }
0x1c: {  	p1 =	slt.u32 s9, $0xF7A;
	s5 =	simm.s32 @!p2 $0x0  }
0x1d: {  	s5 =	simm.s32 @p1 $0x1;
	p0 =	seq.s32 s7, s2  }
0x1e: {  	s7 =	smul.u32 @!p0 $0xF7A, s2;
	p2 =	seq.s32 @!p0 s5, $0x0  }
0x1f: {  	s9 =	smul.u32 $0xF7A, s1;
	s8 =	simm.s32 @!p0 $0x1BF5;
	p2 =	por !p2, p0  }
0x20: {  	[sflag:s8] =	ssyncset.s32 @!p0 $0xFFFFF086;
	s6 =	sadd.s32 @!p0 s3, s7;
	s7 =	simm.s32 @!p0 $0x108  }
0x21: {  	s3 =	sadd.s32 s3, s9;
	s6 =	sadd.s32 @!p0 $0x88, s6;
	s7 =	simm.s32 @p2 $0x1082  }
0x22: {  	[simem:s7], [sflag:s8] =	dma.local @!p0 [hbm:s6], $0xF7A  }
0x23: {  	s9 =	sor.u32 $0xD0000000, s2;
	s6 =	simm.s32 $0x108;
	_ =	swait.ge @!p0 [sflag:s8], $0x0  }
0x24: {  	s3 =	sadd.s32 $0x88, s3;
	s6 =	simm.s32 @!p1 $0x1082;
	[sflag:s4] =	ssyncset.s32 $0xFFFFF086  }
0x25: {  	[simem:s6], [sflag:s4] =	dma.local [hbm:s3], $0xF7A  }
0x26: {  	[smem:$0x3F94] =	sst s1;
	(tag) =	ssettag s2;
	_ =	strace s9  }
0x27: {  	s1 =	sld [smem:$0x3FA4]  }
0x28: {  	s2 =	sld [smem:$0x3FA5]  }
0x29: {  	s4 =	sld [smem:$0x3FA7]  }
0x2a: {  	p0 =	seq.s32 s5, $0x0;
	s5 =	sld [smem:$0x3FA8]  }
0x2b: {  	s6 =	sld [smem:$0x3FA9]  }
0x2c: {  	s7 =	sld [smem:$0x3FAA]  }
0x2d: {  	s3 =	simm.s32 $0x108;
	s8 =	sld [smem:$0x3FAB]  }
0x2e: {  	s3 =	simm.s32 @!p0 $0x1082;
	s9 =	sld [smem:$0x3FAC]  }
0x2f: {  	lr =	sadd.s32 s0, s3;
	s0 =	sld [smem:$0x3FA3]  }
0x30: {  	s3 =	sld [smem:$0x3FA6]  }
0x31: {  	[smem:$0x3FAF] =	sst s10  }
0x32: {  	s10 =	sld [smem:$0x3FAD];
	_ =	sdelay $0x3  }
0x33: {  	p0 =	seq.s32 s10, $0x1;
	s10 =	sld [smem:$0x3FAF];
	_ =	sdelay $0x3  }
0x34: {  	[smem:$0x3FAF] =	sst s10  }
0x35: {  	s10 =	sld [smem:$0x3FAE];
	_ =	sdelay $0x3  }
0x36: {  	p1 =	seq.s32 s10, $0x1;
	s10 =	sld [smem:$0x3FAF];
	_ =	sdelay $0x3  }
0x37: {  	[smem:$0x3FAF] =	sst s10  }
0x38: {  	s10 =	sld [smem:$0x3FB0]  }
0x39: {  	_ = 	snop;
	(pc) =	sbr.ind lr, $3  }
0x3a: {  	_ = 	snop  }
0x3b: {  	_ = 	snop  }
0x3c: {  	p2 =	seq.s32 s10, $0x1;
	s10 =	sld [smem:$0x3FAF]  }
0x3d: {  	_ =	shalt  }
0x3e: {  	_ =	shalt  }
0x3f: {  	_ =	shalt  }
0x40: {  	_ =	shalt  }
0x41: {  	_ =	shalt  }
0x42: {  	_ =	shalt  }
0x43: {  	_ =	shalt  }
0x44: {  	_ =	shalt  }
0x45: {  	_ =	shalt  }
0x46: {  	_ =	shalt  }
0x47: {  	_ =	shalt  }
0x48: {  	_ =	shalt  }
0x49: {  	_ =	shalt  }
0x4a: {  	_ =	shalt  }
0x4b: {  	_ =	shalt  }
0x4c: {  	_ =	shalt  }
0x4d: {  	_ =	shalt  }
0x4e: {  	_ =	shalt  }
0x4f: {  	_ =	shalt  }
0x50: {  	_ =	shalt  }
0x51: {  	_ =	shalt  }
0x52: {  	_ =	shalt  }
0x53: {  	_ =	shalt  }
0x54: {  	_ =	shalt  }
0x55: {  	_ =	shalt  }
0x56: {  	_ =	shalt  }
0x57: {  	_ =	shalt  }
0x58: {  	_ =	shalt  }
0x59: {  	_ =	shalt  }
0x5a: {  	_ =	shalt  }
0x5b: {  	_ =	shalt  }
0x5c: {  	_ =	shalt  }
0x5d: {  	_ =	shalt  }
0x5e: {  	_ =	shalt  }
0x5f: {  	_ =	shalt  }
0x60: {  	_ =	shalt  }
0x61: {  	_ =	shalt  }
0x62: {  	_ =	shalt  }
0x63: {  	_ =	shalt  }
0x64: {  	_ =	shalt  }
0x65: {  	_ =	shalt  }
0x66: {  	_ =	shalt  }
0x67: {  	_ =	shalt  }
0x68: {  	_ =	shalt  }
0x69: {  	_ =	shalt  }
0x6a: {  	_ =	shalt  }
0x6b: {  	_ =	shalt  }
0x6c: {  	_ =	shalt  }
0x6d: {  	_ =	shalt  }
0x6e: {  	_ =	shalt  }
0x6f: {  	_ =	shalt  }
0x70: {  	_ =	shalt  }
0x71: {  	_ =	shalt  }
0x72: {  	_ =	shalt  }
0x73: {  	_ =	shalt  }
0x74: {  	_ =	shalt  }
0x75: {  	_ =	shalt  }
0x76: {  	_ =	shalt  }
0x77: {  	_ =	shalt  }
0x78: {  	_ =	shalt  }
0x79: {  	_ =	shalt  }
0x7a: {  	_ =	shalt  }
0x7b: {  	_ =	shalt  }
0x7c: {  	_ =	shalt  }
0x7d: {  	_ =	shalt  }
0x7e: {  	_ =	shalt  }
0x7f: {  	_ =	shalt  }
0x80: {  	_ =	shalt  }
0x81: {  	_ =	shalt  }
0x82: {  	_ =	shalt  }
0x83: {  	_ =	shalt  }
0x84: {  	_ =	shalt  }
0x85: {  	_ =	shalt  }
0x86: {  	_ =	shalt  }
0x87: {  	_ =	shalt  }
.Lfunc_end0:
.L_simem_size_0:
called_computation.4_lowered:
.L_overlay_start_0:
0x88: {  	s2 =	sld [smem:$0x3FD9]  }
0x89: {  	s3 =	sld [smem:$0x3FFE];
	_ =	sdelay $0x1  }
0x8a: {  	s1 =	srdreg.scid  }
0x8b: {  	s0 =	sand.u32 $0x1, s1  }
0x8c: {  	s15 =	sshll.u32 s0, $0xA;
	s2 =	sadd.s32 s3, s2  }
0x8d: {  	s2 =	sadd.s32 s2, s15  }
0x8e: {  	[smem:$0x3FBB] =	sst s2  }
0x8f: {  	_ = 	snop  }
0x90: {  	s2 =	sld [smem:$0x3FD0];
	_ =	sdelay $0x2  }
0x91: {  	s16 =	simm.s32 $0xC;
	s4 =	simm.s32 $0x10  }
0x92: {  	[smem:s4], [sflag:s16] =	dma.local [hbm:s2], $0x1  }
0x93: {  	_ =	swait.eq [sflag:s16], $0x1  }
0x94: {  	[sflag:s16] =	ssyncset.done $0x0  }
0x95: {  	[sflag:s16] =	ssyncadd.s32 $0xFFFFFFFF  }
0x96: {  	s17 =	sld [smem:$0x14];
	(tm) =	ssettm $0x1  }
0x97: {  	s18 =	sld [smem:$0x3FFB];
	_ =	sdelay $0x3  }
0x98: {  	_ =	strace s18  }
0x99: {  	s2 =	sld [smem:$0x3FFC];
	_ =	sdelay $0x3  }
0x9a: {  	_ =	strace s2  }
0x9b: {  	s2 =	sld [smem:$0x3FFD];
	_ =	sdelay $0x3  }
0x9c: {  	_ =	strace s2  }
0x9d: {  	_ =	strace $0x8FFFFFFF  }
0x9e: {  	s19 =	sld [smem:$0x3FDB];
	_ =	sdelay $0x1  }
0x9f: {  	s20 =	simm.s32 $_scs_section_size  }
0xa0: {  	s5 =	simm.s32 $_size__tile_overlayer_lowered;
	s6 =	simm.s32 $_tile_overlayer_lowered  }
0xa1: {  	s7 =	simm.s32 $0x1BFF;
	s21 =	sshll.u32 s6, $0x1;
	s4 =	sadd.s32 s20, s19  }
0xa2: {  	s22 =	simm.s32 $0x0;
	s5 =	sshll.u32 s5, $0x1;
	s6 =	sadd.s32 s21, s4  }
0xa3: {  	[timem:s22], [sflag:s7] =	dma.local [hbm:s6], s5  }
0xa4: {  	_ =	swait.ge [sflag:s7], s5  }
0xa5: {  	s5 =	ssub.s32 $0x0, s5;
	[sflag:s7] =	ssyncset.done $0x0  }
0xa6: {  	[sflag:s7] =	ssyncadd.s32 s5;
	_ =	sdelay $0x1  }
0xa7: {  	s23 =	simm.s32 $0x1B8B  }
0xa8: {  	_ =	swait.ge [sflag:s23], $0x1  }
0xa9: {  	[sflag:s23] =	ssyncset.done $0x0  }
0xaa: {  	[sflag:s23] =	ssyncadd.s32 $0xFFFFFFFF  }
0xab: {  	s5 =	sld [smem:$0x0]  }
0xac: {  	s6 =	sand.u32 $0xFFFFFFFE, s1  }
0xad: {  	p0 =	sne.s32 s1, s6  }
0xae: {  	s6 =	sshll.u32 @p0 s6, $0xE  }
0xaf: {  	s6 =	sadd.s32 @p0 $0x11B8D, s6;
	s7 =	sshll.u32 @p0 s5, $0x11  }
0xb0: {  	s6 =	sor.u32 @p0 s7, s6  }
0xb1: {  	[sflag:s6] =	ssyncadd.remote.s32 @p0 $0x1;
	_ =	sdelay $0x1  }
0xb2: {  	s6 =	simm.s32 @p0 $0x1B8D  }
0xb3: {  	_ =	swait.eq @p0 [sflag:s6], $0x1  }
0xb4: {  	[sflag:s6] =	ssyncadd.s32 @p0 $0xFFFFFFFF  }
0xb5: {  	s7 =	sshll.u32 @!p0 s1, $0xE  }
0xb6: {  	s7 =	sor.u32 @!p0 $0x4000, s7;
	s6 =	simm.s32 @!p0 $0x1B8D  }
0xb7: {  	s5 =	sshll.u32 @!p0 s5, $0x11;
	s7 =	sadd.s32 @!p0 $0x11B8D, s7;
	_ =	swait.eq @!p0 [sflag:s6], $0x1  }
0xb8: {  	s5 =	sor.u32 @!p0 s5, s7;
	[sflag:s6] =	ssyncadd.s32 @!p0 $0xFFFFFFFF  }
0xb9: {  	s25 =	simm.s32 $0x1B8E;
	s24 =	sld [smem:$0x3FFE];
	[sflag:s5] =	ssyncadd.remote.s32 @!p0 $0x1  }
0xba: {  	s26 =	simm.s32 $execute0_lowered;
	[smem:$0x3FD2] =	sst s25  }
0xbb: {  	s6 =	sshll.u32 s26, $0x1;
	_ =	strace $0x80000052;
	[dreg:$0x1] =	wrdreg $0xFFFFFFFF  }
0xbc: {  	s28 =	simm.s32 $_size_execute0_lowered;
	s4 =	sadd.s32 s4, s6;
	[dreg:$0x0] =	wrdreg $0x0  }
0xbd: {  	s6 =	sshll.u32 s28, $0x1;
	[dreg:$0x2] =	wrdreg s4  }
0xbe: {  	[dreg:$0x3] =	wrdreg s6  }
0xbf: {  	[dreg:$0x4] =	wrdreg $0xC0  }
0xc0: {  	_ =	task [dreg:s22], $0x5FFFF  }
0xc1: {  	[dreg:$0x1] =	wrdreg $0xFFFFFFFF  }
0xc2: {  	[dreg:$0x0] =	wrdreg $0x60  }
0xc3: {  	[dreg:$0x2] =	wrdreg s24  }
0xc4: {  	[dreg:$0x3] =	wrdreg s17  }
0xc5: {  	[dreg:$0x4] =	wrdreg $0xC0000  }
0xc6: {  	[dreg:$0x5] =	wrdreg $0x70000  }
0xc7: {  	[dreg:$0x6] =	wrdreg $0x9  }
0xc8: {  	_ =	task.clear_ibuf [dreg:s22], $0x7FFFF;
	_ =	strace $0x90000052  }
0xc9: {  	s29 =	simm.s32 $0x9;
	_ =	strace $0x80000054  }
0xca: {  	_ =	swait.ge [sflag:s29], $0x1  }
0xcb: {  	[sflag:s29] =	ssyncadd.s32 $0xFFFFFFFF  }
0xcc: {  	_ =	strace $0x90000054  }
0xcd: {  	_ =	sfence  }
0xce: {  	s30 =	sld [smem:$0x0];
	_ =	sdelay $0x2  }
0xcf: {  	s31 =	sshll.u32 s1, $0xD;
	s1 =	sshrl.u32 s1, $0x2  }
0xd0: {  	s4 =	sand.u32 $0x4000, s31;
	s1 =	sadd.s32 s1, s30  }
0xd1: {  	s0 =	sor.u32 s4, s0;
	s1 =	sshll.u32 s1, $0x11  }
0xd2: {  	s0 =	sor.u32 s1, s0  }
0xd3: {  	s0 =	sadd.s32 $0x8F2B, s0  }
0xd4: {  	[sflag:s0] =	ssyncadd.remote.s32 $0x1  }
0xd5: {  	_ =	sfence.sel $0xFFFF  }
0xd6: {  	[dreg:$0x0] =	wrdreg $0xFFFFFFFF;
	(pc) =	sbr.abs _section_cstart, $3  }
0xd7: {  	[dreg:$0x1] =	wrdreg $0xFFFFFFFF  }
0xd8: {  	_ =	task.clear_ibuf [dreg:s22], $0x2FFFF;
	_ =	strace $0x9FFFFFFF  }
0xd9: {  	(tm) =	ssettm $0x7FFFFFFF  }
tec
execute0_lowered:
.L_overlay_start_1:
0x0: {  	(tag) =	ssettag $0x1  }
0x1: {  	s2 =	rddreg [dreg:$0x0]  }
0x2: {  	s1 =	rddreg [dreg:$0x1]  }
0x3: {  	s3 =	rddreg [dreg:$0x2]  }
0x4: {  	s0 =	stileid.u32;
	s5 =	srdreg.scid  }
0x5: {  	s4 =	rddreg [dreg:$0x3];
	s17 =	simm.s32 $0x80;
	s18 =	simm.s32 $0x5000  }
0x6: {  	s19 =	simm.s32 $0x6000;
	s20 =	simm.s32 $0x4F00;
	s21 =	simm.s32 $0x4F80  }
0x7: {  	s22 =	simm.s32 $0x1;
	s23 =	simm.s32 $0x5;
	s24 =	simm.s32 $0x2  }
0x8: {  	s25 =	simm.s32 $0x6;
	s26 =	simm.s32 $0x3;
	s6 =	smul.u32 $0x4F00, s0  }
0x9: {  	s28 =	simm.s32 $0x4;
	s29 =	simm.s32 $0x0;
	s9 =	smul.u32 $0x280, s0  }
0xa: {  	s7 =	sand.u32 $0x1, s5;
	s5 =	simm.s32 $0x0;
	s11 =	smul.u32 $0x5000, s0  }
0xb: {  	s12 =	sadd.s32 $0x5DC00, s2;
	s14 =	smul.u32 $0x9E0, s0;
	s31 =	sshll.u32 s0, $0x6  }
0xc: {  	s8 =	smul.u32 $0x2800, s7;
	[smem:$0x7FF] =	sst s5;
	s7 =	ssub.s32 $0x2, s7  }
0xd: {  	_ =	strace $0x80000053;
	s10 =	sshrl.u32 s6, $0x3;
	s30 =	sshrl.u32 s7, $0x1  }
0xe: {  	s15 =	sadd.s32 s11, s3;
	s16 =	sadd.s32 s11, s4;
	s6 =	sadd.s32 s10, s2  }
0xf: {  	s8 =	sadd.s32 s9, s8;
	s13 =	ssub.s32 s7, s30;
	s15 =	sshrl.u32 s15, $0x3  }
0x10: {  	s16 =	sshrl.u32 s16, $0x3;
	s8 =	sshll.u32 s8, $0x2;
	s6 =	sadd.s32 $0x68200, s6  }
0x11: {  	s11 =	smax.u32 s13, $0x1;
	s13 =	simm.s32 $0x7;
	s2 =	sadd.s32 s8, s2  }
0x12: {  	s8 =	sadd.s32 s12, s10;
	s12 =	sadd.s32 s14, s12;
	s14 =	sor.u32 $0x1C07, s31  }
0x13: {  	s7 =	sadd.s32 $0x34800, s2;
	s9 =	sadd.s32 $0x10, s8;
	s10 =	sadd.s32 $0x48800, s2  }
.LBB2_1:
0x14: {  	[tilespmem:s5], [sflag:$0x7] =	stream.linear.gather [hbm4b:s6+s5], $0x4F00, $0x38;
	[tilespmem:$0x11000] =	vst v63  }
0x15: {  	_ =	swait.ge [sflag:s13], $0x4F00  }
0x16: {  	[sflag:s13] =	ssyncset.done $0x0  }
0x17: {  	[sflag:s13] =	ssyncadd.s32 $0xFFFFB100  }
0x18: {  	[spmem:s15], [sflag:s14] =	dma.local [hbm:s7], $0xA00  }
0x19: {  	_ =	swait.ge [sflag:s13], $0xA00  }
0x1a: {  	[sflag:s13] =	ssyncset.done $0x0  }
0x1b: {  	[sflag:s13] =	ssyncadd.s32 $0xFFFFF600  }
0x1c: {  	[spmem:s16], [sflag:s14] =	dma.local [hbm:s1], $0xA00  }
0x1d: {  	_ =	swait.ge [sflag:s13], $0xA00  }
0x1e: {  	[sflag:s13] =	ssyncset.done $0x0  }
0x1f: {  	[sflag:s13] =	ssyncadd.s32 $0xFFFFF600  }
0x20: {  	[bflag:$0x0] =	sbarrier.arrive $0xFFFF  }
0x21: {  	[tilespmem:s18], [sflag:$0x1] =	stream.indirect.gather [spmem:s3], $0x20, s5, s17, $0xb8;
	[tilespmem:$0x11000] =	vst v63  }
0x22: {  	_ = 	snop  }
0x23: {  	[tilespmem:s19], [sflag:$0x2] =	stream.indirect.gather [spmem:s3], $0x20, s17, s17, $0xb8;
	[tilespmem:$0x11000] =	vst v63  }
0x24: {  	_ = 	snop  }
0x25: {  	[tilespmem:s20], [sflag:$0x5] =	stream.linear.gather [hbm4b:s8+s5], $0x80, $0x38;
	[tilespmem:$0x11000] =	vst v63  }
0x26: {  	_ = 	snop  }
0x27: {  	[tilespmem:s21], [sflag:$0x6] =	stream.linear.gather [hbm4b:s9+s5], $0x80, $0x38;
	[tilespmem:$0x11000] =	vst v63  }
0x28: {  	_ =	swait.ge [sflag:s22], $0x1000  }
0x29: {  	[sflag:s22] =	ssyncset.done $0x0  }
0x2a: {  	[sflag:s22] =	ssyncadd.s32 $0xFFFFF000  }
0x2b: {  	_ =	swait.ge [sflag:s23], $0x80  }
0x2c: {  	[sflag:s23] =	ssyncset.done $0x0  }
0x2d: {  	[sflag:s23] =	ssyncadd.s32 $0xFFFFFF80  }
0x2e: {  	[spmem:s4] =	stream.indirect.scatter.add.f32 [tilespmem:s18], [sflag:$0x3], $0x20, s20, s17, $0xb8;
	[tilespmem:$0x11000] =	vst v63  }
0x2f: {  	_ =	swait.ge [sflag:s24], $0x1000  }
0x30: {  	[sflag:s24] =	ssyncset.done $0x0  }
0x31: {  	[sflag:s24] =	ssyncadd.s32 $0xFFFFF000  }
0x32: {  	_ =	swait.ge [sflag:s25], $0x80  }
0x33: {  	[sflag:s25] =	ssyncset.done $0x0  }
0x34: {  	[sflag:s25] =	ssyncadd.s32 $0xFFFFFF80  }
0x35: {  	[spmem:s4] =	stream.indirect.scatter.add.f32 [tilespmem:s19], [sflag:$0x4], $0x20, s21, s17, $0xb8;
	[tilespmem:$0x11000] =	vst v63  }
0x36: {  	_ =	swait.ge [sflag:s26], $0x1000  }
0x37: {  	[sflag:s26] =	ssyncset.done $0x0  }
0x38: {  	s2 =	simm.s32 $0x100;
	s31 =	sadd.s32 $0xFFFFF640, s12;
	[sflag:s26] =	ssyncadd.s32 $0xFFFFF000  }
0x39: {  	[tilespmem:s18], [sflag:$0x1] =	stream.indirect.gather [spmem:s3], $0x20, s2, s17, $0xb8;
	[tilespmem:$0x11000] =	vst v63  }
0x3a: {  	s0 =	sadd.s32 $0x9E0, s31  }
0x3b: {  	[tilespmem:s20], [sflag:$0x5] =	stream.linear.gather [hbm4b:s0+s5], $0x80, $0x38;
	[tilespmem:$0x11000] =	vst v63  }
0x3c: {  	_ =	swait.ge [sflag:s28], $0x1000  }
0x3d: {  	s30 =	simm.s32 $0xFFFFF660;
	s2 =	sadd.s32 $0x9F0, s31;
	[sflag:s28] =	ssyncset.done $0x0  }
0x3e: {  	s31 =	simm.s32 $0x200;
	s0 =	simm.s32 $0x180;
	[sflag:s28] =	ssyncadd.s32 $0xFFFFF000  }
0x3f: {  	[tilespmem:s19], [sflag:$0x2] =	stream.indirect.gather [spmem:s3], $0x20, s0, s17, $0xb8;
	[tilespmem:$0x11000] =	vst v63  }
.LBB2_2:
0x40: {  	[tilespmem:s21], [sflag:$0x6] =	stream.linear.gather [hbm4b:s2+s5], $0x80, $0x38;
	[tilespmem:$0x11000] =	vst v63  }
0x41: {  	s2 =	smov.u32 s30  }
0x42: {  	p0 =	sne.s32 s30, $0xFFFFFFE0;
	s30 =	sadd.s32 $0x20, s30;
	_ =	swait.ge [sflag:s22], $0x1000  }
0x43: {  	[sflag:s22] =	ssyncset.done $0x0  }
0x44: {  	[sflag:s22] =	ssyncadd.s32 $0xFFFFF000  }
0x45: {  	_ =	swait.ge [sflag:s23], $0x80  }
0x46: {  	[sflag:s23] =	ssyncset.done $0x0  }
0x47: {  	[sflag:s23] =	ssyncadd.s32 $0xFFFFFF80  }
0x48: {  	[spmem:s4] =	stream.indirect.scatter.add.f32 [tilespmem:s18], [sflag:$0x3], $0x20, s20, s17, $0xb8;
	[tilespmem:$0x11000] =	vst v63  }
0x49: {  	_ =	swait.ge [sflag:s24], $0x1000  }
0x4a: {  	[sflag:s24] =	ssyncset.done $0x0  }
0x4b: {  	[sflag:s24] =	ssyncadd.s32 $0xFFFFF000  }
0x4c: {  	_ =	swait.ge [sflag:s25], $0x80  }
0x4d: {  	[sflag:s25] =	ssyncset.done $0x0  }
0x4e: {  	[sflag:s25] =	ssyncadd.s32 $0xFFFFFF80  }
0x4f: {  	[spmem:s4] =	stream.indirect.scatter.add.f32 [tilespmem:s19], [sflag:$0x4], $0x20, s21, s17, $0xb8;
	[tilespmem:$0x11000] =	vst v63  }
0x50: {  	_ =	swait.ge [sflag:s26], $0x1000  }
0x51: {  	[sflag:s26] =	ssyncset.done $0x0  }
0x52: {  	s2 =	sadd.s32 s2, s12;
	[sflag:s26] =	ssyncadd.s32 $0xFFFFF000  }
0x53: {  	[tilespmem:s18], [sflag:$0x1] =	stream.indirect.gather [spmem:s3], $0x20, s31, s17, $0xb8;
	[tilespmem:$0x11000] =	vst v63  }
0x54: {  	s0 =	sadd.s32 $0x9E0, s2  }
0x55: {  	[tilespmem:s20], [sflag:$0x5] =	stream.linear.gather [hbm4b:s0+s5], $0x80, $0x38;
	[tilespmem:$0x11000] =	vst v63  }
.Ltmp0:
0x56: {  	_ =	swait.ge [sflag:s28], $0x1000;
	(pc) =	sbr.rel @p0 .LBB2_2-.Ltmp0, $4  }
0x57: {  	[sflag:s28] =	ssyncset.done $0x0  }
0x58: {  	s0 =	sadd.s32 $0x80, s31;
	[sflag:s28] =	ssyncadd.s32 $0xFFFFF000  }
0x59: {  	[tilespmem:s19], [sflag:$0x2] =	stream.indirect.gather [spmem:s3], $0x20, s0, s17, $0xb8;
	[tilespmem:$0x11000] =	vst v63  }
0x5a: {  	s2 =	sadd.s32 $0x9F0, s2;
	s31 =	sadd.s32 $0x100, s31  }
0x5b: {  	[tilespmem:s21], [sflag:$0x6] =	stream.linear.gather [hbm4b:s2+s5], $0x80, $0x38;
	[tilespmem:$0x11000] =	vst v63  }
0x5c: {  	_ =	swait.ge [sflag:s22], $0x1000  }
0x5d: {  	[sflag:s22] =	ssyncset.done $0x0  }
0x5e: {  	[sflag:s22] =	ssyncadd.s32 $0xFFFFF000  }
0x5f: {  	_ =	swait.ge [sflag:s23], $0x80  }
0x60: {  	[sflag:s23] =	ssyncset.done $0x0  }
0x61: {  	[sflag:s23] =	ssyncadd.s32 $0xFFFFFF80  }
0x62: {  	[spmem:s4] =	stream.indirect.scatter.add.f32 [tilespmem:s18], [sflag:$0x3], $0x20, s20, s17, $0xb8;
	[tilespmem:$0x11000] =	vst v63  }
0x63: {  	_ =	swait.ge [sflag:s24], $0x1000  }
0x64: {  	[sflag:s24] =	ssyncset.done $0x0  }
0x65: {  	[sflag:s24] =	ssyncadd.s32 $0xFFFFF000  }
0x66: {  	_ =	swait.ge [sflag:s25], $0x80  }
0x67: {  	[sflag:s25] =	ssyncset.done $0x0  }
0x68: {  	[sflag:s25] =	ssyncadd.s32 $0xFFFFFF80  }
0x69: {  	[spmem:s4] =	stream.indirect.scatter.add.f32 [tilespmem:s19], [sflag:$0x4], $0x20, s21, s17, $0xb8;
	[tilespmem:$0x11000] =	vst v63  }
0x6a: {  	_ =	swait.ge [sflag:s26], $0x1000  }
0x6b: {  	[sflag:s26] =	ssyncset.done $0x0  }
0x6c: {  	[sflag:s26] =	ssyncadd.s32 $0xFFFFF000  }
0x6d: {  	_ =	swait.ge [sflag:s28], $0x1000  }
0x6e: {  	s29 =	sadd.s32 $0x1, s29;
	[sflag:s28] =	ssyncset.done $0x0  }
0x6f: {  	p0 =	sne.s32 s29, s11;
	[sflag:s28] =	ssyncadd.s32 $0xFFFFF000  }
.Ltmp1:
0x70: {  	[bflag:$0x0] =	sbarrier.arrive $0xFFFF;
	(pc) =	sbr.rel @p0 .LBB2_1-.Ltmp1, $4  }
0x71: {  	[hbm:s10], [sflag:s14] =	dma.local [spmem:s16], $0xA00  }
0x72: {  	_ =	swait.ge [sflag:s13], $0xA00  }
0x73: {  	[sflag:s13] =	ssyncset.done $0x0  }
0x74: {  	[sflag:s13] =	ssyncadd.s32 $0xFFFFF600  }
0x75: {  	_ =	sfence.sel $0x180000  }
0x76: {  	[bflag:$0x0] =	sbarrier.arrive $0xFFFF  }
0x77: {  	_ =	strace $0x90000053  }
0x78: {  	s0 =	stileid.u32;
	[bflag:$0x2] =	sbarrier.arrive $0xFFFF  }
0x79: {  	p0 =	sne.s32 s0, $0x0;
	s0 =	rddreg [dreg:$0x4]  }
0x7a: {  	s0 =	sadd.s32 @!p0 $0x100000, s0  }
0x7b: {  	[sflag:s0] =	ssyncadd.tile.s32 @!p0 $0x1;
	_ =	shalt  }
.Lfunc_end2:
_tile_overlayer_lowered:
.L_overlay_start_2:
0x7c: {  	(tag) =	ssettag $0x2  }
0x7d: {  	s0 =	rddreg [dreg:$0x0];
	s2 =	stileid.u32  }
0x7e: {  	s1 =	rddreg [dreg:$0x1];
	p0 =	sne.s32 s2, $0x0  }
0x7f: {  	s3 =	rddreg [dreg:$0x2];
	[bflag:$0x3] =	sbarrier.arrive $0xFFFF;
	s2 =	simm.s32 @!p0 $0x1C07  }
0x80: {  	[timem:s3], [sflag:s2] =	dma.local @!p0 [hbm:s0], s1  }
0x81: {  	s0 =	simm.s32 @!p0 $0x7  }
0x82: {  	_ =	swait.ge @!p0 [sflag:s0], s1  }
0x83: {  	s1 =	ssub.s32 @!p0 $0x0, s1;
	[sflag:s0] =	ssyncset.done @!p0 $0x0  }
0x84: {  	[sflag:s0] =	ssyncadd.s32 @!p0 s1  }
0x85: {  	[bflag:$0x3] =	sbarrier.arrive $0xFFFF  }
0x86: {  	_ =	shalt  }

// kernel: kernel.30.cloned.1.call-start
scs
__scs_entry_jumppad:
0x0: {  	(pc) =	sbr.rel $0x88, $3  }
0x1: {  	(tag) =	ssettag $0x0;
	lr =	simm.s32 $0x1  }
0x2: {  	[smem:$0x3F94] =	sst lr;
	_ =	strace $0xD0000000  }
0x3: {  	_ = 	snop  }
0x4: {  	_ = 	snop  }
0x5: {  	_ = 	snop  }
0x6: {  	_ = 	snop  }
0x7: {  	_ = 	snop  }
__scs_overlays_trampoline_lowered:
0x8: {  	[smem:$0x3FA3] =	sst s0  }
0x9: {  	[smem:$0x3FA4] =	sst s1  }
0xa: {  	[smem:$0x3FA5] =	sst s2  }
0xb: {  	[smem:$0x3FA6] =	sst s3  }
0xc: {  	[smem:$0x3FA7] =	sst s4  }
0xd: {  	[smem:$0x3FA8] =	sst s5  }
0xe: {  	[smem:$0x3FA9] =	sst s6  }
0xf: {  	[smem:$0x3FAA] =	sst s7  }
0x10: {  	[smem:$0x3FAB] =	sst s8  }
0x11: {  	[smem:$0x3FAC] =	sst s9;
	s0 =	simm.s32 @!p0 $0x0  }
0x12: {  	s1 =	sld [smem:$0x3F92];
	s0 =	simm.s32 @p0 $0x1  }
0x13: {  	[smem:$0x3FAD] =	sst s0;
	s0 =	simm.s32 @!p1 $0x0  }
0x14: {  	s2 =	sld [smem:$0x3F91];
	s0 =	simm.s32 @p1 $0x1  }
0x15: {  	[smem:$0x3FAE] =	sst s0;
	s0 =	simm.s32 @!p2 $0x0  }
0x16: {  	s3 =	sld [smem:$0x3FDB];
	s0 =	simm.s32 @p2 $0x1  }
0x17: {  	s4 =	simm.s32 $0x1BF5;
	[smem:$0x3FB0] =	sst s0  }
0x18: {  	s0 =	sld [smem:$0x3F93];
	_ =	swait.ge [sflag:s4], $0x0  }
0x19: {  	s7 =	sld [smem:$0x3F94]  }
0x1a: {  	s8 =	sadd.s32 $0xFFFFE003, lr  }
0x1b: {  	s9 =	sadd.s32 $0xFFFFFEF7, lr;
	s5 =	simm.s32 $0xFFFFFFFF;
	p2 =	slt.u32 s8, $0xFFFFF086  }
0x1c: {  	p1 =	slt.u32 s9, $0xF7A;
	s5 =	simm.s32 @!p2 $0x0  }
0x1d: {  	s5 =	simm.s32 @p1 $0x1;
	p0 =	seq.s32 s7, s2  }
0x1e: {  	s7 =	smul.u32 @!p0 $0xF7A, s2;
	p2 =	seq.s32 @!p0 s5, $0x0  }
0x1f: {  	s9 =	smul.u32 $0xF7A, s1;
	s8 =	simm.s32 @!p0 $0x1BF5;
	p2 =	por !p2, p0  }
0x20: {  	[sflag:s8] =	ssyncset.s32 @!p0 $0xFFFFF086;
	s6 =	sadd.s32 @!p0 s3, s7;
	s7 =	simm.s32 @!p0 $0x108  }
0x21: {  	s3 =	sadd.s32 s3, s9;
	s6 =	sadd.s32 @!p0 $0x88, s6;
	s7 =	simm.s32 @p2 $0x1082  }
0x22: {  	[simem:s7], [sflag:s8] =	dma.local @!p0 [hbm:s6], $0xF7A  }
0x23: {  	s9 =	sor.u32 $0xD0000000, s2;
	s6 =	simm.s32 $0x108;
	_ =	swait.ge @!p0 [sflag:s8], $0x0  }
0x24: {  	s3 =	sadd.s32 $0x88, s3;
	s6 =	simm.s32 @!p1 $0x1082;
	[sflag:s4] =	ssyncset.s32 $0xFFFFF086  }
0x25: {  	[simem:s6], [sflag:s4] =	dma.local [hbm:s3], $0xF7A  }
0x26: {  	[smem:$0x3F94] =	sst s1;
	(tag) =	ssettag s2;
	_ =	strace s9  }
0x27: {  	s1 =	sld [smem:$0x3FA4]  }
0x28: {  	s2 =	sld [smem:$0x3FA5]  }
0x29: {  	s4 =	sld [smem:$0x3FA7]  }
0x2a: {  	p0 =	seq.s32 s5, $0x0;
	s5 =	sld [smem:$0x3FA8]  }
0x2b: {  	s6 =	sld [smem:$0x3FA9]  }
0x2c: {  	s7 =	sld [smem:$0x3FAA]  }
0x2d: {  	s3 =	simm.s32 $0x108;
	s8 =	sld [smem:$0x3FAB]  }
0x2e: {  	s3 =	simm.s32 @!p0 $0x1082;
	s9 =	sld [smem:$0x3FAC]  }
0x2f: {  	lr =	sadd.s32 s0, s3;
	s0 =	sld [smem:$0x3FA3]  }
0x30: {  	s3 =	sld [smem:$0x3FA6]  }
0x31: {  	[smem:$0x3FAF] =	sst s10  }
0x32: {  	s10 =	sld [smem:$0x3FAD];
	_ =	sdelay $0x3  }
0x33: {  	p0 =	seq.s32 s10, $0x1;
	s10 =	sld [smem:$0x3FAF];
	_ =	sdelay $0x3  }
0x34: {  	[smem:$0x3FAF] =	sst s10  }
0x35: {  	s10 =	sld [smem:$0x3FAE];
	_ =	sdelay $0x3  }
0x36: {  	p1 =	seq.s32 s10, $0x1;
	s10 =	sld [smem:$0x3FAF];
	_ =	sdelay $0x3  }
0x37: {  	[smem:$0x3FAF] =	sst s10  }
0x38: {  	s10 =	sld [smem:$0x3FB0]  }
0x39: {  	_ = 	snop;
	(pc) =	sbr.ind lr, $3  }
0x3a: {  	_ = 	snop  }
0x3b: {  	_ = 	snop  }
0x3c: {  	p2 =	seq.s32 s10, $0x1;
	s10 =	sld [smem:$0x3FAF]  }
0x3d: {  	_ =	shalt  }
0x3e: {  	_ =	shalt  }
0x3f: {  	_ =	shalt  }
0x40: {  	_ =	shalt  }
0x41: {  	_ =	shalt  }
0x42: {  	_ =	shalt  }
0x43: {  	_ =	shalt  }
0x44: {  	_ =	shalt  }
0x45: {  	_ =	shalt  }
0x46: {  	_ =	shalt  }
0x47: {  	_ =	shalt  }
0x48: {  	_ =	shalt  }
0x49: {  	_ =	shalt  }
0x4a: {  	_ =	shalt  }
0x4b: {  	_ =	shalt  }
0x4c: {  	_ =	shalt  }
0x4d: {  	_ =	shalt  }
0x4e: {  	_ =	shalt  }
0x4f: {  	_ =	shalt  }
0x50: {  	_ =	shalt  }
0x51: {  	_ =	shalt  }
0x52: {  	_ =	shalt  }
0x53: {  	_ =	shalt  }
0x54: {  	_ =	shalt  }
0x55: {  	_ =	shalt  }
0x56: {  	_ =	shalt  }
0x57: {  	_ =	shalt  }
0x58: {  	_ =	shalt  }
0x59: {  	_ =	shalt  }
0x5a: {  	_ =	shalt  }
0x5b: {  	_ =	shalt  }
0x5c: {  	_ =	shalt  }
0x5d: {  	_ =	shalt  }
0x5e: {  	_ =	shalt  }
0x5f: {  	_ =	shalt  }
0x60: {  	_ =	shalt  }
0x61: {  	_ =	shalt  }
0x62: {  	_ =	shalt  }
0x63: {  	_ =	shalt  }
0x64: {  	_ =	shalt  }
0x65: {  	_ =	shalt  }
0x66: {  	_ =	shalt  }
0x67: {  	_ =	shalt  }
0x68: {  	_ =	shalt  }
0x69: {  	_ =	shalt  }
0x6a: {  	_ =	shalt  }
0x6b: {  	_ =	shalt  }
0x6c: {  	_ =	shalt  }
0x6d: {  	_ =	shalt  }
0x6e: {  	_ =	shalt  }
0x6f: {  	_ =	shalt  }
0x70: {  	_ =	shalt  }
0x71: {  	_ =	shalt  }
0x72: {  	_ =	shalt  }
0x73: {  	_ =	shalt  }
0x74: {  	_ =	shalt  }
0x75: {  	_ =	shalt  }
0x76: {  	_ =	shalt  }
0x77: {  	_ =	shalt  }
0x78: {  	_ =	shalt  }
0x79: {  	_ =	shalt  }
0x7a: {  	_ =	shalt  }
0x7b: {  	_ =	shalt  }
0x7c: {  	_ =	shalt  }
0x7d: {  	_ =	shalt  }
0x7e: {  	_ =	shalt  }
0x7f: {  	_ =	shalt  }
0x80: {  	_ =	shalt  }
0x81: {  	_ =	shalt  }
0x82: {  	_ =	shalt  }
0x83: {  	_ =	shalt  }
0x84: {  	_ =	shalt  }
0x85: {  	_ =	shalt  }
0x86: {  	_ =	shalt  }
0x87: {  	_ =	shalt  }
.Lfunc_end0:
.L_simem_size_0:
called_computation.5_lowered:
.L_overlay_start_0:
0x88: {  	s2 =	sld [smem:$0x3FD9]  }
0x89: {  	s3 =	sld [smem:$0x3FFE];
	_ =	sdelay $0x1  }
0x8a: {  	s1 =	srdreg.scid  }
0x8b: {  	s0 =	sand.u32 $0x1, s1  }
0x8c: {  	s14 =	sshll.u32 s0, $0xA;
	s2 =	sadd.s32 s3, s2  }
0x8d: {  	s2 =	sadd.s32 s2, s14  }
0x8e: {  	[smem:$0x3FBB] =	sst s2  }
0x8f: {  	_ = 	snop  }
0x90: {  	s2 =	sld [smem:$0x3FD0];
	_ =	sdelay $0x2  }
0x91: {  	s15 =	simm.s32 $0xC;
	s4 =	simm.s32 $0x10  }
0x92: {  	[smem:s4], [sflag:s15] =	dma.local [hbm:s2], $0x1  }
0x93: {  	_ =	swait.eq [sflag:s15], $0x1  }
0x94: {  	[sflag:s15] =	ssyncset.done $0x0  }
0x95: {  	[sflag:s15] =	ssyncadd.s32 $0xFFFFFFFF  }
0x96: {  	s16 =	sld [smem:$0x10];
	(tm) =	ssettm $0x1  }
0x97: {  	s17 =	sld [smem:$0x3FFB];
	_ =	sdelay $0x3  }
0x98: {  	_ =	strace s17  }
0x99: {  	s3 =	sld [smem:$0x3FFC];
	_ =	sdelay $0x3  }
0x9a: {  	_ =	strace s3  }
0x9b: {  	s3 =	sld [smem:$0x3FFD];
	_ =	sdelay $0x3  }
0x9c: {  	_ =	strace s3  }
0x9d: {  	_ =	strace $0x8FFFFFFF  }
0x9e: {  	s18 =	sld [smem:$0x3FDB];
	_ =	sdelay $0x1  }
0x9f: {  	s19 =	simm.s32 $_scs_section_size  }
0xa0: {  	s5 =	simm.s32 $_size__tile_overlayer_lowered;
	s6 =	simm.s32 $_tile_overlayer_lowered  }
0xa1: {  	s22 =	simm.s32 $0x1BFF;
	s21 =	sshll.u32 s6, $0x1;
	s3 =	sadd.s32 s19, s18  }
0xa2: {  	s7 =	simm.s32 $0x0;
	s20 =	sshll.u32 s5, $0x1;
	s5 =	sadd.s32 s21, s3  }
0xa3: {  	[timem:s7], [sflag:s22] =	dma.local [hbm:s5], s20  }
0xa4: {  	_ =	swait.ge [sflag:s22], s20  }
0xa5: {  	s4 =	ssub.s32 $0x0, s20;
	[sflag:s22] =	ssyncset.done $0x0  }
0xa6: {  	[sflag:s22] =	ssyncadd.s32 s4;
	_ =	sdelay $0x1  }
0xa7: {  	s23 =	simm.s32 $0x1B8B  }
0xa8: {  	_ =	swait.ge [sflag:s23], $0x1  }
0xa9: {  	[sflag:s23] =	ssyncset.done $0x0  }
0xaa: {  	s25 =	simm.s32 $0x1B8E;
	s24 =	sld [smem:$0x3FFE];
	[sflag:s23] =	ssyncadd.s32 $0xFFFFFFFF  }
0xab: {  	s26 =	simm.s32 $execute0_lowered;
	[smem:$0x3FD2] =	sst s25  }
0xac: {  	s5 =	sshll.u32 s26, $0x1;
	_ =	strace $0x80000055;
	[dreg:$0x1] =	wrdreg $0xFFFFFFFF  }
0xad: {  	s28 =	simm.s32 $_size_execute0_lowered;
	s3 =	sadd.s32 s3, s5;
	[dreg:$0x0] =	wrdreg $0x0  }
0xae: {  	s5 =	sshll.u32 s28, $0x1;
	[dreg:$0x2] =	wrdreg s3  }
0xaf: {  	[dreg:$0x3] =	wrdreg s5  }
0xb0: {  	[dreg:$0x4] =	wrdreg $0xC0  }
0xb1: {  	_ =	task [dreg:s7], $0x5FFFF  }
0xb2: {  	[dreg:$0x1] =	wrdreg $0xFFFFFFFF  }
0xb3: {  	[dreg:$0x0] =	wrdreg $0x60  }
0xb4: {  	[dreg:$0x2] =	wrdreg s24  }
0xb5: {  	[dreg:$0x3] =	wrdreg s16  }
0xb6: {  	[dreg:$0x4] =	wrdreg $0x110000  }
0xb7: {  	[dreg:$0x5] =	wrdreg $0x9  }
0xb8: {  	_ =	task.clear_ibuf [dreg:s7], $0x6FFFF;
	_ =	strace $0x90000055  }
0xb9: {  	s29 =	simm.s32 $0x9;
	_ =	strace $0x80000057  }
0xba: {  	_ =	swait.ge [sflag:s29], $0x1  }
0xbb: {  	[sflag:s29] =	ssyncadd.s32 $0xFFFFFFFF  }
0xbc: {  	_ =	strace $0x90000057  }
0xbd: {  	_ =	sfence  }
0xbe: {  	s30 =	sld [smem:$0x0];
	_ =	sdelay $0x2  }
0xbf: {  	s31 =	sshll.u32 s1, $0xD;
	s1 =	sshrl.u32 s1, $0x2  }
0xc0: {  	s3 =	sand.u32 $0x4000, s31;
	s1 =	sadd.s32 s1, s30  }
0xc1: {  	s0 =	sor.u32 s3, s0;
	s1 =	sshll.u32 s1, $0x11  }
0xc2: {  	s0 =	sor.u32 s1, s0  }
0xc3: {  	s0 =	sadd.s32 $0x8F2B, s0  }
0xc4: {  	[sflag:s0] =	ssyncadd.remote.s32 $0x1  }
0xc5: {  	_ =	sfence.sel $0xFFFF  }
0xc6: {  	[dreg:$0x0] =	wrdreg $0xFFFFFFFF;
	(pc) =	sbr.abs _section_cstart, $3  }
0xc7: {  	[dreg:$0x1] =	wrdreg $0xFFFFFFFF  }
0xc8: {  	_ =	task.clear_ibuf [dreg:s7], $0x2FFFF;
	_ =	strace $0x9FFFFFFF  }
0xc9: {  	(tm) =	ssettm $0x7FFFFFFF  }
tec
execute0_lowered:
.L_overlay_start_1:
0x0: {  	(tag) =	ssettag $0x1  }
0x1: {  	s0 =	rddreg [dreg:$0x0]  }
0x2: {  	s1 =	rddreg [dreg:$0x1]  }
0x3: {  	s2 =	rddreg [dreg:$0x2]  }
0x4: {  	s13 =	stileid.u32;
	s3 =	srdreg.scid;
	s12 =	simm.s32 $0x7  }
0x5: {  	s16 =	simm.s32 $0x80;
	s19 =	simm.s32 $0x9000;
	s21 =	simm.s32 $0xB000  }
0x6: {  	s22 =	simm.s32 $0x1;
	s28 =	simm.s32 $0xF000;
	s29 =	simm.s32 $0x5  }
0x7: {  	s30 =	simm.s32 $0x6;
	s31 =	simm.s32 $0x0;
	s9 =	smul.u32 $0xA000, s13  }
0x8: {  	s5 =	sand.u32 $0x1, s3;
	s4 =	sshll.u32 s13, $0x1;
	s3 =	simm.s32 $0x0  }
0x9: {  	s26 =	sshll.u32 s13, $0x6;
	s6 =	sor.u32 s5, s4;
	[smem:$0x7FF] =	sst s3  }
0xa: {  	s4 =	sadd.s32 $0x16A00, s0;
	s11 =	ssub.s32 $0x2, s5;
	s5 =	sadd.s32 $0x7C000, s0  }
0xb: {  	s14 =	sor.u32 $0x1C07, s26;
	s26 =	simm.s32 $0x4;
	s7 =	smul.u32 $0x500, s6  }
0xc: {  	s23 =	sshrl.u32 s9, $0x3;
	_ =	strace $0x80000056;
	s6 =	smul.u32 $0x50, s6  }
.Ltmp0:
0xd: {  	s24 =	sshrl.u32 s11, $0x1;
	s25 =	sadd.s32 s9, s2;
	(pc) =	sbr.rel .LBB2_1-.Ltmp0, $4  }
0xe: {  	s10 =	sadd.s32 s23, s0;
	s15 =	sshrl.u32 s25, $0x3;
	s23 =	simm.s32 $0x2  }
0xf: {  	s25 =	simm.s32 $0x3;
	s8 =	sadd.s32 s7, s0;
	s0 =	ssub.s32 s11, s24  }
0x10: {  	s7 =	sadd.s32 s1, s7;
	s9 =	sadd.s32 $0x2A00, s10;
	s10 =	sor.u32 $0x1, s6  }
0x11: {  	s24 =	simm.s32 $0xD000;
	s8 =	sadd.s32 $0x72000, s8;
	s11 =	smax.u32 s0, $0x1  }
.LBB2_8:
0x12: {  	s31 =	sadd.s32 $0x1, s31  }
0x13: {  	_ =	swait.ge [sflag:s29], $0x2000;
	p0 =	sne.s32 s31, s11  }
.Ltmp1:
0x14: {  	[sflag:s29] =	ssyncset.done $0x0;
	(pc) =	sbr.rel @!p0 .LBB2_9-.Ltmp1, $4  }
0x15: {  	[sflag:s29] =	ssyncadd.s32 $0xFFFFE000  }
0x16: {  	_ =	swait.ge [sflag:s30], $0x2000  }
0x17: {  	[sflag:s30] =	ssyncset.done $0x0  }
0x18: {  	[sflag:s30] =	ssyncadd.s32 $0xFFFFE000  }
.LBB2_1:
0x19: {  	[tilespmem:s3], [sflag:$0x7] =	stream.linear.gather [hbm4b:s7+s3], $0x2800, $0x38;
	[tilespmem:$0x1B000] =	vst v63  }
0x1a: {  	_ =	swait.ge [sflag:s12], $0x2800  }
0x1b: {  	[sflag:s12] =	ssyncset.done $0x0  }
0x1c: {  	s0 =	simm.s32 $0x2800;
	[sflag:s12] =	ssyncadd.s32 $0xFFFFD800  }
0x1d: {  	[tilespmem:s0], [sflag:$0x7] =	stream.linear.gather [hbm4b:s8+s3], $0x2800, $0x38;
	[tilespmem:$0x1B000] =	vst v63  }
0x1e: {  	_ =	swait.ge [sflag:s12], $0x2800  }
0x1f: {  	[sflag:s12] =	ssyncset.done $0x0  }
0x20: {  	[sflag:s12] =	ssyncadd.s32 $0xFFFFD800  }
0x21: {  	[spmem:s15], [sflag:s14] =	dma.local [hbm:s9], $0x1400  }
0x22: {  	_ =	swait.ge [sflag:s12], $0x1400  }
0x23: {  	[sflag:s12] =	ssyncset.done $0x0  }
0x24: {  	[sflag:s12] =	ssyncadd.s32 $0xFFFFEC00  }
0x25: {  	s1 =	simm.s32 $0x5000;
	[bflag:$0x0] =	sbarrier.arrive $0xFFFF  }
0x26: {  	[tilespmem:s1], [sflag:$0x1] =	stream.indirect.gather [spmem:s2], $0x40, s3, s16, $0xb8;
	[tilespmem:$0x1B000] =	vst v63  }
0x27: {  	s18 =	simm.s32 $0x7000  }
0x28: {  	[tilespmem:s18], [sflag:$0x2] =	stream.indirect.gather [hbm4b:s4+s16], $0x40, s0, s16, $0xb8;
	[tilespmem:$0x1B000] =	vst v63  }
0x29: {  	_ = 	snop  }
0x2a: {  	[tilespmem:s19], [sflag:$0x3] =	stream.indirect.gather [spmem:s2], $0x40, s16, s16, $0xb8;
	[tilespmem:$0x1B000] =	vst v63  }
0x2b: {  	s20 =	simm.s32 $0x2880;
	s1 =	simm.s32 $0x0  }
0x2c: {  	[tilespmem:s21], [sflag:$0x4] =	stream.indirect.gather [hbm4b:s4+s16], $0x40, s20, s16, $0xb8;
	[tilespmem:$0x1B000] =	vst v63  }
.LBB2_2:
0x2d: {  	_ =	swait.ge [sflag:s22], $0x2000  }
0x2e: {  	[sflag:s22] =	ssyncset.done $0x0  }
0x2f: {  	[sflag:s22] =	ssyncadd.s32 $0xFFFFE000  }
0x30: {  	_ =	swait.ge [sflag:s23], $0x2000  }
0x31: {  	p0 =	seq.s32 s1, $0x0;
	[sflag:s23] =	ssyncset.done $0x0  }
0x32: {  	s0 =	simm.s32 @!p0 $0x5;
	[sflag:s23] =	ssyncadd.s32 $0xFFFFE000  }
0x33: {  	_ =	swait.ge @!p0 [sflag:s0], $0x2000  }
0x34: {  	[sflag:s0] =	ssyncset.done @!p0 $0x0  }
0x35: {  	s17 =	simm.s32 $0x0;
	[sflag:s0] =	ssyncadd.s32 @!p0 $0xFFFFE000  }
0x36: {  	v0 =	vld [tilespmem:s17+$0x50F0]  }
0x37: {  	v1 =	vld [tilespmem:s17+$0x70F0]  }
0x38: {  	v2 =	vld [tilespmem:s17+$0x5000]  }
0x39: {  	v3 =	vld [tilespmem:s17+$0x7000]  }
0x3a: {  	v4 =	vld [tilespmem:s17+$0x5010]  }
0x3b: {  	v5 =	vld [tilespmem:s17+$0x7010]  }
0x3c: {  	v6 =	vld [tilespmem:s17+$0x5020]  }
0x3d: {  	v7 =	vld [tilespmem:s17+$0x5030]  }
0x3e: {  	v0 =	vadd.f32 v1, v0;
	v1 =	vld [tilespmem:s17+$0x7020]  }
0x3f: {  	v2 =	vadd.f32 v3, v2;
	v3 =	vld [tilespmem:s17+$0x5040]  }
0x40: {  	[tilespmem:s17+$0xD0F0] =	vst v0;
	v0 =	vld [tilespmem:s17+$0x7030]  }
0x41: {  	[tilespmem:s17+$0xD000] =	vst v2;
	v2 =	vadd.f32 v5, v4;
	v4 =	vld [tilespmem:s17+$0x7040]  }
0x42: {  	v5 =	vld [tilespmem:s17+$0x7050]  }
0x43: {  	[tilespmem:s17+$0xD010] =	vst v2;
	v2 =	vld [tilespmem:s17+$0x5050];
	v1 =	vadd.f32 v1, v6  }
0x44: {  	v6 =	vld [tilespmem:s17+$0x7060]  }
0x45: {  	[tilespmem:s17+$0xD020] =	vst v1;
	v0 =	vadd.f32 v0, v7;
	v1 =	vld [tilespmem:s17+$0x5060]  }
0x46: {  	v7 =	vld [tilespmem:s17+$0x70B0]  }
0x47: {  	[tilespmem:s17+$0xD030] =	vst v0;
	v0 =	vadd.f32 v4, v3;
	v3 =	vld [tilespmem:s17+$0x5070]  }
0x48: {  	v4 =	vld [tilespmem:s17+$0x7070]  }
0x49: {  	[tilespmem:s17+$0xD040] =	vst v0;
	v0 =	vadd.f32 v5, v2;
	v2 =	vld [tilespmem:s17+$0x5080]  }
0x4a: {  	v5 =	vld [tilespmem:s17+$0x7080]  }
0x4b: {  	[tilespmem:s17+$0xD050] =	vst v0;
	v0 =	vadd.f32 v6, v1;
	v1 =	vld [tilespmem:s17+$0x5090]  }
0x4c: {  	v6 =	vld [tilespmem:s17+$0x7090]  }
0x4d: {  	[tilespmem:s17+$0xD060] =	vst v0;
	v0 =	vadd.f32 v4, v3;
	v3 =	vld [tilespmem:s17+$0x50A0]  }
0x4e: {  	v4 =	vld [tilespmem:s17+$0x70A0]  }
0x4f: {  	[tilespmem:s17+$0xD070] =	vst v0;
	v0 =	vadd.f32 v5, v2;
	v5 =	vld [tilespmem:s17+$0x50B0]  }
0x50: {  	v8 =	vld [tilespmem:s17+$0x70C0]  }
0x51: {  	[tilespmem:s17+$0xD080] =	vst v0;
	v0 =	vadd.f32 v6, v1;
	v6 =	vld [tilespmem:s17+$0x50C0]  }
0x52: {  	v2 =	vld [tilespmem:s17+$0x50D0]  }
0x53: {  	[tilespmem:s17+$0xD090] =	vst v0;
	v0 =	vadd.f32 v4, v3;
	v3 =	vld [tilespmem:s17+$0x70D0]  }
0x54: {  	v4 =	vld [tilespmem:s17+$0x70E0];
	v5 =	vadd.f32 v7, v5  }
0x55: {  	s18 =	simm.s32 $0x100;
	[tilespmem:s17+$0xD0A0] =	vst v0;
	v0 =	vld [tilespmem:s17+$0x50E0]  }
0x56: {  	s20 =	simm.s32 $0x800;
	s0 =	sshll.u32 s1, $0x1;
	v1 =	vld [tilespmem:s18+$0x50F0];
	[tilespmem:s17+$0xD0B0] =	vst v5;
	v5 =	vadd.f32 v8, v6  }
.LBB2_3:
0x57: {  	p1 =	sne.s32 s20, $0x7C00;
	v6 =	vld [tilespmem:s18+$0x70F0]  }
0x58: {  	v7 =	vld [tilespmem:s18+$0x5000];
	[tilespmem:s17+$0xD0C0] =	vst v5;
	v2 =	vadd.f32 v3, v2  }
0x59: {  	v3 =	vld [tilespmem:s18+$0x7000]  }
0x5a: {  	v5 =	vld [tilespmem:s18+$0x5010];
	[tilespmem:s17+$0xD0D0] =	vst v2;
	v0 =	vadd.f32 v4, v0  }
0x5b: {  	v2 =	vld [tilespmem:s18+$0x7010]  }
0x5c: {  	v4 =	vld [tilespmem:s18+$0x5020];
	v1 =	vadd.f32 v6, v1;
	[tilespmem:s17+$0xD0E0] =	vst v0;
	s17 =	smov.u32 s18  }
0x5d: {  	v0 =	vld [tilespmem:s17+$0x7020]  }
0x5e: {  	v3 =	vadd.f32 v3, v7;
	v6 =	vld [tilespmem:s17+$0x5030];
	[tilespmem:s17+$0xD0F0] =	vst v1  }
0x5f: {  	v1 =	vld [tilespmem:s17+$0x7030]  }
0x60: {  	[tilespmem:s17+$0xD000] =	vst v3;
	v2 =	vadd.f32 v2, v5;
	v3 =	vld [tilespmem:s17+$0x5040]  }
0x61: {  	v5 =	vld [tilespmem:s17+$0x7040]  }
0x62: {  	[tilespmem:s17+$0xD010] =	vst v2;
	v0 =	vadd.f32 v0, v4;
	v2 =	vld [tilespmem:s17+$0x5050]  }
0x63: {  	v4 =	vld [tilespmem:s17+$0x7050]  }
0x64: {  	[tilespmem:s17+$0xD020] =	vst v0;
	v0 =	vadd.f32 v1, v6;
	v1 =	vld [tilespmem:s17+$0x5060]  }
0x65: {  	v6 =	vld [tilespmem:s17+$0x7060]  }
0x66: {  	[tilespmem:s17+$0xD030] =	vst v0;
	v0 =	vadd.f32 v5, v3;
	v3 =	vld [tilespmem:s17+$0x5070]  }
0x67: {  	v5 =	vld [tilespmem:s17+$0x7070]  }
0x68: {  	[tilespmem:s17+$0xD040] =	vst v0;
	v0 =	vadd.f32 v4, v2;
	v2 =	vld [tilespmem:s17+$0x5080]  }
0x69: {  	v4 =	vld [tilespmem:s17+$0x7080]  }
0x6a: {  	[tilespmem:s17+$0xD050] =	vst v0;
	v0 =	vadd.f32 v6, v1;
	v1 =	vld [tilespmem:s17+$0x5090]  }
0x6b: {  	v6 =	vld [tilespmem:s17+$0x7090]  }
0x6c: {  	[tilespmem:s17+$0xD060] =	vst v0;
	v0 =	vadd.f32 v5, v3;
	v3 =	vld [tilespmem:s17+$0x50A0]  }
0x6d: {  	v5 =	vld [tilespmem:s17+$0x70A0]  }
0x6e: {  	[tilespmem:s17+$0xD070] =	vst v0;
	v0 =	vadd.f32 v4, v2;
	v4 =	vld [tilespmem:s17+$0x50B0]  }
0x6f: {  	v7 =	vld [tilespmem:s17+$0x70B0]  }
0x70: {  	[tilespmem:s17+$0xD080] =	vst v0;
	v0 =	vadd.f32 v6, v1;
	v6 =	vld [tilespmem:s17+$0x50C0]  }
0x71: {  	v8 =	vld [tilespmem:s17+$0x70C0]  }
.Ltmp2:
0x72: {  	[tilespmem:s17+$0xD090] =	vst v0;
	v0 =	vadd.f32 v5, v3;
	v2 =	vld [tilespmem:s17+$0x50D0];
	(pc) =	sbr.rel @p1 .LBB2_3-.Ltmp2, $4  }
0x73: {  	v3 =	vld [tilespmem:s17+$0x70D0]  }
0x74: {  	[tilespmem:s17+$0xD0A0] =	vst v0;
	v5 =	vadd.f32 v7, v4;
	v0 =	vld [tilespmem:s17+$0x50E0]  }
0x75: {  	s18 =	sshra.s32 s20, $0x2;
	v4 =	vld [tilespmem:s17+$0x70E0]  }
0x76: {  	s20 =	sadd.s32 $0x400, s20;
	v1 =	vld [tilespmem:s18+$0x50F0];
	[tilespmem:s17+$0xD0B0] =	vst v5;
	v5 =	vadd.f32 v8, v6  }
0x77: {  	v6 =	vld [tilespmem:s18+$0x70F0]  }
0x78: {  	v7 =	vld [tilespmem:s18+$0x5000];
	[tilespmem:s17+$0xD0C0] =	vst v5;
	v2 =	vadd.f32 v3, v2  }
0x79: {  	v3 =	vld [tilespmem:s18+$0x7000]  }
0x7a: {  	v5 =	vld [tilespmem:s18+$0x5010];
	[tilespmem:s17+$0xD0D0] =	vst v2;
	v0 =	vadd.f32 v4, v0  }
0x7b: {  	v2 =	vld [tilespmem:s18+$0x7010]  }
0x7c: {  	v4 =	vld [tilespmem:s18+$0x5020];
	[tilespmem:s17+$0xD0E0] =	vst v0  }
0x7d: {  	v0 =	vadd.f32 v6, v1;
	v1 =	vld [tilespmem:s18+$0x7020]  }
0x7e: {  	v6 =	vld [tilespmem:s18+$0x5030]  }
0x7f: {  	v3 =	vadd.f32 v3, v7;
	[tilespmem:s18+$0xD0F0] =	vst v0;
	v0 =	vld [tilespmem:s18+$0x7030]  }
0x80: {  	v7 =	vld [tilespmem:s18+$0x70E0]  }
0x81: {  	[tilespmem:s18+$0xD000] =	vst v3;
	v2 =	vadd.f32 v2, v5;
	v3 =	vld [tilespmem:s18+$0x5040]  }
0x82: {  	v5 =	vld [tilespmem:s18+$0x7040]  }
0x83: {  	[tilespmem:s18+$0xD010] =	vst v2;
	v2 =	vld [tilespmem:s18+$0x5050]  }
0x84: {  	v1 =	vadd.f32 v1, v4;
	v4 =	vld [tilespmem:s18+$0x7050]  }
0x85: {  	v0 =	vadd.f32 v0, v6;
	v6 =	vld [tilespmem:s18+$0x7060]  }
0x86: {  	[tilespmem:s18+$0xD020] =	vst v1;
	v1 =	vld [tilespmem:s18+$0x5060]  }
0x87: {  	[tilespmem:s18+$0xD030] =	vst v0;
	v0 =	vadd.f32 v5, v3;
	v3 =	vld [tilespmem:s18+$0x5070]  }
0x88: {  	v5 =	vld [tilespmem:s18+$0x7070]  }
0x89: {  	[tilespmem:s18+$0xD040] =	vst v0;
	v0 =	vadd.f32 v4, v2;
	v2 =	vld [tilespmem:s18+$0x5080]  }
0x8a: {  	v4 =	vld [tilespmem:s18+$0x7080]  }
0x8b: {  	[tilespmem:s18+$0xD050] =	vst v0;
	v0 =	vadd.f32 v6, v1;
	v1 =	vld [tilespmem:s18+$0x5090]  }
0x8c: {  	v6 =	vld [tilespmem:s18+$0x7090]  }
0x8d: {  	[tilespmem:s18+$0xD060] =	vst v0;
	v0 =	vadd.f32 v5, v3;
	v3 =	vld [tilespmem:s18+$0x50A0]  }
0x8e: {  	v5 =	vld [tilespmem:s18+$0x70A0]  }
0x8f: {  	[tilespmem:s18+$0xD070] =	vst v0;
	v0 =	vadd.f32 v4, v2;
	v2 =	vld [tilespmem:s18+$0x50B0]  }
0x90: {  	v4 =	vld [tilespmem:s18+$0x70B0]  }
0x91: {  	[tilespmem:s18+$0xD080] =	vst v0;
	v0 =	vadd.f32 v6, v1;
	v1 =	vld [tilespmem:s18+$0x50C0]  }
0x92: {  	v6 =	vld [tilespmem:s18+$0x70C0]  }
0x93: {  	[tilespmem:s18+$0xD090] =	vst v0;
	v0 =	vadd.f32 v5, v3;
	v3 =	vld [tilespmem:s18+$0x50D0]  }
0x94: {  	v5 =	vld [tilespmem:s18+$0x70D0]  }
0x95: {  	[tilespmem:s18+$0xD0A0] =	vst v0;
	v0 =	vld [tilespmem:s18+$0x50E0];
	_ =	sdelay $0x1  }
0x96: {  	v2 =	vadd.f32 v4, v2  }
0x97: {  	v1 =	vadd.f32 v6, v1  }
0x98: {  	[tilespmem:s18+$0xD0B0] =	vst v2;
	v2 =	vadd.f32 v5, v3  }
0x99: {  	s20 =	sadd.s32 s6, s0;
	[tilespmem:s18+$0xD0C0] =	vst v1;
	v0 =	vadd.f32 v7, v0  }
0x9a: {  	s17 =	sshll.u32 s20, $0xA;
	[tilespmem:s18+$0xD0D0] =	vst v2  }
0x9b: {  	p1 =	seq.s32 s1, $0x27;
	s17 =	sadd.s32 s5, s17;
	[tilespmem:s18+$0xD0E0] =	vst v0  }
0x9c: {  	[hbm4b:s17+s3] =	stream.linear.scatter [tilespmem:s24], [sflag:$0x5], $0x2000, $0x38;
	[tilespmem:$0x1B000] =	vst v63  }
0x9d: {  	s17 =	sshll.u32 @!p1 s1, $0x8  }
0x9e: {  	s13 =	simm.s32 @!p1 $0x5000;
	s20 =	simm.s32 @!p1 $0x80;
	s18 =	sadd.s32 @!p1 $0x100, s17  }
0x9f: {  	[tilespmem:s13], [sflag:$0x1] =	stream.indirect.gather @!p1 [spmem:s2], $0x40, s18, s20, $0xb8;
	[tilespmem:$0x1B000] =	vst v63  }
0xa0: {  	s13 =	sadd.s32 @!p1 $0x2900, s17;
	s17 =	simm.s32 @!p1 $0x7000  }
0xa1: {  	[tilespmem:s17], [sflag:$0x2] =	stream.indirect.gather @!p1 [hbm4b:s4+s20], $0x40, s13, s20, $0xb8;
	[tilespmem:$0x1B000] =	vst v63  }
0xa2: {  	_ =	swait.ge [sflag:s25], $0x2000  }
0xa3: {  	[sflag:s25] =	ssyncset.done $0x0  }
0xa4: {  	[sflag:s25] =	ssyncadd.s32 $0xFFFFE000  }
0xa5: {  	_ =	swait.ge [sflag:s26], $0x2000  }
0xa6: {  	[sflag:s26] =	ssyncset.done $0x0  }
0xa7: {  	s13 =	simm.s32 @!p0 $0x6;
	[sflag:s26] =	ssyncadd.s32 $0xFFFFE000  }
0xa8: {  	_ =	swait.ge @!p0 [sflag:s13], $0x2000  }
0xa9: {  	[sflag:s13] =	ssyncset.done @!p0 $0x0  }
0xaa: {  	s17 =	simm.s32 $0x0;
	[sflag:s13] =	ssyncadd.s32 @!p0 $0xFFFFE000  }
0xab: {  	v0 =	vld [tilespmem:s17+$0x90F0]  }
0xac: {  	v1 =	vld [tilespmem:s17+$0xB0F0]  }
0xad: {  	v2 =	vld [tilespmem:s17+$0x9000]  }
0xae: {  	v3 =	vld [tilespmem:s17+$0xB000]  }
0xaf: {  	v4 =	vld [tilespmem:s17+$0x9010]  }
0xb0: {  	v5 =	vld [tilespmem:s17+$0xB010]  }
0xb1: {  	v6 =	vld [tilespmem:s17+$0x9020]  }
0xb2: {  	v7 =	vld [tilespmem:s17+$0x9030]  }
0xb3: {  	v0 =	vadd.f32 v1, v0;
	v1 =	vld [tilespmem:s17+$0xB020]  }
0xb4: {  	v2 =	vadd.f32 v3, v2;
	v3 =	vld [tilespmem:s17+$0x9040]  }
0xb5: {  	[tilespmem:s17+$0xF0F0] =	vst v0;
	v0 =	vld [tilespmem:s17+$0xB030]  }
0xb6: {  	[tilespmem:s17+$0xF000] =	vst v2;
	v2 =	vadd.f32 v5, v4;
	v4 =	vld [tilespmem:s17+$0xB040]  }
0xb7: {  	v5 =	vld [tilespmem:s17+$0xB050]  }
0xb8: {  	[tilespmem:s17+$0xF010] =	vst v2;
	v2 =	vld [tilespmem:s17+$0x9050];
	v1 =	vadd.f32 v1, v6  }
0xb9: {  	v6 =	vld [tilespmem:s17+$0xB060]  }
0xba: {  	[tilespmem:s17+$0xF020] =	vst v1;
	v0 =	vadd.f32 v0, v7;
	v1 =	vld [tilespmem:s17+$0x9060]  }
0xbb: {  	v7 =	vld [tilespmem:s17+$0xB0B0]  }
0xbc: {  	[tilespmem:s17+$0xF030] =	vst v0;
	v0 =	vadd.f32 v4, v3;
	v3 =	vld [tilespmem:s17+$0x9070]  }
0xbd: {  	v4 =	vld [tilespmem:s17+$0xB070]  }
0xbe: {  	[tilespmem:s17+$0xF040] =	vst v0;
	v0 =	vadd.f32 v5, v2;
	v2 =	vld [tilespmem:s17+$0x9080]  }
0xbf: {  	v5 =	vld [tilespmem:s17+$0xB080]  }
0xc0: {  	[tilespmem:s17+$0xF050] =	vst v0;
	v0 =	vadd.f32 v6, v1;
	v1 =	vld [tilespmem:s17+$0x9090]  }
0xc1: {  	v6 =	vld [tilespmem:s17+$0xB090]  }
0xc2: {  	[tilespmem:s17+$0xF060] =	vst v0;
	v0 =	vadd.f32 v4, v3;
	v3 =	vld [tilespmem:s17+$0x90A0]  }
0xc3: {  	v4 =	vld [tilespmem:s17+$0xB0A0]  }
0xc4: {  	[tilespmem:s17+$0xF070] =	vst v0;
	v0 =	vadd.f32 v5, v2;
	v5 =	vld [tilespmem:s17+$0x90B0]  }
0xc5: {  	v8 =	vld [tilespmem:s17+$0xB0C0]  }
0xc6: {  	[tilespmem:s17+$0xF080] =	vst v0;
	v0 =	vadd.f32 v6, v1;
	v6 =	vld [tilespmem:s17+$0x90C0]  }
0xc7: {  	v2 =	vld [tilespmem:s17+$0x90D0]  }
0xc8: {  	[tilespmem:s17+$0xF090] =	vst v0;
	v0 =	vadd.f32 v4, v3;
	v3 =	vld [tilespmem:s17+$0xB0D0]  }
0xc9: {  	v4 =	vld [tilespmem:s17+$0xB0E0];
	v5 =	vadd.f32 v7, v5  }
0xca: {  	s18 =	simm.s32 $0x100;
	[tilespmem:s17+$0xF0A0] =	vst v0;
	v0 =	vld [tilespmem:s17+$0x90E0]  }
0xcb: {  	s20 =	simm.s32 $0x800;
	v1 =	vld [tilespmem:s18+$0x90F0];
	[tilespmem:s17+$0xF0B0] =	vst v5;
	v5 =	vadd.f32 v8, v6  }
.LBB2_5:
0xcc: {  	p0 =	sne.s32 s20, $0x7C00;
	v6 =	vld [tilespmem:s18+$0xB0F0]  }
0xcd: {  	v7 =	vld [tilespmem:s18+$0x9000];
	[tilespmem:s17+$0xF0C0] =	vst v5;
	v2 =	vadd.f32 v3, v2  }
0xce: {  	v3 =	vld [tilespmem:s18+$0xB000]  }
0xcf: {  	v5 =	vld [tilespmem:s18+$0x9010];
	[tilespmem:s17+$0xF0D0] =	vst v2;
	v0 =	vadd.f32 v4, v0  }
0xd0: {  	v2 =	vld [tilespmem:s18+$0xB010]  }
0xd1: {  	v4 =	vld [tilespmem:s18+$0x9020];
	v1 =	vadd.f32 v6, v1;
	[tilespmem:s17+$0xF0E0] =	vst v0;
	s17 =	smov.u32 s18  }
0xd2: {  	v0 =	vld [tilespmem:s17+$0xB020]  }
0xd3: {  	v3 =	vadd.f32 v3, v7;
	v6 =	vld [tilespmem:s17+$0x9030];
	[tilespmem:s17+$0xF0F0] =	vst v1  }
0xd4: {  	v1 =	vld [tilespmem:s17+$0xB030]  }
0xd5: {  	[tilespmem:s17+$0xF000] =	vst v3;
	v2 =	vadd.f32 v2, v5;
	v3 =	vld [tilespmem:s17+$0x9040]  }
0xd6: {  	v5 =	vld [tilespmem:s17+$0xB040]  }
0xd7: {  	[tilespmem:s17+$0xF010] =	vst v2;
	v0 =	vadd.f32 v0, v4;
	v2 =	vld [tilespmem:s17+$0x9050]  }
0xd8: {  	v4 =	vld [tilespmem:s17+$0xB050]  }
0xd9: {  	[tilespmem:s17+$0xF020] =	vst v0;
	v0 =	vadd.f32 v1, v6;
	v1 =	vld [tilespmem:s17+$0x9060]  }
0xda: {  	v6 =	vld [tilespmem:s17+$0xB060]  }
0xdb: {  	[tilespmem:s17+$0xF030] =	vst v0;
	v0 =	vadd.f32 v5, v3;
	v3 =	vld [tilespmem:s17+$0x9070]  }
0xdc: {  	v5 =	vld [tilespmem:s17+$0xB070]  }
0xdd: {  	[tilespmem:s17+$0xF040] =	vst v0;
	v0 =	vadd.f32 v4, v2;
	v2 =	vld [tilespmem:s17+$0x9080]  }
0xde: {  	v4 =	vld [tilespmem:s17+$0xB080]  }
0xdf: {  	[tilespmem:s17+$0xF050] =	vst v0;
	v0 =	vadd.f32 v6, v1;
	v1 =	vld [tilespmem:s17+$0x9090]  }
0xe0: {  	v6 =	vld [tilespmem:s17+$0xB090]  }
0xe1: {  	[tilespmem:s17+$0xF060] =	vst v0;
	v0 =	vadd.f32 v5, v3;
	v3 =	vld [tilespmem:s17+$0x90A0]  }
0xe2: {  	v5 =	vld [tilespmem:s17+$0xB0A0]  }
0xe3: {  	[tilespmem:s17+$0xF070] =	vst v0;
	v0 =	vadd.f32 v4, v2;
	v4 =	vld [tilespmem:s17+$0x90B0]  }
0xe4: {  	v7 =	vld [tilespmem:s17+$0xB0B0]  }
0xe5: {  	[tilespmem:s17+$0xF080] =	vst v0;
	v0 =	vadd.f32 v6, v1;
	v6 =	vld [tilespmem:s17+$0x90C0]  }
0xe6: {  	v8 =	vld [tilespmem:s17+$0xB0C0]  }
.Ltmp3:
0xe7: {  	[tilespmem:s17+$0xF090] =	vst v0;
	v0 =	vadd.f32 v5, v3;
	v2 =	vld [tilespmem:s17+$0x90D0];
	(pc) =	sbr.rel @p0 .LBB2_5-.Ltmp3, $4  }
0xe8: {  	v3 =	vld [tilespmem:s17+$0xB0D0]  }
0xe9: {  	[tilespmem:s17+$0xF0A0] =	vst v0;
	v5 =	vadd.f32 v7, v4;
	v0 =	vld [tilespmem:s17+$0x90E0]  }
0xea: {  	s18 =	sshra.s32 s20, $0x2;
	v4 =	vld [tilespmem:s17+$0xB0E0]  }
0xeb: {  	s20 =	sadd.s32 $0x400, s20;
	v1 =	vld [tilespmem:s18+$0x90F0];
	[tilespmem:s17+$0xF0B0] =	vst v5;
	v5 =	vadd.f32 v8, v6  }
0xec: {  	v6 =	vld [tilespmem:s18+$0xB0F0]  }
0xed: {  	v7 =	vld [tilespmem:s18+$0x9000];
	[tilespmem:s17+$0xF0C0] =	vst v5;
	v2 =	vadd.f32 v3, v2  }
0xee: {  	v28 =	vld [tilespmem:s18+$0xB000]  }
0xef: {  	v5 =	vld [tilespmem:s18+$0x9010];
	[tilespmem:s17+$0xF0D0] =	vst v2;
	v0 =	vadd.f32 v4, v0  }
0xf0: {  	v2 =	vld [tilespmem:s18+$0xB010]  }
0xf1: {  	v29 =	vld [tilespmem:s18+$0x9020];
	[tilespmem:s17+$0xF0E0] =	vst v0  }
0xf2: {  	v31 =	vld [tilespmem:s18+$0xB020]  }
0xf3: {  	v32 =	vld [tilespmem:s18+$0x9030]  }
0xf4: {  	v33 =	vld [tilespmem:s18+$0xB030]  }
0xf5: {  	v34 =	vld [tilespmem:s18+$0x9040]  }
0xf6: {  	v35 =	vld [tilespmem:s18+$0xB040]  }
0xf7: {  	v36 =	vld [tilespmem:s18+$0x9050]  }
0xf8: {  	v37 =	vld [tilespmem:s18+$0xB050]  }
0xf9: {  	v38 =	vld [tilespmem:s18+$0x9060]  }
0xfa: {  	v39 =	vld [tilespmem:s18+$0xB060]  }
0xfb: {  	v41 =	vld [tilespmem:s18+$0x9070]  }
0xfc: {  	v42 =	vld [tilespmem:s18+$0xB070]  }
0xfd: {  	v44 =	vld [tilespmem:s18+$0x9080]  }
0xfe: {  	v45 =	vld [tilespmem:s18+$0xB080]  }
0xff: {  	v47 =	vld [tilespmem:s18+$0x9090]  }
0x100: {  	v30 =	vadd.f32 v6, v1;
	v48 =	vld [tilespmem:s18+$0xB090]  }
0x101: {  	v50 =	vld [tilespmem:s18+$0x90A0];
	v3 =	vadd.f32 v28, v7  }
0x102: {  	v51 =	vld [tilespmem:s18+$0xB0A0];
	[tilespmem:s18+$0xF0F0] =	vst v30;
	v2 =	vadd.f32 v2, v5  }
0x103: {  	v53 =	vld [tilespmem:s18+$0x90B0];
	[tilespmem:s18+$0xF000] =	vst v3;
	v1 =	vadd.f32 v31, v29  }
0x104: {  	v54 =	vld [tilespmem:s18+$0xB0B0];
	[tilespmem:s18+$0xF010] =	vst v2;
	v0 =	vadd.f32 v33, v32  }
0x105: {  	v56 =	vld [tilespmem:s18+$0x90C0];
	v40 =	vadd.f32 v35, v34;
	[tilespmem:s18+$0xF020] =	vst v1  }
0x106: {  	v57 =	vld [tilespmem:s18+$0xB0C0];
	v43 =	vadd.f32 v37, v36;
	[tilespmem:s18+$0xF030] =	vst v0  }
0x107: {  	v59 =	vld [tilespmem:s18+$0x90D0];
	v46 =	vadd.f32 v39, v38;
	[tilespmem:s18+$0xF040] =	vst v40  }
0x108: {  	v60 =	vld [tilespmem:s18+$0xB0D0];
	v49 =	vadd.f32 v42, v41;
	[tilespmem:s18+$0xF050] =	vst v43  }
0x109: {  	v61 =	vld [tilespmem:s18+$0x90E0];
	v52 =	vadd.f32 v45, v44;
	[tilespmem:s18+$0xF060] =	vst v46  }
0x10a: {  	v62 =	vld [tilespmem:s18+$0xB0E0];
	v55 =	vadd.f32 v48, v47;
	[tilespmem:s18+$0xF070] =	vst v49  }
0x10b: {  	v58 =	vadd.f32 v51, v50;
	[tilespmem:s18+$0xF080] =	vst v52  }
0x10c: {  	v2 =	vadd.f32 v54, v53;
	[tilespmem:s18+$0xF090] =	vst v55  }
0x10d: {  	v63 =	vadd.f32 v60, v59;
	[tilespmem:s18+$0xF0A0] =	vst v58  }
.Ltmp4:
0x10e: {  	s0 =	sadd.s32 s0, s10;
	v1 =	vadd.f32 v57, v56;
	[tilespmem:s18+$0xF0B0] =	vst v2;
	(pc) =	sbr.rel @p1 .LBB2_8-.Ltmp4, $4  }
0x10f: {  	s0 =	sshll.u32 s0, $0xA;
	v0 =	vadd.f32 v62, v61;
	[tilespmem:s18+$0xF0D0] =	vst v63  }
0x110: {  	s0 =	sand.u32 $0x1FFFFC00, s0;
	[tilespmem:s18+$0xF0C0] =	vst v1  }
0x111: {  	s0 =	sadd.s32 s5, s0;
	[tilespmem:s18+$0xF0E0] =	vst v0  }
0x112: {  	[hbm4b:s0+s3] =	stream.linear.scatter [tilespmem:s28], [sflag:$0x6], $0x2000, $0x38;
	[tilespmem:$0x1B000] =	vst v63  }
.Ltmp5:
0x113: {  	s0 =	sshll.u32 s1, $0x8;
	(pc) =	sbr.rel .LBB2_2-.Ltmp5, $4  }
0x114: {  	s13 =	sadd.s32 $0x180, s0  }
0x115: {  	[tilespmem:s19], [sflag:$0x3] =	stream.indirect.gather [spmem:s2], $0x40, s13, s16, $0xb8;
	[tilespmem:$0x1B000] =	vst v63  }
0x116: {  	s1 =	sadd.s32 $0x1, s1;
	s0 =	sadd.s32 $0x2980, s0  }
0x117: {  	[tilespmem:s21], [sflag:$0x4] =	stream.indirect.gather [hbm4b:s4+s16], $0x40, s0, s16, $0xb8;
	[tilespmem:$0x1B000] =	vst v63  }
.LBB2_9:
0x118: {  	_ =	sfence.sel $0x180000  }
0x119: {  	[bflag:$0x0] =	sbarrier.arrive $0xFFFF  }
0x11a: {  	_ =	strace $0x90000056  }
0x11b: {  	s0 =	stileid.u32;
	[bflag:$0x2] =	sbarrier.arrive $0xFFFF  }
0x11c: {  	p0 =	sne.s32 s0, $0x0;
	s0 =	rddreg [dreg:$0x3]  }
0x11d: {  	s0 =	sadd.s32 @!p0 $0x100000, s0  }
0x11e: {  	[sflag:s0] =	ssyncadd.tile.s32 @!p0 $0x1;
	_ =	shalt  }
.Lfunc_end2:
_tile_overlayer_lowered:
.L_overlay_start_2:
0x11f: {  	(tag) =	ssettag $0x2  }
0x120: {  	s0 =	rddreg [dreg:$0x0];
	s2 =	stileid.u32  }
0x121: {  	s1 =	rddreg [dreg:$0x1];
	p0 =	sne.s32 s2, $0x0  }
0x122: {  	s3 =	rddreg [dreg:$0x2];
	[bflag:$0x3] =	sbarrier.arrive $0xFFFF;
	s2 =	simm.s32 @!p0 $0x1C07  }
0x123: {  	[timem:s3], [sflag:s2] =	dma.local @!p0 [hbm:s0], s1  }
0x124: {  	s0 =	simm.s32 @!p0 $0x7  }
0x125: {  	_ =	swait.ge @!p0 [sflag:s0], s1  }
0x126: {  	s1 =	ssub.s32 @!p0 $0x0, s1;
	[sflag:s0] =	ssyncset.done @!p0 $0x0  }
0x127: {  	[sflag:s0] =	ssyncadd.s32 @!p0 s1  }
0x128: {  	[bflag:$0x3] =	sbarrier.arrive $0xFFFF  }
0x129: {  	_ =	shalt  }

</sc_bundles>
